<compile_context>
chip_gen: v7x
topology: tpu7x:2x2x1
jax: 0.10.2.dev20260603
libtpu: 0.0.44.dev20260713+nightly
codegen_flags: <defaults>
</compile_context>

<pallas_src>
import functools

import jax
import jax.numpy as jnp
from jax import lax
from jax.experimental import pallas as pl
from jax.experimental.pallas import tpu as pltpu
from jax.experimental.pallas import tpu_sc as plsc

E, D, H1, H2 = 8, 512, 256, 128
NC, NS, L = 2, 16, 16
NW = NC * NS
CH = 64
PHASES = ((16384, 512), (49152, 1024))

_SC_MESH = functools.partial(
    plsc.VectorSubcoreMesh, core_axis_name="c", subcore_axis_name="s")
_SC_PARAMS = pltpu.CompilerParams(needs_layout_passes=False)


def _celu(x):
    return jnp.where(x > 0, x, 0.1 * (jnp.exp(x / 0.1) - 1.0))


def _routing(species_h, n, tile):
    npad = n + E * tile
    nt = npad // tile
    cpw = n // NW
    spw = species_h.reshape(NW, cpw)
    cnt = jnp.sum(
        (spw[:, :, None] == jnp.arange(E, dtype=jnp.int32)[None, None, :])
        .astype(jnp.int32), axis=1)
    tot = jnp.sum(cnt, axis=0)
    padded = ((tot + tile - 1) // tile) * tile
    starts = (jnp.cumsum(padded) - padded).astype(jnp.int32)
    offs = starts[None, :] + (jnp.cumsum(cnt, axis=0) - cnt)
    offs_splat = jnp.broadcast_to(
        offs.astype(jnp.int32)[:, :, None], (NW, E, L))
    tile_starts = jnp.arange(nt, dtype=jnp.int32) * tile
    tile_expert = jnp.sum(
        (tile_starts[:, None] >= starts[None, :]).astype(jnp.int32),
        axis=1) - 1
    tile_expert = jnp.clip(tile_expert, 0, E - 1).astype(jnp.int32)
    return offs_splat, tile_expert, npad, nt


def _make_dispatch(n, npad, atom_base):
    cpw = n // NW
    nch = cpw // CH

    vpr = CH // L

    @functools.partial(
        pl.kernel,
        out_type=(jax.ShapeDtypeStruct((npad, D), jnp.float32),
                  jax.ShapeDtypeStruct((NW, nch, CH), jnp.int32)),
        mesh=_SC_MESH(),
        scratch_types=[
            pltpu.VMEM((cpw,), jnp.int32),
            pltpu.VMEM((E, L), jnp.int32),
            pltpu.VMEM((nch, CH), jnp.int32),
            pltpu.VMEM((CH, D), jnp.float32),
            pltpu.VMEM((CH, D), jnp.float32),
            pltpu.SemaphoreType.DMA,
            pltpu.SemaphoreType.DMA,
            pltpu.SemaphoreType.DMA,
            pltpu.SemaphoreType.DMA,
        ],
        compiler_params=_SC_PARAMS,
    )
    def dispatch(aev_hbm, spec_hbm, offs_hbm, gathered_hbm, dest_hbm,
                 spec_v, offs_v, idx_v, rows0, rows1,
                 semr0, semr1, semw0, semw1):
        wid = lax.axis_index("s") * NC + lax.axis_index("c")
        base = atom_base + wid * cpw
        rows, semr, semw = (rows0, rows1), (semr0, semr1), (semw0, semw1)

        def rd(i, b):
            return pltpu.make_async_copy(
                aev_hbm.at[pl.ds(base + i * CH, CH)], rows[b], semr[b])

        def wr(i, b):
            return pltpu.make_async_copy(
                rows[b], gathered_hbm.at[idx_v.at[i]], semw[b])

        rd(0, 0).start()
        rd(1, 1).start()
        pltpu.sync_copy(spec_hbm.at[wid], spec_v)
        pltpu.sync_copy(offs_hbm.at[wid], offs_v)

        def row_body(r, offs):
            for v in range(vpr):
                sv = spec_v[pl.ds((r * vpr + v) * L, L)]
                dst = jnp.zeros((L,), jnp.int32)
                new_offs = []
                for e in range(E):
                    m = sv == e
                    c = plsc.cumsum(jnp.where(m, 1, 0).astype(jnp.int32))
                    dst = jnp.where(m, offs[e] + c - 1, dst)
                    new_offs.append(
                        offs[e] + plsc.all_reduce_population_count(m))
                offs = tuple(new_offs)
                idx_v[r, pl.ds(v * L, L)] = dst
            return offs

        offs0 = tuple(offs_v[e, :] for e in range(E))
        lax.fori_loop(0, nch, row_body, offs0, unroll=False)
        pltpu.sync_copy(idx_v, dest_hbm.at[wid])

        def body(g, _):
            i0 = g * 2
            for b in range(2):
                i = i0 + b
                rd(i, b).wait()
                wr(i, b).start()
                wr(i, b).wait()

                @pl.when(i + 2 < nch)
                def _():
                    rd(i + 2, b).start()
            return 0

        lax.fori_loop(0, nch // 2, body, 0, unroll=False)

    return dispatch


def _make_mlp(npad, nt, tile):
    def body(te_ref, x_ref, w1_ref, b1_ref, w2_ref, b2_ref, w3_ref, b3_ref,
             o_ref):
        del te_ref
        x = x_ref[...]
        h = jnp.dot(x, w1_ref[0], preferred_element_type=jnp.float32)
        h = _celu(h + b1_ref[0])
        h = jnp.dot(h, w2_ref[0], preferred_element_type=jnp.float32)
        h = _celu(h + b2_ref[0])
        o = lax.dot_general(w3_ref[0], h, (((1,), (1,)), ((), ())),
                            preferred_element_type=jnp.float32)
        o_ref[...] = o[0] + b3_ref[0, 0]

    grid_spec = pltpu.PrefetchScalarGridSpec(
        num_scalar_prefetch=1,
        grid=(nt,),
        in_specs=[
            pl.BlockSpec((tile, D), lambda i, te: (i, 0)),
            pl.BlockSpec((1, D, H1), lambda i, te: (te[i], 0, 0)),
            pl.BlockSpec((1, 1, H1), lambda i, te: (te[i], 0, 0)),
            pl.BlockSpec((1, H1, H2), lambda i, te: (te[i], 0, 0)),
            pl.BlockSpec((1, 1, H2), lambda i, te: (te[i], 0, 0)),
            pl.BlockSpec((1, 1, H2), lambda i, te: (te[i], 0, 0)),
            pl.BlockSpec((1, 1, 1), lambda i, te: (te[i], 0, 0)),
        ],
        out_specs=pl.BlockSpec((tile,), lambda i, te: (i,)),
    )
    return pl.pallas_call(
        body,
        grid_spec=grid_spec,
        out_shape=jax.ShapeDtypeStruct((npad,), jnp.float32),
    )


def _make_collect(n, npad, n_mol, atoms_per_mol):
    cpw = n // NW
    mpw = n_mol // NW
    groups = mpw // L

    @functools.partial(
        pl.kernel,
        out_type=jax.ShapeDtypeStruct((n_mol,), jnp.float32),
        mesh=_SC_MESH(),
        scratch_types=[
            pltpu.VMEM((npad,), jnp.float32),
            pltpu.VMEM((cpw,), jnp.int32),
            pltpu.VMEM((mpw,), jnp.float32),
        ],
        compiler_params=_SC_PARAMS,
    )
    def collect(osort_hbm, dest_hbm, energy_hbm, vals_v, idx_v, out_v):
        wid = lax.axis_index("s") * NC + lax.axis_index("c")
        pltpu.sync_copy(osort_hbm, vals_v)
        pltpu.sync_copy(dest_hbm.at[wid], idx_v)
        lanes = lax.iota(jnp.int32, L)
        for g in range(groups):
            pos0 = g * L * atoms_per_mol + lanes * atoms_per_mol

            def body(k, acc):
                d = plsc.load_gather(idx_v, [pos0 + k])
                v = plsc.load_gather(vals_v, [d])
                return acc + v

            acc = lax.fori_loop(0, atoms_per_mol, body,
                                jnp.zeros((L,), jnp.float32), unroll=False)
            out_v[pl.ds(g * L, L)] = acc
        pltpu.sync_copy(out_v, energy_hbm.at[pl.ds(wid * mpw, mpw)])

    return collect


def kernel(species, aev, W1, b1, W2, b2, W3, b3):
    b_mol, a_per_mol = species.shape
    n = b_mol * a_per_mol
    species_flat = species.reshape(-1).astype(jnp.int32)
    aev_flat = aev.reshape(n, D)

    energies = []
    atom_base = 0
    for n_h, tile in PHASES:
        sp_h = lax.dynamic_slice_in_dim(species_flat, atom_base, n_h)
        offs, tile_expert, npad, nt = _routing(sp_h, n_h, tile)
        cpw = n_h // NW
        gathered, dest = _make_dispatch(n_h, npad, atom_base)(
            aev_flat, sp_h.reshape(NW, cpw), offs)
        out_sorted = _make_mlp(npad, nt, tile)(
            tile_expert, gathered,
            W1, b1.reshape(E, 1, H1), W2, b2.reshape(E, 1, H2),
            W3.reshape(E, 1, H2), b3.reshape(E, 1, 1))
        energies.append(
            _make_collect(n_h, npad, n_h // a_per_mol, a_per_mol)(
                out_sorted.reshape(npad), dest.reshape(NW, cpw)))
        atom_base += n_h

    return (species, jnp.concatenate(energies))

# --- scband reference (transcript-rebuilt; emitter-appended) ---
"""Pipeline reference for scband-animodel-25383256719857 (READ-ONLY COPY).

The authoritative reference and input builder live on the scoring server;
editing this copy changes nothing except your own understanding.
"""

import jax, jax.numpy as jnp
import numpy as np

E, D, H1, H2 = 8, 512, 256, 128
B, A = 2048, 32

def _mlp(x, w1, b1, w2, b2, w3, b3):
    h = jax.nn.celu(x @ w1 + b1, alpha=0.1)
    h = jax.nn.celu(h @ w2 + b2, alpha=0.1)
    return h @ w3 + b3

def setup_inputs(seed: int = 0) -> dict:
    key = jax.random.key(seed)
    ks = jax.random.split(key, 8)
    species = jax.random.randint(ks[0], (B, A), 0, E, dtype=jnp.int64) if jax.config.jax_enable_x64 else jax.random.randint(ks[0], (B, A), 0, E, dtype=jnp.int32)
    aev = jax.random.normal(ks[1], (B, A, D), dtype=jnp.float32)
    W1 = jax.random.normal(ks[2], (E, D, H1), dtype=jnp.float32) / np.sqrt(D)
    b1 = jnp.zeros((E, H1), dtype=jnp.float32)
    W2 = jax.random.normal(ks[3], (E, H1, H2), dtype=jnp.float32) / np.sqrt(H1)
    b2 = jnp.zeros((E, H2), dtype=jnp.float32)
    W3 = jax.random.normal(ks[4], (E, H2, 1), dtype=jnp.float32) / np.sqrt(H2)
    b3 = jnp.zeros((E, 1), dtype=jnp.float32)
    return {"species": species, "aev": aev, "W1": W1, "b1": b1, "W2": W2, "b2": b2, "W3": W3, "b3": b3}

def reference(species, aev, W1, b1, W2, b2, W3, b3):
    # ANIModel.forward: route each atom's AEV to the MLP of its atom type,
    # masked-scatter the scalar outputs back, then sum over atoms per molecule.
    species_ = species.reshape(-1)
    aev_flat = aev.reshape(-1, aev.shape[-1])
    output = jnp.zeros(species_.shape, dtype=aev.dtype)
    n_experts = W1.shape[0]
    for i in range(n_experts):
        mask = species_ == i
        out_i = _mlp(aev_flat, W1[i], b1[i], W2[i], b2[i], W3[i], b3[i]).reshape(-1)
        output = jnp.where(mask, out_i, output)
    output = output.reshape(species.shape)
    return (species, jnp.sum(output, axis=1))

if __name__ == "__main__":
    import jax
    _d = setup_inputs()
    print(jax.jit(kernel)(*tuple(_d.values())))

</pallas_src>

<mosaic_0001>
#map = affine_map<(d0, d1) -> (0)>
#map1 = affine_map<(d0, d1) -> (0, 0)>
module attributes {stable_mosaic.version = 14 : i64} {
  func.func @collect(%arg0: i32, %arg1: i32, %arg2: memref<57344xf32, #tpu.memory_space<hbm>>, %arg3: memref<32x1536xi32, #tpu.memory_space<hbm>>, %arg4: memref<1536xf32, #tpu.memory_space<hbm>>, %arg5: memref<57344xf32, #tpu.memory_space<vmem>>, %arg6: memref<1536xi32, #tpu.memory_space<vmem>>, %arg7: memref<48xf32, #tpu.memory_space<vmem>>) attributes {dimension_semantics = [#tpu.dimension_semantics<core_parallel>, #tpu.dimension_semantics<subcore_parallel>], iteration_bounds = array<i64: 2, 16>, scalar_prefetch = 0 : i64, scratch_operands = 3 : i64, tpu.core_type = #tpu.core_type<sc_vector_subcore>, window_params = [{transform_indices = #map}, {transform_indices = #map1}, {transform_indices = #map}]} {
    %mul3A = arith.constant 2 : i32
    %mul3A_0 = arith.muli %arg1, %mul3A : i32
    %add3A = arith.addi %mul3A_0, %arg0 : i32
    "tpu.region"() ({
      %run_scoped3A = tpu.sem_alloc : memref<!tpu.dma_semaphore, #tpu.memory_space<semaphore_mem>>
      tpu.enqueue_dma source(%arg2 : memref<57344xf32, #tpu.memory_space<hbm>>) target(%arg5 : memref<57344xf32, #tpu.memory_space<vmem>>) target_semaphore(%run_scoped3A : memref<!tpu.dma_semaphore, #tpu.memory_space<semaphore_mem>>)
      tpu.wait_dma2 semaphore(%run_scoped3A : memref<!tpu.dma_semaphore, #tpu.memory_space<semaphore_mem>>) src(%arg2 : memref<57344xf32, #tpu.memory_space<hbm>>) dst(%arg5 : memref<57344xf32, #tpu.memory_space<vmem>>)
      tpu.yield
    }) : () -> ()
    "tpu.region"() ({
      %run_scoped3A = tpu.sem_alloc : memref<!tpu.dma_semaphore, #tpu.memory_space<semaphore_mem>>
      %dma_start3A = arith.constant 0 : i32
      %dma_start3A_48 = tpu.memref_slice %arg3[%add3A, %dma_start3A] : memref<32x1536xi32, #tpu.memory_space<hbm>> -> memref<1x1536xi32, #tpu.memory_space<hbm>>
      %dma_start3A_49 = tpu.memref_squeeze %dma_start3A_48 : memref<1x1536xi32, #tpu.memory_space<hbm>> -> memref<1536xi32, #tpu.memory_space<hbm>>
      %dma_start3A_50 = arith.constant 0 : i32
      %dma_start3A_51 = tpu.memref_slice %arg3[%add3A, %dma_start3A_50] : memref<32x1536xi32, #tpu.memory_space<hbm>> -> memref<1x1536xi32, #tpu.memory_space<hbm>>
      %dma_start3A_52 = tpu.memref_squeeze %dma_start3A_51 : memref<1x1536xi32, #tpu.memory_space<hbm>> -> memref<1536xi32, #tpu.memory_space<hbm>>
      tpu.enqueue_dma source(%dma_start3A_52 : memref<1536xi32, #tpu.memory_space<hbm>>) target(%arg6 : memref<1536xi32, #tpu.memory_space<vmem>>) target_semaphore(%run_scoped3A : memref<!tpu.dma_semaphore, #tpu.memory_space<semaphore_mem>>)
      %dma_wait3A = arith.constant 0 : i32
      %dma_wait3A_53 = tpu.memref_slice %arg3[%add3A, %dma_wait3A] : memref<32x1536xi32, #tpu.memory_space<hbm>> -> memref<1x1536xi32, #tpu.memory_space<hbm>>
      %dma_wait3A_54 = tpu.memref_squeeze %dma_wait3A_53 : memref<1x1536xi32, #tpu.memory_space<hbm>> -> memref<1536xi32, #tpu.memory_space<hbm>>
      %dma_wait3A_55 = arith.constant 0 : i32
      %dma_wait3A_56 = tpu.memref_slice %arg3[%add3A, %dma_wait3A_55] : memref<32x1536xi32, #tpu.memory_space<hbm>> -> memref<1x1536xi32, #tpu.memory_space<hbm>>
      %dma_wait3A_57 = tpu.memref_squeeze %dma_wait3A_56 : memref<1x1536xi32, #tpu.memory_space<hbm>> -> memref<1536xi32, #tpu.memory_space<hbm>>
      tpu.wait_dma2 semaphore(%run_scoped3A : memref<!tpu.dma_semaphore, #tpu.memory_space<semaphore_mem>>) src(%dma_wait3A_57 : memref<1536xi32, #tpu.memory_space<hbm>>) dst(%arg6 : memref<1536xi32, #tpu.memory_space<vmem>>)
      tpu.yield
    }) : () -> ()
    %iota3A = tpu.iota {dimensions = array<i32: 0>} : vector<16xi32>
    %mul3A_1 = arith.constant 32 : i32
    %mul3A_2 = vector.broadcast %mul3A_1 : i32 to vector<16xi32>
    %mul3A_3 = arith.muli %iota3A, %mul3A_2 : vector<16xi32>
    %add3A_4 = arith.constant 0 : i32
    %add3A_5 = vector.broadcast %add3A_4 : i32 to vector<16xi32>
    %add3A_6 = arith.addi %add3A_5, %mul3A_3 : vector<16xi32>
    %broadcast_in_dim3A = arith.constant 0.000000e+00 : f32
    %broadcast_in_dim3A_7 = vector.broadcast %broadcast_in_dim3A : f32 to vector<16xf32>
    %scan3A = arith.constant 0 : i32
    %scan3A_8 = arith.constant 32 : i32
    %scan3A_9 = arith.addi %scan3A, %scan3A_8 : i32
    %scan3A_10 = arith.constant 1 : i32
    %scan3A_11 = scf.for %scan3A_48 = %scan3A to %scan3A_9 step %scan3A_10 iter_args(%scan3A_49 = %broadcast_in_dim3A_7) -> (vector<16xf32>)  : i32 {
      %add3A_50 = vector.broadcast %scan3A_48 : i32 to vector<16xi32>
      %add3A_51 = arith.addi %add3A_6, %add3A_50 : vector<16xi32>
      %gather3A = tpu.vector_load_idx %arg6[%add3A_51] : memref<1536xi32, #tpu.memory_space<vmem>>[vector<16xi32>], vector<16xi32>,
      %gather3A_52 = tpu.vector_load_idx %arg5[%gather3A] : memref<57344xf32, #tpu.memory_space<vmem>>[vector<16xi32>], vector<16xf32>,
      %add3A_53 = arith.addf %scan3A_49, %gather3A_52 : vector<16xf32>
      scf.yield %add3A_53 : vector<16xf32>
    }
    %scan3A_12 = arith.constant 32 : i32
    %swap3A = arith.constant 0 : index
    %swap3A_13 = tpu.vector_load %arg7[%swap3A] {strides = array<i32>} : memref<48xf32, #tpu.memory_space<vmem>>, vector<16xf32>,
    tpu.vector_store %arg7[%swap3A], %scan3A_11 {strides = array<i32>} : memref<48xf32, #tpu.memory_space<vmem>>, vector<16xf32>,
    %mul3A_14 = arith.constant 32 : i32
    %mul3A_15 = vector.broadcast %mul3A_14 : i32 to vector<16xi32>
    %mul3A_16 = arith.muli %iota3A, %mul3A_15 : vector<16xi32>
    %add3A_17 = arith.constant 512 : i32
    %add3A_18 = vector.broadcast %add3A_17 : i32 to vector<16xi32>
    %add3A_19 = arith.addi %add3A_18, %mul3A_16 : vector<16xi32>
    %broadcast_in_dim3A_20 = arith.constant 0.000000e+00 : f32
    %broadcast_in_dim3A_21 = vector.broadcast %broadcast_in_dim3A_20 : f32 to vector<16xf32>
    %scan3A_22 = arith.constant 0 : i32
    %scan3A_23 = arith.constant 32 : i32
    %scan3A_24 = arith.addi %scan3A_22, %scan3A_23 : i32
    %scan3A_25 = arith.constant 1 : i32
    %scan3A_26 = scf.for %scan3A_48 = %scan3A_22 to %scan3A_24 step %scan3A_25 iter_args(%scan3A_49 = %broadcast_in_dim3A_21) -> (vector<16xf32>)  : i32 {
      %add3A_50 = vector.broadcast %scan3A_48 : i32 to vector<16xi32>
      %add3A_51 = arith.addi %add3A_19, %add3A_50 : vector<16xi32>
      %gather3A = tpu.vector_load_idx %arg6[%add3A_51] : memref<1536xi32, #tpu.memory_space<vmem>>[vector<16xi32>], vector<16xi32>,
      %gather3A_52 = tpu.vector_load_idx %arg5[%gather3A] : memref<57344xf32, #tpu.memory_space<vmem>>[vector<16xi32>], vector<16xf32>,
      %add3A_53 = arith.addf %scan3A_49, %gather3A_52 : vector<16xf32>
      scf.yield %add3A_53 : vector<16xf32>
    }
    %scan3A_27 = arith.constant 32 : i32
    %swap3A_28 = arith.constant 16 : index
    %swap3A_29 = tpu.vector_load %arg7[%swap3A_28] {strides = array<i32>} : memref<48xf32, #tpu.memory_space<vmem>>, vector<16xf32>,
    tpu.vector_store %arg7[%swap3A_28], %scan3A_26 {strides = array<i32>} : memref<48xf32, #tpu.memory_space<vmem>>, vector<16xf32>,
    %mul3A_30 = arith.constant 32 : i32
    %mul3A_31 = vector.broadcast %mul3A_30 : i32 to vector<16xi32>
    %mul3A_32 = arith.muli %iota3A, %mul3A_31 : vector<16xi32>
    %add3A_33 = arith.constant 1024 : i32
    %add3A_34 = vector.broadcast %add3A_33 : i32 to vector<16xi32>
    %add3A_35 = arith.addi %add3A_34, %mul3A_32 : vector<16xi32>
    %broadcast_in_dim3A_36 = arith.constant 0.000000e+00 : f32
    %broadcast_in_dim3A_37 = vector.broadcast %broadcast_in_dim3A_36 : f32 to vector<16xf32>
    %scan3A_38 = arith.constant 0 : i32
    %scan3A_39 = arith.constant 32 : i32
    %scan3A_40 = arith.addi %scan3A_38, %scan3A_39 : i32
    %scan3A_41 = arith.constant 1 : i32
    %scan3A_42 = scf.for %scan3A_48 = %scan3A_38 to %scan3A_40 step %scan3A_41 iter_args(%scan3A_49 = %broadcast_in_dim3A_37) -> (vector<16xf32>)  : i32 {
      %add3A_50 = vector.broadcast %scan3A_48 : i32 to vector<16xi32>
      %add3A_51 = arith.addi %add3A_35, %add3A_50 : vector<16xi32>
      %gather3A = tpu.vector_load_idx %arg6[%add3A_51] : memref<1536xi32, #tpu.memory_space<vmem>>[vector<16xi32>], vector<16xi32>,
      %gather3A_52 = tpu.vector_load_idx %arg5[%gather3A] : memref<57344xf32, #tpu.memory_space<vmem>>[vector<16xi32>], vector<16xf32>,
      %add3A_53 = arith.addf %scan3A_49, %gather3A_52 : vector<16xf32>
      scf.yield %add3A_53 : vector<16xf32>
    }
    %scan3A_43 = arith.constant 32 : i32
    %swap3A_44 = arith.constant 32 : index
    %swap3A_45 = tpu.vector_load %arg7[%swap3A_44] {strides = array<i32>} : memref<48xf32, #tpu.memory_space<vmem>>, vector<16xf32>,
    tpu.vector_store %arg7[%swap3A_44], %scan3A_42 {strides = array<i32>} : memref<48xf32, #tpu.memory_space<vmem>>, vector<16xf32>,
    %mul3A_46 = arith.constant 48 : i32
    %mul3A_47 = arith.muli %add3A, %mul3A_46 : i32
    "tpu.region"() ({
      %run_scoped3A = tpu.sem_alloc : memref<!tpu.dma_semaphore, #tpu.memory_space<semaphore_mem>>
      %dma_start3A = tpu.memref_slice %arg4[%mul3A_47] : memref<1536xf32, #tpu.memory_space<hbm>> -> memref<48xf32, #tpu.memory_space<hbm>>
      %dma_start3A_48 = tpu.memref_slice %arg4[%mul3A_47] : memref<1536xf32, #tpu.memory_space<hbm>> -> memref<48xf32, #tpu.memory_space<hbm>>
      tpu.enqueue_dma source(%arg7 : memref<48xf32, #tpu.memory_space<vmem>>) target(%dma_start3A_48 : memref<48xf32, #tpu.memory_space<hbm>>) target_semaphore(%run_scoped3A : memref<!tpu.dma_semaphore, #tpu.memory_space<semaphore_mem>>)
      %dma_wait3A = tpu.memref_slice %arg4[%mul3A_47] : memref<1536xf32, #tpu.memory_space<hbm>> -> memref<48xf32, #tpu.memory_space<hbm>>
      %dma_wait3A_49 = tpu.memref_slice %arg4[%mul3A_47] : memref<1536xf32, #tpu.memory_space<hbm>> -> memref<48xf32, #tpu.memory_space<hbm>>
      tpu.wait_dma2 semaphore(%run_scoped3A : memref<!tpu.dma_semaphore, #tpu.memory_space<semaphore_mem>>) src(%arg7 : memref<48xf32, #tpu.memory_space<vmem>>) dst(%dma_wait3A_49 : memref<48xf32, #tpu.memory_space<hbm>>)
      tpu.yield
    }) : () -> ()
    return
  }
}

#map = affine_map<(d0, d1) -> (0)>
#map1 = affine_map<(d0, d1) -> (0, 0)>
module attributes {stable_mosaic.version = 14 : i64} {
  func.func @collect(%arg0: i32, %arg1: i32, %arg2: memref<20480xf32, #tpu.memory_space<hbm>>, %arg3: memref<32x512xi32, #tpu.memory_space<hbm>>, %arg4: memref<512xf32, #tpu.memory_space<hbm>>, %arg5: memref<20480xf32, #tpu.memory_space<vmem>>, %arg6: memref<512xi32, #tpu.memory_space<vmem>>, %arg7: memref<16xf32, #tpu.memory_space<vmem>>) attributes {dimension_semantics = [#tpu.dimension_semantics<core_parallel>, #tpu.dimension_semantics<subcore_parallel>], iteration_bounds = array<i64: 2, 16>, scalar_prefetch = 0 : i64, scratch_operands = 3 : i64, tpu.core_type = #tpu.core_type<sc_vector_subcore>, window_params = [{transform_indices = #map}, {transform_indices = #map1}, {transform_indices = #map}]} {
    %mul3A = arith.constant 2 : i32
    %mul3A_0 = arith.muli %arg1, %mul3A : i32
    %add3A = arith.addi %mul3A_0, %arg0 : i32
    "tpu.region"() ({
      %run_scoped3A = tpu.sem_alloc : memref<!tpu.dma_semaphore, #tpu.memory_space<semaphore_mem>>
      tpu.enqueue_dma source(%arg2 : memref<20480xf32, #tpu.memory_space<hbm>>) target(%arg5 : memref<20480xf32, #tpu.memory_space<vmem>>) target_semaphore(%run_scoped3A : memref<!tpu.dma_semaphore, #tpu.memory_space<semaphore_mem>>)
      tpu.wait_dma2 semaphore(%run_scoped3A : memref<!tpu.dma_semaphore, #tpu.memory_space<semaphore_mem>>) src(%arg2 : memref<20480xf32, #tpu.memory_space<hbm>>) dst(%arg5 : memref<20480xf32, #tpu.memory_space<vmem>>)
      tpu.yield
    }) : () -> ()
    "tpu.region"() ({
      %run_scoped3A = tpu.sem_alloc : memref<!tpu.dma_semaphore, #tpu.memory_space<semaphore_mem>>
      %dma_start3A = arith.constant 0 : i32
      %dma_start3A_16 = tpu.memref_slice %arg3[%add3A, %dma_start3A] : memref<32x512xi32, #tpu.memory_space<hbm>> -> memref<1x512xi32, #tpu.memory_space<hbm>>
      %dma_start3A_17 = tpu.memref_squeeze %dma_start3A_16 : memref<1x512xi32, #tpu.memory_space<hbm>> -> memref<512xi32, #tpu.memory_space<hbm>>
      %dma_start3A_18 = arith.constant 0 : i32
      %dma_start3A_19 = tpu.memref_slice %arg3[%add3A, %dma_start3A_18] : memref<32x512xi32, #tpu.memory_space<hbm>> -> memref<1x512xi32, #tpu.memory_space<hbm>>
      %dma_start3A_20 = tpu.memref_squeeze %dma_start3A_19 : memref<1x512xi32, #tpu.memory_space<hbm>> -> memref<512xi32, #tpu.memory_space<hbm>>
      tpu.enqueue_dma source(%dma_start3A_20 : memref<512xi32, #tpu.memory_space<hbm>>) target(%arg6 : memref<512xi32, #tpu.memory_space<vmem>>) target_semaphore(%run_scoped3A : memref<!tpu.dma_semaphore, #tpu.memory_space<semaphore_mem>>)
      %dma_wait3A = arith.constant 0 : i32
      %dma_wait3A_21 = tpu.memref_slice %arg3[%add3A, %dma_wait3A] : memref<32x512xi32, #tpu.memory_space<hbm>> -> memref<1x512xi32, #tpu.memory_space<hbm>>
      %dma_wait3A_22 = tpu.memref_squeeze %dma_wait3A_21 : memref<1x512xi32, #tpu.memory_space<hbm>> -> memref<512xi32, #tpu.memory_space<hbm>>
      %dma_wait3A_23 = arith.constant 0 : i32
      %dma_wait3A_24 = tpu.memref_slice %arg3[%add3A, %dma_wait3A_23] : memref<32x512xi32, #tpu.memory_space<hbm>> -> memref<1x512xi32, #tpu.memory_space<hbm>>
      %dma_wait3A_25 = tpu.memref_squeeze %dma_wait3A_24 : memref<1x512xi32, #tpu.memory_space<hbm>> -> memref<512xi32, #tpu.memory_space<hbm>>
      tpu.wait_dma2 semaphore(%run_scoped3A : memref<!tpu.dma_semaphore, #tpu.memory_space<semaphore_mem>>) src(%dma_wait3A_25 : memref<512xi32, #tpu.memory_space<hbm>>) dst(%arg6 : memref<512xi32, #tpu.memory_space<vmem>>)
      tpu.yield
    }) : () -> ()
    %iota3A = tpu.iota {dimensions = array<i32: 0>} : vector<16xi32>
    %mul3A_1 = arith.constant 32 : i32
    %mul3A_2 = vector.broadcast %mul3A_1 : i32 to vector<16xi32>
    %mul3A_3 = arith.muli %iota3A, %mul3A_2 : vector<16xi32>
    %add3A_4 = arith.constant 0 : i32
    %add3A_5 = vector.broadcast %add3A_4 : i32 to vector<16xi32>
    %add3A_6 = arith.addi %add3A_5, %mul3A_3 : vector<16xi32>
    %broadcast_in_dim3A = arith.constant 0.000000e+00 : f32
    %broadcast_in_dim3A_7 = vector.broadcast %broadcast_in_dim3A : f32 to vector<16xf32>
    %scan3A = arith.constant 0 : i32
    %scan3A_8 = arith.constant 32 : i32
    %scan3A_9 = arith.addi %scan3A, %scan3A_8 : i32
    %scan3A_10 = arith.constant 1 : i32
    %scan3A_11 = scf.for %scan3A_16 = %scan3A to %scan3A_9 step %scan3A_10 iter_args(%scan3A_17 = %broadcast_in_dim3A_7) -> (vector<16xf32>)  : i32 {
      %add3A_18 = vector.broadcast %scan3A_16 : i32 to vector<16xi32>
      %add3A_19 = arith.addi %add3A_6, %add3A_18 : vector<16xi32>
      %gather3A = tpu.vector_load_idx %arg6[%add3A_19] : memref<512xi32, #tpu.memory_space<vmem>>[vector<16xi32>], vector<16xi32>,
      %gather3A_20 = tpu.vector_load_idx %arg5[%gather3A] : memref<20480xf32, #tpu.memory_space<vmem>>[vector<16xi32>], vector<16xf32>,
      %add3A_21 = arith.addf %scan3A_17, %gather3A_20 : vector<16xf32>
      scf.yield %add3A_21 : vector<16xf32>
    }
    %scan3A_12 = arith.constant 32 : i32
    %swap3A = arith.constant 0 : index
    %swap3A_13 = tpu.vector_load %arg7[%swap3A] {strides = array<i32>} : memref<16xf32, #tpu.memory_space<vmem>>, vector<16xf32>,
    tpu.vector_store %arg7[%swap3A], %scan3A_11 {strides = array<i32>} : memref<16xf32, #tpu.memory_space<vmem>>, vector<16xf32>,
    %mul3A_14 = arith.constant 16 : i32
    %mul3A_15 = arith.muli %add3A, %mul3A_14 : i32
    "tpu.region"() ({
      %run_scoped3A = tpu.sem_alloc : memref<!tpu.dma_semaphore, #tpu.memory_space<semaphore_mem>>
      %dma_start3A = tpu.memref_slice %arg4[%mul3A_15] : memref<512xf32, #tpu.memory_space<hbm>> -> memref<16xf32, #tpu.memory_space<hbm>>
      %dma_start3A_16 = tpu.memref_slice %arg4[%mul3A_15] : memref<512xf32, #tpu.memory_space<hbm>> -> memref<16xf32, #tpu.memory_space<hbm>>
      tpu.enqueue_dma source(%arg7 : memref<16xf32, #tpu.memory_space<vmem>>) target(%dma_start3A_16 : memref<16xf32, #tpu.memory_space<hbm>>) target_semaphore(%run_scoped3A : memref<!tpu.dma_semaphore, #tpu.memory_space<semaphore_mem>>)
      %dma_wait3A = tpu.memref_slice %arg4[%mul3A_15] : memref<512xf32, #tpu.memory_space<hbm>> -> memref<16xf32, #tpu.memory_space<hbm>>
      %dma_wait3A_17 = tpu.memref_slice %arg4[%mul3A_15] : memref<512xf32, #tpu.memory_space<hbm>> -> memref<16xf32, #tpu.memory_space<hbm>>
      tpu.wait_dma2 semaphore(%run_scoped3A : memref<!tpu.dma_semaphore, #tpu.memory_space<semaphore_mem>>) src(%arg7 : memref<16xf32, #tpu.memory_space<vmem>>) dst(%dma_wait3A_17 : memref<16xf32, #tpu.memory_space<hbm>>)
      tpu.yield
    }) : () -> ()
    return
  }
}

#map = affine_map<(d0, d1) -> (0, 0)>
#map1 = affine_map<(d0, d1) -> (0, 0, 0)>
module attributes {stable_mosaic.version = 14 : i64} {
  func.func @dispatch(%arg0: i32, %arg1: i32, %arg2: memref<65536x512xf32, #tpu.memory_space<hbm>>, %arg3: memref<32x1536xi32, #tpu.memory_space<hbm>>, %arg4: memref<32x8x16xi32, #tpu.memory_space<hbm>>, %arg5: memref<57344x512xf32, #tpu.memory_space<hbm>>, %arg6: memref<32x24x64xi32, #tpu.memory_space<hbm>>, %arg7: memref<1536xi32, #tpu.memory_space<vmem>>, %arg8: memref<8x16xi32, #tpu.memory_space<vmem>>, %arg9: memref<24x64xi32, #tpu.memory_space<vmem>>, %arg10: memref<64x512xf32, #tpu.memory_space<vmem>>, %arg11: memref<64x512xf32, #tpu.memory_space<vmem>>, %arg12: memref<!tpu.dma_semaphore, #tpu.memory_space<semaphore_mem>>, %arg13: memref<!tpu.dma_semaphore, #tpu.memory_space<semaphore_mem>>, %arg14: memref<!tpu.dma_semaphore, #tpu.memory_space<semaphore_mem>>, %arg15: memref<!tpu.dma_semaphore, #tpu.memory_space<semaphore_mem>>) attributes {dimension_semantics = [#tpu.dimension_semantics<core_parallel>, #tpu.dimension_semantics<subcore_parallel>], iteration_bounds = array<i64: 2, 16>, scalar_prefetch = 0 : i64, scratch_operands = 9 : i64, tpu.core_type = #tpu.core_type<sc_vector_subcore>, window_params = [{transform_indices = #map}, {transform_indices = #map}, {transform_indices = #map1}, {transform_indices = #map}, {transform_indices = #map1}]} {
    %mul3A = arith.constant 2 : i32
    %mul3A_0 = arith.muli %arg1, %mul3A : i32
    %add3A = arith.addi %mul3A_0, %arg0 : i32
    %mul3A_1 = arith.constant 1536 : i32
    %mul3A_2 = arith.muli %add3A, %mul3A_1 : i32
    %add3A_3 = arith.constant 16384 : i32
    %add3A_4 = arith.addi %add3A_3, %mul3A_2 : i32
    %add3A_5 = arith.constant 0 : i32
    %add3A_6 = arith.addi %add3A_4, %add3A_5 : i32
    %dma_start3A = arith.constant 0 : i32
    %dma_start3A_7 = tpu.memref_slice %arg2[%add3A_6, %dma_start3A] : memref<65536x512xf32, #tpu.memory_space<hbm>> -> memref<64x512xf32, #tpu.memory_space<hbm>>
    %dma_start3A_8 = arith.constant 0 : i32
    %dma_start3A_9 = tpu.memref_slice %arg2[%add3A_6, %dma_start3A_8] : memref<65536x512xf32, #tpu.memory_space<hbm>> -> memref<64x512xf32, #tpu.memory_space<hbm>>
    tpu.enqueue_dma source(%dma_start3A_9 : memref<64x512xf32, #tpu.memory_space<hbm>>) target(%arg10 : memref<64x512xf32, #tpu.memory_space<vmem>>) target_semaphore(%arg12 : memref<!tpu.dma_semaphore, #tpu.memory_space<semaphore_mem>>)
    %add3A_10 = arith.constant 64 : i32
    %add3A_11 = arith.addi %add3A_4, %add3A_10 : i32
    %dma_start3A_12 = arith.constant 0 : i32
    %dma_start3A_13 = tpu.memref_slice %arg2[%add3A_11, %dma_start3A_12] : memref<65536x512xf32, #tpu.memory_space<hbm>> -> memref<64x512xf32, #tpu.memory_space<hbm>>
    %dma_start3A_14 = arith.constant 0 : i32
    %dma_start3A_15 = tpu.memref_slice %arg2[%add3A_11, %dma_start3A_14] : memref<65536x512xf32, #tpu.memory_space<hbm>> -> memref<64x512xf32, #tpu.memory_space<hbm>>
    tpu.enqueue_dma source(%dma_start3A_15 : memref<64x512xf32, #tpu.memory_space<hbm>>) target(%arg11 : memref<64x512xf32, #tpu.memory_space<vmem>>) target_semaphore(%arg13 : memref<!tpu.dma_semaphore, #tpu.memory_space<semaphore_mem>>)
    "tpu.region"() ({
      %run_scoped3A = tpu.sem_alloc : memref<!tpu.dma_semaphore, #tpu.memory_space<semaphore_mem>>
      %dma_start3A_59 = arith.constant 0 : i32
      %dma_start3A_60 = tpu.memref_slice %arg3[%add3A, %dma_start3A_59] : memref<32x1536xi32, #tpu.memory_space<hbm>> -> memref<1x1536xi32, #tpu.memory_space<hbm>>
      %dma_start3A_61 = tpu.memref_squeeze %dma_start3A_60 : memref<1x1536xi32, #tpu.memory_space<hbm>> -> memref<1536xi32, #tpu.memory_space<hbm>>
      %dma_start3A_62 = arith.constant 0 : i32
      %dma_start3A_63 = tpu.memref_slice %arg3[%add3A, %dma_start3A_62] : memref<32x1536xi32, #tpu.memory_space<hbm>> -> memref<1x1536xi32, #tpu.memory_space<hbm>>
      %dma_start3A_64 = tpu.memref_squeeze %dma_start3A_63 : memref<1x1536xi32, #tpu.memory_space<hbm>> -> memref<1536xi32, #tpu.memory_space<hbm>>
      tpu.enqueue_dma source(%dma_start3A_64 : memref<1536xi32, #tpu.memory_space<hbm>>) target(%arg7 : memref<1536xi32, #tpu.memory_space<vmem>>) target_semaphore(%run_scoped3A : memref<!tpu.dma_semaphore, #tpu.memory_space<semaphore_mem>>)
      %dma_wait3A = arith.constant 0 : i32
      %dma_wait3A_65 = tpu.memref_slice %arg3[%add3A, %dma_wait3A] : memref<32x1536xi32, #tpu.memory_space<hbm>> -> memref<1x1536xi32, #tpu.memory_space<hbm>>
      %dma_wait3A_66 = tpu.memref_squeeze %dma_wait3A_65 : memref<1x1536xi32, #tpu.memory_space<hbm>> -> memref<1536xi32, #tpu.memory_space<hbm>>
      %dma_wait3A_67 = arith.constant 0 : i32
      %dma_wait3A_68 = tpu.memref_slice %arg3[%add3A, %dma_wait3A_67] : memref<32x1536xi32, #tpu.memory_space<hbm>> -> memref<1x1536xi32, #tpu.memory_space<hbm>>
      %dma_wait3A_69 = tpu.memref_squeeze %dma_wait3A_68 : memref<1x1536xi32, #tpu.memory_space<hbm>> -> memref<1536xi32, #tpu.memory_space<hbm>>
      tpu.wait_dma2 semaphore(%run_scoped3A : memref<!tpu.dma_semaphore, #tpu.memory_space<semaphore_mem>>) src(%dma_wait3A_69 : memref<1536xi32, #tpu.memory_space<hbm>>) dst(%arg7 : memref<1536xi32, #tpu.memory_space<vmem>>)
      tpu.yield
    }) : () -> ()
    "tpu.region"() ({
      %run_scoped3A = tpu.sem_alloc : memref<!tpu.dma_semaphore, #tpu.memory_space<semaphore_mem>>
      %dma_start3A_59 = arith.constant 0 : i32
      %dma_start3A_60 = arith.constant 0 : i32
      %dma_start3A_61 = tpu.memref_slice %arg4[%add3A, %dma_start3A_59, %dma_start3A_60] : memref<32x8x16xi32, #tpu.memory_space<hbm>> -> memref<1x8x16xi32, #tpu.memory_space<hbm>>
      %dma_start3A_62 = tpu.memref_squeeze %dma_start3A_61 : memref<1x8x16xi32, #tpu.memory_space<hbm>> -> memref<8x16xi32, #tpu.memory_space<hbm>>
      %dma_start3A_63 = arith.constant 0 : i32
      %dma_start3A_64 = arith.constant 0 : i32
      %dma_start3A_65 = tpu.memref_slice %arg4[%add3A, %dma_start3A_63, %dma_start3A_64] : memref<32x8x16xi32, #tpu.memory_space<hbm>> -> memref<1x8x16xi32, #tpu.memory_space<hbm>>
      %dma_start3A_66 = tpu.memref_squeeze %dma_start3A_65 : memref<1x8x16xi32, #tpu.memory_space<hbm>> -> memref<8x16xi32, #tpu.memory_space<hbm>>
      tpu.enqueue_dma source(%dma_start3A_66 : memref<8x16xi32, #tpu.memory_space<hbm>>) target(%arg8 : memref<8x16xi32, #tpu.memory_space<vmem>>) target_semaphore(%run_scoped3A : memref<!tpu.dma_semaphore, #tpu.memory_space<semaphore_mem>>)
      %dma_wait3A = arith.constant 0 : i32
      %dma_wait3A_67 = arith.constant 0 : i32
      %dma_wait3A_68 = tpu.memref_slice %arg4[%add3A, %dma_wait3A, %dma_wait3A_67] : memref<32x8x16xi32, #tpu.memory_space<hbm>> -> memref<1x8x16xi32, #tpu.memory_space<hbm>>
      %dma_wait3A_69 = tpu.memref_squeeze %dma_wait3A_68 : memref<1x8x16xi32, #tpu.memory_space<hbm>> -> memref<8x16xi32, #tpu.memory_space<hbm>>
      %dma_wait3A_70 = arith.constant 0 : i32
      %dma_wait3A_71 = arith.constant 0 : i32
      %dma_wait3A_72 = tpu.memref_slice %arg4[%add3A, %dma_wait3A_70, %dma_wait3A_71] : memref<32x8x16xi32, #tpu.memory_space<hbm>> -> memref<1x8x16xi32, #tpu.memory_space<hbm>>
      %dma_wait3A_73 = tpu.memref_squeeze %dma_wait3A_72 : memref<1x8x16xi32, #tpu.memory_space<hbm>> -> memref<8x16xi32, #tpu.memory_space<hbm>>
      tpu.wait_dma2 semaphore(%run_scoped3A : memref<!tpu.dma_semaphore, #tpu.memory_space<semaphore_mem>>) src(%dma_wait3A_73 : memref<8x16xi32, #tpu.memory_space<hbm>>) dst(%arg8 : memref<8x16xi32, #tpu.memory_space<vmem>>)
      tpu.yield
    }) : () -> ()
    %get3A = arith.constant 0 : i32
    %get3A_16 = arith.index_cast %get3A : i32 to index
    %get3A_17 = arith.constant 0 : index
    %get3A_18 = tpu.vector_load %arg8[%get3A_16, %get3A_17] {strides = array<i32>} : memref<8x16xi32, #tpu.memory_space<vmem>>, vector<16xi32>,
    %get3A_19 = arith.constant 1 : i32
    %get3A_20 = arith.index_cast %get3A_19 : i32 to index
    %get3A_21 = arith.constant 0 : index
    %get3A_22 = tpu.vector_load %arg8[%get3A_20, %get3A_21] {strides = array<i32>} : memref<8x16xi32, #tpu.memory_space<vmem>>, vector<16xi32>,
    %get3A_23 = arith.constant 2 : i32
    %get3A_24 = arith.index_cast %get3A_23 : i32 to index
    %get3A_25 = arith.constant 0 : index
    %get3A_26 = tpu.vector_load %arg8[%get3A_24, %get3A_25] {strides = array<i32>} : memref<8x16xi32, #tpu.memory_space<vmem>>, vector<16xi32>,
    %get3A_27 = arith.constant 3 : i32
    %get3A_28 = arith.index_cast %get3A_27 : i32 to index
    %get3A_29 = arith.constant 0 : index
    %get3A_30 = tpu.vector_load %arg8[%get3A_28, %get3A_29] {strides = array<i32>} : memref<8x16xi32, #tpu.memory_space<vmem>>, vector<16xi32>,
    %get3A_31 = arith.constant 4 : i32
    %get3A_32 = arith.index_cast %get3A_31 : i32 to index
    %get3A_33 = arith.constant 0 : index
    %get3A_34 = tpu.vector_load %arg8[%get3A_32, %get3A_33] {strides = array<i32>} : memref<8x16xi32, #tpu.memory_space<vmem>>, vector<16xi32>,
    %get3A_35 = arith.constant 5 : i32
    %get3A_36 = arith.index_cast %get3A_35 : i32 to index
    %get3A_37 = arith.constant 0 : index
    %get3A_38 = tpu.vector_load %arg8[%get3A_36, %get3A_37] {strides = array<i32>} : memref<8x16xi32, #tpu.memory_space<vmem>>, vector<16xi32>,
    %get3A_39 = arith.constant 6 : i32
    %get3A_40 = arith.index_cast %get3A_39 : i32 to index
    %get3A_41 = arith.constant 0 : index
    %get3A_42 = tpu.vector_load %arg8[%get3A_40, %get3A_41] {strides = array<i32>} : memref<8x16xi32, #tpu.memory_space<vmem>>, vector<16xi32>,
    %get3A_43 = arith.constant 7 : i32
    %get3A_44 = arith.index_cast %get3A_43 : i32 to index
    %get3A_45 = arith.constant 0 : index
    %get3A_46 = tpu.vector_load %arg8[%get3A_44, %get3A_45] {strides = array<i32>} : memref<8x16xi32, #tpu.memory_space<vmem>>, vector<16xi32>,
    %scan3A = arith.constant 0 : i32
    %scan3A_47 = arith.constant 24 : i32
    %scan3A_48 = arith.addi %scan3A, %scan3A_47 : i32
    %scan3A_49 = arith.constant 1 : i32
    %scan3A_50:8 = scf.for %scan3A_59 = %scan3A to %scan3A_48 step %scan3A_49 iter_args(%scan3A_60 = %get3A_18, %scan3A_61 = %get3A_22, %scan3A_62 = %get3A_26, %scan3A_63 = %get3A_30, %scan3A_64 = %get3A_34, %scan3A_65 = %get3A_38, %scan3A_66 = %get3A_42, %scan3A_67 = %get3A_46) -> (vector<16xi32>, vector<16xi32>, vector<16xi32>, vector<16xi32>, vector<16xi32>, vector<16xi32>, vector<16xi32>, vector<16xi32>)  : i32 {
      %mul3A_68 = arith.constant 4 : i32
      %mul3A_69 = arith.muli %scan3A_59, %mul3A_68 : i32
      %add3A_70 = arith.constant 0 : i32
      %add3A_71 = arith.addi %mul3A_69, %add3A_70 : i32
      %mul3A_72 = arith.constant 16 : i32
      %mul3A_73 = arith.muli %add3A_71, %mul3A_72 : i32
      %get3A_74 = arith.index_cast %mul3A_73 : i32 to index
      %get3A_75 = tpu.vector_load %arg7[%get3A_74] {strides = array<i32>} : memref<1536xi32, #tpu.memory_space<vmem>>, vector<16xi32>,
      %broadcast_in_dim3A = arith.constant 0 : i32
      %broadcast_in_dim3A_76 = vector.broadcast %broadcast_in_dim3A : i32 to vector<16xi32>
      %eq3A = arith.constant 0 : i32
      %eq3A_77 = vector.broadcast %eq3A : i32 to vector<16xi32>
      %eq3A_78 = arith.cmpi eq, %get3A_75, %eq3A_77 : vector<16xi32>
      %jit3A = arith.constant 1 : i32
      %jit3A_79 = arith.constant 0 : i32
      %broadcast_in_dim3A_80 = vector.broadcast %jit3A : i32 to vector<16xi32>
      %broadcast_in_dim3A_81 = vector.broadcast %jit3A_79 : i32 to vector<16xi32>
      %select_n3A = arith.select %eq3A_78, %broadcast_in_dim3A_80, %broadcast_in_dim3A_81 : vector<16xi1>, vector<16xi32>
      %broadcast_in_dim3A_82 = arith.constant true
      %broadcast_in_dim3A_83 = vector.broadcast %broadcast_in_dim3A_82 : i1 to vector<16xi1>
      %masked_cumsum3A = tpu.scan <sum>, %select_n3A masked %broadcast_in_dim3A_83 : vector<16xi32>, vector<16xi1> -> vector<16xi32>
      %add3A_84 = arith.addi %scan3A_60, %masked_cumsum3A : vector<16xi32>
      %sub3A = arith.constant 1 : i32
      %sub3A_85 = vector.broadcast %sub3A : i32 to vector<16xi32>
      %sub3A_86 = arith.subi %add3A_84, %sub3A_85 : vector<16xi32>
      %select_n3A_87 = arith.select %eq3A_78, %sub3A_86, %broadcast_in_dim3A_76 : vector<16xi1>, vector<16xi32>
      %all_reduce_population_count3A = tpu.all_reduce %eq3A_78 {dim = 0 : i64, kind = #tpu.reduction_kind<sum>} : vector<16xi1> -> vector<16xi32>
      %add3A_88 = arith.addi %scan3A_60, %all_reduce_population_count3A : vector<16xi32>
      %eq3A_89 = arith.constant 1 : i32
      %eq3A_90 = vector.broadcast %eq3A_89 : i32 to vector<16xi32>
      %eq3A_91 = arith.cmpi eq, %get3A_75, %eq3A_90 : vector<16xi32>
      %jit3A_92 = arith.constant 1 : i32
      %jit3A_93 = arith.constant 0 : i32
      %broadcast_in_dim3A_94 = vector.broadcast %jit3A_92 : i32 to vector<16xi32>
      %broadcast_in_dim3A_95 = vector.broadcast %jit3A_93 : i32 to vector<16xi32>
      %select_n3A_96 = arith.select %eq3A_91, %broadcast_in_dim3A_94, %broadcast_in_dim3A_95 : vector<16xi1>, vector<16xi32>
      %broadcast_in_dim3A_97 = arith.constant true
      %broadcast_in_dim3A_98 = vector.broadcast %broadcast_in_dim3A_97 : i1 to vector<16xi1>
      %masked_cumsum3A_99 = tpu.scan <sum>, %select_n3A_96 masked %broadcast_in_dim3A_98 : vector<16xi32>, vector<16xi1> -> vector<16xi32>
      %add3A_100 = arith.addi %scan3A_61, %masked_cumsum3A_99 : vector<16xi32>
      %sub3A_101 = arith.constant 1 : i32
      %sub3A_102 = vector.broadcast %sub3A_101 : i32 to vector<16xi32>
      %sub3A_103 = arith.subi %add3A_100, %sub3A_102 : vector<16xi32>
      %select_n3A_104 = arith.select %eq3A_91, %sub3A_103, %select_n3A_87 : vector<16xi1>, vector<16xi32>
      %all_reduce_population_count3A_105 = tpu.all_reduce %eq3A_91 {dim = 0 : i64, kind = #tpu.reduction_kind<sum>} : vector<16xi1> -> vector<16xi32>
      %add3A_106 = arith.addi %scan3A_61, %all_reduce_population_count3A_105 : vector<16xi32>
      %eq3A_107 = arith.constant 2 : i32
      %eq3A_108 = vector.broadcast %eq3A_107 : i32 to vector<16xi32>
      %eq3A_109 = arith.cmpi eq, %get3A_75, %eq3A_108 : vector<16xi32>
      %jit3A_110 = arith.constant 1 : i32
      %jit3A_111 = arith.constant 0 : i32
      %broadcast_in_dim3A_112 = vector.broadcast %jit3A_110 : i32 to vector<16xi32>
      %broadcast_in_dim3A_113 = vector.broadcast %jit3A_111 : i32 to vector<16xi32>
      %select_n3A_114 = arith.select %eq3A_109, %broadcast_in_dim3A_112, %broadcast_in_dim3A_113 : vector<16xi1>, vector<16xi32>
      %broadcast_in_dim3A_115 = arith.constant true
      %broadcast_in_dim3A_116 = vector.broadcast %broadcast_in_dim3A_115 : i1 to vector<16xi1>
      %masked_cumsum3A_117 = tpu.scan <sum>, %select_n3A_114 masked %broadcast_in_dim3A_116 : vector<16xi32>, vector<16xi1> -> vector<16xi32>
      %add3A_118 = arith.addi %scan3A_62, %masked_cumsum3A_117 : vector<16xi32>
      %sub3A_119 = arith.constant 1 : i32
      %sub3A_120 = vector.broadcast %sub3A_119 : i32 to vector<16xi32>
      %sub3A_121 = arith.subi %add3A_118, %sub3A_120 : vector<16xi32>
      %select_n3A_122 = arith.select %eq3A_109, %sub3A_121, %select_n3A_104 : vector<16xi1>, vector<16xi32>
      %all_reduce_population_count3A_123 = tpu.all_reduce %eq3A_109 {dim = 0 : i64, kind = #tpu.reduction_kind<sum>} : vector<16xi1> -> vector<16xi32>
      %add3A_124 = arith.addi %scan3A_62, %all_reduce_population_count3A_123 : vector<16xi32>
      %eq3A_125 = arith.constant 3 : i32
      %eq3A_126 = vector.broadcast %eq3A_125 : i32 to vector<16xi32>
      %eq3A_127 = arith.cmpi eq, %get3A_75, %eq3A_126 : vector<16xi32>
      %jit3A_128 = arith.constant 1 : i32
      %jit3A_129 = arith.constant 0 : i32
      %broadcast_in_dim3A_130 = vector.broadcast %jit3A_128 : i32 to vector<16xi32>
      %broadcast_in_dim3A_131 = vector.broadcast %jit3A_129 : i32 to vector<16xi32>
      %select_n3A_132 = arith.select %eq3A_127, %broadcast_in_dim3A_130, %broadcast_in_dim3A_131 : vector<16xi1>, vector<16xi32>
      %broadcast_in_dim3A_133 = arith.constant true
      %broadcast_in_dim3A_134 = vector.broadcast %broadcast_in_dim3A_133 : i1 to vector<16xi1>
      %masked_cumsum3A_135 = tpu.scan <sum>, %select_n3A_132 masked %broadcast_in_dim3A_134 : vector<16xi32>, vector<16xi1> -> vector<16xi32>
      %add3A_136 = arith.addi %scan3A_63, %masked_cumsum3A_135 : vector<16xi32>
      %sub3A_137 = arith.constant 1 : i32
      %sub3A_138 = vector.broadcast %sub3A_137 : i32 to vector<16xi32>
      %sub3A_139 = arith.subi %add3A_136, %sub3A_138 : vector<16xi32>
      %select_n3A_140 = arith.select %eq3A_127, %sub3A_139, %select_n3A_122 : vector<16xi1>, vector<16xi32>
      %all_reduce_population_count3A_141 = tpu.all_reduce %eq3A_127 {dim = 0 : i64, kind = #tpu.reduction_kind<sum>} : vector<16xi1> -> vector<16xi32>
      %add3A_142 = arith.addi %scan3A_63, %all_reduce_population_count3A_141 : vector<16xi32>
      %eq3A_143 = arith.constant 4 : i32
      %eq3A_144 = vector.broadcast %eq3A_143 : i32 to vector<16xi32>
      %eq3A_145 = arith.cmpi eq, %get3A_75, %eq3A_144 : vector<16xi32>
      %jit3A_146 = arith.constant 1 : i32
      %jit3A_147 = arith.constant 0 : i32
      %broadcast_in_dim3A_148 = vector.broadcast %jit3A_146 : i32 to vector<16xi32>
      %broadcast_in_dim3A_149 = vector.broadcast %jit3A_147 : i32 to vector<16xi32>
      %select_n3A_150 = arith.select %eq3A_145, %broadcast_in_dim3A_148, %broadcast_in_dim3A_149 : vector<16xi1>, vector<16xi32>
      %broadcast_in_dim3A_151 = arith.constant true
      %broadcast_in_dim3A_152 = vector.broadcast %broadcast_in_dim3A_151 : i1 to vector<16xi1>
      %masked_cumsum3A_153 = tpu.scan <sum>, %select_n3A_150 masked %broadcast_in_dim3A_152 : vector<16xi32>, vector<16xi1> -> vector<16xi32>
      %add3A_154 = arith.addi %scan3A_64, %masked_cumsum3A_153 : vector<16xi32>
      %sub3A_155 = arith.constant 1 : i32
      %sub3A_156 = vector.broadcast %sub3A_155 : i32 to vector<16xi32>
      %sub3A_157 = arith.subi %add3A_154, %sub3A_156 : vector<16xi32>
      %select_n3A_158 = arith.select %eq3A_145, %sub3A_157, %select_n3A_140 : vector<16xi1>, vector<16xi32>
      %all_reduce_population_count3A_159 = tpu.all_reduce %eq3A_145 {dim = 0 : i64, kind = #tpu.reduction_kind<sum>} : vector<16xi1> -> vector<16xi32>
      %add3A_160 = arith.addi %scan3A_64, %all_reduce_population_count3A_159 : vector<16xi32>
      %eq3A_161 = arith.constant 5 : i32
      %eq3A_162 = vector.broadcast %eq3A_161 : i32 to vector<16xi32>
      %eq3A_163 = arith.cmpi eq, %get3A_75, %eq3A_162 : vector<16xi32>
      %jit3A_164 = arith.constant 1 : i32
      %jit3A_165 = arith.constant 0 : i32
      %broadcast_in_dim3A_166 = vector.broadcast %jit3A_164 : i32 to vector<16xi32>
      %broadcast_in_dim3A_167 = vector.broadcast %jit3A_165 : i32 to vector<16xi32>
      %select_n3A_168 = arith.select %eq3A_163, %broadcast_in_dim3A_166, %broadcast_in_dim3A_167 : vector<16xi1>, vector<16xi32>
      %broadcast_in_dim3A_169 = arith.constant true
      %broadcast_in_dim3A_170 = vector.broadcast %broadcast_in_dim3A_169 : i1 to vector<16xi1>
      %masked_cumsum3A_171 = tpu.scan <sum>, %select_n3A_168 masked %broadcast_in_dim3A_170 : vector<16xi32>, vector<16xi1> -> vector<16xi32>
      %add3A_172 = arith.addi %scan3A_65, %masked_cumsum3A_171 : vector<16xi32>
      %sub3A_173 = arith.constant 1 : i32
      %sub3A_174 = vector.broadcast %sub3A_173 : i32 to vector<16xi32>
      %sub3A_175 = arith.subi %add3A_172, %sub3A_174 : vector<16xi32>
      %select_n3A_176 = arith.select %eq3A_163, %sub3A_175, %select_n3A_158 : vector<16xi1>, vector<16xi32>
      %all_reduce_population_count3A_177 = tpu.all_reduce %eq3A_163 {dim = 0 : i64, kind = #tpu.reduction_kind<sum>} : vector<16xi1> -> vector<16xi32>
      %add3A_178 = arith.addi %scan3A_65, %all_reduce_population_count3A_177 : vector<16xi32>
      %eq3A_179 = arith.constant 6 : i32
      %eq3A_180 = vector.broadcast %eq3A_179 : i32 to vector<16xi32>
      %eq3A_181 = arith.cmpi eq, %get3A_75, %eq3A_180 : vector<16xi32>
      %jit3A_182 = arith.constant 1 : i32
      %jit3A_183 = arith.constant 0 : i32
      %broadcast_in_dim3A_184 = vector.broadcast %jit3A_182 : i32 to vector<16xi32>
      %broadcast_in_dim3A_185 = vector.broadcast %jit3A_183 : i32 to vector<16xi32>
      %select_n3A_186 = arith.select %eq3A_181, %broadcast_in_dim3A_184, %broadcast_in_dim3A_185 : vector<16xi1>, vector<16xi32>
      %broadcast_in_dim3A_187 = arith.constant true
      %broadcast_in_dim3A_188 = vector.broadcast %broadcast_in_dim3A_187 : i1 to vector<16xi1>
      %masked_cumsum3A_189 = tpu.scan <sum>, %select_n3A_186 masked %broadcast_in_dim3A_188 : vector<16xi32>, vector<16xi1> -> vector<16xi32>
      %add3A_190 = arith.addi %scan3A_66, %masked_cumsum3A_189 : vector<16xi32>
      %sub3A_191 = arith.constant 1 : i32
      %sub3A_192 = vector.broadcast %sub3A_191 : i32 to vector<16xi32>
      %sub3A_193 = arith.subi %add3A_190, %sub3A_192 : vector<16xi32>
      %select_n3A_194 = arith.select %eq3A_181, %sub3A_193, %select_n3A_176 : vector<16xi1>, vector<16xi32>
      %all_reduce_population_count3A_195 = tpu.all_reduce %eq3A_181 {dim = 0 : i64, kind = #tpu.reduction_kind<sum>} : vector<16xi1> -> vector<16xi32>
      %add3A_196 = arith.addi %scan3A_66, %all_reduce_population_count3A_195 : vector<16xi32>
      %eq3A_197 = arith.constant 7 : i32
      %eq3A_198 = vector.broadcast %eq3A_197 : i32 to vector<16xi32>
      %eq3A_199 = arith.cmpi eq, %get3A_75, %eq3A_198 : vector<16xi32>
      %jit3A_200 = arith.constant 1 : i32
      %jit3A_201 = arith.constant 0 : i32
      %broadcast_in_dim3A_202 = vector.broadcast %jit3A_200 : i32 to vector<16xi32>
      %broadcast_in_dim3A_203 = vector.broadcast %jit3A_201 : i32 to vector<16xi32>
      %select_n3A_204 = arith.select %eq3A_199, %broadcast_in_dim3A_202, %broadcast_in_dim3A_203 : vector<16xi1>, vector<16xi32>
      %broadcast_in_dim3A_205 = arith.constant true
      %broadcast_in_dim3A_206 = vector.broadcast %broadcast_in_dim3A_205 : i1 to vector<16xi1>
      %masked_cumsum3A_207 = tpu.scan <sum>, %select_n3A_204 masked %broadcast_in_dim3A_206 : vector<16xi32>, vector<16xi1> -> vector<16xi32>
      %add3A_208 = arith.addi %scan3A_67, %masked_cumsum3A_207 : vector<16xi32>
      %sub3A_209 = arith.constant 1 : i32
      %sub3A_210 = vector.broadcast %sub3A_209 : i32 to vector<16xi32>
      %sub3A_211 = arith.subi %add3A_208, %sub3A_210 : vector<16xi32>
      %select_n3A_212 = arith.select %eq3A_199, %sub3A_211, %select_n3A_194 : vector<16xi1>, vector<16xi32>
      %all_reduce_population_count3A_213 = tpu.all_reduce %eq3A_199 {dim = 0 : i64, kind = #tpu.reduction_kind<sum>} : vector<16xi1> -> vector<16xi32>
      %add3A_214 = arith.addi %scan3A_67, %all_reduce_population_count3A_213 : vector<16xi32>
      %swap3A = arith.index_cast %scan3A_59 : i32 to index
      %swap3A_215 = arith.constant 0 : index
      %swap3A_216 = tpu.vector_load %arg9[%swap3A, %swap3A_215] {strides = array<i32>} : memref<24x64xi32, #tpu.memory_space<vmem>>, vector<16xi32>,
      tpu.vector_store %arg9[%swap3A, %swap3A_215], %select_n3A_212 {strides = array<i32>} : memref<24x64xi32, #tpu.memory_space<vmem>>, vector<16xi32>,
      %mul3A_217 = arith.constant 4 : i32
      %mul3A_218 = arith.muli %scan3A_59, %mul3A_217 : i32
      %add3A_219 = arith.constant 1 : i32
      %add3A_220 = arith.addi %mul3A_218, %add3A_219 : i32
      %mul3A_221 = arith.constant 16 : i32
      %mul3A_222 = arith.muli %add3A_220, %mul3A_221 : i32
      %get3A_223 = arith.index_cast %mul3A_222 : i32 to index
      %get3A_224 = tpu.vector_load %arg7[%get3A_223] {strides = array<i32>} : memref<1536xi32, #tpu.memory_space<vmem>>, vector<16xi32>,
      %broadcast_in_dim3A_225 = arith.constant 0 : i32
      %broadcast_in_dim3A_226 = vector.broadcast %broadcast_in_dim3A_225 : i32 to vector<16xi32>
      %eq3A_227 = arith.constant 0 : i32
      %eq3A_228 = vector.broadcast %eq3A_227 : i32 to vector<16xi32>
      %eq3A_229 = arith.cmpi eq, %get3A_224, %eq3A_228 : vector<16xi32>
      %jit3A_230 = arith.constant 1 : i32
      %jit3A_231 = arith.constant 0 : i32
      %broadcast_in_dim3A_232 = vector.broadcast %jit3A_230 : i32 to vector<16xi32>
      %broadcast_in_dim3A_233 = vector.broadcast %jit3A_231 : i32 to vector<16xi32>
      %select_n3A_234 = arith.select %eq3A_229, %broadcast_in_dim3A_232, %broadcast_in_dim3A_233 : vector<16xi1>, vector<16xi32>
      %broadcast_in_dim3A_235 = arith.constant true
      %broadcast_in_dim3A_236 = vector.broadcast %broadcast_in_dim3A_235 : i1 to vector<16xi1>
      %masked_cumsum3A_237 = tpu.scan <sum>, %select_n3A_234 masked %broadcast_in_dim3A_236 : vector<16xi32>, vector<16xi1> -> vector<16xi32>
      %add3A_238 = arith.addi %add3A_88, %masked_cumsum3A_237 : vector<16xi32>
      %sub3A_239 = arith.constant 1 : i32
      %sub3A_240 = vector.broadcast %sub3A_239 : i32 to vector<16xi32>
      %sub3A_241 = arith.subi %add3A_238, %sub3A_240 : vector<16xi32>
      %select_n3A_242 = arith.select %eq3A_229, %sub3A_241, %broadcast_in_dim3A_226 : vector<16xi1>, vector<16xi32>
      %all_reduce_population_count3A_243 = tpu.all_reduce %eq3A_229 {dim = 0 : i64, kind = #tpu.reduction_kind<sum>} : vector<16xi1> -> vector<16xi32>
      %add3A_244 = arith.addi %add3A_88, %all_reduce_population_count3A_243 : vector<16xi32>
      %eq3A_245 = arith.constant 1 : i32
      %eq3A_246 = vector.broadcast %eq3A_245 : i32 to vector<16xi32>
      %eq3A_247 = arith.cmpi eq, %get3A_224, %eq3A_246 : vector<16xi32>
      %jit3A_248 = arith.constant 1 : i32
      %jit3A_249 = arith.constant 0 : i32
      %broadcast_in_dim3A_250 = vector.broadcast %jit3A_248 : i32 to vector<16xi32>
      %broadcast_in_dim3A_251 = vector.broadcast %jit3A_249 : i32 to vector<16xi32>
      %select_n3A_252 = arith.select %eq3A_247, %broadcast_in_dim3A_250, %broadcast_in_dim3A_251 : vector<16xi1>, vector<16xi32>
      %broadcast_in_dim3A_253 = arith.constant true
      %broadcast_in_dim3A_254 = vector.broadcast %broadcast_in_dim3A_253 : i1 to vector<16xi1>
      %masked_cumsum3A_255 = tpu.scan <sum>, %select_n3A_252 masked %broadcast_in_dim3A_254 : vector<16xi32>, vector<16xi1> -> vector<16xi32>
      %add3A_256 = arith.addi %add3A_106, %masked_cumsum3A_255 : vector<16xi32>
      %sub3A_257 = arith.constant 1 : i32
      %sub3A_258 = vector.broadcast %sub3A_257 : i32 to vector<16xi32>
      %sub3A_259 = arith.subi %add3A_256, %sub3A_258 : vector<16xi32>
      %select_n3A_260 = arith.select %eq3A_247, %sub3A_259, %select_n3A_242 : vector<16xi1>, vector<16xi32>
      %all_reduce_population_count3A_261 = tpu.all_reduce %eq3A_247 {dim = 0 : i64, kind = #tpu.reduction_kind<sum>} : vector<16xi1> -> vector<16xi32>
      %add3A_262 = arith.addi %add3A_106, %all_reduce_population_count3A_261 : vector<16xi32>
      %eq3A_263 = arith.constant 2 : i32
      %eq3A_264 = vector.broadcast %eq3A_263 : i32 to vector<16xi32>
      %eq3A_265 = arith.cmpi eq, %get3A_224, %eq3A_264 : vector<16xi32>
      %jit3A_266 = arith.constant 1 : i32
      %jit3A_267 = arith.constant 0 : i32
      %broadcast_in_dim3A_268 = vector.broadcast %jit3A_266 : i32 to vector<16xi32>
      %broadcast_in_dim3A_269 = vector.broadcast %jit3A_267 : i32 to vector<16xi32>
      %select_n3A_270 = arith.select %eq3A_265, %broadcast_in_dim3A_268, %broadcast_in_dim3A_269 : vector<16xi1>, vector<16xi32>
      %broadcast_in_dim3A_271 = arith.constant true
      %broadcast_in_dim3A_272 = vector.broadcast %broadcast_in_dim3A_271 : i1 to vector<16xi1>
      %masked_cumsum3A_273 = tpu.scan <sum>, %select_n3A_270 masked %broadcast_in_dim3A_272 : vector<16xi32>, vector<16xi1> -> vector<16xi32>
      %add3A_274 = arith.addi %add3A_124, %masked_cumsum3A_273 : vector<16xi32>
      %sub3A_275 = arith.constant 1 : i32
      %sub3A_276 = vector.broadcast %sub3A_275 : i32 to vector<16xi32>
      %sub3A_277 = arith.subi %add3A_274, %sub3A_276 : vector<16xi32>
      %select_n3A_278 = arith.select %eq3A_265, %sub3A_277, %select_n3A_260 : vector<16xi1>, vector<16xi32>
      %all_reduce_population_count3A_279 = tpu.all_reduce %eq3A_265 {dim = 0 : i64, kind = #tpu.reduction_kind<sum>} : vector<16xi1> -> vector<16xi32>
      %add3A_280 = arith.addi %add3A_124, %all_reduce_population_count3A_279 : vector<16xi32>
      %eq3A_281 = arith.constant 3 : i32
      %eq3A_282 = vector.broadcast %eq3A_281 : i32 to vector<16xi32>
      %eq3A_283 = arith.cmpi eq, %get3A_224, %eq3A_282 : vector<16xi32>
      %jit3A_284 = arith.constant 1 : i32
      %jit3A_285 = arith.constant 0 : i32
      %broadcast_in_dim3A_286 = vector.broadcast %jit3A_284 : i32 to vector<16xi32>
      %broadcast_in_dim3A_287 = vector.broadcast %jit3A_285 : i32 to vector<16xi32>
      %select_n3A_288 = arith.select %eq3A_283, %broadcast_in_dim3A_286, %broadcast_in_dim3A_287 : vector<16xi1>, vector<16xi32>
      %broadcast_in_dim3A_289 = arith.constant true
      %broadcast_in_dim3A_290 = vector.broadcast %broadcast_in_dim3A_289 : i1 to vector<16xi1>
      %masked_cumsum3A_291 = tpu.scan <sum>, %select_n3A_288 masked %broadcast_in_dim3A_290 : vector<16xi32>, vector<16xi1> -> vector<16xi32>
      %add3A_292 = arith.addi %add3A_142, %masked_cumsum3A_291 : vector<16xi32>
      %sub3A_293 = arith.constant 1 : i32
      %sub3A_294 = vector.broadcast %sub3A_293 : i32 to vector<16xi32>
      %sub3A_295 = arith.subi %add3A_292, %sub3A_294 : vector<16xi32>
      %select_n3A_296 = arith.select %eq3A_283, %sub3A_295, %select_n3A_278 : vector<16xi1>, vector<16xi32>
      %all_reduce_population_count3A_297 = tpu.all_reduce %eq3A_283 {dim = 0 : i64, kind = #tpu.reduction_kind<sum>} : vector<16xi1> -> vector<16xi32>
      %add3A_298 = arith.addi %add3A_142, %all_reduce_population_count3A_297 : vector<16xi32>
      %eq3A_299 = arith.constant 4 : i32
      %eq3A_300 = vector.broadcast %eq3A_299 : i32 to vector<16xi32>
      %eq3A_301 = arith.cmpi eq, %get3A_224, %eq3A_300 : vector<16xi32>
      %jit3A_302 = arith.constant 1 : i32
      %jit3A_303 = arith.constant 0 : i32
      %broadcast_in_dim3A_304 = vector.broadcast %jit3A_302 : i32 to vector<16xi32>
      %broadcast_in_dim3A_305 = vector.broadcast %jit3A_303 : i32 to vector<16xi32>
      %select_n3A_306 = arith.select %eq3A_301, %broadcast_in_dim3A_304, %broadcast_in_dim3A_305 : vector<16xi1>, vector<16xi32>
      %broadcast_in_dim3A_307 = arith.constant true
      %broadcast_in_dim3A_308 = vector.broadcast %broadcast_in_dim3A_307 : i1 to vector<16xi1>
      %masked_cumsum3A_309 = tpu.scan <sum>, %select_n3A_306 masked %broadcast_in_dim3A_308 : vector<16xi32>, vector<16xi1> -> vector<16xi32>
      %add3A_310 = arith.addi %add3A_160, %masked_cumsum3A_309 : vector<16xi32>
      %sub3A_311 = arith.constant 1 : i32
      %sub3A_312 = vector.broadcast %sub3A_311 : i32 to vector<16xi32>
      %sub3A_313 = arith.subi %add3A_310, %sub3A_312 : vector<16xi32>
      %select_n3A_314 = arith.select %eq3A_301, %sub3A_313, %select_n3A_296 : vector<16xi1>, vector<16xi32>
      %all_reduce_population_count3A_315 = tpu.all_reduce %eq3A_301 {dim = 0 : i64, kind = #tpu.reduction_kind<sum>} : vector<16xi1> -> vector<16xi32>
      %add3A_316 = arith.addi %add3A_160, %all_reduce_population_count3A_315 : vector<16xi32>
      %eq3A_317 = arith.constant 5 : i32
      %eq3A_318 = vector.broadcast %eq3A_317 : i32 to vector<16xi32>
      %eq3A_319 = arith.cmpi eq, %get3A_224, %eq3A_318 : vector<16xi32>
      %jit3A_320 = arith.constant 1 : i32
      %jit3A_321 = arith.constant 0 : i32
      %broadcast_in_dim3A_322 = vector.broadcast %jit3A_320 : i32 to vector<16xi32>
      %broadcast_in_dim3A_323 = vector.broadcast %jit3A_321 : i32 to vector<16xi32>
      %select_n3A_324 = arith.select %eq3A_319, %broadcast_in_dim3A_322, %broadcast_in_dim3A_323 : vector<16xi1>, vector<16xi32>
      %broadcast_in_dim3A_325 = arith.constant true
      %broadcast_in_dim3A_326 = vector.broadcast %broadcast_in_dim3A_325 : i1 to vector<16xi1>
      %masked_cumsum3A_327 = tpu.scan <sum>, %select_n3A_324 masked %broadcast_in_dim3A_326 : vector<16xi32>, vector<16xi1> -> vector<16xi32>
      %add3A_328 = arith.addi %add3A_178, %masked_cumsum3A_327 : vector<16xi32>
      %sub3A_329 = arith.constant 1 : i32
      %sub3A_330 = vector.broadcast %sub3A_329 : i32 to vector<16xi32>
      %sub3A_331 = arith.subi %add3A_328, %sub3A_330 : vector<16xi32>
      %select_n3A_332 = arith.select %eq3A_319, %sub3A_331, %select_n3A_314 : vector<16xi1>, vector<16xi32>
      %all_reduce_population_count3A_333 = tpu.all_reduce %eq3A_319 {dim = 0 : i64, kind = #tpu.reduction_kind<sum>} : vector<16xi1> -> vector<16xi32>
      %add3A_334 = arith.addi %add3A_178, %all_reduce_population_count3A_333 : vector<16xi32>
      %eq3A_335 = arith.constant 6 : i32
      %eq3A_336 = vector.broadcast %eq3A_335 : i32 to vector<16xi32>
      %eq3A_337 = arith.cmpi eq, %get3A_224, %eq3A_336 : vector<16xi32>
      %jit3A_338 = arith.constant 1 : i32
      %jit3A_339 = arith.constant 0 : i32
      %broadcast_in_dim3A_340 = vector.broadcast %jit3A_338 : i32 to vector<16xi32>
      %broadcast_in_dim3A_341 = vector.broadcast %jit3A_339 : i32 to vector<16xi32>
      %select_n3A_342 = arith.select %eq3A_337, %broadcast_in_dim3A_340, %broadcast_in_dim3A_341 : vector<16xi1>, vector<16xi32>
      %broadcast_in_dim3A_343 = arith.constant true
      %broadcast_in_dim3A_344 = vector.broadcast %broadcast_in_dim3A_343 : i1 to vector<16xi1>
      %masked_cumsum3A_345 = tpu.scan <sum>, %select_n3A_342 masked %broadcast_in_dim3A_344 : vector<16xi32>, vector<16xi1> -> vector<16xi32>
      %add3A_346 = arith.addi %add3A_196, %masked_cumsum3A_345 : vector<16xi32>
      %sub3A_347 = arith.constant 1 : i32
      %sub3A_348 = vector.broadcast %sub3A_347 : i32 to vector<16xi32>
      %sub3A_349 = arith.subi %add3A_346, %sub3A_348 : vector<16xi32>
      %select_n3A_350 = arith.select %eq3A_337, %sub3A_349, %select_n3A_332 : vector<16xi1>, vector<16xi32>
      %all_reduce_population_count3A_351 = tpu.all_reduce %eq3A_337 {dim = 0 : i64, kind = #tpu.reduction_kind<sum>} : vector<16xi1> -> vector<16xi32>
      %add3A_352 = arith.addi %add3A_196, %all_reduce_population_count3A_351 : vector<16xi32>
      %eq3A_353 = arith.constant 7 : i32
      %eq3A_354 = vector.broadcast %eq3A_353 : i32 to vector<16xi32>
      %eq3A_355 = arith.cmpi eq, %get3A_224, %eq3A_354 : vector<16xi32>
      %jit3A_356 = arith.constant 1 : i32
      %jit3A_357 = arith.constant 0 : i32
      %broadcast_in_dim3A_358 = vector.broadcast %jit3A_356 : i32 to vector<16xi32>
      %broadcast_in_dim3A_359 = vector.broadcast %jit3A_357 : i32 to vector<16xi32>
      %select_n3A_360 = arith.select %eq3A_355, %broadcast_in_dim3A_358, %broadcast_in_dim3A_359 : vector<16xi1>, vector<16xi32>
      %broadcast_in_dim3A_361 = arith.constant true
      %broadcast_in_dim3A_362 = vector.broadcast %broadcast_in_dim3A_361 : i1 to vector<16xi1>
      %masked_cumsum3A_363 = tpu.scan <sum>, %select_n3A_360 masked %broadcast_in_dim3A_362 : vector<16xi32>, vector<16xi1> -> vector<16xi32>
      %add3A_364 = arith.addi %add3A_214, %masked_cumsum3A_363 : vector<16xi32>
      %sub3A_365 = arith.constant 1 : i32
      %sub3A_366 = vector.broadcast %sub3A_365 : i32 to vector<16xi32>
      %sub3A_367 = arith.subi %add3A_364, %sub3A_366 : vector<16xi32>
      %select_n3A_368 = arith.select %eq3A_355, %sub3A_367, %select_n3A_350 : vector<16xi1>, vector<16xi32>
      %all_reduce_population_count3A_369 = tpu.all_reduce %eq3A_355 {dim = 0 : i64, kind = #tpu.reduction_kind<sum>} : vector<16xi1> -> vector<16xi32>
      %add3A_370 = arith.addi %add3A_214, %all_reduce_population_count3A_369 : vector<16xi32>
      %swap3A_371 = arith.index_cast %scan3A_59 : i32 to index
      %swap3A_372 = arith.constant 16 : index
      %swap3A_373 = tpu.vector_load %arg9[%swap3A_371, %swap3A_372] {strides = array<i32>} : memref<24x64xi32, #tpu.memory_space<vmem>>, vector<16xi32>,
      tpu.vector_store %arg9[%swap3A_371, %swap3A_372], %select_n3A_368 {strides = array<i32>} : memref<24x64xi32, #tpu.memory_space<vmem>>, vector<16xi32>,
      %mul3A_374 = arith.constant 4 : i32
      %mul3A_375 = arith.muli %scan3A_59, %mul3A_374 : i32
      %add3A_376 = arith.constant 2 : i32
      %add3A_377 = arith.addi %mul3A_375, %add3A_376 : i32
      %mul3A_378 = arith.constant 16 : i32
      %mul3A_379 = arith.muli %add3A_377, %mul3A_378 : i32
      %get3A_380 = arith.index_cast %mul3A_379 : i32 to index
      %get3A_381 = tpu.vector_load %arg7[%get3A_380] {strides = array<i32>} : memref<1536xi32, #tpu.memory_space<vmem>>, vector<16xi32>,
      %broadcast_in_dim3A_382 = arith.constant 0 : i32
      %broadcast_in_dim3A_383 = vector.broadcast %broadcast_in_dim3A_382 : i32 to vector<16xi32>
      %eq3A_384 = arith.constant 0 : i32
      %eq3A_385 = vector.broadcast %eq3A_384 : i32 to vector<16xi32>
      %eq3A_386 = arith.cmpi eq, %get3A_381, %eq3A_385 : vector<16xi32>
      %jit3A_387 = arith.constant 1 : i32
      %jit3A_388 = arith.constant 0 : i32
      %broadcast_in_dim3A_389 = vector.broadcast %jit3A_387 : i32 to vector<16xi32>
      %broadcast_in_dim3A_390 = vector.broadcast %jit3A_388 : i32 to vector<16xi32>
      %select_n3A_391 = arith.select %eq3A_386, %broadcast_in_dim3A_389, %broadcast_in_dim3A_390 : vector<16xi1>, vector<16xi32>
      %broadcast_in_dim3A_392 = arith.constant true
      %broadcast_in_dim3A_393 = vector.broadcast %broadcast_in_dim3A_392 : i1 to vector<16xi1>
      %masked_cumsum3A_394 = tpu.scan <sum>, %select_n3A_391 masked %broadcast_in_dim3A_393 : vector<16xi32>, vector<16xi1> -> vector<16xi32>
      %add3A_395 = arith.addi %add3A_244, %masked_cumsum3A_394 : vector<16xi32>
      %sub3A_396 = arith.constant 1 : i32
      %sub3A_397 = vector.broadcast %sub3A_396 : i32 to vector<16xi32>
      %sub3A_398 = arith.subi %add3A_395, %sub3A_397 : vector<16xi32>
      %select_n3A_399 = arith.select %eq3A_386, %sub3A_398, %broadcast_in_dim3A_383 : vector<16xi1>, vector<16xi32>
      %all_reduce_population_count3A_400 = tpu.all_reduce %eq3A_386 {dim = 0 : i64, kind = #tpu.reduction_kind<sum>} : vector<16xi1> -> vector<16xi32>
      %add3A_401 = arith.addi %add3A_244, %all_reduce_population_count3A_400 : vector<16xi32>
      %eq3A_402 = arith.constant 1 : i32
      %eq3A_403 = vector.broadcast %eq3A_402 : i32 to vector<16xi32>
      %eq3A_404 = arith.cmpi eq, %get3A_381, %eq3A_403 : vector<16xi32>
      %jit3A_405 = arith.constant 1 : i32
      %jit3A_406 = arith.constant 0 : i32
      %broadcast_in_dim3A_407 = vector.broadcast %jit3A_405 : i32 to vector<16xi32>
      %broadcast_in_dim3A_408 = vector.broadcast %jit3A_406 : i32 to vector<16xi32>
      %select_n3A_409 = arith.select %eq3A_404, %broadcast_in_dim3A_407, %broadcast_in_dim3A_408 : vector<16xi1>, vector<16xi32>
      %broadcast_in_dim3A_410 = arith.constant true
      %broadcast_in_dim3A_411 = vector.broadcast %broadcast_in_dim3A_410 : i1 to vector<16xi1>
      %masked_cumsum3A_412 = tpu.scan <sum>, %select_n3A_409 masked %broadcast_in_dim3A_411 : vector<16xi32>, vector<16xi1> -> vector<16xi32>
      %add3A_413 = arith.addi %add3A_262, %masked_cumsum3A_412 : vector<16xi32>
      %sub3A_414 = arith.constant 1 : i32
      %sub3A_415 = vector.broadcast %sub3A_414 : i32 to vector<16xi32>
      %sub3A_416 = arith.subi %add3A_413, %sub3A_415 : vector<16xi32>
      %select_n3A_417 = arith.select %eq3A_404, %sub3A_416, %select_n3A_399 : vector<16xi1>, vector<16xi32>
      %all_reduce_population_count3A_418 = tpu.all_reduce %eq3A_404 {dim = 0 : i64, kind = #tpu.reduction_kind<sum>} : vector<16xi1> -> vector<16xi32>
      %add3A_419 = arith.addi %add3A_262, %all_reduce_population_count3A_418 : vector<16xi32>
      %eq3A_420 = arith.constant 2 : i32
      %eq3A_421 = vector.broadcast %eq3A_420 : i32 to vector<16xi32>
      %eq3A_422 = arith.cmpi eq, %get3A_381, %eq3A_421 : vector<16xi32>
      %jit3A_423 = arith.constant 1 : i32
      %jit3A_424 = arith.constant 0 : i32
      %broadcast_in_dim3A_425 = vector.broadcast %jit3A_423 : i32 to vector<16xi32>
      %broadcast_in_dim3A_426 = vector.broadcast %jit3A_424 : i32 to vector<16xi32>
      %select_n3A_427 = arith.select %eq3A_422, %broadcast_in_dim3A_425, %broadcast_in_dim3A_426 : vector<16xi1>, vector<16xi32>
      %broadcast_in_dim3A_428 = arith.constant true
      %broadcast_in_dim3A_429 = vector.broadcast %broadcast_in_dim3A_428 : i1 to vector<16xi1>
      %masked_cumsum3A_430 = tpu.scan <sum>, %select_n3A_427 masked %broadcast_in_dim3A_429 : vector<16xi32>, vector<16xi1> -> vector<16xi32>
      %add3A_431 = arith.addi %add3A_280, %masked_cumsum3A_430 : vector<16xi32>
      %sub3A_432 = arith.constant 1 : i32
      %sub3A_433 = vector.broadcast %sub3A_432 : i32 to vector<16xi32>
      %sub3A_434 = arith.subi %add3A_431, %sub3A_433 : vector<16xi32>
      %select_n3A_435 = arith.select %eq3A_422, %sub3A_434, %select_n3A_417 : vector<16xi1>, vector<16xi32>
      %all_reduce_population_count3A_436 = tpu.all_reduce %eq3A_422 {dim = 0 : i64, kind = #tpu.reduction_kind<sum>} : vector<16xi1> -> vector<16xi32>
      %add3A_437 = arith.addi %add3A_280, %all_reduce_population_count3A_436 : vector<16xi32>
      %eq3A_438 = arith.constant 3 : i32
      %eq3A_439 = vector.broadcast %eq3A_438 : i32 to vector<16xi32>
      %eq3A_440 = arith.cmpi eq, %get3A_381, %eq3A_439 : vector<16xi32>
      %jit3A_441 = arith.constant 1 : i32
      %jit3A_442 = arith.constant 0 : i32
      %broadcast_in_dim3A_443 = vector.broadcast %jit3A_441 : i32 to vector<16xi32>
      %broadcast_in_dim3A_444 = vector.broadcast %jit3A_442 : i32 to vector<16xi32>
      %select_n3A_445 = arith.select %eq3A_440, %broadcast_in_dim3A_443, %broadcast_in_dim3A_444 : vector<16xi1>, vector<16xi32>
      %broadcast_in_dim3A_446 = arith.constant true
      %broadcast_in_dim3A_447 = vector.broadcast %broadcast_in_dim3A_446 : i1 to vector<16xi1>
      %masked_cumsum3A_448 = tpu.scan <sum>, %select_n3A_445 masked %broadcast_in_dim3A_447 : vector<16xi32>, vector<16xi1> -> vector<16xi32>
      %add3A_449 = arith.addi %add3A_298, %masked_cumsum3A_448 : vector<16xi32>
      %sub3A_450 = arith.constant 1 : i32
      %sub3A_451 = vector.broadcast %sub3A_450 : i32 to vector<16xi32>
      %sub3A_452 = arith.subi %add3A_449, %sub3A_451 : vector<16xi32>
      %select_n3A_453 = arith.select %eq3A_440, %sub3A_452, %select_n3A_435 : vector<16xi1>, vector<16xi32>
      %all_reduce_population_count3A_454 = tpu.all_reduce %eq3A_440 {dim = 0 : i64, kind = #tpu.reduction_kind<sum>} : vector<16xi1> -> vector<16xi32>
      %add3A_455 = arith.addi %add3A_298, %all_reduce_population_count3A_454 : vector<16xi32>
      %eq3A_456 = arith.constant 4 : i32
      %eq3A_457 = vector.broadcast %eq3A_456 : i32 to vector<16xi32>
      %eq3A_458 = arith.cmpi eq, %get3A_381, %eq3A_457 : vector<16xi32>
      %jit3A_459 = arith.constant 1 : i32
      %jit3A_460 = arith.constant 0 : i32
      %broadcast_in_dim3A_461 = vector.broadcast %jit3A_459 : i32 to vector<16xi32>
      %broadcast_in_dim3A_462 = vector.broadcast %jit3A_460 : i32 to vector<16xi32>
      %select_n3A_463 = arith.select %eq3A_458, %broadcast_in_dim3A_461, %broadcast_in_dim3A_462 : vector<16xi1>, vector<16xi32>
      %broadcast_in_dim3A_464 = arith.constant true
      %broadcast_in_dim3A_465 = vector.broadcast %broadcast_in_dim3A_464 : i1 to vector<16xi1>
      %masked_cumsum3A_466 = tpu.scan <sum>, %select_n3A_463 masked %broadcast_in_dim3A_465 : vector<16xi32>, vector<16xi1> -> vector<16xi32>
      %add3A_467 = arith.addi %add3A_316, %masked_cumsum3A_466 : vector<16xi32>
      %sub3A_468 = arith.constant 1 : i32
      %sub3A_469 = vector.broadcast %sub3A_468 : i32 to vector<16xi32>
      %sub3A_470 = arith.subi %add3A_467, %sub3A_469 : vector<16xi32>
      %select_n3A_471 = arith.select %eq3A_458, %sub3A_470, %select_n3A_453 : vector<16xi1>, vector<16xi32>
      %all_reduce_population_count3A_472 = tpu.all_reduce %eq3A_458 {dim = 0 : i64, kind = #tpu.reduction_kind<sum>} : vector<16xi1> -> vector<16xi32>
      %add3A_473 = arith.addi %add3A_316, %all_reduce_population_count3A_472 : vector<16xi32>
      %eq3A_474 = arith.constant 5 : i32
      %eq3A_475 = vector.broadcast %eq3A_474 : i32 to vector<16xi32>
      %eq3A_476 = arith.cmpi eq, %get3A_381, %eq3A_475 : vector<16xi32>
      %jit3A_477 = arith.constant 1 : i32
      %jit3A_478 = arith.constant 0 : i32
      %broadcast_in_dim3A_479 = vector.broadcast %jit3A_477 : i32 to vector<16xi32>
      %broadcast_in_dim3A_480 = vector.broadcast %jit3A_478 : i32 to vector<16xi32>
      %select_n3A_481 = arith.select %eq3A_476, %broadcast_in_dim3A_479, %broadcast_in_dim3A_480 : vector<16xi1>, vector<16xi32>
      %broadcast_in_dim3A_482 = arith.constant true
      %broadcast_in_dim3A_483 = vector.broadcast %broadcast_in_dim3A_482 : i1 to vector<16xi1>
      %masked_cumsum3A_484 = tpu.scan <sum>, %select_n3A_481 masked %broadcast_in_dim3A_483 : vector<16xi32>, vector<16xi1> -> vector<16xi32>
      %add3A_485 = arith.addi %add3A_334, %masked_cumsum3A_484 : vector<16xi32>
      %sub3A_486 = arith.constant 1 : i32
      %sub3A_487 = vector.broadcast %sub3A_486 : i32 to vector<16xi32>
      %sub3A_488 = arith.subi %add3A_485, %sub3A_487 : vector<16xi32>
      %select_n3A_489 = arith.select %eq3A_476, %sub3A_488, %select_n3A_471 : vector<16xi1>, vector<16xi32>
      %all_reduce_population_count3A_490 = tpu.all_reduce %eq3A_476 {dim = 0 : i64, kind = #tpu.reduction_kind<sum>} : vector<16xi1> -> vector<16xi32>
      %add3A_491 = arith.addi %add3A_334, %all_reduce_population_count3A_490 : vector<16xi32>
      %eq3A_492 = arith.constant 6 : i32
      %eq3A_493 = vector.broadcast %eq3A_492 : i32 to vector<16xi32>
      %eq3A_494 = arith.cmpi eq, %get3A_381, %eq3A_493 : vector<16xi32>
      %jit3A_495 = arith.constant 1 : i32
      %jit3A_496 = arith.constant 0 : i32
      %broadcast_in_dim3A_497 = vector.broadcast %jit3A_495 : i32 to vector<16xi32>
      %broadcast_in_dim3A_498 = vector.broadcast %jit3A_496 : i32 to vector<16xi32>
      %select_n3A_499 = arith.select %eq3A_494, %broadcast_in_dim3A_497, %broadcast_in_dim3A_498 : vector<16xi1>, vector<16xi32>
      %broadcast_in_dim3A_500 = arith.constant true
      %broadcast_in_dim3A_501 = vector.broadcast %broadcast_in_dim3A_500 : i1 to vector<16xi1>
      %masked_cumsum3A_502 = tpu.scan <sum>, %select_n3A_499 masked %broadcast_in_dim3A_501 : vector<16xi32>, vector<16xi1> -> vector<16xi32>
      %add3A_503 = arith.addi %add3A_352, %masked_cumsum3A_502 : vector<16xi32>
      %sub3A_504 = arith.constant 1 : i32
      %sub3A_505 = vector.broadcast %sub3A_504 : i32 to vector<16xi32>
      %sub3A_506 = arith.subi %add3A_503, %sub3A_505 : vector<16xi32>
      %select_n3A_507 = arith.select %eq3A_494, %sub3A_506, %select_n3A_489 : vector<16xi1>, vector<16xi32>
      %all_reduce_population_count3A_508 = tpu.all_reduce %eq3A_494 {dim = 0 : i64, kind = #tpu.reduction_kind<sum>} : vector<16xi1> -> vector<16xi32>
      %add3A_509 = arith.addi %add3A_352, %all_reduce_population_count3A_508 : vector<16xi32>
      %eq3A_510 = arith.constant 7 : i32
      %eq3A_511 = vector.broadcast %eq3A_510 : i32 to vector<16xi32>
      %eq3A_512 = arith.cmpi eq, %get3A_381, %eq3A_511 : vector<16xi32>
      %jit3A_513 = arith.constant 1 : i32
      %jit3A_514 = arith.constant 0 : i32
      %broadcast_in_dim3A_515 = vector.broadcast %jit3A_513 : i32 to vector<16xi32>
      %broadcast_in_dim3A_516 = vector.broadcast %jit3A_514 : i32 to vector<16xi32>
      %select_n3A_517 = arith.select %eq3A_512, %broadcast_in_dim3A_515, %broadcast_in_dim3A_516 : vector<16xi1>, vector<16xi32>
      %broadcast_in_dim3A_518 = arith.constant true
      %broadcast_in_dim3A_519 = vector.broadcast %broadcast_in_dim3A_518 : i1 to vector<16xi1>
      %masked_cumsum3A_520 = tpu.scan <sum>, %select_n3A_517 masked %broadcast_in_dim3A_519 : vector<16xi32>, vector<16xi1> -> vector<16xi32>
      %add3A_521 = arith.addi %add3A_370, %masked_cumsum3A_520 : vector<16xi32>
      %sub3A_522 = arith.constant 1 : i32
      %sub3A_523 = vector.broadcast %sub3A_522 : i32 to vector<16xi32>
      %sub3A_524 = arith.subi %add3A_521, %sub3A_523 : vector<16xi32>
      %select_n3A_525 = arith.select %eq3A_512, %sub3A_524, %select_n3A_507 : vector<16xi1>, vector<16xi32>
      %all_reduce_population_count3A_526 = tpu.all_reduce %eq3A_512 {dim = 0 : i64, kind = #tpu.reduction_kind<sum>} : vector<16xi1> -> vector<16xi32>
      %add3A_527 = arith.addi %add3A_370, %all_reduce_population_count3A_526 : vector<16xi32>
      %swap3A_528 = arith.index_cast %scan3A_59 : i32 to index
      %swap3A_529 = arith.constant 32 : index
      %swap3A_530 = tpu.vector_load %arg9[%swap3A_528, %swap3A_529] {strides = array<i32>} : memref<24x64xi32, #tpu.memory_space<vmem>>, vector<16xi32>,
      tpu.vector_store %arg9[%swap3A_528, %swap3A_529], %select_n3A_525 {strides = array<i32>} : memref<24x64xi32, #tpu.memory_space<vmem>>, vector<16xi32>,
      %mul3A_531 = arith.constant 4 : i32
      %mul3A_532 = arith.muli %scan3A_59, %mul3A_531 : i32
      %add3A_533 = arith.constant 3 : i32
      %add3A_534 = arith.addi %mul3A_532, %add3A_533 : i32
      %mul3A_535 = arith.constant 16 : i32
      %mul3A_536 = arith.muli %add3A_534, %mul3A_535 : i32
      %get3A_537 = arith.index_cast %mul3A_536 : i32 to index
      %get3A_538 = tpu.vector_load %arg7[%get3A_537] {strides = array<i32>} : memref<1536xi32, #tpu.memory_space<vmem>>, vector<16xi32>,
      %broadcast_in_dim3A_539 = arith.constant 0 : i32
      %broadcast_in_dim3A_540 = vector.broadcast %broadcast_in_dim3A_539 : i32 to vector<16xi32>
      %eq3A_541 = arith.constant 0 : i32
      %eq3A_542 = vector.broadcast %eq3A_541 : i32 to vector<16xi32>
      %eq3A_543 = arith.cmpi eq, %get3A_538, %eq3A_542 : vector<16xi32>
      %jit3A_544 = arith.constant 1 : i32
      %jit3A_545 = arith.constant 0 : i32
      %broadcast_in_dim3A_546 = vector.broadcast %jit3A_544 : i32 to vector<16xi32>
      %broadcast_in_dim3A_547 = vector.broadcast %jit3A_545 : i32 to vector<16xi32>
      %select_n3A_548 = arith.select %eq3A_543, %broadcast_in_dim3A_546, %broadcast_in_dim3A_547 : vector<16xi1>, vector<16xi32>
      %broadcast_in_dim3A_549 = arith.constant true
      %broadcast_in_dim3A_550 = vector.broadcast %broadcast_in_dim3A_549 : i1 to vector<16xi1>
      %masked_cumsum3A_551 = tpu.scan <sum>, %select_n3A_548 masked %broadcast_in_dim3A_550 : vector<16xi32>, vector<16xi1> -> vector<16xi32>
      %add3A_552 = arith.addi %add3A_401, %masked_cumsum3A_551 : vector<16xi32>
      %sub3A_553 = arith.constant 1 : i32
      %sub3A_554 = vector.broadcast %sub3A_553 : i32 to vector<16xi32>
      %sub3A_555 = arith.subi %add3A_552, %sub3A_554 : vector<16xi32>
      %select_n3A_556 = arith.select %eq3A_543, %sub3A_555, %broadcast_in_dim3A_540 : vector<16xi1>, vector<16xi32>
      %all_reduce_population_count3A_557 = tpu.all_reduce %eq3A_543 {dim = 0 : i64, kind = #tpu.reduction_kind<sum>} : vector<16xi1> -> vector<16xi32>
      %add3A_558 = arith.addi %add3A_401, %all_reduce_population_count3A_557 : vector<16xi32>
      %eq3A_559 = arith.constant 1 : i32
      %eq3A_560 = vector.broadcast %eq3A_559 : i32 to vector<16xi32>
      %eq3A_561 = arith.cmpi eq, %get3A_538, %eq3A_560 : vector<16xi32>
      %jit3A_562 = arith.constant 1 : i32
      %jit3A_563 = arith.constant 0 : i32
      %broadcast_in_dim3A_564 = vector.broadcast %jit3A_562 : i32 to vector<16xi32>
      %broadcast_in_dim3A_565 = vector.broadcast %jit3A_563 : i32 to vector<16xi32>
      %select_n3A_566 = arith.select %eq3A_561, %broadcast_in_dim3A_564, %broadcast_in_dim3A_565 : vector<16xi1>, vector<16xi32>
      %broadcast_in_dim3A_567 = arith.constant true
      %broadcast_in_dim3A_568 = vector.broadcast %broadcast_in_dim3A_567 : i1 to vector<16xi1>
      %masked_cumsum3A_569 = tpu.scan <sum>, %select_n3A_566 masked %broadcast_in_dim3A_568 : vector<16xi32>, vector<16xi1> -> vector<16xi32>
      %add3A_570 = arith.addi %add3A_419, %masked_cumsum3A_569 : vector<16xi32>
      %sub3A_571 = arith.constant 1 : i32
      %sub3A_572 = vector.broadcast %sub3A_571 : i32 to vector<16xi32>
      %sub3A_573 = arith.subi %add3A_570, %sub3A_572 : vector<16xi32>
      %select_n3A_574 = arith.select %eq3A_561, %sub3A_573, %select_n3A_556 : vector<16xi1>, vector<16xi32>
      %all_reduce_population_count3A_575 = tpu.all_reduce %eq3A_561 {dim = 0 : i64, kind = #tpu.reduction_kind<sum>} : vector<16xi1> -> vector<16xi32>
      %add3A_576 = arith.addi %add3A_419, %all_reduce_population_count3A_575 : vector<16xi32>
      %eq3A_577 = arith.constant 2 : i32
      %eq3A_578 = vector.broadcast %eq3A_577 : i32 to vector<16xi32>
      %eq3A_579 = arith.cmpi eq, %get3A_538, %eq3A_578 : vector<16xi32>
      %jit3A_580 = arith.constant 1 : i32
      %jit3A_581 = arith.constant 0 : i32
      %broadcast_in_dim3A_582 = vector.broadcast %jit3A_580 : i32 to vector<16xi32>
      %broadcast_in_dim3A_583 = vector.broadcast %jit3A_581 : i32 to vector<16xi32>
      %select_n3A_584 = arith.select %eq3A_579, %broadcast_in_dim3A_582, %broadcast_in_dim3A_583 : vector<16xi1>, vector<16xi32>
      %broadcast_in_dim3A_585 = arith.constant true
      %broadcast_in_dim3A_586 = vector.broadcast %broadcast_in_dim3A_585 : i1 to vector<16xi1>
      %masked_cumsum3A_587 = tpu.scan <sum>, %select_n3A_584 masked %broadcast_in_dim3A_586 : vector<16xi32>, vector<16xi1> -> vector<16xi32>
      %add3A_588 = arith.addi %add3A_437, %masked_cumsum3A_587 : vector<16xi32>
      %sub3A_589 = arith.constant 1 : i32
      %sub3A_590 = vector.broadcast %sub3A_589 : i32 to vector<16xi32>
      %sub3A_591 = arith.subi %add3A_588, %sub3A_590 : vector<16xi32>
      %select_n3A_592 = arith.select %eq3A_579, %sub3A_591, %select_n3A_574 : vector<16xi1>, vector<16xi32>
      %all_reduce_population_count3A_593 = tpu.all_reduce %eq3A_579 {dim = 0 : i64, kind = #tpu.reduction_kind<sum>} : vector<16xi1> -> vector<16xi32>
      %add3A_594 = arith.addi %add3A_437, %all_reduce_population_count3A_593 : vector<16xi32>
      %eq3A_595 = arith.constant 3 : i32
      %eq3A_596 = vector.broadcast %eq3A_595 : i32 to vector<16xi32>
      %eq3A_597 = arith.cmpi eq, %get3A_538, %eq3A_596 : vector<16xi32>
      %jit3A_598 = arith.constant 1 : i32
      %jit3A_599 = arith.constant 0 : i32
      %broadcast_in_dim3A_600 = vector.broadcast %jit3A_598 : i32 to vector<16xi32>
      %broadcast_in_dim3A_601 = vector.broadcast %jit3A_599 : i32 to vector<16xi32>
      %select_n3A_602 = arith.select %eq3A_597, %broadcast_in_dim3A_600, %broadcast_in_dim3A_601 : vector<16xi1>, vector<16xi32>
      %broadcast_in_dim3A_603 = arith.constant true
      %broadcast_in_dim3A_604 = vector.broadcast %broadcast_in_dim3A_603 : i1 to vector<16xi1>
      %masked_cumsum3A_605 = tpu.scan <sum>, %select_n3A_602 masked %broadcast_in_dim3A_604 : vector<16xi32>, vector<16xi1> -> vector<16xi32>
      %add3A_606 = arith.addi %add3A_455, %masked_cumsum3A_605 : vector<16xi32>
      %sub3A_607 = arith.constant 1 : i32
      %sub3A_608 = vector.broadcast %sub3A_607 : i32 to vector<16xi32>
      %sub3A_609 = arith.subi %add3A_606, %sub3A_608 : vector<16xi32>
      %select_n3A_610 = arith.select %eq3A_597, %sub3A_609, %select_n3A_592 : vector<16xi1>, vector<16xi32>
      %all_reduce_population_count3A_611 = tpu.all_reduce %eq3A_597 {dim = 0 : i64, kind = #tpu.reduction_kind<sum>} : vector<16xi1> -> vector<16xi32>
      %add3A_612 = arith.addi %add3A_455, %all_reduce_population_count3A_611 : vector<16xi32>
      %eq3A_613 = arith.constant 4 : i32
      %eq3A_614 = vector.broadcast %eq3A_613 : i32 to vector<16xi32>
      %eq3A_615 = arith.cmpi eq, %get3A_538, %eq3A_614 : vector<16xi32>
      %jit3A_616 = arith.constant 1 : i32
      %jit3A_617 = arith.constant 0 : i32
      %broadcast_in_dim3A_618 = vector.broadcast %jit3A_616 : i32 to vector<16xi32>
      %broadcast_in_dim3A_619 = vector.broadcast %jit3A_617 : i32 to vector<16xi32>
      %select_n3A_620 = arith.select %eq3A_615, %broadcast_in_dim3A_618, %broadcast_in_dim3A_619 : vector<16xi1>, vector<16xi32>
      %broadcast_in_dim3A_621 = arith.constant true
      %broadcast_in_dim3A_622 = vector.broadcast %broadcast_in_dim3A_621 : i1 to vector<16xi1>
      %masked_cumsum3A_623 = tpu.scan <sum>, %select_n3A_620 masked %broadcast_in_dim3A_622 : vector<16xi32>, vector<16xi1> -> vector<16xi32>
      %add3A_624 = arith.addi %add3A_473, %masked_cumsum3A_623 : vector<16xi32>
      %sub3A_625 = arith.constant 1 : i32
      %sub3A_626 = vector.broadcast %sub3A_625 : i32 to vector<16xi32>
      %sub3A_627 = arith.subi %add3A_624, %sub3A_626 : vector<16xi32>
      %select_n3A_628 = arith.select %eq3A_615, %sub3A_627, %select_n3A_610 : vector<16xi1>, vector<16xi32>
      %all_reduce_population_count3A_629 = tpu.all_reduce %eq3A_615 {dim = 0 : i64, kind = #tpu.reduction_kind<sum>} : vector<16xi1> -> vector<16xi32>
      %add3A_630 = arith.addi %add3A_473, %all_reduce_population_count3A_629 : vector<16xi32>
      %eq3A_631 = arith.constant 5 : i32
      %eq3A_632 = vector.broadcast %eq3A_631 : i32 to vector<16xi32>
      %eq3A_633 = arith.cmpi eq, %get3A_538, %eq3A_632 : vector<16xi32>
      %jit3A_634 = arith.constant 1 : i32
      %jit3A_635 = arith.constant 0 : i32
      %broadcast_in_dim3A_636 = vector.broadcast %jit3A_634 : i32 to vector<16xi32>
      %broadcast_in_dim3A_637 = vector.broadcast %jit3A_635 : i32 to vector<16xi32>
      %select_n3A_638 = arith.select %eq3A_633, %broadcast_in_dim3A_636, %broadcast_in_dim3A_637 : vector<16xi1>, vector<16xi32>
      %broadcast_in_dim3A_639 = arith.constant true
      %broadcast_in_dim3A_640 = vector.broadcast %broadcast_in_dim3A_639 : i1 to vector<16xi1>
      %masked_cumsum3A_641 = tpu.scan <sum>, %select_n3A_638 masked %broadcast_in_dim3A_640 : vector<16xi32>, vector<16xi1> -> vector<16xi32>
      %add3A_642 = arith.addi %add3A_491, %masked_cumsum3A_641 : vector<16xi32>
      %sub3A_643 = arith.constant 1 : i32
      %sub3A_644 = vector.broadcast %sub3A_643 : i32 to vector<16xi32>
      %sub3A_645 = arith.subi %add3A_642, %sub3A_644 : vector<16xi32>
      %select_n3A_646 = arith.select %eq3A_633, %sub3A_645, %select_n3A_628 : vector<16xi1>, vector<16xi32>
      %all_reduce_population_count3A_647 = tpu.all_reduce %eq3A_633 {dim = 0 : i64, kind = #tpu.reduction_kind<sum>} : vector<16xi1> -> vector<16xi32>
      %add3A_648 = arith.addi %add3A_491, %all_reduce_population_count3A_647 : vector<16xi32>
      %eq3A_649 = arith.constant 6 : i32
      %eq3A_650 = vector.broadcast %eq3A_649 : i32 to vector<16xi32>
      %eq3A_651 = arith.cmpi eq, %get3A_538, %eq3A_650 : vector<16xi32>
      %jit3A_652 = arith.constant 1 : i32
      %jit3A_653 = arith.constant 0 : i32
      %broadcast_in_dim3A_654 = vector.broadcast %jit3A_652 : i32 to vector<16xi32>
      %broadcast_in_dim3A_655 = vector.broadcast %jit3A_653 : i32 to vector<16xi32>
      %select_n3A_656 = arith.select %eq3A_651, %broadcast_in_dim3A_654, %broadcast_in_dim3A_655 : vector<16xi1>, vector<16xi32>
      %broadcast_in_dim3A_657 = arith.constant true
      %broadcast_in_dim3A_658 = vector.broadcast %broadcast_in_dim3A_657 : i1 to vector<16xi1>
      %masked_cumsum3A_659 = tpu.scan <sum>, %select_n3A_656 masked %broadcast_in_dim3A_658 : vector<16xi32>, vector<16xi1> -> vector<16xi32>
      %add3A_660 = arith.addi %add3A_509, %masked_cumsum3A_659 : vector<16xi32>
      %sub3A_661 = arith.constant 1 : i32
      %sub3A_662 = vector.broadcast %sub3A_661 : i32 to vector<16xi32>
      %sub3A_663 = arith.subi %add3A_660, %sub3A_662 : vector<16xi32>
      %select_n3A_664 = arith.select %eq3A_651, %sub3A_663, %select_n3A_646 : vector<16xi1>, vector<16xi32>
      %all_reduce_population_count3A_665 = tpu.all_reduce %eq3A_651 {dim = 0 : i64, kind = #tpu.reduction_kind<sum>} : vector<16xi1> -> vector<16xi32>
      %add3A_666 = arith.addi %add3A_509, %all_reduce_population_count3A_665 : vector<16xi32>
      %eq3A_667 = arith.constant 7 : i32
      %eq3A_668 = vector.broadcast %eq3A_667 : i32 to vector<16xi32>
      %eq3A_669 = arith.cmpi eq, %get3A_538, %eq3A_668 : vector<16xi32>
      %jit3A_670 = arith.constant 1 : i32
      %jit3A_671 = arith.constant 0 : i32
      %broadcast_in_dim3A_672 = vector.broadcast %jit3A_670 : i32 to vector<16xi32>
      %broadcast_in_dim3A_673 = vector.broadcast %jit3A_671 : i32 to vector<16xi32>
      %select_n3A_674 = arith.select %eq3A_669, %broadcast_in_dim3A_672, %broadcast_in_dim3A_673 : vector<16xi1>, vector<16xi32>
      %broadcast_in_dim3A_675 = arith.constant true
      %broadcast_in_dim3A_676 = vector.broadcast %broadcast_in_dim3A_675 : i1 to vector<16xi1>
      %masked_cumsum3A_677 = tpu.scan <sum>, %select_n3A_674 masked %broadcast_in_dim3A_676 : vector<16xi32>, vector<16xi1> -> vector<16xi32>
      %add3A_678 = arith.addi %add3A_527, %masked_cumsum3A_677 : vector<16xi32>
      %sub3A_679 = arith.constant 1 : i32
      %sub3A_680 = vector.broadcast %sub3A_679 : i32 to vector<16xi32>
      %sub3A_681 = arith.subi %add3A_678, %sub3A_680 : vector<16xi32>
      %select_n3A_682 = arith.select %eq3A_669, %sub3A_681, %select_n3A_664 : vector<16xi1>, vector<16xi32>
      %all_reduce_population_count3A_683 = tpu.all_reduce %eq3A_669 {dim = 0 : i64, kind = #tpu.reduction_kind<sum>} : vector<16xi1> -> vector<16xi32>
      %add3A_684 = arith.addi %add3A_527, %all_reduce_population_count3A_683 : vector<16xi32>
      %swap3A_685 = arith.index_cast %scan3A_59 : i32 to index
      %swap3A_686 = arith.constant 48 : index
      %swap3A_687 = tpu.vector_load %arg9[%swap3A_685, %swap3A_686] {strides = array<i32>} : memref<24x64xi32, #tpu.memory_space<vmem>>, vector<16xi32>,
      tpu.vector_store %arg9[%swap3A_685, %swap3A_686], %select_n3A_682 {strides = array<i32>} : memref<24x64xi32, #tpu.memory_space<vmem>>, vector<16xi32>,
      scf.yield %add3A_558, %add3A_576, %add3A_594, %add3A_612, %add3A_630, %add3A_648, %add3A_666, %add3A_684 : vector<16xi32>, vector<16xi32>, vector<16xi32>, vector<16xi32>, vector<16xi32>, vector<16xi32>, vector<16xi32>, vector<16xi32>
    }
    %scan3A_51 = arith.constant 24 : i32
    "tpu.region"() ({
      %run_scoped3A = tpu.sem_alloc : memref<!tpu.dma_semaphore, #tpu.memory_space<semaphore_mem>>
      %dma_start3A_59 = arith.constant 0 : i32
      %dma_start3A_60 = arith.constant 0 : i32
      %dma_start3A_61 = tpu.memref_slice %arg6[%add3A, %dma_start3A_59, %dma_start3A_60] : memref<32x24x64xi32, #tpu.memory_space<hbm>> -> memref<1x24x64xi32, #tpu.memory_space<hbm>>
      %dma_start3A_62 = tpu.memref_squeeze %dma_start3A_61 : memref<1x24x64xi32, #tpu.memory_space<hbm>> -> memref<24x64xi32, #tpu.memory_space<hbm>>
      %dma_start3A_63 = arith.constant 0 : i32
      %dma_start3A_64 = arith.constant 0 : i32
      %dma_start3A_65 = tpu.memref_slice %arg6[%add3A, %dma_start3A_63, %dma_start3A_64] : memref<32x24x64xi32, #tpu.memory_space<hbm>> -> memref<1x24x64xi32, #tpu.memory_space<hbm>>
      %dma_start3A_66 = tpu.memref_squeeze %dma_start3A_65 : memref<1x24x64xi32, #tpu.memory_space<hbm>> -> memref<24x64xi32, #tpu.memory_space<hbm>>
      tpu.enqueue_dma source(%arg9 : memref<24x64xi32, #tpu.memory_space<vmem>>) target(%dma_start3A_66 : memref<24x64xi32, #tpu.memory_space<hbm>>) target_semaphore(%run_scoped3A : memref<!tpu.dma_semaphore, #tpu.memory_space<semaphore_mem>>)
      %dma_wait3A = arith.constant 0 : i32
      %dma_wait3A_67 = arith.constant 0 : i32
      %dma_wait3A_68 = tpu.memref_slice %arg6[%add3A, %dma_wait3A, %dma_wait3A_67] : memref<32x24x64xi32, #tpu.memory_space<hbm>> -> memref<1x24x64xi32, #tpu.memory_space<hbm>>
      %dma_wait3A_69 = tpu.memref_squeeze %dma_wait3A_68 : memref<1x24x64xi32, #tpu.memory_space<hbm>> -> memref<24x64xi32, #tpu.memory_space<hbm>>
      %dma_wait3A_70 = arith.constant 0 : i32
      %dma_wait3A_71 = arith.constant 0 : i32
      %dma_wait3A_72 = tpu.memref_slice %arg6[%add3A, %dma_wait3A_70, %dma_wait3A_71] : memref<32x24x64xi32, #tpu.memory_space<hbm>> -> memref<1x24x64xi32, #tpu.memory_space<hbm>>
      %dma_wait3A_73 = tpu.memref_squeeze %dma_wait3A_72 : memref<1x24x64xi32, #tpu.memory_space<hbm>> -> memref<24x64xi32, #tpu.memory_space<hbm>>
      tpu.wait_dma2 semaphore(%run_scoped3A : memref<!tpu.dma_semaphore, #tpu.memory_space<semaphore_mem>>) src(%arg9 : memref<24x64xi32, #tpu.memory_space<vmem>>) dst(%dma_wait3A_73 : memref<24x64xi32, #tpu.memory_space<hbm>>)
      tpu.yield
    }) : () -> ()
    %scan3A_52 = arith.constant 0 : i32
    %scan3A_53 = arith.constant 0 : i32
    %scan3A_54 = arith.constant 12 : i32
    %scan3A_55 = arith.addi %scan3A_53, %scan3A_54 : i32
    %scan3A_56 = arith.constant 1 : i32
    %scan3A_57 = scf.for %scan3A_59 = %scan3A_53 to %scan3A_55 step %scan3A_56 iter_args(%scan3A_60 = %scan3A_52) -> (i32)  : i32 {
      %mul3A_61 = arith.constant 2 : i32
      %mul3A_62 = arith.muli %scan3A_59, %mul3A_61 : i32
      %add3A_63 = arith.constant 0 : i32
      %add3A_64 = arith.addi %mul3A_62, %add3A_63 : i32
      %mul3A_65 = arith.constant 64 : i32
      %mul3A_66 = arith.muli %add3A_64, %mul3A_65 : i32
      %add3A_67 = arith.addi %add3A_4, %mul3A_66 : i32
      %dma_wait3A = arith.constant 0 : i32
      %dma_wait3A_68 = tpu.memref_slice %arg2[%add3A_67, %dma_wait3A] : memref<65536x512xf32, #tpu.memory_space<hbm>> -> memref<64x512xf32, #tpu.memory_space<hbm>>
      %dma_wait3A_69 = arith.constant 0 : i32
      %dma_wait3A_70 = tpu.memref_slice %arg2[%add3A_67, %dma_wait3A_69] : memref<65536x512xf32, #tpu.memory_space<hbm>> -> memref<64x512xf32, #tpu.memory_space<hbm>>
      tpu.wait_dma2 semaphore(%arg12 : memref<!tpu.dma_semaphore, #tpu.memory_space<semaphore_mem>>) src(%dma_wait3A_70 : memref<64x512xf32, #tpu.memory_space<hbm>>) dst(%arg10 : memref<64x512xf32, #tpu.memory_space<vmem>>)
      %dma_start3A_71 = arith.constant 0 : i32
      %dma_start3A_72 = tpu.memref_slice %arg9[%add3A_64, %dma_start3A_71] : memref<24x64xi32, #tpu.memory_space<vmem>> -> memref<1x64xi32, #tpu.memory_space<vmem>>
      %dma_start3A_73 = tpu.memref_squeeze %dma_start3A_72 : memref<1x64xi32, #tpu.memory_space<vmem>> -> memref<64xi32, #tpu.memory_space<vmem>>
      %dma_start3A_74 = arith.constant 0 : i32
      %dma_start3A_75 = arith.constant 0 : i32
      %dma_start3A_76 = tpu.memref_slice %arg5[%dma_start3A_74, %dma_start3A_75] : memref<57344x512xf32, #tpu.memory_space<hbm>> -> memref<57344x512xf32, #tpu.memory_space<hbm>>
      tpu.enqueue_indirect_dma source(%arg10 : memref<64x512xf32, #tpu.memory_space<vmem>>) target(%dma_start3A_76 : memref<57344x512xf32, #tpu.memory_space<hbm>>) offsets(%dma_start3A_73 : memref<64xi32, #tpu.memory_space<vmem>>) semaphore(%arg14 : memref<!tpu.dma_semaphore, #tpu.memory_space<semaphore_mem>>)
      %dma_wait3A_77 = arith.constant 0 : i32
      %dma_wait3A_78 = tpu.memref_slice %arg9[%add3A_64, %dma_wait3A_77] : memref<24x64xi32, #tpu.memory_space<vmem>> -> memref<1x64xi32, #tpu.memory_space<vmem>>
      %dma_wait3A_79 = tpu.memref_squeeze %dma_wait3A_78 : memref<1x64xi32, #tpu.memory_space<vmem>> -> memref<64xi32, #tpu.memory_space<vmem>>
      %dma_wait3A_80 = arith.constant 0 : i32
      %dma_wait3A_81 = arith.constant 0 : i32
      %dma_wait3A_82 = tpu.memref_slice %arg5[%dma_wait3A_80, %dma_wait3A_81] : memref<57344x512xf32, #tpu.memory_space<hbm>> -> memref<57344x512xf32, #tpu.memory_space<hbm>>
      tpu.wait_indirect_dma semaphore(%arg14 : memref<!tpu.dma_semaphore, #tpu.memory_space<semaphore_mem>>) src(%arg10 : memref<64x512xf32, #tpu.memory_space<vmem>>) dst(%dma_wait3A_82 : memref<57344x512xf32, #tpu.memory_space<hbm>>)
      %add3A_83 = arith.constant 2 : i32
      %add3A_84 = arith.addi %add3A_64, %add3A_83 : i32
      %lt3A = arith.constant 24 : i32
      %lt3A_85 = arith.cmpi slt, %add3A_84, %lt3A : i32
      %convert_element_type3A = arith.extui %lt3A_85 : i1 to i32
      %cond3A = arith.constant 0 : i32
      %cond3A_86 = arith.cmpi ne, %convert_element_type3A, %cond3A : i32
      scf.if %cond3A_86 {
        %add3A_116 = arith.constant 2 : i32
        %add3A_117 = arith.addi %add3A_64, %add3A_116 : i32
        %mul3A_118 = arith.constant 64 : i32
        %mul3A_119 = arith.muli %add3A_117, %mul3A_118 : i32
        %add3A_120 = arith.addi %add3A_4, %mul3A_119 : i32
        %dma_start3A_121 = arith.constant 0 : i32
        %dma_start3A_122 = tpu.memref_slice %arg2[%add3A_120, %dma_start3A_121] : memref<65536x512xf32, #tpu.memory_space<hbm>> -> memref<64x512xf32, #tpu.memory_space<hbm>>
        %dma_start3A_123 = arith.constant 0 : i32
        %dma_start3A_124 = tpu.memref_slice %arg2[%add3A_120, %dma_start3A_123] : memref<65536x512xf32, #tpu.memory_space<hbm>> -> memref<64x512xf32, #tpu.memory_space<hbm>>
        tpu.enqueue_dma source(%dma_start3A_124 : memref<64x512xf32, #tpu.memory_space<hbm>>) target(%arg10 : memref<64x512xf32, #tpu.memory_space<vmem>>) target_semaphore(%arg12 : memref<!tpu.dma_semaphore, #tpu.memory_space<semaphore_mem>>)
      } else {
      }
      %add3A_87 = arith.constant 1 : i32
      %add3A_88 = arith.addi %mul3A_62, %add3A_87 : i32
      %mul3A_89 = arith.constant 64 : i32
      %mul3A_90 = arith.muli %add3A_88, %mul3A_89 : i32
      %add3A_91 = arith.addi %add3A_4, %mul3A_90 : i32
      %dma_wait3A_92 = arith.constant 0 : i32
      %dma_wait3A_93 = tpu.memref_slice %arg2[%add3A_91, %dma_wait3A_92] : memref<65536x512xf32, #tpu.memory_space<hbm>> -> memref<64x512xf32, #tpu.memory_space<hbm>>
      %dma_wait3A_94 = arith.constant 0 : i32
      %dma_wait3A_95 = tpu.memref_slice %arg2[%add3A_91, %dma_wait3A_94] : memref<65536x512xf32, #tpu.memory_space<hbm>> -> memref<64x512xf32, #tpu.memory_space<hbm>>
      tpu.wait_dma2 semaphore(%arg13 : memref<!tpu.dma_semaphore, #tpu.memory_space<semaphore_mem>>) src(%dma_wait3A_95 : memref<64x512xf32, #tpu.memory_space<hbm>>) dst(%arg11 : memref<64x512xf32, #tpu.memory_space<vmem>>)
      %dma_start3A_96 = arith.constant 0 : i32
      %dma_start3A_97 = tpu.memref_slice %arg9[%add3A_88, %dma_start3A_96] : memref<24x64xi32, #tpu.memory_space<vmem>> -> memref<1x64xi32, #tpu.memory_space<vmem>>
      %dma_start3A_98 = tpu.memref_squeeze %dma_start3A_97 : memref<1x64xi32, #tpu.memory_space<vmem>> -> memref<64xi32, #tpu.memory_space<vmem>>
      %dma_start3A_99 = arith.constant 0 : i32
      %dma_start3A_100 = arith.constant 0 : i32
      %dma_start3A_101 = tpu.memref_slice %arg5[%dma_start3A_99, %dma_start3A_100] : memref<57344x512xf32, #tpu.memory_space<hbm>> -> memref<57344x512xf32, #tpu.memory_space<hbm>>
      tpu.enqueue_indirect_dma source(%arg11 : memref<64x512xf32, #tpu.memory_space<vmem>>) target(%dma_start3A_101 : memref<57344x512xf32, #tpu.memory_space<hbm>>) offsets(%dma_start3A_98 : memref<64xi32, #tpu.memory_space<vmem>>) semaphore(%arg15 : memref<!tpu.dma_semaphore, #tpu.memory_space<semaphore_mem>>)
      %dma_wait3A_102 = arith.constant 0 : i32
      %dma_wait3A_103 = tpu.memref_slice %arg9[%add3A_88, %dma_wait3A_102] : memref<24x64xi32, #tpu.memory_space<vmem>> -> memref<1x64xi32, #tpu.memory_space<vmem>>
      %dma_wait3A_104 = tpu.memref_squeeze %dma_wait3A_103 : memref<1x64xi32, #tpu.memory_space<vmem>> -> memref<64xi32, #tpu.memory_space<vmem>>
      %dma_wait3A_105 = arith.constant 0 : i32
      %dma_wait3A_106 = arith.constant 0 : i32
      %dma_wait3A_107 = tpu.memref_slice %arg5[%dma_wait3A_105, %dma_wait3A_106] : memref<57344x512xf32, #tpu.memory_space<hbm>> -> memref<57344x512xf32, #tpu.memory_space<hbm>>
      tpu.wait_indirect_dma semaphore(%arg15 : memref<!tpu.dma_semaphore, #tpu.memory_space<semaphore_mem>>) src(%arg11 : memref<64x512xf32, #tpu.memory_space<vmem>>) dst(%dma_wait3A_107 : memref<57344x512xf32, #tpu.memory_space<hbm>>)
      %add3A_108 = arith.constant 2 : i32
      %add3A_109 = arith.addi %add3A_88, %add3A_108 : i32
      %lt3A_110 = arith.constant 24 : i32
      %lt3A_111 = arith.cmpi slt, %add3A_109, %lt3A_110 : i32
      %convert_element_type3A_112 = arith.extui %lt3A_111 : i1 to i32
      %cond3A_113 = arith.constant 0 : i32
      %cond3A_114 = arith.cmpi ne, %convert_element_type3A_112, %cond3A_113 : i32
      scf.if %cond3A_114 {
        %add3A_116 = arith.constant 2 : i32
        %add3A_117 = arith.addi %add3A_88, %add3A_116 : i32
        %mul3A_118 = arith.constant 64 : i32
        %mul3A_119 = arith.muli %add3A_117, %mul3A_118 : i32
        %add3A_120 = arith.addi %add3A_4, %mul3A_119 : i32
        %dma_start3A_121 = arith.constant 0 : i32
        %dma_start3A_122 = tpu.memref_slice %arg2[%add3A_120, %dma_start3A_121] : memref<65536x512xf32, #tpu.memory_space<hbm>> -> memref<64x512xf32, #tpu.memory_space<hbm>>
        %dma_start3A_123 = arith.constant 0 : i32
        %dma_start3A_124 = tpu.memref_slice %arg2[%add3A_120, %dma_start3A_123] : memref<65536x512xf32, #tpu.memory_space<hbm>> -> memref<64x512xf32, #tpu.memory_space<hbm>>
        tpu.enqueue_dma source(%dma_start3A_124 : memref<64x512xf32, #tpu.memory_space<hbm>>) target(%arg11 : memref<64x512xf32, #tpu.memory_space<vmem>>) target_semaphore(%arg13 : memref<!tpu.dma_semaphore, #tpu.memory_space<semaphore_mem>>)
      } else {
      }
      %scan3A_115 = arith.constant 0 : i32
      scf.yield %scan3A_115 : i32
    }
    %scan3A_58 = arith.constant 12 : i32
    return
  }
}

#map = affine_map<(d0, d1) -> (0, 0)>
#map1 = affine_map<(d0, d1) -> (0, 0, 0)>
module attributes {stable_mosaic.version = 14 : i64} {
  func.func @dispatch(%arg0: i32, %arg1: i32, %arg2: memref<65536x512xf32, #tpu.memory_space<hbm>>, %arg3: memref<32x512xi32, #tpu.memory_space<hbm>>, %arg4: memref<32x8x16xi32, #tpu.memory_space<hbm>>, %arg5: memref<20480x512xf32, #tpu.memory_space<hbm>>, %arg6: memref<32x8x64xi32, #tpu.memory_space<hbm>>, %arg7: memref<512xi32, #tpu.memory_space<vmem>>, %arg8: memref<8x16xi32, #tpu.memory_space<vmem>>, %arg9: memref<8x64xi32, #tpu.memory_space<vmem>>, %arg10: memref<64x512xf32, #tpu.memory_space<vmem>>, %arg11: memref<64x512xf32, #tpu.memory_space<vmem>>, %arg12: memref<!tpu.dma_semaphore, #tpu.memory_space<semaphore_mem>>, %arg13: memref<!tpu.dma_semaphore, #tpu.memory_space<semaphore_mem>>, %arg14: memref<!tpu.dma_semaphore, #tpu.memory_space<semaphore_mem>>, %arg15: memref<!tpu.dma_semaphore, #tpu.memory_space<semaphore_mem>>) attributes {dimension_semantics = [#tpu.dimension_semantics<core_parallel>, #tpu.dimension_semantics<subcore_parallel>], iteration_bounds = array<i64: 2, 16>, scalar_prefetch = 0 : i64, scratch_operands = 9 : i64, tpu.core_type = #tpu.core_type<sc_vector_subcore>, window_params = [{transform_indices = #map}, {transform_indices = #map}, {transform_indices = #map1}, {transform_indices = #map}, {transform_indices = #map1}]} {
    %mul3A = arith.constant 2 : i32
    %mul3A_0 = arith.muli %arg1, %mul3A : i32
    %add3A = arith.addi %mul3A_0, %arg0 : i32
    %mul3A_1 = arith.constant 512 : i32
    %mul3A_2 = arith.muli %add3A, %mul3A_1 : i32
    %add3A_3 = arith.constant 0 : i32
    %add3A_4 = arith.addi %add3A_3, %mul3A_2 : i32
    %add3A_5 = arith.constant 0 : i32
    %add3A_6 = arith.addi %add3A_4, %add3A_5 : i32
    %dma_start3A = arith.constant 0 : i32
    %dma_start3A_7 = tpu.memref_slice %arg2[%add3A_6, %dma_start3A] : memref<65536x512xf32, #tpu.memory_space<hbm>> -> memref<64x512xf32, #tpu.memory_space<hbm>>
    %dma_start3A_8 = arith.constant 0 : i32
    %dma_start3A_9 = tpu.memref_slice %arg2[%add3A_6, %dma_start3A_8] : memref<65536x512xf32, #tpu.memory_space<hbm>> -> memref<64x512xf32, #tpu.memory_space<hbm>>
    tpu.enqueue_dma source(%dma_start3A_9 : memref<64x512xf32, #tpu.memory_space<hbm>>) target(%arg10 : memref<64x512xf32, #tpu.memory_space<vmem>>) target_semaphore(%arg12 : memref<!tpu.dma_semaphore, #tpu.memory_space<semaphore_mem>>)
    %add3A_10 = arith.constant 64 : i32
    %add3A_11 = arith.addi %add3A_4, %add3A_10 : i32
    %dma_start3A_12 = arith.constant 0 : i32
    %dma_start3A_13 = tpu.memref_slice %arg2[%add3A_11, %dma_start3A_12] : memref<65536x512xf32, #tpu.memory_space<hbm>> -> memref<64x512xf32, #tpu.memory_space<hbm>>
    %dma_start3A_14 = arith.constant 0 : i32
    %dma_start3A_15 = tpu.memref_slice %arg2[%add3A_11, %dma_start3A_14] : memref<65536x512xf32, #tpu.memory_space<hbm>> -> memref<64x512xf32, #tpu.memory_space<hbm>>
    tpu.enqueue_dma source(%dma_start3A_15 : memref<64x512xf32, #tpu.memory_space<hbm>>) target(%arg11 : memref<64x512xf32, #tpu.memory_space<vmem>>) target_semaphore(%arg13 : memref<!tpu.dma_semaphore, #tpu.memory_space<semaphore_mem>>)
    "tpu.region"() ({
      %run_scoped3A = tpu.sem_alloc : memref<!tpu.dma_semaphore, #tpu.memory_space<semaphore_mem>>
      %dma_start3A_59 = arith.constant 0 : i32
      %dma_start3A_60 = tpu.memref_slice %arg3[%add3A, %dma_start3A_59] : memref<32x512xi32, #tpu.memory_space<hbm>> -> memref<1x512xi32, #tpu.memory_space<hbm>>
      %dma_start3A_61 = tpu.memref_squeeze %dma_start3A_60 : memref<1x512xi32, #tpu.memory_space<hbm>> -> memref<512xi32, #tpu.memory_space<hbm>>
      %dma_start3A_62 = arith.constant 0 : i32
      %dma_start3A_63 = tpu.memref_slice %arg3[%add3A, %dma_start3A_62] : memref<32x512xi32, #tpu.memory_space<hbm>> -> memref<1x512xi32, #tpu.memory_space<hbm>>
      %dma_start3A_64 = tpu.memref_squeeze %dma_start3A_63 : memref<1x512xi32, #tpu.memory_space<hbm>> -> memref<512xi32, #tpu.memory_space<hbm>>
      tpu.enqueue_dma source(%dma_start3A_64 : memref<512xi32, #tpu.memory_space<hbm>>) target(%arg7 : memref<512xi32, #tpu.memory_space<vmem>>) target_semaphore(%run_scoped3A : memref<!tpu.dma_semaphore, #tpu.memory_space<semaphore_mem>>)
      %dma_wait3A = arith.constant 0 : i32
      %dma_wait3A_65 = tpu.memref_slice %arg3[%add3A, %dma_wait3A] : memref<32x512xi32, #tpu.memory_space<hbm>> -> memref<1x512xi32, #tpu.memory_space<hbm>>
      %dma_wait3A_66 = tpu.memref_squeeze %dma_wait3A_65 : memref<1x512xi32, #tpu.memory_space<hbm>> -> memref<512xi32, #tpu.memory_space<hbm>>
      %dma_wait3A_67 = arith.constant 0 : i32
      %dma_wait3A_68 = tpu.memref_slice %arg3[%add3A, %dma_wait3A_67] : memref<32x512xi32, #tpu.memory_space<hbm>> -> memref<1x512xi32, #tpu.memory_space<hbm>>
      %dma_wait3A_69 = tpu.memref_squeeze %dma_wait3A_68 : memref<1x512xi32, #tpu.memory_space<hbm>> -> memref<512xi32, #tpu.memory_space<hbm>>
      tpu.wait_dma2 semaphore(%run_scoped3A : memref<!tpu.dma_semaphore, #tpu.memory_space<semaphore_mem>>) src(%dma_wait3A_69 : memref<512xi32, #tpu.memory_space<hbm>>) dst(%arg7 : memref<512xi32, #tpu.memory_space<vmem>>)
      tpu.yield
    }) : () -> ()
    "tpu.region"() ({
      %run_scoped3A = tpu.sem_alloc : memref<!tpu.dma_semaphore, #tpu.memory_space<semaphore_mem>>
      %dma_start3A_59 = arith.constant 0 : i32
      %dma_start3A_60 = arith.constant 0 : i32
      %dma_start3A_61 = tpu.memref_slice %arg4[%add3A, %dma_start3A_59, %dma_start3A_60] : memref<32x8x16xi32, #tpu.memory_space<hbm>> -> memref<1x8x16xi32, #tpu.memory_space<hbm>>
      %dma_start3A_62 = tpu.memref_squeeze %dma_start3A_61 : memref<1x8x16xi32, #tpu.memory_space<hbm>> -> memref<8x16xi32, #tpu.memory_space<hbm>>
      %dma_start3A_63 = arith.constant 0 : i32
      %dma_start3A_64 = arith.constant 0 : i32
      %dma_start3A_65 = tpu.memref_slice %arg4[%add3A, %dma_start3A_63, %dma_start3A_64] : memref<32x8x16xi32, #tpu.memory_space<hbm>> -> memref<1x8x16xi32, #tpu.memory_space<hbm>>
      %dma_start3A_66 = tpu.memref_squeeze %dma_start3A_65 : memref<1x8x16xi32, #tpu.memory_space<hbm>> -> memref<8x16xi32, #tpu.memory_space<hbm>>
      tpu.enqueue_dma source(%dma_start3A_66 : memref<8x16xi32, #tpu.memory_space<hbm>>) target(%arg8 : memref<8x16xi32, #tpu.memory_space<vmem>>) target_semaphore(%run_scoped3A : memref<!tpu.dma_semaphore, #tpu.memory_space<semaphore_mem>>)
      %dma_wait3A = arith.constant 0 : i32
      %dma_wait3A_67 = arith.constant 0 : i32
      %dma_wait3A_68 = tpu.memref_slice %arg4[%add3A, %dma_wait3A, %dma_wait3A_67] : memref<32x8x16xi32, #tpu.memory_space<hbm>> -> memref<1x8x16xi32, #tpu.memory_space<hbm>>
      %dma_wait3A_69 = tpu.memref_squeeze %dma_wait3A_68 : memref<1x8x16xi32, #tpu.memory_space<hbm>> -> memref<8x16xi32, #tpu.memory_space<hbm>>
      %dma_wait3A_70 = arith.constant 0 : i32
      %dma_wait3A_71 = arith.constant 0 : i32
      %dma_wait3A_72 = tpu.memref_slice %arg4[%add3A, %dma_wait3A_70, %dma_wait3A_71] : memref<32x8x16xi32, #tpu.memory_space<hbm>> -> memref<1x8x16xi32, #tpu.memory_space<hbm>>
      %dma_wait3A_73 = tpu.memref_squeeze %dma_wait3A_72 : memref<1x8x16xi32, #tpu.memory_space<hbm>> -> memref<8x16xi32, #tpu.memory_space<hbm>>
      tpu.wait_dma2 semaphore(%run_scoped3A : memref<!tpu.dma_semaphore, #tpu.memory_space<semaphore_mem>>) src(%dma_wait3A_73 : memref<8x16xi32, #tpu.memory_space<hbm>>) dst(%arg8 : memref<8x16xi32, #tpu.memory_space<vmem>>)
      tpu.yield
    }) : () -> ()
    %get3A = arith.constant 0 : i32
    %get3A_16 = arith.index_cast %get3A : i32 to index
    %get3A_17 = arith.constant 0 : index
    %get3A_18 = tpu.vector_load %arg8[%get3A_16, %get3A_17] {strides = array<i32>} : memref<8x16xi32, #tpu.memory_space<vmem>>, vector<16xi32>,
    %get3A_19 = arith.constant 1 : i32
    %get3A_20 = arith.index_cast %get3A_19 : i32 to index
    %get3A_21 = arith.constant 0 : index
    %get3A_22 = tpu.vector_load %arg8[%get3A_20, %get3A_21] {strides = array<i32>} : memref<8x16xi32, #tpu.memory_space<vmem>>, vector<16xi32>,
    %get3A_23 = arith.constant 2 : i32
    %get3A_24 = arith.index_cast %get3A_23 : i32 to index
    %get3A_25 = arith.constant 0 : index
    %get3A_26 = tpu.vector_load %arg8[%get3A_24, %get3A_25] {strides = array<i32>} : memref<8x16xi32, #tpu.memory_space<vmem>>, vector<16xi32>,
    %get3A_27 = arith.constant 3 : i32
    %get3A_28 = arith.index_cast %get3A_27 : i32 to index
    %get3A_29 = arith.constant 0 : index
    %get3A_30 = tpu.vector_load %arg8[%get3A_28, %get3A_29] {strides = array<i32>} : memref<8x16xi32, #tpu.memory_space<vmem>>, vector<16xi32>,
    %get3A_31 = arith.constant 4 : i32
    %get3A_32 = arith.index_cast %get3A_31 : i32 to index
    %get3A_33 = arith.constant 0 : index
    %get3A_34 = tpu.vector_load %arg8[%get3A_32, %get3A_33] {strides = array<i32>} : memref<8x16xi32, #tpu.memory_space<vmem>>, vector<16xi32>,
    %get3A_35 = arith.constant 5 : i32
    %get3A_36 = arith.index_cast %get3A_35 : i32 to index
    %get3A_37 = arith.constant 0 : index
    %get3A_38 = tpu.vector_load %arg8[%get3A_36, %get3A_37] {strides = array<i32>} : memref<8x16xi32, #tpu.memory_space<vmem>>, vector<16xi32>,
    %get3A_39 = arith.constant 6 : i32
    %get3A_40 = arith.index_cast %get3A_39 : i32 to index
    %get3A_41 = arith.constant 0 : index
    %get3A_42 = tpu.vector_load %arg8[%get3A_40, %get3A_41] {strides = array<i32>} : memref<8x16xi32, #tpu.memory_space<vmem>>, vector<16xi32>,
    %get3A_43 = arith.constant 7 : i32
    %get3A_44 = arith.index_cast %get3A_43 : i32 to index
    %get3A_45 = arith.constant 0 : index
    %get3A_46 = tpu.vector_load %arg8[%get3A_44, %get3A_45] {strides = array<i32>} : memref<8x16xi32, #tpu.memory_space<vmem>>, vector<16xi32>,
    %scan3A = arith.constant 0 : i32
    %scan3A_47 = arith.constant 8 : i32
    %scan3A_48 = arith.addi %scan3A, %scan3A_47 : i32
    %scan3A_49 = arith.constant 1 : i32
    %scan3A_50:8 = scf.for %scan3A_59 = %scan3A to %scan3A_48 step %scan3A_49 iter_args(%scan3A_60 = %get3A_18, %scan3A_61 = %get3A_22, %scan3A_62 = %get3A_26, %scan3A_63 = %get3A_30, %scan3A_64 = %get3A_34, %scan3A_65 = %get3A_38, %scan3A_66 = %get3A_42, %scan3A_67 = %get3A_46) -> (vector<16xi32>, vector<16xi32>, vector<16xi32>, vector<16xi32>, vector<16xi32>, vector<16xi32>, vector<16xi32>, vector<16xi32>)  : i32 {
      %mul3A_68 = arith.constant 4 : i32
      %mul3A_69 = arith.muli %scan3A_59, %mul3A_68 : i32
      %add3A_70 = arith.constant 0 : i32
      %add3A_71 = arith.addi %mul3A_69, %add3A_70 : i32
      %mul3A_72 = arith.constant 16 : i32
      %mul3A_73 = arith.muli %add3A_71, %mul3A_72 : i32
      %get3A_74 = arith.index_cast %mul3A_73 : i32 to index
      %get3A_75 = tpu.vector_load %arg7[%get3A_74] {strides = array<i32>} : memref<512xi32, #tpu.memory_space<vmem>>, vector<16xi32>,
      %broadcast_in_dim3A = arith.constant 0 : i32
      %broadcast_in_dim3A_76 = vector.broadcast %broadcast_in_dim3A : i32 to vector<16xi32>
      %eq3A = arith.constant 0 : i32
      %eq3A_77 = vector.broadcast %eq3A : i32 to vector<16xi32>
      %eq3A_78 = arith.cmpi eq, %get3A_75, %eq3A_77 : vector<16xi32>
      %jit3A = arith.constant 1 : i32
      %jit3A_79 = arith.constant 0 : i32
      %broadcast_in_dim3A_80 = vector.broadcast %jit3A : i32 to vector<16xi32>
      %broadcast_in_dim3A_81 = vector.broadcast %jit3A_79 : i32 to vector<16xi32>
      %select_n3A = arith.select %eq3A_78, %broadcast_in_dim3A_80, %broadcast_in_dim3A_81 : vector<16xi1>, vector<16xi32>
      %broadcast_in_dim3A_82 = arith.constant true
      %broadcast_in_dim3A_83 = vector.broadcast %broadcast_in_dim3A_82 : i1 to vector<16xi1>
      %masked_cumsum3A = tpu.scan <sum>, %select_n3A masked %broadcast_in_dim3A_83 : vector<16xi32>, vector<16xi1> -> vector<16xi32>
      %add3A_84 = arith.addi %scan3A_60, %masked_cumsum3A : vector<16xi32>
      %sub3A = arith.constant 1 : i32
      %sub3A_85 = vector.broadcast %sub3A : i32 to vector<16xi32>
      %sub3A_86 = arith.subi %add3A_84, %sub3A_85 : vector<16xi32>
      %select_n3A_87 = arith.select %eq3A_78, %sub3A_86, %broadcast_in_dim3A_76 : vector<16xi1>, vector<16xi32>
      %all_reduce_population_count3A = tpu.all_reduce %eq3A_78 {dim = 0 : i64, kind = #tpu.reduction_kind<sum>} : vector<16xi1> -> vector<16xi32>
      %add3A_88 = arith.addi %scan3A_60, %all_reduce_population_count3A : vector<16xi32>
      %eq3A_89 = arith.constant 1 : i32
      %eq3A_90 = vector.broadcast %eq3A_89 : i32 to vector<16xi32>
      %eq3A_91 = arith.cmpi eq, %get3A_75, %eq3A_90 : vector<16xi32>
      %jit3A_92 = arith.constant 1 : i32
      %jit3A_93 = arith.constant 0 : i32
      %broadcast_in_dim3A_94 = vector.broadcast %jit3A_92 : i32 to vector<16xi32>
      %broadcast_in_dim3A_95 = vector.broadcast %jit3A_93 : i32 to vector<16xi32>
      %select_n3A_96 = arith.select %eq3A_91, %broadcast_in_dim3A_94, %broadcast_in_dim3A_95 : vector<16xi1>, vector<16xi32>
      %broadcast_in_dim3A_97 = arith.constant true
      %broadcast_in_dim3A_98 = vector.broadcast %broadcast_in_dim3A_97 : i1 to vector<16xi1>
      %masked_cumsum3A_99 = tpu.scan <sum>, %select_n3A_96 masked %broadcast_in_dim3A_98 : vector<16xi32>, vector<16xi1> -> vector<16xi32>
      %add3A_100 = arith.addi %scan3A_61, %masked_cumsum3A_99 : vector<16xi32>
      %sub3A_101 = arith.constant 1 : i32
      %sub3A_102 = vector.broadcast %sub3A_101 : i32 to vector<16xi32>
      %sub3A_103 = arith.subi %add3A_100, %sub3A_102 : vector<16xi32>
      %select_n3A_104 = arith.select %eq3A_91, %sub3A_103, %select_n3A_87 : vector<16xi1>, vector<16xi32>
      %all_reduce_population_count3A_105 = tpu.all_reduce %eq3A_91 {dim = 0 : i64, kind = #tpu.reduction_kind<sum>} : vector<16xi1> -> vector<16xi32>
      %add3A_106 = arith.addi %scan3A_61, %all_reduce_population_count3A_105 : vector<16xi32>
      %eq3A_107 = arith.constant 2 : i32
      %eq3A_108 = vector.broadcast %eq3A_107 : i32 to vector<16xi32>
      %eq3A_109 = arith.cmpi eq, %get3A_75, %eq3A_108 : vector<16xi32>
      %jit3A_110 = arith.constant 1 : i32
      %jit3A_111 = arith.constant 0 : i32
      %broadcast_in_dim3A_112 = vector.broadcast %jit3A_110 : i32 to vector<16xi32>
      %broadcast_in_dim3A_113 = vector.broadcast %jit3A_111 : i32 to vector<16xi32>
      %select_n3A_114 = arith.select %eq3A_109, %broadcast_in_dim3A_112, %broadcast_in_dim3A_113 : vector<16xi1>, vector<16xi32>
      %broadcast_in_dim3A_115 = arith.constant true
      %broadcast_in_dim3A_116 = vector.broadcast %broadcast_in_dim3A_115 : i1 to vector<16xi1>
      %masked_cumsum3A_117 = tpu.scan <sum>, %select_n3A_114 masked %broadcast_in_dim3A_116 : vector<16xi32>, vector<16xi1> -> vector<16xi32>
      %add3A_118 = arith.addi %scan3A_62, %masked_cumsum3A_117 : vector<16xi32>
      %sub3A_119 = arith.constant 1 : i32
      %sub3A_120 = vector.broadcast %sub3A_119 : i32 to vector<16xi32>
      %sub3A_121 = arith.subi %add3A_118, %sub3A_120 : vector<16xi32>
      %select_n3A_122 = arith.select %eq3A_109, %sub3A_121, %select_n3A_104 : vector<16xi1>, vector<16xi32>
      %all_reduce_population_count3A_123 = tpu.all_reduce %eq3A_109 {dim = 0 : i64, kind = #tpu.reduction_kind<sum>} : vector<16xi1> -> vector<16xi32>
      %add3A_124 = arith.addi %scan3A_62, %all_reduce_population_count3A_123 : vector<16xi32>
      %eq3A_125 = arith.constant 3 : i32
      %eq3A_126 = vector.broadcast %eq3A_125 : i32 to vector<16xi32>
      %eq3A_127 = arith.cmpi eq, %get3A_75, %eq3A_126 : vector<16xi32>
      %jit3A_128 = arith.constant 1 : i32
      %jit3A_129 = arith.constant 0 : i32
      %broadcast_in_dim3A_130 = vector.broadcast %jit3A_128 : i32 to vector<16xi32>
      %broadcast_in_dim3A_131 = vector.broadcast %jit3A_129 : i32 to vector<16xi32>
      %select_n3A_132 = arith.select %eq3A_127, %broadcast_in_dim3A_130, %broadcast_in_dim3A_131 : vector<16xi1>, vector<16xi32>
      %broadcast_in_dim3A_133 = arith.constant true
      %broadcast_in_dim3A_134 = vector.broadcast %broadcast_in_dim3A_133 : i1 to vector<16xi1>
      %masked_cumsum3A_135 = tpu.scan <sum>, %select_n3A_132 masked %broadcast_in_dim3A_134 : vector<16xi32>, vector<16xi1> -> vector<16xi32>
      %add3A_136 = arith.addi %scan3A_63, %masked_cumsum3A_135 : vector<16xi32>
      %sub3A_137 = arith.constant 1 : i32
      %sub3A_138 = vector.broadcast %sub3A_137 : i32 to vector<16xi32>
      %sub3A_139 = arith.subi %add3A_136, %sub3A_138 : vector<16xi32>
      %select_n3A_140 = arith.select %eq3A_127, %sub3A_139, %select_n3A_122 : vector<16xi1>, vector<16xi32>
      %all_reduce_population_count3A_141 = tpu.all_reduce %eq3A_127 {dim = 0 : i64, kind = #tpu.reduction_kind<sum>} : vector<16xi1> -> vector<16xi32>
      %add3A_142 = arith.addi %scan3A_63, %all_reduce_population_count3A_141 : vector<16xi32>
      %eq3A_143 = arith.constant 4 : i32
      %eq3A_144 = vector.broadcast %eq3A_143 : i32 to vector<16xi32>
      %eq3A_145 = arith.cmpi eq, %get3A_75, %eq3A_144 : vector<16xi32>
      %jit3A_146 = arith.constant 1 : i32
      %jit3A_147 = arith.constant 0 : i32
      %broadcast_in_dim3A_148 = vector.broadcast %jit3A_146 : i32 to vector<16xi32>
      %broadcast_in_dim3A_149 = vector.broadcast %jit3A_147 : i32 to vector<16xi32>
      %select_n3A_150 = arith.select %eq3A_145, %broadcast_in_dim3A_148, %broadcast_in_dim3A_149 : vector<16xi1>, vector<16xi32>
      %broadcast_in_dim3A_151 = arith.constant true
      %broadcast_in_dim3A_152 = vector.broadcast %broadcast_in_dim3A_151 : i1 to vector<16xi1>
      %masked_cumsum3A_153 = tpu.scan <sum>, %select_n3A_150 masked %broadcast_in_dim3A_152 : vector<16xi32>, vector<16xi1> -> vector<16xi32>
      %add3A_154 = arith.addi %scan3A_64, %masked_cumsum3A_153 : vector<16xi32>
      %sub3A_155 = arith.constant 1 : i32
      %sub3A_156 = vector.broadcast %sub3A_155 : i32 to vector<16xi32>
      %sub3A_157 = arith.subi %add3A_154, %sub3A_156 : vector<16xi32>
      %select_n3A_158 = arith.select %eq3A_145, %sub3A_157, %select_n3A_140 : vector<16xi1>, vector<16xi32>
      %all_reduce_population_count3A_159 = tpu.all_reduce %eq3A_145 {dim = 0 : i64, kind = #tpu.reduction_kind<sum>} : vector<16xi1> -> vector<16xi32>
      %add3A_160 = arith.addi %scan3A_64, %all_reduce_population_count3A_159 : vector<16xi32>
      %eq3A_161 = arith.constant 5 : i32
      %eq3A_162 = vector.broadcast %eq3A_161 : i32 to vector<16xi32>
      %eq3A_163 = arith.cmpi eq, %get3A_75, %eq3A_162 : vector<16xi32>
      %jit3A_164 = arith.constant 1 : i32
      %jit3A_165 = arith.constant 0 : i32
      %broadcast_in_dim3A_166 = vector.broadcast %jit3A_164 : i32 to vector<16xi32>
      %broadcast_in_dim3A_167 = vector.broadcast %jit3A_165 : i32 to vector<16xi32>
      %select_n3A_168 = arith.select %eq3A_163, %broadcast_in_dim3A_166, %broadcast_in_dim3A_167 : vector<16xi1>, vector<16xi32>
      %broadcast_in_dim3A_169 = arith.constant true
      %broadcast_in_dim3A_170 = vector.broadcast %broadcast_in_dim3A_169 : i1 to vector<16xi1>
      %masked_cumsum3A_171 = tpu.scan <sum>, %select_n3A_168 masked %broadcast_in_dim3A_170 : vector<16xi32>, vector<16xi1> -> vector<16xi32>
      %add3A_172 = arith.addi %scan3A_65, %masked_cumsum3A_171 : vector<16xi32>
      %sub3A_173 = arith.constant 1 : i32
      %sub3A_174 = vector.broadcast %sub3A_173 : i32 to vector<16xi32>
      %sub3A_175 = arith.subi %add3A_172, %sub3A_174 : vector<16xi32>
      %select_n3A_176 = arith.select %eq3A_163, %sub3A_175, %select_n3A_158 : vector<16xi1>, vector<16xi32>
      %all_reduce_population_count3A_177 = tpu.all_reduce %eq3A_163 {dim = 0 : i64, kind = #tpu.reduction_kind<sum>} : vector<16xi1> -> vector<16xi32>
      %add3A_178 = arith.addi %scan3A_65, %all_reduce_population_count3A_177 : vector<16xi32>
      %eq3A_179 = arith.constant 6 : i32
      %eq3A_180 = vector.broadcast %eq3A_179 : i32 to vector<16xi32>
      %eq3A_181 = arith.cmpi eq, %get3A_75, %eq3A_180 : vector<16xi32>
      %jit3A_182 = arith.constant 1 : i32
      %jit3A_183 = arith.constant 0 : i32
      %broadcast_in_dim3A_184 = vector.broadcast %jit3A_182 : i32 to vector<16xi32>
      %broadcast_in_dim3A_185 = vector.broadcast %jit3A_183 : i32 to vector<16xi32>
      %select_n3A_186 = arith.select %eq3A_181, %broadcast_in_dim3A_184, %broadcast_in_dim3A_185 : vector<16xi1>, vector<16xi32>
      %broadcast_in_dim3A_187 = arith.constant true
      %broadcast_in_dim3A_188 = vector.broadcast %broadcast_in_dim3A_187 : i1 to vector<16xi1>
      %masked_cumsum3A_189 = tpu.scan <sum>, %select_n3A_186 masked %broadcast_in_dim3A_188 : vector<16xi32>, vector<16xi1> -> vector<16xi32>
      %add3A_190 = arith.addi %scan3A_66, %masked_cumsum3A_189 : vector<16xi32>
      %sub3A_191 = arith.constant 1 : i32
      %sub3A_192 = vector.broadcast %sub3A_191 : i32 to vector<16xi32>
      %sub3A_193 = arith.subi %add3A_190, %sub3A_192 : vector<16xi32>
      %select_n3A_194 = arith.select %eq3A_181, %sub3A_193, %select_n3A_176 : vector<16xi1>, vector<16xi32>
      %all_reduce_population_count3A_195 = tpu.all_reduce %eq3A_181 {dim = 0 : i64, kind = #tpu.reduction_kind<sum>} : vector<16xi1> -> vector<16xi32>
      %add3A_196 = arith.addi %scan3A_66, %all_reduce_population_count3A_195 : vector<16xi32>
      %eq3A_197 = arith.constant 7 : i32
      %eq3A_198 = vector.broadcast %eq3A_197 : i32 to vector<16xi32>
      %eq3A_199 = arith.cmpi eq, %get3A_75, %eq3A_198 : vector<16xi32>
      %jit3A_200 = arith.constant 1 : i32
      %jit3A_201 = arith.constant 0 : i32
      %broadcast_in_dim3A_202 = vector.broadcast %jit3A_200 : i32 to vector<16xi32>
      %broadcast_in_dim3A_203 = vector.broadcast %jit3A_201 : i32 to vector<16xi32>
      %select_n3A_204 = arith.select %eq3A_199, %broadcast_in_dim3A_202, %broadcast_in_dim3A_203 : vector<16xi1>, vector<16xi32>
      %broadcast_in_dim3A_205 = arith.constant true
      %broadcast_in_dim3A_206 = vector.broadcast %broadcast_in_dim3A_205 : i1 to vector<16xi1>
      %masked_cumsum3A_207 = tpu.scan <sum>, %select_n3A_204 masked %broadcast_in_dim3A_206 : vector<16xi32>, vector<16xi1> -> vector<16xi32>
      %add3A_208 = arith.addi %scan3A_67, %masked_cumsum3A_207 : vector<16xi32>
      %sub3A_209 = arith.constant 1 : i32
      %sub3A_210 = vector.broadcast %sub3A_209 : i32 to vector<16xi32>
      %sub3A_211 = arith.subi %add3A_208, %sub3A_210 : vector<16xi32>
      %select_n3A_212 = arith.select %eq3A_199, %sub3A_211, %select_n3A_194 : vector<16xi1>, vector<16xi32>
      %all_reduce_population_count3A_213 = tpu.all_reduce %eq3A_199 {dim = 0 : i64, kind = #tpu.reduction_kind<sum>} : vector<16xi1> -> vector<16xi32>
      %add3A_214 = arith.addi %scan3A_67, %all_reduce_population_count3A_213 : vector<16xi32>
      %swap3A = arith.index_cast %scan3A_59 : i32 to index
      %swap3A_215 = arith.constant 0 : index
      %swap3A_216 = tpu.vector_load %arg9[%swap3A, %swap3A_215] {strides = array<i32>} : memref<8x64xi32, #tpu.memory_space<vmem>>, vector<16xi32>,
      tpu.vector_store %arg9[%swap3A, %swap3A_215], %select_n3A_212 {strides = array<i32>} : memref<8x64xi32, #tpu.memory_space<vmem>>, vector<16xi32>,
      %mul3A_217 = arith.constant 4 : i32
      %mul3A_218 = arith.muli %scan3A_59, %mul3A_217 : i32
      %add3A_219 = arith.constant 1 : i32
      %add3A_220 = arith.addi %mul3A_218, %add3A_219 : i32
      %mul3A_221 = arith.constant 16 : i32
      %mul3A_222 = arith.muli %add3A_220, %mul3A_221 : i32
      %get3A_223 = arith.index_cast %mul3A_222 : i32 to index
      %get3A_224 = tpu.vector_load %arg7[%get3A_223] {strides = array<i32>} : memref<512xi32, #tpu.memory_space<vmem>>, vector<16xi32>,
      %broadcast_in_dim3A_225 = arith.constant 0 : i32
      %broadcast_in_dim3A_226 = vector.broadcast %broadcast_in_dim3A_225 : i32 to vector<16xi32>
      %eq3A_227 = arith.constant 0 : i32
      %eq3A_228 = vector.broadcast %eq3A_227 : i32 to vector<16xi32>
      %eq3A_229 = arith.cmpi eq, %get3A_224, %eq3A_228 : vector<16xi32>
      %jit3A_230 = arith.constant 1 : i32
      %jit3A_231 = arith.constant 0 : i32
      %broadcast_in_dim3A_232 = vector.broadcast %jit3A_230 : i32 to vector<16xi32>
      %broadcast_in_dim3A_233 = vector.broadcast %jit3A_231 : i32 to vector<16xi32>
      %select_n3A_234 = arith.select %eq3A_229, %broadcast_in_dim3A_232, %broadcast_in_dim3A_233 : vector<16xi1>, vector<16xi32>
      %broadcast_in_dim3A_235 = arith.constant true
      %broadcast_in_dim3A_236 = vector.broadcast %broadcast_in_dim3A_235 : i1 to vector<16xi1>
      %masked_cumsum3A_237 = tpu.scan <sum>, %select_n3A_234 masked %broadcast_in_dim3A_236 : vector<16xi32>, vector<16xi1> -> vector<16xi32>
      %add3A_238 = arith.addi %add3A_88, %masked_cumsum3A_237 : vector<16xi32>
      %sub3A_239 = arith.constant 1 : i32
      %sub3A_240 = vector.broadcast %sub3A_239 : i32 to vector<16xi32>
      %sub3A_241 = arith.subi %add3A_238, %sub3A_240 : vector<16xi32>
      %select_n3A_242 = arith.select %eq3A_229, %sub3A_241, %broadcast_in_dim3A_226 : vector<16xi1>, vector<16xi32>
      %all_reduce_population_count3A_243 = tpu.all_reduce %eq3A_229 {dim = 0 : i64, kind = #tpu.reduction_kind<sum>} : vector<16xi1> -> vector<16xi32>
      %add3A_244 = arith.addi %add3A_88, %all_reduce_population_count3A_243 : vector<16xi32>
      %eq3A_245 = arith.constant 1 : i32
      %eq3A_246 = vector.broadcast %eq3A_245 : i32 to vector<16xi32>
      %eq3A_247 = arith.cmpi eq, %get3A_224, %eq3A_246 : vector<16xi32>
      %jit3A_248 = arith.constant 1 : i32
      %jit3A_249 = arith.constant 0 : i32
      %broadcast_in_dim3A_250 = vector.broadcast %jit3A_248 : i32 to vector<16xi32>
      %broadcast_in_dim3A_251 = vector.broadcast %jit3A_249 : i32 to vector<16xi32>
      %select_n3A_252 = arith.select %eq3A_247, %broadcast_in_dim3A_250, %broadcast_in_dim3A_251 : vector<16xi1>, vector<16xi32>
      %broadcast_in_dim3A_253 = arith.constant true
      %broadcast_in_dim3A_254 = vector.broadcast %broadcast_in_dim3A_253 : i1 to vector<16xi1>
      %masked_cumsum3A_255 = tpu.scan <sum>, %select_n3A_252 masked %broadcast_in_dim3A_254 : vector<16xi32>, vector<16xi1> -> vector<16xi32>
      %add3A_256 = arith.addi %add3A_106, %masked_cumsum3A_255 : vector<16xi32>
      %sub3A_257 = arith.constant 1 : i32
      %sub3A_258 = vector.broadcast %sub3A_257 : i32 to vector<16xi32>
      %sub3A_259 = arith.subi %add3A_256, %sub3A_258 : vector<16xi32>
      %select_n3A_260 = arith.select %eq3A_247, %sub3A_259, %select_n3A_242 : vector<16xi1>, vector<16xi32>
      %all_reduce_population_count3A_261 = tpu.all_reduce %eq3A_247 {dim = 0 : i64, kind = #tpu.reduction_kind<sum>} : vector<16xi1> -> vector<16xi32>
      %add3A_262 = arith.addi %add3A_106, %all_reduce_population_count3A_261 : vector<16xi32>
      %eq3A_263 = arith.constant 2 : i32
      %eq3A_264 = vector.broadcast %eq3A_263 : i32 to vector<16xi32>
      %eq3A_265 = arith.cmpi eq, %get3A_224, %eq3A_264 : vector<16xi32>
      %jit3A_266 = arith.constant 1 : i32
      %jit3A_267 = arith.constant 0 : i32
      %broadcast_in_dim3A_268 = vector.broadcast %jit3A_266 : i32 to vector<16xi32>
      %broadcast_in_dim3A_269 = vector.broadcast %jit3A_267 : i32 to vector<16xi32>
      %select_n3A_270 = arith.select %eq3A_265, %broadcast_in_dim3A_268, %broadcast_in_dim3A_269 : vector<16xi1>, vector<16xi32>
      %broadcast_in_dim3A_271 = arith.constant true
      %broadcast_in_dim3A_272 = vector.broadcast %broadcast_in_dim3A_271 : i1 to vector<16xi1>
      %masked_cumsum3A_273 = tpu.scan <sum>, %select_n3A_270 masked %broadcast_in_dim3A_272 : vector<16xi32>, vector<16xi1> -> vector<16xi32>
      %add3A_274 = arith.addi %add3A_124, %masked_cumsum3A_273 : vector<16xi32>
      %sub3A_275 = arith.constant 1 : i32
      %sub3A_276 = vector.broadcast %sub3A_275 : i32 to vector<16xi32>
      %sub3A_277 = arith.subi %add3A_274, %sub3A_276 : vector<16xi32>
      %select_n3A_278 = arith.select %eq3A_265, %sub3A_277, %select_n3A_260 : vector<16xi1>, vector<16xi32>
      %all_reduce_population_count3A_279 = tpu.all_reduce %eq3A_265 {dim = 0 : i64, kind = #tpu.reduction_kind<sum>} : vector<16xi1> -> vector<16xi32>
      %add3A_280 = arith.addi %add3A_124, %all_reduce_population_count3A_279 : vector<16xi32>
      %eq3A_281 = arith.constant 3 : i32
      %eq3A_282 = vector.broadcast %eq3A_281 : i32 to vector<16xi32>
      %eq3A_283 = arith.cmpi eq, %get3A_224, %eq3A_282 : vector<16xi32>
      %jit3A_284 = arith.constant 1 : i32
      %jit3A_285 = arith.constant 0 : i32
      %broadcast_in_dim3A_286 = vector.broadcast %jit3A_284 : i32 to vector<16xi32>
      %broadcast_in_dim3A_287 = vector.broadcast %jit3A_285 : i32 to vector<16xi32>
      %select_n3A_288 = arith.select %eq3A_283, %broadcast_in_dim3A_286, %broadcast_in_dim3A_287 : vector<16xi1>, vector<16xi32>
      %broadcast_in_dim3A_289 = arith.constant true
      %broadcast_in_dim3A_290 = vector.broadcast %broadcast_in_dim3A_289 : i1 to vector<16xi1>
      %masked_cumsum3A_291 = tpu.scan <sum>, %select_n3A_288 masked %broadcast_in_dim3A_290 : vector<16xi32>, vector<16xi1> -> vector<16xi32>
      %add3A_292 = arith.addi %add3A_142, %masked_cumsum3A_291 : vector<16xi32>
      %sub3A_293 = arith.constant 1 : i32
      %sub3A_294 = vector.broadcast %sub3A_293 : i32 to vector<16xi32>
      %sub3A_295 = arith.subi %add3A_292, %sub3A_294 : vector<16xi32>
      %select_n3A_296 = arith.select %eq3A_283, %sub3A_295, %select_n3A_278 : vector<16xi1>, vector<16xi32>
      %all_reduce_population_count3A_297 = tpu.all_reduce %eq3A_283 {dim = 0 : i64, kind = #tpu.reduction_kind<sum>} : vector<16xi1> -> vector<16xi32>
      %add3A_298 = arith.addi %add3A_142, %all_reduce_population_count3A_297 : vector<16xi32>
      %eq3A_299 = arith.constant 4 : i32
      %eq3A_300 = vector.broadcast %eq3A_299 : i32 to vector<16xi32>
      %eq3A_301 = arith.cmpi eq, %get3A_224, %eq3A_300 : vector<16xi32>
      %jit3A_302 = arith.constant 1 : i32
      %jit3A_303 = arith.constant 0 : i32
      %broadcast_in_dim3A_304 = vector.broadcast %jit3A_302 : i32 to vector<16xi32>
      %broadcast_in_dim3A_305 = vector.broadcast %jit3A_303 : i32 to vector<16xi32>
      %select_n3A_306 = arith.select %eq3A_301, %broadcast_in_dim3A_304, %broadcast_in_dim3A_305 : vector<16xi1>, vector<16xi32>
      %broadcast_in_dim3A_307 = arith.constant true
      %broadcast_in_dim3A_308 = vector.broadcast %broadcast_in_dim3A_307 : i1 to vector<16xi1>
      %masked_cumsum3A_309 = tpu.scan <sum>, %select_n3A_306 masked %broadcast_in_dim3A_308 : vector<16xi32>, vector<16xi1> -> vector<16xi32>
      %add3A_310 = arith.addi %add3A_160, %masked_cumsum3A_309 : vector<16xi32>
      %sub3A_311 = arith.constant 1 : i32
      %sub3A_312 = vector.broadcast %sub3A_311 : i32 to vector<16xi32>
      %sub3A_313 = arith.subi %add3A_310, %sub3A_312 : vector<16xi32>
      %select_n3A_314 = arith.select %eq3A_301, %sub3A_313, %select_n3A_296 : vector<16xi1>, vector<16xi32>
      %all_reduce_population_count3A_315 = tpu.all_reduce %eq3A_301 {dim = 0 : i64, kind = #tpu.reduction_kind<sum>} : vector<16xi1> -> vector<16xi32>
      %add3A_316 = arith.addi %add3A_160, %all_reduce_population_count3A_315 : vector<16xi32>
      %eq3A_317 = arith.constant 5 : i32
      %eq3A_318 = vector.broadcast %eq3A_317 : i32 to vector<16xi32>
      %eq3A_319 = arith.cmpi eq, %get3A_224, %eq3A_318 : vector<16xi32>
      %jit3A_320 = arith.constant 1 : i32
      %jit3A_321 = arith.constant 0 : i32
      %broadcast_in_dim3A_322 = vector.broadcast %jit3A_320 : i32 to vector<16xi32>
      %broadcast_in_dim3A_323 = vector.broadcast %jit3A_321 : i32 to vector<16xi32>
      %select_n3A_324 = arith.select %eq3A_319, %broadcast_in_dim3A_322, %broadcast_in_dim3A_323 : vector<16xi1>, vector<16xi32>
      %broadcast_in_dim3A_325 = arith.constant true
      %broadcast_in_dim3A_326 = vector.broadcast %broadcast_in_dim3A_325 : i1 to vector<16xi1>
      %masked_cumsum3A_327 = tpu.scan <sum>, %select_n3A_324 masked %broadcast_in_dim3A_326 : vector<16xi32>, vector<16xi1> -> vector<16xi32>
      %add3A_328 = arith.addi %add3A_178, %masked_cumsum3A_327 : vector<16xi32>
      %sub3A_329 = arith.constant 1 : i32
      %sub3A_330 = vector.broadcast %sub3A_329 : i32 to vector<16xi32>
      %sub3A_331 = arith.subi %add3A_328, %sub3A_330 : vector<16xi32>
      %select_n3A_332 = arith.select %eq3A_319, %sub3A_331, %select_n3A_314 : vector<16xi1>, vector<16xi32>
      %all_reduce_population_count3A_333 = tpu.all_reduce %eq3A_319 {dim = 0 : i64, kind = #tpu.reduction_kind<sum>} : vector<16xi1> -> vector<16xi32>
      %add3A_334 = arith.addi %add3A_178, %all_reduce_population_count3A_333 : vector<16xi32>
      %eq3A_335 = arith.constant 6 : i32
      %eq3A_336 = vector.broadcast %eq3A_335 : i32 to vector<16xi32>
      %eq3A_337 = arith.cmpi eq, %get3A_224, %eq3A_336 : vector<16xi32>
      %jit3A_338 = arith.constant 1 : i32
      %jit3A_339 = arith.constant 0 : i32
      %broadcast_in_dim3A_340 = vector.broadcast %jit3A_338 : i32 to vector<16xi32>
      %broadcast_in_dim3A_341 = vector.broadcast %jit3A_339 : i32 to vector<16xi32>
      %select_n3A_342 = arith.select %eq3A_337, %broadcast_in_dim3A_340, %broadcast_in_dim3A_341 : vector<16xi1>, vector<16xi32>
      %broadcast_in_dim3A_343 = arith.constant true
      %broadcast_in_dim3A_344 = vector.broadcast %broadcast_in_dim3A_343 : i1 to vector<16xi1>
      %masked_cumsum3A_345 = tpu.scan <sum>, %select_n3A_342 masked %broadcast_in_dim3A_344 : vector<16xi32>, vector<16xi1> -> vector<16xi32>
      %add3A_346 = arith.addi %add3A_196, %masked_cumsum3A_345 : vector<16xi32>
      %sub3A_347 = arith.constant 1 : i32
      %sub3A_348 = vector.broadcast %sub3A_347 : i32 to vector<16xi32>
      %sub3A_349 = arith.subi %add3A_346, %sub3A_348 : vector<16xi32>
      %select_n3A_350 = arith.select %eq3A_337, %sub3A_349, %select_n3A_332 : vector<16xi1>, vector<16xi32>
      %all_reduce_population_count3A_351 = tpu.all_reduce %eq3A_337 {dim = 0 : i64, kind = #tpu.reduction_kind<sum>} : vector<16xi1> -> vector<16xi32>
      %add3A_352 = arith.addi %add3A_196, %all_reduce_population_count3A_351 : vector<16xi32>
      %eq3A_353 = arith.constant 7 : i32
      %eq3A_354 = vector.broadcast %eq3A_353 : i32 to vector<16xi32>
      %eq3A_355 = arith.cmpi eq, %get3A_224, %eq3A_354 : vector<16xi32>
      %jit3A_356 = arith.constant 1 : i32
      %jit3A_357 = arith.constant 0 : i32
      %broadcast_in_dim3A_358 = vector.broadcast %jit3A_356 : i32 to vector<16xi32>
      %broadcast_in_dim3A_359 = vector.broadcast %jit3A_357 : i32 to vector<16xi32>
      %select_n3A_360 = arith.select %eq3A_355, %broadcast_in_dim3A_358, %broadcast_in_dim3A_359 : vector<16xi1>, vector<16xi32>
      %broadcast_in_dim3A_361 = arith.constant true
      %broadcast_in_dim3A_362 = vector.broadcast %broadcast_in_dim3A_361 : i1 to vector<16xi1>
      %masked_cumsum3A_363 = tpu.scan <sum>, %select_n3A_360 masked %broadcast_in_dim3A_362 : vector<16xi32>, vector<16xi1> -> vector<16xi32>
      %add3A_364 = arith.addi %add3A_214, %masked_cumsum3A_363 : vector<16xi32>
      %sub3A_365 = arith.constant 1 : i32
      %sub3A_366 = vector.broadcast %sub3A_365 : i32 to vector<16xi32>
      %sub3A_367 = arith.subi %add3A_364, %sub3A_366 : vector<16xi32>
      %select_n3A_368 = arith.select %eq3A_355, %sub3A_367, %select_n3A_350 : vector<16xi1>, vector<16xi32>
      %all_reduce_population_count3A_369 = tpu.all_reduce %eq3A_355 {dim = 0 : i64, kind = #tpu.reduction_kind<sum>} : vector<16xi1> -> vector<16xi32>
      %add3A_370 = arith.addi %add3A_214, %all_reduce_population_count3A_369 : vector<16xi32>
      %swap3A_371 = arith.index_cast %scan3A_59 : i32 to index
      %swap3A_372 = arith.constant 16 : index
      %swap3A_373 = tpu.vector_load %arg9[%swap3A_371, %swap3A_372] {strides = array<i32>} : memref<8x64xi32, #tpu.memory_space<vmem>>, vector<16xi32>,
      tpu.vector_store %arg9[%swap3A_371, %swap3A_372], %select_n3A_368 {strides = array<i32>} : memref<8x64xi32, #tpu.memory_space<vmem>>, vector<16xi32>,
      %mul3A_374 = arith.constant 4 : i32
      %mul3A_375 = arith.muli %scan3A_59, %mul3A_374 : i32
      %add3A_376 = arith.constant 2 : i32
      %add3A_377 = arith.addi %mul3A_375, %add3A_376 : i32
      %mul3A_378 = arith.constant 16 : i32
      %mul3A_379 = arith.muli %add3A_377, %mul3A_378 : i32
      %get3A_380 = arith.index_cast %mul3A_379 : i32 to index
      %get3A_381 = tpu.vector_load %arg7[%get3A_380] {strides = array<i32>} : memref<512xi32, #tpu.memory_space<vmem>>, vector<16xi32>,
      %broadcast_in_dim3A_382 = arith.constant 0 : i32
      %broadcast_in_dim3A_383 = vector.broadcast %broadcast_in_dim3A_382 : i32 to vector<16xi32>
      %eq3A_384 = arith.constant 0 : i32
      %eq3A_385 = vector.broadcast %eq3A_384 : i32 to vector<16xi32>
      %eq3A_386 = arith.cmpi eq, %get3A_381, %eq3A_385 : vector<16xi32>
      %jit3A_387 = arith.constant 1 : i32
      %jit3A_388 = arith.constant 0 : i32
      %broadcast_in_dim3A_389 = vector.broadcast %jit3A_387 : i32 to vector<16xi32>
      %broadcast_in_dim3A_390 = vector.broadcast %jit3A_388 : i32 to vector<16xi32>
      %select_n3A_391 = arith.select %eq3A_386, %broadcast_in_dim3A_389, %broadcast_in_dim3A_390 : vector<16xi1>, vector<16xi32>
      %broadcast_in_dim3A_392 = arith.constant true
      %broadcast_in_dim3A_393 = vector.broadcast %broadcast_in_dim3A_392 : i1 to vector<16xi1>
      %masked_cumsum3A_394 = tpu.scan <sum>, %select_n3A_391 masked %broadcast_in_dim3A_393 : vector<16xi32>, vector<16xi1> -> vector<16xi32>
      %add3A_395 = arith.addi %add3A_244, %masked_cumsum3A_394 : vector<16xi32>
      %sub3A_396 = arith.constant 1 : i32
      %sub3A_397 = vector.broadcast %sub3A_396 : i32 to vector<16xi32>
      %sub3A_398 = arith.subi %add3A_395, %sub3A_397 : vector<16xi32>
      %select_n3A_399 = arith.select %eq3A_386, %sub3A_398, %broadcast_in_dim3A_383 : vector<16xi1>, vector<16xi32>
      %all_reduce_population_count3A_400 = tpu.all_reduce %eq3A_386 {dim = 0 : i64, kind = #tpu.reduction_kind<sum>} : vector<16xi1> -> vector<16xi32>
      %add3A_401 = arith.addi %add3A_244, %all_reduce_population_count3A_400 : vector<16xi32>
      %eq3A_402 = arith.constant 1 : i32
      %eq3A_403 = vector.broadcast %eq3A_402 : i32 to vector<16xi32>
      %eq3A_404 = arith.cmpi eq, %get3A_381, %eq3A_403 : vector<16xi32>
      %jit3A_405 = arith.constant 1 : i32
      %jit3A_406 = arith.constant 0 : i32
      %broadcast_in_dim3A_407 = vector.broadcast %jit3A_405 : i32 to vector<16xi32>
      %broadcast_in_dim3A_408 = vector.broadcast %jit3A_406 : i32 to vector<16xi32>
      %select_n3A_409 = arith.select %eq3A_404, %broadcast_in_dim3A_407, %broadcast_in_dim3A_408 : vector<16xi1>, vector<16xi32>
      %broadcast_in_dim3A_410 = arith.constant true
      %broadcast_in_dim3A_411 = vector.broadcast %broadcast_in_dim3A_410 : i1 to vector<16xi1>
      %masked_cumsum3A_412 = tpu.scan <sum>, %select_n3A_409 masked %broadcast_in_dim3A_411 : vector<16xi32>, vector<16xi1> -> vector<16xi32>
      %add3A_413 = arith.addi %add3A_262, %masked_cumsum3A_412 : vector<16xi32>
      %sub3A_414 = arith.constant 1 : i32
      %sub3A_415 = vector.broadcast %sub3A_414 : i32 to vector<16xi32>
      %sub3A_416 = arith.subi %add3A_413, %sub3A_415 : vector<16xi32>
      %select_n3A_417 = arith.select %eq3A_404, %sub3A_416, %select_n3A_399 : vector<16xi1>, vector<16xi32>
      %all_reduce_population_count3A_418 = tpu.all_reduce %eq3A_404 {dim = 0 : i64, kind = #tpu.reduction_kind<sum>} : vector<16xi1> -> vector<16xi32>
      %add3A_419 = arith.addi %add3A_262, %all_reduce_population_count3A_418 : vector<16xi32>
      %eq3A_420 = arith.constant 2 : i32
      %eq3A_421 = vector.broadcast %eq3A_420 : i32 to vector<16xi32>
      %eq3A_422 = arith.cmpi eq, %get3A_381, %eq3A_421 : vector<16xi32>
      %jit3A_423 = arith.constant 1 : i32
      %jit3A_424 = arith.constant 0 : i32
      %broadcast_in_dim3A_425 = vector.broadcast %jit3A_423 : i32 to vector<16xi32>
      %broadcast_in_dim3A_426 = vector.broadcast %jit3A_424 : i32 to vector<16xi32>
      %select_n3A_427 = arith.select %eq3A_422, %broadcast_in_dim3A_425, %broadcast_in_dim3A_426 : vector<16xi1>, vector<16xi32>
      %broadcast_in_dim3A_428 = arith.constant true
      %broadcast_in_dim3A_429 = vector.broadcast %broadcast_in_dim3A_428 : i1 to vector<16xi1>
      %masked_cumsum3A_430 = tpu.scan <sum>, %select_n3A_427 masked %broadcast_in_dim3A_429 : vector<16xi32>, vector<16xi1> -> vector<16xi32>
      %add3A_431 = arith.addi %add3A_280, %masked_cumsum3A_430 : vector<16xi32>
      %sub3A_432 = arith.constant 1 : i32
      %sub3A_433 = vector.broadcast %sub3A_432 : i32 to vector<16xi32>
      %sub3A_434 = arith.subi %add3A_431, %sub3A_433 : vector<16xi32>
      %select_n3A_435 = arith.select %eq3A_422, %sub3A_434, %select_n3A_417 : vector<16xi1>, vector<16xi32>
      %all_reduce_population_count3A_436 = tpu.all_reduce %eq3A_422 {dim = 0 : i64, kind = #tpu.reduction_kind<sum>} : vector<16xi1> -> vector<16xi32>
      %add3A_437 = arith.addi %add3A_280, %all_reduce_population_count3A_436 : vector<16xi32>
      %eq3A_438 = arith.constant 3 : i32
      %eq3A_439 = vector.broadcast %eq3A_438 : i32 to vector<16xi32>
      %eq3A_440 = arith.cmpi eq, %get3A_381, %eq3A_439 : vector<16xi32>
      %jit3A_441 = arith.constant 1 : i32
      %jit3A_442 = arith.constant 0 : i32
      %broadcast_in_dim3A_443 = vector.broadcast %jit3A_441 : i32 to vector<16xi32>
      %broadcast_in_dim3A_444 = vector.broadcast %jit3A_442 : i32 to vector<16xi32>
      %select_n3A_445 = arith.select %eq3A_440, %broadcast_in_dim3A_443, %broadcast_in_dim3A_444 : vector<16xi1>, vector<16xi32>
      %broadcast_in_dim3A_446 = arith.constant true
      %broadcast_in_dim3A_447 = vector.broadcast %broadcast_in_dim3A_446 : i1 to vector<16xi1>
      %masked_cumsum3A_448 = tpu.scan <sum>, %select_n3A_445 masked %broadcast_in_dim3A_447 : vector<16xi32>, vector<16xi1> -> vector<16xi32>
      %add3A_449 = arith.addi %add3A_298, %masked_cumsum3A_448 : vector<16xi32>
      %sub3A_450 = arith.constant 1 : i32
      %sub3A_451 = vector.broadcast %sub3A_450 : i32 to vector<16xi32>
      %sub3A_452 = arith.subi %add3A_449, %sub3A_451 : vector<16xi32>
      %select_n3A_453 = arith.select %eq3A_440, %sub3A_452, %select_n3A_435 : vector<16xi1>, vector<16xi32>
      %all_reduce_population_count3A_454 = tpu.all_reduce %eq3A_440 {dim = 0 : i64, kind = #tpu.reduction_kind<sum>} : vector<16xi1> -> vector<16xi32>
      %add3A_455 = arith.addi %add3A_298, %all_reduce_population_count3A_454 : vector<16xi32>
      %eq3A_456 = arith.constant 4 : i32
      %eq3A_457 = vector.broadcast %eq3A_456 : i32 to vector<16xi32>
      %eq3A_458 = arith.cmpi eq, %get3A_381, %eq3A_457 : vector<16xi32>
      %jit3A_459 = arith.constant 1 : i32
      %jit3A_460 = arith.constant 0 : i32
      %broadcast_in_dim3A_461 = vector.broadcast %jit3A_459 : i32 to vector<16xi32>
      %broadcast_in_dim3A_462 = vector.broadcast %jit3A_460 : i32 to vector<16xi32>
      %select_n3A_463 = arith.select %eq3A_458, %broadcast_in_dim3A_461, %broadcast_in_dim3A_462 : vector<16xi1>, vector<16xi32>
      %broadcast_in_dim3A_464 = arith.constant true
      %broadcast_in_dim3A_465 = vector.broadcast %broadcast_in_dim3A_464 : i1 to vector<16xi1>
      %masked_cumsum3A_466 = tpu.scan <sum>, %select_n3A_463 masked %broadcast_in_dim3A_465 : vector<16xi32>, vector<16xi1> -> vector<16xi32>
      %add3A_467 = arith.addi %add3A_316, %masked_cumsum3A_466 : vector<16xi32>
      %sub3A_468 = arith.constant 1 : i32
      %sub3A_469 = vector.broadcast %sub3A_468 : i32 to vector<16xi32>
      %sub3A_470 = arith.subi %add3A_467, %sub3A_469 : vector<16xi32>
      %select_n3A_471 = arith.select %eq3A_458, %sub3A_470, %select_n3A_453 : vector<16xi1>, vector<16xi32>
      %all_reduce_population_count3A_472 = tpu.all_reduce %eq3A_458 {dim = 0 : i64, kind = #tpu.reduction_kind<sum>} : vector<16xi1> -> vector<16xi32>
      %add3A_473 = arith.addi %add3A_316, %all_reduce_population_count3A_472 : vector<16xi32>
      %eq3A_474 = arith.constant 5 : i32
      %eq3A_475 = vector.broadcast %eq3A_474 : i32 to vector<16xi32>
      %eq3A_476 = arith.cmpi eq, %get3A_381, %eq3A_475 : vector<16xi32>
      %jit3A_477 = arith.constant 1 : i32
      %jit3A_478 = arith.constant 0 : i32
      %broadcast_in_dim3A_479 = vector.broadcast %jit3A_477 : i32 to vector<16xi32>
      %broadcast_in_dim3A_480 = vector.broadcast %jit3A_478 : i32 to vector<16xi32>
      %select_n3A_481 = arith.select %eq3A_476, %broadcast_in_dim3A_479, %broadcast_in_dim3A_480 : vector<16xi1>, vector<16xi32>
      %broadcast_in_dim3A_482 = arith.constant true
      %broadcast_in_dim3A_483 = vector.broadcast %broadcast_in_dim3A_482 : i1 to vector<16xi1>
      %masked_cumsum3A_484 = tpu.scan <sum>, %select_n3A_481 masked %broadcast_in_dim3A_483 : vector<16xi32>, vector<16xi1> -> vector<16xi32>
      %add3A_485 = arith.addi %add3A_334, %masked_cumsum3A_484 : vector<16xi32>
      %sub3A_486 = arith.constant 1 : i32
      %sub3A_487 = vector.broadcast %sub3A_486 : i32 to vector<16xi32>
      %sub3A_488 = arith.subi %add3A_485, %sub3A_487 : vector<16xi32>
      %select_n3A_489 = arith.select %eq3A_476, %sub3A_488, %select_n3A_471 : vector<16xi1>, vector<16xi32>
      %all_reduce_population_count3A_490 = tpu.all_reduce %eq3A_476 {dim = 0 : i64, kind = #tpu.reduction_kind<sum>} : vector<16xi1> -> vector<16xi32>
      %add3A_491 = arith.addi %add3A_334, %all_reduce_population_count3A_490 : vector<16xi32>
      %eq3A_492 = arith.constant 6 : i32
      %eq3A_493 = vector.broadcast %eq3A_492 : i32 to vector<16xi32>
      %eq3A_494 = arith.cmpi eq, %get3A_381, %eq3A_493 : vector<16xi32>
      %jit3A_495 = arith.constant 1 : i32
      %jit3A_496 = arith.constant 0 : i32
      %broadcast_in_dim3A_497 = vector.broadcast %jit3A_495 : i32 to vector<16xi32>
      %broadcast_in_dim3A_498 = vector.broadcast %jit3A_496 : i32 to vector<16xi32>
      %select_n3A_499 = arith.select %eq3A_494, %broadcast_in_dim3A_497, %broadcast_in_dim3A_498 : vector<16xi1>, vector<16xi32>
      %broadcast_in_dim3A_500 = arith.constant true
      %broadcast_in_dim3A_501 = vector.broadcast %broadcast_in_dim3A_500 : i1 to vector<16xi1>
      %masked_cumsum3A_502 = tpu.scan <sum>, %select_n3A_499 masked %broadcast_in_dim3A_501 : vector<16xi32>, vector<16xi1> -> vector<16xi32>
      %add3A_503 = arith.addi %add3A_352, %masked_cumsum3A_502 : vector<16xi32>
      %sub3A_504 = arith.constant 1 : i32
      %sub3A_505 = vector.broadcast %sub3A_504 : i32 to vector<16xi32>
      %sub3A_506 = arith.subi %add3A_503, %sub3A_505 : vector<16xi32>
      %select_n3A_507 = arith.select %eq3A_494, %sub3A_506, %select_n3A_489 : vector<16xi1>, vector<16xi32>
      %all_reduce_population_count3A_508 = tpu.all_reduce %eq3A_494 {dim = 0 : i64, kind = #tpu.reduction_kind<sum>} : vector<16xi1> -> vector<16xi32>
      %add3A_509 = arith.addi %add3A_352, %all_reduce_population_count3A_508 : vector<16xi32>
      %eq3A_510 = arith.constant 7 : i32
      %eq3A_511 = vector.broadcast %eq3A_510 : i32 to vector<16xi32>
      %eq3A_512 = arith.cmpi eq, %get3A_381, %eq3A_511 : vector<16xi32>
      %jit3A_513 = arith.constant 1 : i32
      %jit3A_514 = arith.constant 0 : i32
      %broadcast_in_dim3A_515 = vector.broadcast %jit3A_513 : i32 to vector<16xi32>
      %broadcast_in_dim3A_516 = vector.broadcast %jit3A_514 : i32 to vector<16xi32>
      %select_n3A_517 = arith.select %eq3A_512, %broadcast_in_dim3A_515, %broadcast_in_dim3A_516 : vector<16xi1>, vector<16xi32>
      %broadcast_in_dim3A_518 = arith.constant true
      %broadcast_in_dim3A_519 = vector.broadcast %broadcast_in_dim3A_518 : i1 to vector<16xi1>
      %masked_cumsum3A_520 = tpu.scan <sum>, %select_n3A_517 masked %broadcast_in_dim3A_519 : vector<16xi32>, vector<16xi1> -> vector<16xi32>
      %add3A_521 = arith.addi %add3A_370, %masked_cumsum3A_520 : vector<16xi32>
      %sub3A_522 = arith.constant 1 : i32
      %sub3A_523 = vector.broadcast %sub3A_522 : i32 to vector<16xi32>
      %sub3A_524 = arith.subi %add3A_521, %sub3A_523 : vector<16xi32>
      %select_n3A_525 = arith.select %eq3A_512, %sub3A_524, %select_n3A_507 : vector<16xi1>, vector<16xi32>
      %all_reduce_population_count3A_526 = tpu.all_reduce %eq3A_512 {dim = 0 : i64, kind = #tpu.reduction_kind<sum>} : vector<16xi1> -> vector<16xi32>
      %add3A_527 = arith.addi %add3A_370, %all_reduce_population_count3A_526 : vector<16xi32>
      %swap3A_528 = arith.index_cast %scan3A_59 : i32 to index
      %swap3A_529 = arith.constant 32 : index
      %swap3A_530 = tpu.vector_load %arg9[%swap3A_528, %swap3A_529] {strides = array<i32>} : memref<8x64xi32, #tpu.memory_space<vmem>>, vector<16xi32>,
      tpu.vector_store %arg9[%swap3A_528, %swap3A_529], %select_n3A_525 {strides = array<i32>} : memref<8x64xi32, #tpu.memory_space<vmem>>, vector<16xi32>,
      %mul3A_531 = arith.constant 4 : i32
      %mul3A_532 = arith.muli %scan3A_59, %mul3A_531 : i32
      %add3A_533 = arith.constant 3 : i32
      %add3A_534 = arith.addi %mul3A_532, %add3A_533 : i32
      %mul3A_535 = arith.constant 16 : i32
      %mul3A_536 = arith.muli %add3A_534, %mul3A_535 : i32
      %get3A_537 = arith.index_cast %mul3A_536 : i32 to index
      %get3A_538 = tpu.vector_load %arg7[%get3A_537] {strides = array<i32>} : memref<512xi32, #tpu.memory_space<vmem>>, vector<16xi32>,
      %broadcast_in_dim3A_539 = arith.constant 0 : i32
      %broadcast_in_dim3A_540 = vector.broadcast %broadcast_in_dim3A_539 : i32 to vector<16xi32>
      %eq3A_541 = arith.constant 0 : i32
      %eq3A_542 = vector.broadcast %eq3A_541 : i32 to vector<16xi32>
      %eq3A_543 = arith.cmpi eq, %get3A_538, %eq3A_542 : vector<16xi32>
      %jit3A_544 = arith.constant 1 : i32
      %jit3A_545 = arith.constant 0 : i32
      %broadcast_in_dim3A_546 = vector.broadcast %jit3A_544 : i32 to vector<16xi32>
      %broadcast_in_dim3A_547 = vector.broadcast %jit3A_545 : i32 to vector<16xi32>
      %select_n3A_548 = arith.select %eq3A_543, %broadcast_in_dim3A_546, %broadcast_in_dim3A_547 : vector<16xi1>, vector<16xi32>
      %broadcast_in_dim3A_549 = arith.constant true
      %broadcast_in_dim3A_550 = vector.broadcast %broadcast_in_dim3A_549 : i1 to vector<16xi1>
      %masked_cumsum3A_551 = tpu.scan <sum>, %select_n3A_548 masked %broadcast_in_dim3A_550 : vector<16xi32>, vector<16xi1> -> vector<16xi32>
      %add3A_552 = arith.addi %add3A_401, %masked_cumsum3A_551 : vector<16xi32>
      %sub3A_553 = arith.constant 1 : i32
      %sub3A_554 = vector.broadcast %sub3A_553 : i32 to vector<16xi32>
      %sub3A_555 = arith.subi %add3A_552, %sub3A_554 : vector<16xi32>
      %select_n3A_556 = arith.select %eq3A_543, %sub3A_555, %broadcast_in_dim3A_540 : vector<16xi1>, vector<16xi32>
      %all_reduce_population_count3A_557 = tpu.all_reduce %eq3A_543 {dim = 0 : i64, kind = #tpu.reduction_kind<sum>} : vector<16xi1> -> vector<16xi32>
      %add3A_558 = arith.addi %add3A_401, %all_reduce_population_count3A_557 : vector<16xi32>
      %eq3A_559 = arith.constant 1 : i32
      %eq3A_560 = vector.broadcast %eq3A_559 : i32 to vector<16xi32>
      %eq3A_561 = arith.cmpi eq, %get3A_538, %eq3A_560 : vector<16xi32>
      %jit3A_562 = arith.constant 1 : i32
      %jit3A_563 = arith.constant 0 : i32
      %broadcast_in_dim3A_564 = vector.broadcast %jit3A_562 : i32 to vector<16xi32>
      %broadcast_in_dim3A_565 = vector.broadcast %jit3A_563 : i32 to vector<16xi32>
      %select_n3A_566 = arith.select %eq3A_561, %broadcast_in_dim3A_564, %broadcast_in_dim3A_565 : vector<16xi1>, vector<16xi32>
      %broadcast_in_dim3A_567 = arith.constant true
      %broadcast_in_dim3A_568 = vector.broadcast %broadcast_in_dim3A_567 : i1 to vector<16xi1>
      %masked_cumsum3A_569 = tpu.scan <sum>, %select_n3A_566 masked %broadcast_in_dim3A_568 : vector<16xi32>, vector<16xi1> -> vector<16xi32>
      %add3A_570 = arith.addi %add3A_419, %masked_cumsum3A_569 : vector<16xi32>
      %sub3A_571 = arith.constant 1 : i32
      %sub3A_572 = vector.broadcast %sub3A_571 : i32 to vector<16xi32>
      %sub3A_573 = arith.subi %add3A_570, %sub3A_572 : vector<16xi32>
      %select_n3A_574 = arith.select %eq3A_561, %sub3A_573, %select_n3A_556 : vector<16xi1>, vector<16xi32>
      %all_reduce_population_count3A_575 = tpu.all_reduce %eq3A_561 {dim = 0 : i64, kind = #tpu.reduction_kind<sum>} : vector<16xi1> -> vector<16xi32>
      %add3A_576 = arith.addi %add3A_419, %all_reduce_population_count3A_575 : vector<16xi32>
      %eq3A_577 = arith.constant 2 : i32
      %eq3A_578 = vector.broadcast %eq3A_577 : i32 to vector<16xi32>
      %eq3A_579 = arith.cmpi eq, %get3A_538, %eq3A_578 : vector<16xi32>
      %jit3A_580 = arith.constant 1 : i32
      %jit3A_581 = arith.constant 0 : i32
      %broadcast_in_dim3A_582 = vector.broadcast %jit3A_580 : i32 to vector<16xi32>
      %broadcast_in_dim3A_583 = vector.broadcast %jit3A_581 : i32 to vector<16xi32>
      %select_n3A_584 = arith.select %eq3A_579, %broadcast_in_dim3A_582, %broadcast_in_dim3A_583 : vector<16xi1>, vector<16xi32>
      %broadcast_in_dim3A_585 = arith.constant true
      %broadcast_in_dim3A_586 = vector.broadcast %broadcast_in_dim3A_585 : i1 to vector<16xi1>
      %masked_cumsum3A_587 = tpu.scan <sum>, %select_n3A_584 masked %broadcast_in_dim3A_586 : vector<16xi32>, vector<16xi1> -> vector<16xi32>
      %add3A_588 = arith.addi %add3A_437, %masked_cumsum3A_587 : vector<16xi32>
      %sub3A_589 = arith.constant 1 : i32
      %sub3A_590 = vector.broadcast %sub3A_589 : i32 to vector<16xi32>
      %sub3A_591 = arith.subi %add3A_588, %sub3A_590 : vector<16xi32>
      %select_n3A_592 = arith.select %eq3A_579, %sub3A_591, %select_n3A_574 : vector<16xi1>, vector<16xi32>
      %all_reduce_population_count3A_593 = tpu.all_reduce %eq3A_579 {dim = 0 : i64, kind = #tpu.reduction_kind<sum>} : vector<16xi1> -> vector<16xi32>
      %add3A_594 = arith.addi %add3A_437, %all_reduce_population_count3A_593 : vector<16xi32>
      %eq3A_595 = arith.constant 3 : i32
      %eq3A_596 = vector.broadcast %eq3A_595 : i32 to vector<16xi32>
      %eq3A_597 = arith.cmpi eq, %get3A_538, %eq3A_596 : vector<16xi32>
      %jit3A_598 = arith.constant 1 : i32
      %jit3A_599 = arith.constant 0 : i32
      %broadcast_in_dim3A_600 = vector.broadcast %jit3A_598 : i32 to vector<16xi32>
      %broadcast_in_dim3A_601 = vector.broadcast %jit3A_599 : i32 to vector<16xi32>
      %select_n3A_602 = arith.select %eq3A_597, %broadcast_in_dim3A_600, %broadcast_in_dim3A_601 : vector<16xi1>, vector<16xi32>
      %broadcast_in_dim3A_603 = arith.constant true
      %broadcast_in_dim3A_604 = vector.broadcast %broadcast_in_dim3A_603 : i1 to vector<16xi1>
      %masked_cumsum3A_605 = tpu.scan <sum>, %select_n3A_602 masked %broadcast_in_dim3A_604 : vector<16xi32>, vector<16xi1> -> vector<16xi32>
      %add3A_606 = arith.addi %add3A_455, %masked_cumsum3A_605 : vector<16xi32>
      %sub3A_607 = arith.constant 1 : i32
      %sub3A_608 = vector.broadcast %sub3A_607 : i32 to vector<16xi32>
      %sub3A_609 = arith.subi %add3A_606, %sub3A_608 : vector<16xi32>
      %select_n3A_610 = arith.select %eq3A_597, %sub3A_609, %select_n3A_592 : vector<16xi1>, vector<16xi32>
      %all_reduce_population_count3A_611 = tpu.all_reduce %eq3A_597 {dim = 0 : i64, kind = #tpu.reduction_kind<sum>} : vector<16xi1> -> vector<16xi32>
      %add3A_612 = arith.addi %add3A_455, %all_reduce_population_count3A_611 : vector<16xi32>
      %eq3A_613 = arith.constant 4 : i32
      %eq3A_614 = vector.broadcast %eq3A_613 : i32 to vector<16xi32>
      %eq3A_615 = arith.cmpi eq, %get3A_538, %eq3A_614 : vector<16xi32>
      %jit3A_616 = arith.constant 1 : i32
      %jit3A_617 = arith.constant 0 : i32
      %broadcast_in_dim3A_618 = vector.broadcast %jit3A_616 : i32 to vector<16xi32>
      %broadcast_in_dim3A_619 = vector.broadcast %jit3A_617 : i32 to vector<16xi32>
      %select_n3A_620 = arith.select %eq3A_615, %broadcast_in_dim3A_618, %broadcast_in_dim3A_619 : vector<16xi1>, vector<16xi32>
      %broadcast_in_dim3A_621 = arith.constant true
      %broadcast_in_dim3A_622 = vector.broadcast %broadcast_in_dim3A_621 : i1 to vector<16xi1>
      %masked_cumsum3A_623 = tpu.scan <sum>, %select_n3A_620 masked %broadcast_in_dim3A_622 : vector<16xi32>, vector<16xi1> -> vector<16xi32>
      %add3A_624 = arith.addi %add3A_473, %masked_cumsum3A_623 : vector<16xi32>
      %sub3A_625 = arith.constant 1 : i32
      %sub3A_626 = vector.broadcast %sub3A_625 : i32 to vector<16xi32>
      %sub3A_627 = arith.subi %add3A_624, %sub3A_626 : vector<16xi32>
      %select_n3A_628 = arith.select %eq3A_615, %sub3A_627, %select_n3A_610 : vector<16xi1>, vector<16xi32>
      %all_reduce_population_count3A_629 = tpu.all_reduce %eq3A_615 {dim = 0 : i64, kind = #tpu.reduction_kind<sum>} : vector<16xi1> -> vector<16xi32>
      %add3A_630 = arith.addi %add3A_473, %all_reduce_population_count3A_629 : vector<16xi32>
      %eq3A_631 = arith.constant 5 : i32
      %eq3A_632 = vector.broadcast %eq3A_631 : i32 to vector<16xi32>
      %eq3A_633 = arith.cmpi eq, %get3A_538, %eq3A_632 : vector<16xi32>
      %jit3A_634 = arith.constant 1 : i32
      %jit3A_635 = arith.constant 0 : i32
      %broadcast_in_dim3A_636 = vector.broadcast %jit3A_634 : i32 to vector<16xi32>
      %broadcast_in_dim3A_637 = vector.broadcast %jit3A_635 : i32 to vector<16xi32>
      %select_n3A_638 = arith.select %eq3A_633, %broadcast_in_dim3A_636, %broadcast_in_dim3A_637 : vector<16xi1>, vector<16xi32>
      %broadcast_in_dim3A_639 = arith.constant true
      %broadcast_in_dim3A_640 = vector.broadcast %broadcast_in_dim3A_639 : i1 to vector<16xi1>
      %masked_cumsum3A_641 = tpu.scan <sum>, %select_n3A_638 masked %broadcast_in_dim3A_640 : vector<16xi32>, vector<16xi1> -> vector<16xi32>
      %add3A_642 = arith.addi %add3A_491, %masked_cumsum3A_641 : vector<16xi32>
      %sub3A_643 = arith.constant 1 : i32
      %sub3A_644 = vector.broadcast %sub3A_643 : i32 to vector<16xi32>
      %sub3A_645 = arith.subi %add3A_642, %sub3A_644 : vector<16xi32>
      %select_n3A_646 = arith.select %eq3A_633, %sub3A_645, %select_n3A_628 : vector<16xi1>, vector<16xi32>
      %all_reduce_population_count3A_647 = tpu.all_reduce %eq3A_633 {dim = 0 : i64, kind = #tpu.reduction_kind<sum>} : vector<16xi1> -> vector<16xi32>
      %add3A_648 = arith.addi %add3A_491, %all_reduce_population_count3A_647 : vector<16xi32>
      %eq3A_649 = arith.constant 6 : i32
      %eq3A_650 = vector.broadcast %eq3A_649 : i32 to vector<16xi32>
      %eq3A_651 = arith.cmpi eq, %get3A_538, %eq3A_650 : vector<16xi32>
      %jit3A_652 = arith.constant 1 : i32
      %jit3A_653 = arith.constant 0 : i32
      %broadcast_in_dim3A_654 = vector.broadcast %jit3A_652 : i32 to vector<16xi32>
      %broadcast_in_dim3A_655 = vector.broadcast %jit3A_653 : i32 to vector<16xi32>
      %select_n3A_656 = arith.select %eq3A_651, %broadcast_in_dim3A_654, %broadcast_in_dim3A_655 : vector<16xi1>, vector<16xi32>
      %broadcast_in_dim3A_657 = arith.constant true
      %broadcast_in_dim3A_658 = vector.broadcast %broadcast_in_dim3A_657 : i1 to vector<16xi1>
      %masked_cumsum3A_659 = tpu.scan <sum>, %select_n3A_656 masked %broadcast_in_dim3A_658 : vector<16xi32>, vector<16xi1> -> vector<16xi32>
      %add3A_660 = arith.addi %add3A_509, %masked_cumsum3A_659 : vector<16xi32>
      %sub3A_661 = arith.constant 1 : i32
      %sub3A_662 = vector.broadcast %sub3A_661 : i32 to vector<16xi32>
      %sub3A_663 = arith.subi %add3A_660, %sub3A_662 : vector<16xi32>
      %select_n3A_664 = arith.select %eq3A_651, %sub3A_663, %select_n3A_646 : vector<16xi1>, vector<16xi32>
      %all_reduce_population_count3A_665 = tpu.all_reduce %eq3A_651 {dim = 0 : i64, kind = #tpu.reduction_kind<sum>} : vector<16xi1> -> vector<16xi32>
      %add3A_666 = arith.addi %add3A_509, %all_reduce_population_count3A_665 : vector<16xi32>
      %eq3A_667 = arith.constant 7 : i32
      %eq3A_668 = vector.broadcast %eq3A_667 : i32 to vector<16xi32>
      %eq3A_669 = arith.cmpi eq, %get3A_538, %eq3A_668 : vector<16xi32>
      %jit3A_670 = arith.constant 1 : i32
      %jit3A_671 = arith.constant 0 : i32
      %broadcast_in_dim3A_672 = vector.broadcast %jit3A_670 : i32 to vector<16xi32>
      %broadcast_in_dim3A_673 = vector.broadcast %jit3A_671 : i32 to vector<16xi32>
      %select_n3A_674 = arith.select %eq3A_669, %broadcast_in_dim3A_672, %broadcast_in_dim3A_673 : vector<16xi1>, vector<16xi32>
      %broadcast_in_dim3A_675 = arith.constant true
      %broadcast_in_dim3A_676 = vector.broadcast %broadcast_in_dim3A_675 : i1 to vector<16xi1>
      %masked_cumsum3A_677 = tpu.scan <sum>, %select_n3A_674 masked %broadcast_in_dim3A_676 : vector<16xi32>, vector<16xi1> -> vector<16xi32>
      %add3A_678 = arith.addi %add3A_527, %masked_cumsum3A_677 : vector<16xi32>
      %sub3A_679 = arith.constant 1 : i32
      %sub3A_680 = vector.broadcast %sub3A_679 : i32 to vector<16xi32>
      %sub3A_681 = arith.subi %add3A_678, %sub3A_680 : vector<16xi32>
      %select_n3A_682 = arith.select %eq3A_669, %sub3A_681, %select_n3A_664 : vector<16xi1>, vector<16xi32>
      %all_reduce_population_count3A_683 = tpu.all_reduce %eq3A_669 {dim = 0 : i64, kind = #tpu.reduction_kind<sum>} : vector<16xi1> -> vector<16xi32>
      %add3A_684 = arith.addi %add3A_527, %all_reduce_population_count3A_683 : vector<16xi32>
      %swap3A_685 = arith.index_cast %scan3A_59 : i32 to index
      %swap3A_686 = arith.constant 48 : index
      %swap3A_687 = tpu.vector_load %arg9[%swap3A_685, %swap3A_686] {strides = array<i32>} : memref<8x64xi32, #tpu.memory_space<vmem>>, vector<16xi32>,
      tpu.vector_store %arg9[%swap3A_685, %swap3A_686], %select_n3A_682 {strides = array<i32>} : memref<8x64xi32, #tpu.memory_space<vmem>>, vector<16xi32>,
      scf.yield %add3A_558, %add3A_576, %add3A_594, %add3A_612, %add3A_630, %add3A_648, %add3A_666, %add3A_684 : vector<16xi32>, vector<16xi32>, vector<16xi32>, vector<16xi32>, vector<16xi32>, vector<16xi32>, vector<16xi32>, vector<16xi32>
    }
    %scan3A_51 = arith.constant 8 : i32
    "tpu.region"() ({
      %run_scoped3A = tpu.sem_alloc : memref<!tpu.dma_semaphore, #tpu.memory_space<semaphore_mem>>
      %dma_start3A_59 = arith.constant 0 : i32
      %dma_start3A_60 = arith.constant 0 : i32
      %dma_start3A_61 = tpu.memref_slice %arg6[%add3A, %dma_start3A_59, %dma_start3A_60] : memref<32x8x64xi32, #tpu.memory_space<hbm>> -> memref<1x8x64xi32, #tpu.memory_space<hbm>>
      %dma_start3A_62 = tpu.memref_squeeze %dma_start3A_61 : memref<1x8x64xi32, #tpu.memory_space<hbm>> -> memref<8x64xi32, #tpu.memory_space<hbm>>
      %dma_start3A_63 = arith.constant 0 : i32
      %dma_start3A_64 = arith.constant 0 : i32
      %dma_start3A_65 = tpu.memref_slice %arg6[%add3A, %dma_start3A_63, %dma_start3A_64] : memref<32x8x64xi32, #tpu.memory_space<hbm>> -> memref<1x8x64xi32, #tpu.memory_space<hbm>>
      %dma_start3A_66 = tpu.memref_squeeze %dma_start3A_65 : memref<1x8x64xi32, #tpu.memory_space<hbm>> -> memref<8x64xi32, #tpu.memory_space<hbm>>
      tpu.enqueue_dma source(%arg9 : memref<8x64xi32, #tpu.memory_space<vmem>>) target(%dma_start3A_66 : memref<8x64xi32, #tpu.memory_space<hbm>>) target_semaphore(%run_scoped3A : memref<!tpu.dma_semaphore, #tpu.memory_space<semaphore_mem>>)
      %dma_wait3A = arith.constant 0 : i32
      %dma_wait3A_67 = arith.constant 0 : i32
      %dma_wait3A_68 = tpu.memref_slice %arg6[%add3A, %dma_wait3A, %dma_wait3A_67] : memref<32x8x64xi32, #tpu.memory_space<hbm>> -> memref<1x8x64xi32, #tpu.memory_space<hbm>>
      %dma_wait3A_69 = tpu.memref_squeeze %dma_wait3A_68 : memref<1x8x64xi32, #tpu.memory_space<hbm>> -> memref<8x64xi32, #tpu.memory_space<hbm>>
      %dma_wait3A_70 = arith.constant 0 : i32
      %dma_wait3A_71 = arith.constant 0 : i32
      %dma_wait3A_72 = tpu.memref_slice %arg6[%add3A, %dma_wait3A_70, %dma_wait3A_71] : memref<32x8x64xi32, #tpu.memory_space<hbm>> -> memref<1x8x64xi32, #tpu.memory_space<hbm>>
      %dma_wait3A_73 = tpu.memref_squeeze %dma_wait3A_72 : memref<1x8x64xi32, #tpu.memory_space<hbm>> -> memref<8x64xi32, #tpu.memory_space<hbm>>
      tpu.wait_dma2 semaphore(%run_scoped3A : memref<!tpu.dma_semaphore, #tpu.memory_space<semaphore_mem>>) src(%arg9 : memref<8x64xi32, #tpu.memory_space<vmem>>) dst(%dma_wait3A_73 : memref<8x64xi32, #tpu.memory_space<hbm>>)
      tpu.yield
    }) : () -> ()
    %scan3A_52 = arith.constant 0 : i32
    %scan3A_53 = arith.constant 0 : i32
    %scan3A_54 = arith.constant 4 : i32
    %scan3A_55 = arith.addi %scan3A_53, %scan3A_54 : i32
    %scan3A_56 = arith.constant 1 : i32
    %scan3A_57 = scf.for %scan3A_59 = %scan3A_53 to %scan3A_55 step %scan3A_56 iter_args(%scan3A_60 = %scan3A_52) -> (i32)  : i32 {
      %mul3A_61 = arith.constant 2 : i32
      %mul3A_62 = arith.muli %scan3A_59, %mul3A_61 : i32
      %add3A_63 = arith.constant 0 : i32
      %add3A_64 = arith.addi %mul3A_62, %add3A_63 : i32
      %mul3A_65 = arith.constant 64 : i32
      %mul3A_66 = arith.muli %add3A_64, %mul3A_65 : i32
      %add3A_67 = arith.addi %add3A_4, %mul3A_66 : i32
      %dma_wait3A = arith.constant 0 : i32
      %dma_wait3A_68 = tpu.memref_slice %arg2[%add3A_67, %dma_wait3A] : memref<65536x512xf32, #tpu.memory_space<hbm>> -> memref<64x512xf32, #tpu.memory_space<hbm>>
      %dma_wait3A_69 = arith.constant 0 : i32
      %dma_wait3A_70 = tpu.memref_slice %arg2[%add3A_67, %dma_wait3A_69] : memref<65536x512xf32, #tpu.memory_space<hbm>> -> memref<64x512xf32, #tpu.memory_space<hbm>>
      tpu.wait_dma2 semaphore(%arg12 : memref<!tpu.dma_semaphore, #tpu.memory_space<semaphore_mem>>) src(%dma_wait3A_70 : memref<64x512xf32, #tpu.memory_space<hbm>>) dst(%arg10 : memref<64x512xf32, #tpu.memory_space<vmem>>)
      %dma_start3A_71 = arith.constant 0 : i32
      %dma_start3A_72 = tpu.memref_slice %arg9[%add3A_64, %dma_start3A_71] : memref<8x64xi32, #tpu.memory_space<vmem>> -> memref<1x64xi32, #tpu.memory_space<vmem>>
      %dma_start3A_73 = tpu.memref_squeeze %dma_start3A_72 : memref<1x64xi32, #tpu.memory_space<vmem>> -> memref<64xi32, #tpu.memory_space<vmem>>
      %dma_start3A_74 = arith.constant 0 : i32
      %dma_start3A_75 = arith.constant 0 : i32
      %dma_start3A_76 = tpu.memref_slice %arg5[%dma_start3A_74, %dma_start3A_75] : memref<20480x512xf32, #tpu.memory_space<hbm>> -> memref<20480x512xf32, #tpu.memory_space<hbm>>
      tpu.enqueue_indirect_dma source(%arg10 : memref<64x512xf32, #tpu.memory_space<vmem>>) target(%dma_start3A_76 : memref<20480x512xf32, #tpu.memory_space<hbm>>) offsets(%dma_start3A_73 : memref<64xi32, #tpu.memory_space<vmem>>) semaphore(%arg14 : memref<!tpu.dma_semaphore, #tpu.memory_space<semaphore_mem>>)
      %dma_wait3A_77 = arith.constant 0 : i32
      %dma_wait3A_78 = tpu.memref_slice %arg9[%add3A_64, %dma_wait3A_77] : memref<8x64xi32, #tpu.memory_space<vmem>> -> memref<1x64xi32, #tpu.memory_space<vmem>>
      %dma_wait3A_79 = tpu.memref_squeeze %dma_wait3A_78 : memref<1x64xi32, #tpu.memory_space<vmem>> -> memref<64xi32, #tpu.memory_space<vmem>>
      %dma_wait3A_80 = arith.constant 0 : i32
      %dma_wait3A_81 = arith.constant 0 : i32
      %dma_wait3A_82 = tpu.memref_slice %arg5[%dma_wait3A_80, %dma_wait3A_81] : memref<20480x512xf32, #tpu.memory_space<hbm>> -> memref<20480x512xf32, #tpu.memory_space<hbm>>
      tpu.wait_indirect_dma semaphore(%arg14 : memref<!tpu.dma_semaphore, #tpu.memory_space<semaphore_mem>>) src(%arg10 : memref<64x512xf32, #tpu.memory_space<vmem>>) dst(%dma_wait3A_82 : memref<20480x512xf32, #tpu.memory_space<hbm>>)
      %add3A_83 = arith.constant 2 : i32
      %add3A_84 = arith.addi %add3A_64, %add3A_83 : i32
      %lt3A = arith.constant 8 : i32
      %lt3A_85 = arith.cmpi slt, %add3A_84, %lt3A : i32
      %convert_element_type3A = arith.extui %lt3A_85 : i1 to i32
      %cond3A = arith.constant 0 : i32
      %cond3A_86 = arith.cmpi ne, %convert_element_type3A, %cond3A : i32
      scf.if %cond3A_86 {
        %add3A_116 = arith.constant 2 : i32
        %add3A_117 = arith.addi %add3A_64, %add3A_116 : i32
        %mul3A_118 = arith.constant 64 : i32
        %mul3A_119 = arith.muli %add3A_117, %mul3A_118 : i32
        %add3A_120 = arith.addi %add3A_4, %mul3A_119 : i32
        %dma_start3A_121 = arith.constant 0 : i32
        %dma_start3A_122 = tpu.memref_slice %arg2[%add3A_120, %dma_start3A_121] : memref<65536x512xf32, #tpu.memory_space<hbm>> -> memref<64x512xf32, #tpu.memory_space<hbm>>
        %dma_start3A_123 = arith.constant 0 : i32
        %dma_start3A_124 = tpu.memref_slice %arg2[%add3A_120, %dma_start3A_123] : memref<65536x512xf32, #tpu.memory_space<hbm>> -> memref<64x512xf32, #tpu.memory_space<hbm>>
        tpu.enqueue_dma source(%dma_start3A_124 : memref<64x512xf32, #tpu.memory_space<hbm>>) target(%arg10 : memref<64x512xf32, #tpu.memory_space<vmem>>) target_semaphore(%arg12 : memref<!tpu.dma_semaphore, #tpu.memory_space<semaphore_mem>>)
      } else {
      }
      %add3A_87 = arith.constant 1 : i32
      %add3A_88 = arith.addi %mul3A_62, %add3A_87 : i32
      %mul3A_89 = arith.constant 64 : i32
      %mul3A_90 = arith.muli %add3A_88, %mul3A_89 : i32
      %add3A_91 = arith.addi %add3A_4, %mul3A_90 : i32
      %dma_wait3A_92 = arith.constant 0 : i32
      %dma_wait3A_93 = tpu.memref_slice %arg2[%add3A_91, %dma_wait3A_92] : memref<65536x512xf32, #tpu.memory_space<hbm>> -> memref<64x512xf32, #tpu.memory_space<hbm>>
      %dma_wait3A_94 = arith.constant 0 : i32
      %dma_wait3A_95 = tpu.memref_slice %arg2[%add3A_91, %dma_wait3A_94] : memref<65536x512xf32, #tpu.memory_space<hbm>> -> memref<64x512xf32, #tpu.memory_space<hbm>>
      tpu.wait_dma2 semaphore(%arg13 : memref<!tpu.dma_semaphore, #tpu.memory_space<semaphore_mem>>) src(%dma_wait3A_95 : memref<64x512xf32, #tpu.memory_space<hbm>>) dst(%arg11 : memref<64x512xf32, #tpu.memory_space<vmem>>)
      %dma_start3A_96 = arith.constant 0 : i32
      %dma_start3A_97 = tpu.memref_slice %arg9[%add3A_88, %dma_start3A_96] : memref<8x64xi32, #tpu.memory_space<vmem>> -> memref<1x64xi32, #tpu.memory_space<vmem>>
      %dma_start3A_98 = tpu.memref_squeeze %dma_start3A_97 : memref<1x64xi32, #tpu.memory_space<vmem>> -> memref<64xi32, #tpu.memory_space<vmem>>
      %dma_start3A_99 = arith.constant 0 : i32
      %dma_start3A_100 = arith.constant 0 : i32
      %dma_start3A_101 = tpu.memref_slice %arg5[%dma_start3A_99, %dma_start3A_100] : memref<20480x512xf32, #tpu.memory_space<hbm>> -> memref<20480x512xf32, #tpu.memory_space<hbm>>
      tpu.enqueue_indirect_dma source(%arg11 : memref<64x512xf32, #tpu.memory_space<vmem>>) target(%dma_start3A_101 : memref<20480x512xf32, #tpu.memory_space<hbm>>) offsets(%dma_start3A_98 : memref<64xi32, #tpu.memory_space<vmem>>) semaphore(%arg15 : memref<!tpu.dma_semaphore, #tpu.memory_space<semaphore_mem>>)
      %dma_wait3A_102 = arith.constant 0 : i32
      %dma_wait3A_103 = tpu.memref_slice %arg9[%add3A_88, %dma_wait3A_102] : memref<8x64xi32, #tpu.memory_space<vmem>> -> memref<1x64xi32, #tpu.memory_space<vmem>>
      %dma_wait3A_104 = tpu.memref_squeeze %dma_wait3A_103 : memref<1x64xi32, #tpu.memory_space<vmem>> -> memref<64xi32, #tpu.memory_space<vmem>>
      %dma_wait3A_105 = arith.constant 0 : i32
      %dma_wait3A_106 = arith.constant 0 : i32
      %dma_wait3A_107 = tpu.memref_slice %arg5[%dma_wait3A_105, %dma_wait3A_106] : memref<20480x512xf32, #tpu.memory_space<hbm>> -> memref<20480x512xf32, #tpu.memory_space<hbm>>
      tpu.wait_indirect_dma semaphore(%arg15 : memref<!tpu.dma_semaphore, #tpu.memory_space<semaphore_mem>>) src(%arg11 : memref<64x512xf32, #tpu.memory_space<vmem>>) dst(%dma_wait3A_107 : memref<20480x512xf32, #tpu.memory_space<hbm>>)
      %add3A_108 = arith.constant 2 : i32
      %add3A_109 = arith.addi %add3A_88, %add3A_108 : i32
      %lt3A_110 = arith.constant 8 : i32
      %lt3A_111 = arith.cmpi slt, %add3A_109, %lt3A_110 : i32
      %convert_element_type3A_112 = arith.extui %lt3A_111 : i1 to i32
      %cond3A_113 = arith.constant 0 : i32
      %cond3A_114 = arith.cmpi ne, %convert_element_type3A_112, %cond3A_113 : i32
      scf.if %cond3A_114 {
        %add3A_116 = arith.constant 2 : i32
        %add3A_117 = arith.addi %add3A_88, %add3A_116 : i32
        %mul3A_118 = arith.constant 64 : i32
        %mul3A_119 = arith.muli %add3A_117, %mul3A_118 : i32
        %add3A_120 = arith.addi %add3A_4, %mul3A_119 : i32
        %dma_start3A_121 = arith.constant 0 : i32
        %dma_start3A_122 = tpu.memref_slice %arg2[%add3A_120, %dma_start3A_121] : memref<65536x512xf32, #tpu.memory_space<hbm>> -> memref<64x512xf32, #tpu.memory_space<hbm>>
        %dma_start3A_123 = arith.constant 0 : i32
        %dma_start3A_124 = tpu.memref_slice %arg2[%add3A_120, %dma_start3A_123] : memref<65536x512xf32, #tpu.memory_space<hbm>> -> memref<64x512xf32, #tpu.memory_space<hbm>>
        tpu.enqueue_dma source(%dma_start3A_124 : memref<64x512xf32, #tpu.memory_space<hbm>>) target(%arg11 : memref<64x512xf32, #tpu.memory_space<vmem>>) target_semaphore(%arg13 : memref<!tpu.dma_semaphore, #tpu.memory_space<semaphore_mem>>)
      } else {
      }
      %scan3A_115 = arith.constant 0 : i32
      scf.yield %scan3A_115 : i32
    }
    %scan3A_58 = arith.constant 4 : i32
    return
  }
}

module attributes {stable_mosaic.version = 14 : i64} {
  func.func @body(%arg0: i32, %arg1: memref<40xi32, #tpu.memory_space<smem>>, %arg2: memref<512x512xf32, #tpu.memory_space<vmem>>, %arg3: memref<1x512x256xf32, #tpu.memory_space<vmem>>, %arg4: memref<1x1x256xf32, #tpu.memory_space<vmem>>, %arg5: memref<1x256x128xf32, #tpu.memory_space<vmem>>, %arg6: memref<1x1x128xf32, #tpu.memory_space<vmem>>, %arg7: memref<1x1x128xf32, #tpu.memory_space<vmem>>, %arg8: memref<1x1x1xf32, #tpu.memory_space<vmem>>, %arg9: memref<512xf32, #tpu.memory_space<vmem>>) attributes {dimension_semantics = [#tpu.dimension_semantics<arbitrary>], iteration_bounds = array<i64: 40>, scalar_prefetch = 1 : i64, scratch_operands = 0 : i64, tpu.core_type = #tpu.core_type<tc>, window_params = [{transform_indices = @transform_0, window_bounds = array<i64: 512, 512>}, {transform_indices = @transform_1, window_bounds = array<i64: 1, 512, 256>}, {transform_indices = @transform_2, window_bounds = array<i64: 1, 1, 256>}, {transform_indices = @transform_3, window_bounds = array<i64: 1, 256, 128>}, {transform_indices = @transform_4, window_bounds = array<i64: 1, 1, 128>}, {transform_indices = @transform_5, window_bounds = array<i64: 1, 1, 128>}, {transform_indices = @transform_6, window_bounds = array<i64: 1, 1, 1>}, {transform_indices = @transform_7, window_bounds = array<i64: 512>}]} {
    %get3A = arith.constant 0 : index
    %get3A_0 = arith.constant 0 : index
    %get3A_1 = vector.load %arg2[%get3A, %get3A_0] : memref<512x512xf32, #tpu.memory_space<vmem>>, vector<512x512xf32>
    %get3A_2 = arith.constant 0 : index
    %get3A_3 = arith.constant 0 : index
    %get3A_4 = arith.constant 0 : index
    %get3A_5 = vector.load %arg3[%get3A_2, %get3A_3, %get3A_4] : memref<1x512x256xf32, #tpu.memory_space<vmem>>, vector<1x512x256xf32>
    %get3A_6 = vector.shape_cast %get3A_5 : vector<1x512x256xf32> to vector<512x256xf32>
    %dot_general3A = arith.constant dense<0.000000e+00> : vector<512x256xf32>
    %dot_general3A_7 = tpu.matmul %get3A_1, %get3A_6, %dot_general3A {dimension_numbers = #tpu.dot_dimension_numbers<[1], [0], [0], [1], [0, 0, 1, 1], [], []>, transpose_lhs_hint = false} : vector<512x512xf32>, vector<512x256xf32>, vector<512x256xf32> -> vector<512x256xf32>
    %get3A_8 = arith.constant 0 : index
    %get3A_9 = arith.constant 0 : index
    %get3A_10 = arith.constant 0 : index
    %get3A_11 = vector.load %arg4[%get3A_8, %get3A_9, %get3A_10] : memref<1x1x256xf32, #tpu.memory_space<vmem>>, vector<1x1x256xf32>
    %get3A_12 = vector.shape_cast %get3A_11 : vector<1x1x256xf32> to vector<1x256xf32>
    %add3A = vector.broadcast %get3A_12 : vector<1x256xf32> to vector<512x256xf32>
    %add3A_13 = arith.addf %dot_general3A_7, %add3A : vector<512x256xf32>
    %gt3A = arith.constant 0.000000e+00 : f32
    %gt3A_14 = vector.broadcast %gt3A : f32 to vector<512x256xf32>
    %gt3A_15 = arith.cmpf ogt, %add3A_13, %gt3A_14 : vector<512x256xf32>
    %div3A = arith.constant 1.000000e-01 : f32
    %div3A_16 = vector.broadcast %div3A : f32 to vector<512x256xf32>
    %div3A_17 = arith.divf %add3A_13, %div3A_16 : vector<512x256xf32>
    %exp3A = math.exp %div3A_17 : vector<512x256xf32>
    %sub3A = arith.constant 1.000000e+00 : f32
    %sub3A_18 = vector.broadcast %sub3A : f32 to vector<512x256xf32>
    %sub3A_19 = arith.subf %exp3A, %sub3A_18 : vector<512x256xf32>
    %mul3A = arith.constant 1.000000e-01 : f32
    %mul3A_20 = vector.broadcast %mul3A : f32 to vector<512x256xf32>
    %mul3A_21 = arith.mulf %mul3A_20, %sub3A_19 : vector<512x256xf32>
    %select_n3A = arith.select %gt3A_15, %add3A_13, %mul3A_21 : vector<512x256xi1>, vector<512x256xf32>
    %get3A_22 = arith.constant 0 : index
    %get3A_23 = arith.constant 0 : index
    %get3A_24 = arith.constant 0 : index
    %get3A_25 = vector.load %arg5[%get3A_22, %get3A_23, %get3A_24] : memref<1x256x128xf32, #tpu.memory_space<vmem>>, vector<1x256x128xf32>
    %get3A_26 = vector.shape_cast %get3A_25 : vector<1x256x128xf32> to vector<256x128xf32>
    %dot_general3A_27 = arith.constant dense<0.000000e+00> : vector<512x128xf32>
    %dot_general3A_28 = tpu.matmul %select_n3A, %get3A_26, %dot_general3A_27 {dimension_numbers = #tpu.dot_dimension_numbers<[1], [0], [0], [1], [0, 0, 1, 1], [], []>, transpose_lhs_hint = false} : vector<512x256xf32>, vector<256x128xf32>, vector<512x128xf32> -> vector<512x128xf32>
    %get3A_29 = arith.constant 0 : index
    %get3A_30 = arith.constant 0 : index
    %get3A_31 = arith.constant 0 : index
    %get3A_32 = vector.load %arg6[%get3A_29, %get3A_30, %get3A_31] : memref<1x1x128xf32, #tpu.memory_space<vmem>>, vector<1x1x128xf32>
    %get3A_33 = vector.shape_cast %get3A_32 : vector<1x1x128xf32> to vector<1x128xf32>
    %add3A_34 = vector.broadcast %get3A_33 : vector<1x128xf32> to vector<512x128xf32>
    %add3A_35 = arith.addf %dot_general3A_28, %add3A_34 : vector<512x128xf32>
    %gt3A_36 = arith.constant 0.000000e+00 : f32
    %gt3A_37 = vector.broadcast %gt3A_36 : f32 to vector<512x128xf32>
    %gt3A_38 = arith.cmpf ogt, %add3A_35, %gt3A_37 : vector<512x128xf32>
    %div3A_39 = arith.constant 1.000000e-01 : f32
    %div3A_40 = vector.broadcast %div3A_39 : f32 to vector<512x128xf32>
    %div3A_41 = arith.divf %add3A_35, %div3A_40 : vector<512x128xf32>
    %exp3A_42 = math.exp %div3A_41 : vector<512x128xf32>
    %sub3A_43 = arith.constant 1.000000e+00 : f32
    %sub3A_44 = vector.broadcast %sub3A_43 : f32 to vector<512x128xf32>
    %sub3A_45 = arith.subf %exp3A_42, %sub3A_44 : vector<512x128xf32>
    %mul3A_46 = arith.constant 1.000000e-01 : f32
    %mul3A_47 = vector.broadcast %mul3A_46 : f32 to vector<512x128xf32>
    %mul3A_48 = arith.mulf %mul3A_47, %sub3A_45 : vector<512x128xf32>
    %select_n3A_49 = arith.select %gt3A_38, %add3A_35, %mul3A_48 : vector<512x128xi1>, vector<512x128xf32>
    %get3A_50 = arith.constant 0 : index
    %get3A_51 = arith.constant 0 : index
    %get3A_52 = arith.constant 0 : index
    %get3A_53 = vector.load %arg7[%get3A_50, %get3A_51, %get3A_52] : memref<1x1x128xf32, #tpu.memory_space<vmem>>, vector<1x1x128xf32>
    %get3A_54 = vector.shape_cast %get3A_53 : vector<1x1x128xf32> to vector<1x128xf32>
    %dot_general3A_55 = arith.constant dense<0.000000e+00> : vector<1x512xf32>
    %dot_general3A_56 = tpu.matmul %get3A_54, %select_n3A_49, %dot_general3A_55 {dimension_numbers = #tpu.dot_dimension_numbers<[1], [1], [0], [0], [0, 0, 1, 0], [], []>, transpose_lhs_hint = false} : vector<1x128xf32>, vector<512x128xf32>, vector<1x512xf32> -> vector<1x512xf32>
    %squeeze3A = vector.shape_cast %dot_general3A_56 : vector<1x512xf32> to vector<512xf32>
    %get3A_57 = arith.constant 0 : index
    %get3A_58 = arith.constant 0 : index
    %get3A_59 = arith.constant 0 : index
    %get3A_60 = vector.load %arg8[%get3A_57, %get3A_58, %get3A_59] : memref<1x1x1xf32, #tpu.memory_space<vmem>>, vector<1x1x1xf32>
    %get3A_61 = vector.shape_cast %get3A_60 : vector<1x1x1xf32> to vector<1xf32>
    %add3A_62 = vector.broadcast %get3A_61 : vector<1xf32> to vector<512xf32>
    %add3A_63 = arith.addf %squeeze3A, %add3A_62 : vector<512xf32>
    %swap3A = arith.constant 0 : index
    %swap3A_64 = vector.load %arg9[%swap3A] : memref<512xf32, #tpu.memory_space<vmem>>, vector<512xf32>
    tpu.vector_store %arg9[%swap3A], %add3A_63 {strides = array<i32>} : memref<512xf32, #tpu.memory_space<vmem>>, vector<512xf32>,
    return
  }
  func.func @transform_0(%arg0: i32, %arg1: memref<40xi32, #tpu.memory_space<smem>>) -> (i32, i32) {
    %c0_i32 = arith.constant 0 : i32
    %c0_i32_0 = arith.constant 0 : i32
    return %arg0, %c0_i32 : i32, i32
  }
  func.func @transform_1(%arg0: i32, %arg1: memref<40xi32, #tpu.memory_space<smem>>) -> (i32, i32, i32) {
    %get3A = arith.index_cast %arg0 : i32 to index
    %get3A_0 = memref.load %arg1[%get3A] : memref<40xi32, #tpu.memory_space<smem>>
    %c0_i32 = arith.constant 0 : i32
    %c0_i32_1 = arith.constant 0 : i32
    %c0_i32_2 = arith.constant 0 : i32
    return %get3A_0, %c0_i32, %c0_i32_1 : i32, i32, i32
  }
  func.func @transform_2(%arg0: i32, %arg1: memref<40xi32, #tpu.memory_space<smem>>) -> (i32, i32, i32) {
    %get3A = arith.index_cast %arg0 : i32 to index
    %get3A_0 = memref.load %arg1[%get3A] : memref<40xi32, #tpu.memory_space<smem>>
    %c0_i32 = arith.constant 0 : i32
    %c0_i32_1 = arith.constant 0 : i32
    %c0_i32_2 = arith.constant 0 : i32
    return %get3A_0, %c0_i32, %c0_i32_1 : i32, i32, i32
  }
  func.func @transform_3(%arg0: i32, %arg1: memref<40xi32, #tpu.memory_space<smem>>) -> (i32, i32, i32) {
    %get3A = arith.index_cast %arg0 : i32 to index
    %get3A_0 = memref.load %arg1[%get3A] : memref<40xi32, #tpu.memory_space<smem>>
    %c0_i32 = arith.constant 0 : i32
    %c0_i32_1 = arith.constant 0 : i32
    %c0_i32_2 = arith.constant 0 : i32
    return %get3A_0, %c0_i32, %c0_i32_1 : i32, i32, i32
  }
  func.func @transform_4(%arg0: i32, %arg1: memref<40xi32, #tpu.memory_space<smem>>) -> (i32, i32, i32) {
    %get3A = arith.index_cast %arg0 : i32 to index
    %get3A_0 = memref.load %arg1[%get3A] : memref<40xi32, #tpu.memory_space<smem>>
    %c0_i32 = arith.constant 0 : i32
    %c0_i32_1 = arith.constant 0 : i32
    %c0_i32_2 = arith.constant 0 : i32
    return %get3A_0, %c0_i32, %c0_i32_1 : i32, i32, i32
  }
  func.func @transform_5(%arg0: i32, %arg1: memref<40xi32, #tpu.memory_space<smem>>) -> (i32, i32, i32) {
    %get3A = arith.index_cast %arg0 : i32 to index
    %get3A_0 = memref.load %arg1[%get3A] : memref<40xi32, #tpu.memory_space<smem>>
    %c0_i32 = arith.constant 0 : i32
    %c0_i32_1 = arith.constant 0 : i32
    %c0_i32_2 = arith.constant 0 : i32
    return %get3A_0, %c0_i32, %c0_i32_1 : i32, i32, i32
  }
  func.func @transform_6(%arg0: i32, %arg1: memref<40xi32, #tpu.memory_space<smem>>) -> (i32, i32, i32) {
    %get3A = arith.index_cast %arg0 : i32 to index
    %get3A_0 = memref.load %arg1[%get3A] : memref<40xi32, #tpu.memory_space<smem>>
    %c0_i32 = arith.constant 0 : i32
    %c0_i32_1 = arith.constant 0 : i32
    %c0_i32_2 = arith.constant 0 : i32
    return %get3A_0, %c0_i32, %c0_i32_1 : i32, i32, i32
  }
  func.func @transform_7(%arg0: i32, %arg1: memref<40xi32, #tpu.memory_space<smem>>) -> i32 {
    %c0_i32 = arith.constant 0 : i32
    return %arg0 : i32
  }
}

module attributes {stable_mosaic.version = 14 : i64} {
  func.func @body(%arg0: i32, %arg1: memref<56xi32, #tpu.memory_space<smem>>, %arg2: memref<1024x512xf32, #tpu.memory_space<vmem>>, %arg3: memref<1x512x256xf32, #tpu.memory_space<vmem>>, %arg4: memref<1x1x256xf32, #tpu.memory_space<vmem>>, %arg5: memref<1x256x128xf32, #tpu.memory_space<vmem>>, %arg6: memref<1x1x128xf32, #tpu.memory_space<vmem>>, %arg7: memref<1x1x128xf32, #tpu.memory_space<vmem>>, %arg8: memref<1x1x1xf32, #tpu.memory_space<vmem>>, %arg9: memref<1024xf32, #tpu.memory_space<vmem>>) attributes {dimension_semantics = [#tpu.dimension_semantics<arbitrary>], iteration_bounds = array<i64: 56>, scalar_prefetch = 1 : i64, scratch_operands = 0 : i64, tpu.core_type = #tpu.core_type<tc>, window_params = [{transform_indices = @transform_0, window_bounds = array<i64: 1024, 512>}, {transform_indices = @transform_1, window_bounds = array<i64: 1, 512, 256>}, {transform_indices = @transform_2, window_bounds = array<i64: 1, 1, 256>}, {transform_indices = @transform_3, window_bounds = array<i64: 1, 256, 128>}, {transform_indices = @transform_4, window_bounds = array<i64: 1, 1, 128>}, {transform_indices = @transform_5, window_bounds = array<i64: 1, 1, 128>}, {transform_indices = @transform_6, window_bounds = array<i64: 1, 1, 1>}, {transform_indices = @transform_7, window_bounds = array<i64: 1024>}]} {
    %get3A = arith.constant 0 : index
    %get3A_0 = arith.constant 0 : index
    %get3A_1 = vector.load %arg2[%get3A, %get3A_0] : memref<1024x512xf32, #tpu.memory_space<vmem>>, vector<1024x512xf32>
    %get3A_2 = arith.constant 0 : index
    %get3A_3 = arith.constant 0 : index
    %get3A_4 = arith.constant 0 : index
    %get3A_5 = vector.load %arg3[%get3A_2, %get3A_3, %get3A_4] : memref<1x512x256xf32, #tpu.memory_space<vmem>>, vector<1x512x256xf32>
    %get3A_6 = vector.shape_cast %get3A_5 : vector<1x512x256xf32> to vector<512x256xf32>
    %dot_general3A = arith.constant dense<0.000000e+00> : vector<1024x256xf32>
    %dot_general3A_7 = tpu.matmul %get3A_1, %get3A_6, %dot_general3A {dimension_numbers = #tpu.dot_dimension_numbers<[1], [0], [0], [1], [0, 0, 1, 1], [], []>, transpose_lhs_hint = false} : vector<1024x512xf32>, vector<512x256xf32>, vector<1024x256xf32> -> vector<1024x256xf32>
    %get3A_8 = arith.constant 0 : index
    %get3A_9 = arith.constant 0 : index
    %get3A_10 = arith.constant 0 : index
    %get3A_11 = vector.load %arg4[%get3A_8, %get3A_9, %get3A_10] : memref<1x1x256xf32, #tpu.memory_space<vmem>>, vector<1x1x256xf32>
    %get3A_12 = vector.shape_cast %get3A_11 : vector<1x1x256xf32> to vector<1x256xf32>
    %add3A = vector.broadcast %get3A_12 : vector<1x256xf32> to vector<1024x256xf32>
    %add3A_13 = arith.addf %dot_general3A_7, %add3A : vector<1024x256xf32>
    %gt3A = arith.constant 0.000000e+00 : f32
    %gt3A_14 = vector.broadcast %gt3A : f32 to vector<1024x256xf32>
    %gt3A_15 = arith.cmpf ogt, %add3A_13, %gt3A_14 : vector<1024x256xf32>
    %div3A = arith.constant 1.000000e-01 : f32
    %div3A_16 = vector.broadcast %div3A : f32 to vector<1024x256xf32>
    %div3A_17 = arith.divf %add3A_13, %div3A_16 : vector<1024x256xf32>
    %exp3A = math.exp %div3A_17 : vector<1024x256xf32>
    %sub3A = arith.constant 1.000000e+00 : f32
    %sub3A_18 = vector.broadcast %sub3A : f32 to vector<1024x256xf32>
    %sub3A_19 = arith.subf %exp3A, %sub3A_18 : vector<1024x256xf32>
    %mul3A = arith.constant 1.000000e-01 : f32
    %mul3A_20 = vector.broadcast %mul3A : f32 to vector<1024x256xf32>
    %mul3A_21 = arith.mulf %mul3A_20, %sub3A_19 : vector<1024x256xf32>
    %select_n3A = arith.select %gt3A_15, %add3A_13, %mul3A_21 : vector<1024x256xi1>, vector<1024x256xf32>
    %get3A_22 = arith.constant 0 : index
    %get3A_23 = arith.constant 0 : index
    %get3A_24 = arith.constant 0 : index
    %get3A_25 = vector.load %arg5[%get3A_22, %get3A_23, %get3A_24] : memref<1x256x128xf32, #tpu.memory_space<vmem>>, vector<1x256x128xf32>
    %get3A_26 = vector.shape_cast %get3A_25 : vector<1x256x128xf32> to vector<256x128xf32>
    %dot_general3A_27 = arith.constant dense<0.000000e+00> : vector<1024x128xf32>
    %dot_general3A_28 = tpu.matmul %select_n3A, %get3A_26, %dot_general3A_27 {dimension_numbers = #tpu.dot_dimension_numbers<[1], [0], [0], [1], [0, 0, 1, 1], [], []>, transpose_lhs_hint = false} : vector<1024x256xf32>, vector<256x128xf32>, vector<1024x128xf32> -> vector<1024x128xf32>
    %get3A_29 = arith.constant 0 : index
    %get3A_30 = arith.constant 0 : index
    %get3A_31 = arith.constant 0 : index
    %get3A_32 = vector.load %arg6[%get3A_29, %get3A_30, %get3A_31] : memref<1x1x128xf32, #tpu.memory_space<vmem>>, vector<1x1x128xf32>
    %get3A_33 = vector.shape_cast %get3A_32 : vector<1x1x128xf32> to vector<1x128xf32>
    %add3A_34 = vector.broadcast %get3A_33 : vector<1x128xf32> to vector<1024x128xf32>
    %add3A_35 = arith.addf %dot_general3A_28, %add3A_34 : vector<1024x128xf32>
    %gt3A_36 = arith.constant 0.000000e+00 : f32
    %gt3A_37 = vector.broadcast %gt3A_36 : f32 to vector<1024x128xf32>
    %gt3A_38 = arith.cmpf ogt, %add3A_35, %gt3A_37 : vector<1024x128xf32>
    %div3A_39 = arith.constant 1.000000e-01 : f32
    %div3A_40 = vector.broadcast %div3A_39 : f32 to vector<1024x128xf32>
    %div3A_41 = arith.divf %add3A_35, %div3A_40 : vector<1024x128xf32>
    %exp3A_42 = math.exp %div3A_41 : vector<1024x128xf32>
    %sub3A_43 = arith.constant 1.000000e+00 : f32
    %sub3A_44 = vector.broadcast %sub3A_43 : f32 to vector<1024x128xf32>
    %sub3A_45 = arith.subf %exp3A_42, %sub3A_44 : vector<1024x128xf32>
    %mul3A_46 = arith.constant 1.000000e-01 : f32
    %mul3A_47 = vector.broadcast %mul3A_46 : f32 to vector<1024x128xf32>
    %mul3A_48 = arith.mulf %mul3A_47, %sub3A_45 : vector<1024x128xf32>
    %select_n3A_49 = arith.select %gt3A_38, %add3A_35, %mul3A_48 : vector<1024x128xi1>, vector<1024x128xf32>
    %get3A_50 = arith.constant 0 : index
    %get3A_51 = arith.constant 0 : index
    %get3A_52 = arith.constant 0 : index
    %get3A_53 = vector.load %arg7[%get3A_50, %get3A_51, %get3A_52] : memref<1x1x128xf32, #tpu.memory_space<vmem>>, vector<1x1x128xf32>
    %get3A_54 = vector.shape_cast %get3A_53 : vector<1x1x128xf32> to vector<1x128xf32>
    %dot_general3A_55 = arith.constant dense<0.000000e+00> : vector<1x1024xf32>
    %dot_general3A_56 = tpu.matmul %get3A_54, %select_n3A_49, %dot_general3A_55 {dimension_numbers = #tpu.dot_dimension_numbers<[1], [1], [0], [0], [0, 0, 1, 0], [], []>, transpose_lhs_hint = false} : vector<1x128xf32>, vector<1024x128xf32>, vector<1x1024xf32> -> vector<1x1024xf32>
    %squeeze3A = vector.shape_cast %dot_general3A_56 : vector<1x1024xf32> to vector<1024xf32>
    %get3A_57 = arith.constant 0 : index
    %get3A_58 = arith.constant 0 : index
    %get3A_59 = arith.constant 0 : index
    %get3A_60 = vector.load %arg8[%get3A_57, %get3A_58, %get3A_59] : memref<1x1x1xf32, #tpu.memory_space<vmem>>, vector<1x1x1xf32>
    %get3A_61 = vector.shape_cast %get3A_60 : vector<1x1x1xf32> to vector<1xf32>
    %add3A_62 = vector.broadcast %get3A_61 : vector<1xf32> to vector<1024xf32>
    %add3A_63 = arith.addf %squeeze3A, %add3A_62 : vector<1024xf32>
    %swap3A = arith.constant 0 : index
    %swap3A_64 = vector.load %arg9[%swap3A] : memref<1024xf32, #tpu.memory_space<vmem>>, vector<1024xf32>
    tpu.vector_store %arg9[%swap3A], %add3A_63 {strides = array<i32>} : memref<1024xf32, #tpu.memory_space<vmem>>, vector<1024xf32>,
    return
  }
  func.func @transform_0(%arg0: i32, %arg1: memref<56xi32, #tpu.memory_space<smem>>) -> (i32, i32) {
    %c0_i32 = arith.constant 0 : i32
    %c0_i32_0 = arith.constant 0 : i32
    return %arg0, %c0_i32 : i32, i32
  }
  func.func @transform_1(%arg0: i32, %arg1: memref<56xi32, #tpu.memory_space<smem>>) -> (i32, i32, i32) {
    %get3A = arith.index_cast %arg0 : i32 to index
    %get3A_0 = memref.load %arg1[%get3A] : memref<56xi32, #tpu.memory_space<smem>>
    %c0_i32 = arith.constant 0 : i32
    %c0_i32_1 = arith.constant 0 : i32
    %c0_i32_2 = arith.constant 0 : i32
    return %get3A_0, %c0_i32, %c0_i32_1 : i32, i32, i32
  }
  func.func @transform_2(%arg0: i32, %arg1: memref<56xi32, #tpu.memory_space<smem>>) -> (i32, i32, i32) {
    %get3A = arith.index_cast %arg0 : i32 to index
    %get3A_0 = memref.load %arg1[%get3A] : memref<56xi32, #tpu.memory_space<smem>>
    %c0_i32 = arith.constant 0 : i32
    %c0_i32_1 = arith.constant 0 : i32
    %c0_i32_2 = arith.constant 0 : i32
    return %get3A_0, %c0_i32, %c0_i32_1 : i32, i32, i32
  }
  func.func @transform_3(%arg0: i32, %arg1: memref<56xi32, #tpu.memory_space<smem>>) -> (i32, i32, i32) {
    %get3A = arith.index_cast %arg0 : i32 to index
    %get3A_0 = memref.load %arg1[%get3A] : memref<56xi32, #tpu.memory_space<smem>>
    %c0_i32 = arith.constant 0 : i32
    %c0_i32_1 = arith.constant 0 : i32
    %c0_i32_2 = arith.constant 0 : i32
    return %get3A_0, %c0_i32, %c0_i32_1 : i32, i32, i32
  }
  func.func @transform_4(%arg0: i32, %arg1: memref<56xi32, #tpu.memory_space<smem>>) -> (i32, i32, i32) {
    %get3A = arith.index_cast %arg0 : i32 to index
    %get3A_0 = memref.load %arg1[%get3A] : memref<56xi32, #tpu.memory_space<smem>>
    %c0_i32 = arith.constant 0 : i32
    %c0_i32_1 = arith.constant 0 : i32
    %c0_i32_2 = arith.constant 0 : i32
    return %get3A_0, %c0_i32, %c0_i32_1 : i32, i32, i32
  }
  func.func @transform_5(%arg0: i32, %arg1: memref<56xi32, #tpu.memory_space<smem>>) -> (i32, i32, i32) {
    %get3A = arith.index_cast %arg0 : i32 to index
    %get3A_0 = memref.load %arg1[%get3A] : memref<56xi32, #tpu.memory_space<smem>>
    %c0_i32 = arith.constant 0 : i32
    %c0_i32_1 = arith.constant 0 : i32
    %c0_i32_2 = arith.constant 0 : i32
    return %get3A_0, %c0_i32, %c0_i32_1 : i32, i32, i32
  }
  func.func @transform_6(%arg0: i32, %arg1: memref<56xi32, #tpu.memory_space<smem>>) -> (i32, i32, i32) {
    %get3A = arith.index_cast %arg0 : i32 to index
    %get3A_0 = memref.load %arg1[%get3A] : memref<56xi32, #tpu.memory_space<smem>>
    %c0_i32 = arith.constant 0 : i32
    %c0_i32_1 = arith.constant 0 : i32
    %c0_i32_2 = arith.constant 0 : i32
    return %get3A_0, %c0_i32, %c0_i32_1 : i32, i32, i32
  }
  func.func @transform_7(%arg0: i32, %arg1: memref<56xi32, #tpu.memory_space<smem>>) -> i32 {
    %c0_i32 = arith.constant 0 : i32
    return %arg0 : i32
  }
}

</mosaic_0001>

<sc_bundles>
// kernel: kernel.11.cloned.1.call-start
scs
__scs_entry_jumppad:
0x0: {  	(pc) =	sbr.rel $0x88, $3  }
0x1: {  	(tag) =	ssettag $0x0;
	lr =	simm.s32 $0x1  }
0x2: {  	[smem:$0x3F99] =	sst lr;
	_ =	strace $0xD0000000  }
0x3: {  	_ = 	snop  }
0x4: {  	_ = 	snop  }
0x5: {  	_ = 	snop  }
0x6: {  	_ = 	snop  }
0x7: {  	_ = 	snop  }
__scs_overlays_trampoline_lowered:
0x8: {  	[smem:$0x3FA8] =	sst s0  }
0x9: {  	[smem:$0x3FA9] =	sst s1  }
0xa: {  	[smem:$0x3FAA] =	sst s2  }
0xb: {  	[smem:$0x3FAB] =	sst s3  }
0xc: {  	[smem:$0x3FAC] =	sst s4  }
0xd: {  	[smem:$0x3FAD] =	sst s5  }
0xe: {  	[smem:$0x3FAE] =	sst s6  }
0xf: {  	[smem:$0x3FAF] =	sst s7  }
0x10: {  	[smem:$0x3FB0] =	sst s8  }
0x11: {  	[smem:$0x3FB1] =	sst s9;
	s0 =	simm.s32 @!p0 $0x0  }
0x12: {  	s1 =	sld [smem:$0x3F97];
	s0 =	simm.s32 @p0 $0x1  }
0x13: {  	[smem:$0x3FB2] =	sst s0;
	s0 =	simm.s32 @!p1 $0x0  }
0x14: {  	s2 =	sld [smem:$0x3F96];
	s0 =	simm.s32 @p1 $0x1  }
0x15: {  	[smem:$0x3FB3] =	sst s0;
	s0 =	simm.s32 @!p2 $0x0  }
0x16: {  	s3 =	sld [smem:$0x3FDB];
	s0 =	simm.s32 @p2 $0x1  }
0x17: {  	s4 =	simm.s32 $0x1BF5;
	[smem:$0x3FB5] =	sst s0  }
0x18: {  	s0 =	sld [smem:$0x3F98];
	_ =	swait.ge [sflag:s4], $0x0  }
0x19: {  	s7 =	sld [smem:$0x3F99]  }
0x1a: {  	s8 =	sadd.s32 $0xFFFFE003, lr  }
0x1b: {  	s9 =	sadd.s32 $0xFFFFFEF7, lr;
	s5 =	simm.s32 $0xFFFFFFFF;
	p2 =	slt.u32 s8, $0xFFFFF086  }
0x1c: {  	p1 =	slt.u32 s9, $0xF7A;
	s5 =	simm.s32 @!p2 $0x0  }
0x1d: {  	s5 =	simm.s32 @p1 $0x1;
	p0 =	seq.s32 s7, s2  }
0x1e: {  	s7 =	smul.u32 @!p0 $0xF7A, s2;
	p2 =	seq.s32 @!p0 s5, $0x0  }
0x1f: {  	s9 =	smul.u32 $0xF7A, s1;
	s8 =	simm.s32 @!p0 $0x1BF5;
	p2 =	por !p2, p0  }
0x20: {  	[sflag:s8] =	ssyncset.s32 @!p0 $0xFFFFF086;
	s6 =	sadd.s32 @!p0 s3, s7;
	s7 =	simm.s32 @!p0 $0x108  }
0x21: {  	s3 =	sadd.s32 s3, s9;
	s6 =	sadd.s32 @!p0 $0x88, s6;
	s7 =	simm.s32 @p2 $0x1082  }
0x22: {  	[simem:s7], [sflag:s8] =	dma.local @!p0 [hbm:s6], $0xF7A  }
0x23: {  	s9 =	sor.u32 $0xD0000000, s2;
	s6 =	simm.s32 $0x108;
	_ =	swait.ge @!p0 [sflag:s8], $0x0  }
0x24: {  	s3 =	sadd.s32 $0x88, s3;
	s6 =	simm.s32 @!p1 $0x1082;
	[sflag:s4] =	ssyncset.s32 $0xFFFFF086  }
0x25: {  	[simem:s6], [sflag:s4] =	dma.local [hbm:s3], $0xF7A  }
0x26: {  	[smem:$0x3F99] =	sst s1;
	(tag) =	ssettag s2;
	_ =	strace s9  }
0x27: {  	s1 =	sld [smem:$0x3FA9]  }
0x28: {  	s2 =	sld [smem:$0x3FAA]  }
0x29: {  	s4 =	sld [smem:$0x3FAC]  }
0x2a: {  	p0 =	seq.s32 s5, $0x0;
	s5 =	sld [smem:$0x3FAD]  }
0x2b: {  	s6 =	sld [smem:$0x3FAE]  }
0x2c: {  	s7 =	sld [smem:$0x3FAF]  }
0x2d: {  	s3 =	simm.s32 $0x108;
	s8 =	sld [smem:$0x3FB0]  }
0x2e: {  	s3 =	simm.s32 @!p0 $0x1082;
	s9 =	sld [smem:$0x3FB1]  }
0x2f: {  	lr =	sadd.s32 s0, s3;
	s0 =	sld [smem:$0x3FA8]  }
0x30: {  	s3 =	sld [smem:$0x3FAB]  }
0x31: {  	[smem:$0x3FB4] =	sst s10  }
0x32: {  	s10 =	sld [smem:$0x3FB2];
	_ =	sdelay $0x3  }
0x33: {  	p0 =	seq.s32 s10, $0x1;
	s10 =	sld [smem:$0x3FB4];
	_ =	sdelay $0x3  }
0x34: {  	[smem:$0x3FB4] =	sst s10  }
0x35: {  	s10 =	sld [smem:$0x3FB3];
	_ =	sdelay $0x3  }
0x36: {  	p1 =	seq.s32 s10, $0x1;
	s10 =	sld [smem:$0x3FB4];
	_ =	sdelay $0x3  }
0x37: {  	[smem:$0x3FB4] =	sst s10  }
0x38: {  	s10 =	sld [smem:$0x3FB5]  }
0x39: {  	_ = 	snop;
	(pc) =	sbr.ind lr, $3  }
0x3a: {  	_ = 	snop  }
0x3b: {  	_ = 	snop  }
0x3c: {  	p2 =	seq.s32 s10, $0x1;
	s10 =	sld [smem:$0x3FB4]  }
0x3d: {  	_ =	shalt  }
0x3e: {  	_ =	shalt  }
0x3f: {  	_ =	shalt  }
0x40: {  	_ =	shalt  }
0x41: {  	_ =	shalt  }
0x42: {  	_ =	shalt  }
0x43: {  	_ =	shalt  }
0x44: {  	_ =	shalt  }
0x45: {  	_ =	shalt  }
0x46: {  	_ =	shalt  }
0x47: {  	_ =	shalt  }
0x48: {  	_ =	shalt  }
0x49: {  	_ =	shalt  }
0x4a: {  	_ =	shalt  }
0x4b: {  	_ =	shalt  }
0x4c: {  	_ =	shalt  }
0x4d: {  	_ =	shalt  }
0x4e: {  	_ =	shalt  }
0x4f: {  	_ =	shalt  }
0x50: {  	_ =	shalt  }
0x51: {  	_ =	shalt  }
0x52: {  	_ =	shalt  }
0x53: {  	_ =	shalt  }
0x54: {  	_ =	shalt  }
0x55: {  	_ =	shalt  }
0x56: {  	_ =	shalt  }
0x57: {  	_ =	shalt  }
0x58: {  	_ =	shalt  }
0x59: {  	_ =	shalt  }
0x5a: {  	_ =	shalt  }
0x5b: {  	_ =	shalt  }
0x5c: {  	_ =	shalt  }
0x5d: {  	_ =	shalt  }
0x5e: {  	_ =	shalt  }
0x5f: {  	_ =	shalt  }
0x60: {  	_ =	shalt  }
0x61: {  	_ =	shalt  }
0x62: {  	_ =	shalt  }
0x63: {  	_ =	shalt  }
0x64: {  	_ =	shalt  }
0x65: {  	_ =	shalt  }
0x66: {  	_ =	shalt  }
0x67: {  	_ =	shalt  }
0x68: {  	_ =	shalt  }
0x69: {  	_ =	shalt  }
0x6a: {  	_ =	shalt  }
0x6b: {  	_ =	shalt  }
0x6c: {  	_ =	shalt  }
0x6d: {  	_ =	shalt  }
0x6e: {  	_ =	shalt  }
0x6f: {  	_ =	shalt  }
0x70: {  	_ =	shalt  }
0x71: {  	_ =	shalt  }
0x72: {  	_ =	shalt  }
0x73: {  	_ =	shalt  }
0x74: {  	_ =	shalt  }
0x75: {  	_ =	shalt  }
0x76: {  	_ =	shalt  }
0x77: {  	_ =	shalt  }
0x78: {  	_ =	shalt  }
0x79: {  	_ =	shalt  }
0x7a: {  	_ =	shalt  }
0x7b: {  	_ =	shalt  }
0x7c: {  	_ =	shalt  }
0x7d: {  	_ =	shalt  }
0x7e: {  	_ =	shalt  }
0x7f: {  	_ =	shalt  }
0x80: {  	_ =	shalt  }
0x81: {  	_ =	shalt  }
0x82: {  	_ =	shalt  }
0x83: {  	_ =	shalt  }
0x84: {  	_ =	shalt  }
0x85: {  	_ =	shalt  }
0x86: {  	_ =	shalt  }
0x87: {  	_ =	shalt  }
.Lfunc_end0:
.L_simem_size_0:
called_computation.1_lowered:
.L_overlay_start_0:
0x88: {  	s2 =	sld [smem:$0x3FD9]  }
0x89: {  	s3 =	sld [smem:$0x3FFE];
	_ =	sdelay $0x1  }
0x8a: {  	s1 =	srdreg.scid  }
0x8b: {  	s0 =	sand.u32 $0x1, s1  }
0x8c: {  	s17 =	sshll.u32 s0, $0xA;
	s2 =	sadd.s32 s3, s2  }
0x8d: {  	s2 =	sadd.s32 s2, s17  }
0x8e: {  	[smem:$0x3FC0] =	sst s2  }
0x8f: {  	_ = 	snop  }
0x90: {  	(tm) =	ssettm $0x1  }
0x91: {  	s18 =	sld [smem:$0x3FFB];
	_ =	sdelay $0x3  }
0x92: {  	_ =	strace s18  }
0x93: {  	s2 =	sld [smem:$0x3FFC];
	_ =	sdelay $0x3  }
0x94: {  	_ =	strace s2  }
0x95: {  	s2 =	sld [smem:$0x3FFD];
	_ =	sdelay $0x3  }
0x96: {  	_ =	strace s2  }
0x97: {  	_ =	strace $0x8FFFFFFF  }
0x98: {  	s19 =	sld [smem:$0x3FDB];
	_ =	sdelay $0x1  }
0x99: {  	s20 =	simm.s32 $_scs_section_size  }
0x9a: {  	s4 =	simm.s32 $_size__tile_overlayer_lowered;
	s5 =	simm.s32 $_tile_overlayer_lowered  }
0x9b: {  	s6 =	simm.s32 $0x1BFF;
	s21 =	sshll.u32 s5, $0x1;
	s3 =	sadd.s32 s20, s19  }
0x9c: {  	s22 =	simm.s32 $0x0;
	s4 =	sshll.u32 s4, $0x1;
	s5 =	sadd.s32 s21, s3  }
0x9d: {  	[timem:s22], [sflag:s6] =	dma.local [hbm:s5], s4  }
0x9e: {  	_ =	swait.ge [sflag:s6], s4  }
0x9f: {  	s4 =	ssub.s32 $0x0, s4;
	[sflag:s6] =	ssyncset.done $0x0  }
0xa0: {  	[sflag:s6] =	ssyncadd.s32 s4;
	_ =	sdelay $0x1  }
0xa1: {  	s23 =	simm.s32 $0x1B8B  }
0xa2: {  	_ =	swait.ge [sflag:s23], $0x1  }
0xa3: {  	[sflag:s23] =	ssyncset.done $0x0  }
0xa4: {  	[sflag:s23] =	ssyncadd.s32 $0xFFFFFFFF  }
0xa5: {  	s4 =	sld [smem:$0x0]  }
0xa6: {  	s5 =	sand.u32 $0xFFFFFFFE, s1  }
0xa7: {  	p0 =	sne.s32 s1, s5  }
0xa8: {  	s5 =	sshll.u32 @p0 s5, $0xE  }
0xa9: {  	s5 =	sadd.s32 @p0 $0x11B8D, s5;
	s6 =	sshll.u32 @p0 s4, $0x11  }
0xaa: {  	s5 =	sor.u32 @p0 s6, s5  }
0xab: {  	[sflag:s5] =	ssyncadd.remote.s32 @p0 $0x1;
	_ =	sdelay $0x1  }
0xac: {  	s5 =	simm.s32 @p0 $0x1B8D  }
0xad: {  	_ =	swait.eq @p0 [sflag:s5], $0x1  }
0xae: {  	[sflag:s5] =	ssyncadd.s32 @p0 $0xFFFFFFFF  }
0xaf: {  	s6 =	sshll.u32 @!p0 s1, $0xE  }
0xb0: {  	s6 =	sor.u32 @!p0 $0x4000, s6;
	s5 =	simm.s32 @!p0 $0x1B8D  }
0xb1: {  	s4 =	sshll.u32 @!p0 s4, $0x11;
	s6 =	sadd.s32 @!p0 $0x11B8D, s6;
	_ =	swait.eq @!p0 [sflag:s5], $0x1  }
0xb2: {  	s4 =	sor.u32 @!p0 s4, s6;
	[sflag:s5] =	ssyncadd.s32 @!p0 $0xFFFFFFFF  }
0xb3: {  	s25 =	simm.s32 $0x1B8E;
	s24 =	sld [smem:$0x3FFE];
	[sflag:s4] =	ssyncadd.remote.s32 @!p0 $0x1  }
0xb4: {  	s26 =	simm.s32 $execute0_lowered;
	[smem:$0x3FD2] =	sst s25  }
0xb5: {  	s5 =	sshll.u32 s26, $0x1;
	_ =	strace $0x8000004C;
	[dreg:$0x1] =	wrdreg $0xFFFFFFFF  }
0xb6: {  	s28 =	simm.s32 $_size_execute0_lowered;
	s3 =	sadd.s32 s3, s5;
	[dreg:$0x0] =	wrdreg $0x0  }
0xb7: {  	s5 =	sshll.u32 s28, $0x1;
	[dreg:$0x2] =	wrdreg s3  }
0xb8: {  	[dreg:$0x3] =	wrdreg s5  }
0xb9: {  	[dreg:$0x4] =	wrdreg $0xC0  }
0xba: {  	_ =	task [dreg:s22], $0x5FFFF  }
0xbb: {  	[dreg:$0x1] =	wrdreg $0xFFFFFFFF  }
0xbc: {  	[dreg:$0x0] =	wrdreg $0x60  }
0xbd: {  	[dreg:$0x2] =	wrdreg s24  }
0xbe: {  	[dreg:$0x3] =	wrdreg $0x9  }
0xbf: {  	_ =	task.clear_ibuf [dreg:s22], $0x4FFFF;
	_ =	strace $0x9000004C  }
0xc0: {  	s29 =	simm.s32 $0x9;
	_ =	strace $0x8000004E  }
0xc1: {  	_ =	swait.ge [sflag:s29], $0x1  }
0xc2: {  	[sflag:s29] =	ssyncadd.s32 $0xFFFFFFFF  }
0xc3: {  	_ =	strace $0x9000004E  }
0xc4: {  	_ =	sfence  }
0xc5: {  	s30 =	sld [smem:$0x0];
	_ =	sdelay $0x2  }
0xc6: {  	s31 =	sshll.u32 s1, $0xD;
	s1 =	sshrl.u32 s1, $0x2  }
0xc7: {  	s4 =	sand.u32 $0x4000, s31;
	s1 =	sadd.s32 s1, s30  }
0xc8: {  	s0 =	sor.u32 s4, s0;
	s1 =	sshll.u32 s1, $0x11  }
0xc9: {  	s0 =	sor.u32 s1, s0  }
0xca: {  	s0 =	sadd.s32 $0x8F2B, s0  }
0xcb: {  	[sflag:s0] =	ssyncadd.remote.s32 $0x1  }
0xcc: {  	_ =	sfence.sel $0xFFFF  }
0xcd: {  	[dreg:$0x0] =	wrdreg $0xFFFFFFFF;
	(pc) =	sbr.abs _section_cstart, $3  }
0xce: {  	[dreg:$0x1] =	wrdreg $0xFFFFFFFF  }
0xcf: {  	_ =	task.clear_ibuf [dreg:s22], $0x2FFFF;
	_ =	strace $0x9FFFFFFF  }
0xd0: {  	(tm) =	ssettm $0x7FFFFFFF  }
0xd1: {  	_ =	shalt  }
tec
execute0_lowered:
.L_overlay_start_1:
0x0: {  	(tag) =	ssettag $0x1  }
0x1: {  	s4 =	rddreg [dreg:$0x0]  }
0x2: {  	s0 =	rddreg [dreg:$0x1];
	s3 =	srdreg.scid  }
0x3: {  	s1 =	stileid.u32;
	s2 =	simm.s32 $0x0;
	s10 =	simm.s32 $0x5000  }
0x4: {  	s11 =	simm.s32 $0x5200;
	s12 =	simm.s32 $0x0;
	s5 =	sand.u32 $0x1, s3  }
0x5: {  	s30 =	sshll.u32 s1, $0x1;
	[smem:$0x7FF] =	sst s2;
	s3 =	sadd.s32 $0x800, s4  }
0x6: {  	s8 =	sshll.u32 s1, $0x7;
	s6 =	sor.u32 s5, s30;
	_ =	strace $0x8000004D  }
0x7: {  	s5 =	ssub.s32 $0x2, s5;
	s8 =	sand.u32 $0x600, s8;
	s7 =	sshll.u32 s6, $0x1  }
0x8: {  	s9 =	sshrl.u32 s5, $0x1;
	s6 =	sshll.u32 s6, $0x4;
	s7 =	sadd.s32 s7, s4  }
0x9: {  	s9 =	ssub.s32 s5, s9;
	s31 =	sand.u32 $0x70, s6;
	s4 =	sadd.s32 s4, s8  }
0xa: {  	v0 =	vlaneseq.u32;
	s8 =	simm.s32 $0x80;
	s4 =	sadd.s32 s31, s4;
	s5 =	sadd.s32 $0x1200, s7  }
0xb: {  	v0 =	vmul.u32 $0x20, v0;
	s6 =	smax.u32 s9, $0x1;
	s7 =	simm.s32 $0x1;
	s9 =	simm.s32 $0x400  }
.LBB2_1:
0xc: {  	[tilespmem:s2], [sflag:$0x1] =	stream.linear.gather [hbm4b:s3+s2], $0x5000, $0x38;
	[tilespmem:$0x5280] =	vst v63  }
0xd: {  	_ =	swait.ge [sflag:s7], $0x5000  }
0xe: {  	[sflag:s7] =	ssyncset.done $0x0  }
0xf: {  	v1 =	vor.u32 s2, v0;
	[sflag:s7] =	ssyncadd.s32 $0xFFFFB000  }
0x10: {  	[tilespmem:s10], [sflag:$0x1] =	stream.strided.gather [hbm4b:s4+s8], $0x200, s9, s8, $0x38;
	[tilespmem:$0x5280] =	vst v63  }
0x11: {  	_ =	swait.ge [sflag:s7], $0x200  }
0x12: {  	[sflag:s7] =	ssyncset.done $0x0  }
0x13: {  	[sflag:s7] =	ssyncadd.s32 $0xFFFFFE00  }
0x14: {  	v1 =	vld.idx.msk [tilespmem:v1+s10+$0x0], $0xffff  }
0x15: {  	s13 =	simm.s32 $0x1  }
0x16: {  	v3 =	vor.u32 s13, v0;
	_ =	sdelay $0x4  }
0x17: {  	v3 =	vld.idx.msk [tilespmem:v3+s10+$0x0], $0xffff  }
0x18: {  	v2 =	vld.idx.msk [tilespmem:v1+s2+$0x0], $0xffff;
	_ =	sdelay $0x2  }
0x19: {  	s31 =	simm.s32 $0x2  }
0x1a: {  	v4 =	vor.u32 s31, v0;
	s13 =	simm.s32 $0x3;
	v1 =	vimm.f32 $0.0e+00  }
.LBB2_2:
0x1b: {  	p0 =	sne.s32 s13, $0x1F;
	v1 =	vadd.f32 v2, v1;
	_ =	sdelay $0x2  }
0x1c: {  	v2 =	vld.idx.msk [tilespmem:v3+s2+$0x0], $0xffff  }
.Ltmp0:
0x1d: {  	v3 =	vld.idx.msk [tilespmem:v4+s10+$0x0], $0xffff;
	(pc) =	sbr.rel @p0 .LBB2_2-.Ltmp0, $2  }
0x1e: {  	_ =	sdelay $0x2  }
0x1f: {  	v4 =	vor.u32 s13, v0;
	s13 =	sadd.s32 $0x1, s13  }
0x20: {  	_ =	sdelay $0x3  }
0x21: {  	v4 =	vld.idx.msk [tilespmem:v4+s10+$0x0], $0xffff;
	_ =	sdelay $0x5  }
0x22: {  	v3 =	vld.idx.msk [tilespmem:v3+s2+$0x0], $0xffff;
	_ =	sdelay $0x1  }
0x23: {  	v4 =	vld.idx.msk [tilespmem:v4+s2+$0x0], $0xffff  }
0x24: {  	v1 =	vadd.f32 v2, v1;
	_ =	sdelay $0x1  }
0x25: {  	v1 =	vadd.f32 v3, v1;
	_ =	sdelay $0x1  }
0x26: {  	s12 =	sadd.s32 $0x1, s12;
	v1 =	vadd.f32 v4, v1  }
0x27: {  	p0 =	sne.s32 s12, s6  }
.Ltmp1:
0x28: {  	[tilespmem:$0x5200] =	vst v1;
	(pc) =	sbr.rel @p0 .LBB2_1-.Ltmp1, $4  }
0x29: {  	[hbm4b:s5+s2] =	stream.linear.scatter [tilespmem:s11], [sflag:$0x1], $0x10, $0x38;
	[tilespmem:$0x5280] =	vst v63  }
0x2a: {  	_ =	swait.ge [sflag:s7], $0x10  }
0x2b: {  	[sflag:s7] =	ssyncset.done $0x0  }
0x2c: {  	[sflag:s7] =	ssyncadd.s32 $0xFFFFFFF0  }
0x2d: {  	_ =	sfence.sel $0x180000  }
0x2e: {  	[bflag:$0x0] =	sbarrier.arrive $0xFFFF  }
0x2f: {  	p0 =	sne.s32 s1, $0x0;
	_ =	strace $0x9000004D  }
0x30: {  	s0 =	sadd.s32 @!p0 $0x100000, s0;
	[bflag:$0x2] =	sbarrier.arrive $0xFFFF  }
0x31: {  	[sflag:s0] =	ssyncadd.tile.s32 @!p0 $0x1;
	_ =	shalt  }
.Lfunc_end2:
_tile_overlayer_lowered:
.L_overlay_start_2:
0x32: {  	(tag) =	ssettag $0x2  }
0x33: {  	s0 =	rddreg [dreg:$0x0];
	s2 =	stileid.u32  }
0x34: {  	s1 =	rddreg [dreg:$0x1];
	p0 =	sne.s32 s2, $0x0  }
0x35: {  	s3 =	rddreg [dreg:$0x2];
	[bflag:$0x3] =	sbarrier.arrive $0xFFFF;
	s2 =	simm.s32 @!p0 $0x1C01  }
0x36: {  	[timem:s3], [sflag:s2] =	dma.local @!p0 [hbm:s0], s1  }
0x37: {  	s0 =	simm.s32 @!p0 $0x1  }
0x38: {  	_ =	swait.ge @!p0 [sflag:s0], s1  }
0x39: {  	s1 =	ssub.s32 @!p0 $0x0, s1;
	[sflag:s0] =	ssyncset.done @!p0 $0x0  }
0x3a: {  	[sflag:s0] =	ssyncadd.s32 @!p0 s1  }
0x3b: {  	[bflag:$0x3] =	sbarrier.arrive $0xFFFF  }
0x3c: {  	_ =	shalt  }

// kernel: kernel.14.cloned.1.call-start
scs
__scs_entry_jumppad:
0x0: {  	(pc) =	sbr.rel $0x88, $3  }
0x1: {  	(tag) =	ssettag $0x0;
	lr =	simm.s32 $0x1  }
0x2: {  	[smem:$0x3F99] =	sst lr;
	_ =	strace $0xD0000000  }
0x3: {  	_ = 	snop  }
0x4: {  	_ = 	snop  }
0x5: {  	_ = 	snop  }
0x6: {  	_ = 	snop  }
0x7: {  	_ = 	snop  }
__scs_overlays_trampoline_lowered:
0x8: {  	[smem:$0x3FA8] =	sst s0  }
0x9: {  	[smem:$0x3FA9] =	sst s1  }
0xa: {  	[smem:$0x3FAA] =	sst s2  }
0xb: {  	[smem:$0x3FAB] =	sst s3  }
0xc: {  	[smem:$0x3FAC] =	sst s4  }
0xd: {  	[smem:$0x3FAD] =	sst s5  }
0xe: {  	[smem:$0x3FAE] =	sst s6  }
0xf: {  	[smem:$0x3FAF] =	sst s7  }
0x10: {  	[smem:$0x3FB0] =	sst s8  }
0x11: {  	[smem:$0x3FB1] =	sst s9;
	s0 =	simm.s32 @!p0 $0x0  }
0x12: {  	s1 =	sld [smem:$0x3F97];
	s0 =	simm.s32 @p0 $0x1  }
0x13: {  	[smem:$0x3FB2] =	sst s0;
	s0 =	simm.s32 @!p1 $0x0  }
0x14: {  	s2 =	sld [smem:$0x3F96];
	s0 =	simm.s32 @p1 $0x1  }
0x15: {  	[smem:$0x3FB3] =	sst s0;
	s0 =	simm.s32 @!p2 $0x0  }
0x16: {  	s3 =	sld [smem:$0x3FDB];
	s0 =	simm.s32 @p2 $0x1  }
0x17: {  	s4 =	simm.s32 $0x1BF5;
	[smem:$0x3FB5] =	sst s0  }
0x18: {  	s0 =	sld [smem:$0x3F98];
	_ =	swait.ge [sflag:s4], $0x0  }
0x19: {  	s7 =	sld [smem:$0x3F99]  }
0x1a: {  	s8 =	sadd.s32 $0xFFFFE003, lr  }
0x1b: {  	s9 =	sadd.s32 $0xFFFFFEF7, lr;
	s5 =	simm.s32 $0xFFFFFFFF;
	p2 =	slt.u32 s8, $0xFFFFF086  }
0x1c: {  	p1 =	slt.u32 s9, $0xF7A;
	s5 =	simm.s32 @!p2 $0x0  }
0x1d: {  	s5 =	simm.s32 @p1 $0x1;
	p0 =	seq.s32 s7, s2  }
0x1e: {  	s7 =	smul.u32 @!p0 $0xF7A, s2;
	p2 =	seq.s32 @!p0 s5, $0x0  }
0x1f: {  	s9 =	smul.u32 $0xF7A, s1;
	s8 =	simm.s32 @!p0 $0x1BF5;
	p2 =	por !p2, p0  }
0x20: {  	[sflag:s8] =	ssyncset.s32 @!p0 $0xFFFFF086;
	s6 =	sadd.s32 @!p0 s3, s7;
	s7 =	simm.s32 @!p0 $0x108  }
0x21: {  	s3 =	sadd.s32 s3, s9;
	s6 =	sadd.s32 @!p0 $0x88, s6;
	s7 =	simm.s32 @p2 $0x1082  }
0x22: {  	[simem:s7], [sflag:s8] =	dma.local @!p0 [hbm:s6], $0xF7A  }
0x23: {  	s9 =	sor.u32 $0xD0000000, s2;
	s6 =	simm.s32 $0x108;
	_ =	swait.ge @!p0 [sflag:s8], $0x0  }
0x24: {  	s3 =	sadd.s32 $0x88, s3;
	s6 =	simm.s32 @!p1 $0x1082;
	[sflag:s4] =	ssyncset.s32 $0xFFFFF086  }
0x25: {  	[simem:s6], [sflag:s4] =	dma.local [hbm:s3], $0xF7A  }
0x26: {  	[smem:$0x3F99] =	sst s1;
	(tag) =	ssettag s2;
	_ =	strace s9  }
0x27: {  	s1 =	sld [smem:$0x3FA9]  }
0x28: {  	s2 =	sld [smem:$0x3FAA]  }
0x29: {  	s4 =	sld [smem:$0x3FAC]  }
0x2a: {  	p0 =	seq.s32 s5, $0x0;
	s5 =	sld [smem:$0x3FAD]  }
0x2b: {  	s6 =	sld [smem:$0x3FAE]  }
0x2c: {  	s7 =	sld [smem:$0x3FAF]  }
0x2d: {  	s3 =	simm.s32 $0x108;
	s8 =	sld [smem:$0x3FB0]  }
0x2e: {  	s3 =	simm.s32 @!p0 $0x1082;
	s9 =	sld [smem:$0x3FB1]  }
0x2f: {  	lr =	sadd.s32 s0, s3;
	s0 =	sld [smem:$0x3FA8]  }
0x30: {  	s3 =	sld [smem:$0x3FAB]  }
0x31: {  	[smem:$0x3FB4] =	sst s10  }
0x32: {  	s10 =	sld [smem:$0x3FB2];
	_ =	sdelay $0x3  }
0x33: {  	p0 =	seq.s32 s10, $0x1;
	s10 =	sld [smem:$0x3FB4];
	_ =	sdelay $0x3  }
0x34: {  	[smem:$0x3FB4] =	sst s10  }
0x35: {  	s10 =	sld [smem:$0x3FB3];
	_ =	sdelay $0x3  }
0x36: {  	p1 =	seq.s32 s10, $0x1;
	s10 =	sld [smem:$0x3FB4];
	_ =	sdelay $0x3  }
0x37: {  	[smem:$0x3FB4] =	sst s10  }
0x38: {  	s10 =	sld [smem:$0x3FB5]  }
0x39: {  	_ = 	snop;
	(pc) =	sbr.ind lr, $3  }
0x3a: {  	_ = 	snop  }
0x3b: {  	_ = 	snop  }
0x3c: {  	p2 =	seq.s32 s10, $0x1;
	s10 =	sld [smem:$0x3FB4]  }
0x3d: {  	_ =	shalt  }
0x3e: {  	_ =	shalt  }
0x3f: {  	_ =	shalt  }
0x40: {  	_ =	shalt  }
0x41: {  	_ =	shalt  }
0x42: {  	_ =	shalt  }
0x43: {  	_ =	shalt  }
0x44: {  	_ =	shalt  }
0x45: {  	_ =	shalt  }
0x46: {  	_ =	shalt  }
0x47: {  	_ =	shalt  }
0x48: {  	_ =	shalt  }
0x49: {  	_ =	shalt  }
0x4a: {  	_ =	shalt  }
0x4b: {  	_ =	shalt  }
0x4c: {  	_ =	shalt  }
0x4d: {  	_ =	shalt  }
0x4e: {  	_ =	shalt  }
0x4f: {  	_ =	shalt  }
0x50: {  	_ =	shalt  }
0x51: {  	_ =	shalt  }
0x52: {  	_ =	shalt  }
0x53: {  	_ =	shalt  }
0x54: {  	_ =	shalt  }
0x55: {  	_ =	shalt  }
0x56: {  	_ =	shalt  }
0x57: {  	_ =	shalt  }
0x58: {  	_ =	shalt  }
0x59: {  	_ =	shalt  }
0x5a: {  	_ =	shalt  }
0x5b: {  	_ =	shalt  }
0x5c: {  	_ =	shalt  }
0x5d: {  	_ =	shalt  }
0x5e: {  	_ =	shalt  }
0x5f: {  	_ =	shalt  }
0x60: {  	_ =	shalt  }
0x61: {  	_ =	shalt  }
0x62: {  	_ =	shalt  }
0x63: {  	_ =	shalt  }
0x64: {  	_ =	shalt  }
0x65: {  	_ =	shalt  }
0x66: {  	_ =	shalt  }
0x67: {  	_ =	shalt  }
0x68: {  	_ =	shalt  }
0x69: {  	_ =	shalt  }
0x6a: {  	_ =	shalt  }
0x6b: {  	_ =	shalt  }
0x6c: {  	_ =	shalt  }
0x6d: {  	_ =	shalt  }
0x6e: {  	_ =	shalt  }
0x6f: {  	_ =	shalt  }
0x70: {  	_ =	shalt  }
0x71: {  	_ =	shalt  }
0x72: {  	_ =	shalt  }
0x73: {  	_ =	shalt  }
0x74: {  	_ =	shalt  }
0x75: {  	_ =	shalt  }
0x76: {  	_ =	shalt  }
0x77: {  	_ =	shalt  }
0x78: {  	_ =	shalt  }
0x79: {  	_ =	shalt  }
0x7a: {  	_ =	shalt  }
0x7b: {  	_ =	shalt  }
0x7c: {  	_ =	shalt  }
0x7d: {  	_ =	shalt  }
0x7e: {  	_ =	shalt  }
0x7f: {  	_ =	shalt  }
0x80: {  	_ =	shalt  }
0x81: {  	_ =	shalt  }
0x82: {  	_ =	shalt  }
0x83: {  	_ =	shalt  }
0x84: {  	_ =	shalt  }
0x85: {  	_ =	shalt  }
0x86: {  	_ =	shalt  }
0x87: {  	_ =	shalt  }
.Lfunc_end0:
.L_simem_size_0:
called_computation.2_lowered:
.L_overlay_start_0:
0x88: {  	s2 =	sld [smem:$0x3FD9]  }
0x89: {  	s3 =	sld [smem:$0x3FFE];
	_ =	sdelay $0x1  }
0x8a: {  	s1 =	srdreg.scid  }
0x8b: {  	s0 =	sand.u32 $0x1, s1  }
0x8c: {  	s15 =	sshll.u32 s0, $0xA;
	s2 =	sadd.s32 s3, s2  }
0x8d: {  	s2 =	sadd.s32 s2, s15  }
0x8e: {  	[smem:$0x3FC0] =	sst s2  }
0x8f: {  	_ = 	snop  }
0x90: {  	s16 =	sld [smem:$0x3FD0];
	_ =	sdelay $0x2  }
0x91: {  	s4 =	simm.s32 $0xB;
	s5 =	simm.s32 $0x10;
	s2 =	sld [smem:$0x3FC8]  }
0x92: {  	[smem:s5], [sflag:s4] =	dma.local [hbm:s16], $0x1  }
0x93: {  	_ =	swait.eq [sflag:s4], $0x1  }
0x94: {  	[sflag:s4] =	ssyncset.done $0x0  }
0x95: {  	[sflag:s4] =	ssyncadd.s32 $0xFFFFFFFF  }
0x96: {  	s17 =	sld [smem:$0x10];
	(tm) =	ssettm $0x1  }
0x97: {  	s18 =	sld [smem:$0x3FFB];
	_ =	sdelay $0x3  }
0x98: {  	_ =	strace s18  }
0x99: {  	s3 =	sld [smem:$0x3FFC];
	_ =	sdelay $0x3  }
0x9a: {  	_ =	strace s3  }
0x9b: {  	s3 =	sld [smem:$0x3FFD];
	_ =	sdelay $0x3  }
0x9c: {  	_ =	strace s3  }
0x9d: {  	_ =	strace $0x8FFFFFFF  }
0x9e: {  	s19 =	sld [smem:$0x3FDB];
	_ =	sdelay $0x1  }
0x9f: {  	s20 =	simm.s32 $_scs_section_size  }
0xa0: {  	s6 =	simm.s32 $_size__tile_overlayer_lowered;
	s7 =	simm.s32 $_tile_overlayer_lowered  }
0xa1: {  	s8 =	simm.s32 $0x1BFF;
	s21 =	sshll.u32 s7, $0x1;
	s5 =	sadd.s32 s20, s19  }
0xa2: {  	s22 =	simm.s32 $0x0;
	s6 =	sshll.u32 s6, $0x1;
	s7 =	sadd.s32 s21, s5  }
0xa3: {  	[timem:s22], [sflag:s8] =	dma.local [hbm:s7], s6  }
0xa4: {  	_ =	swait.ge [sflag:s8], s6  }
0xa5: {  	s6 =	ssub.s32 $0x0, s6;
	[sflag:s8] =	ssyncset.done $0x0  }
0xa6: {  	[sflag:s8] =	ssyncadd.s32 s6;
	_ =	sdelay $0x1  }
0xa7: {  	s23 =	simm.s32 $0x1B8B  }
0xa8: {  	_ =	swait.ge [sflag:s23], $0x1  }
0xa9: {  	[sflag:s23] =	ssyncset.done $0x0  }
0xaa: {  	[sflag:s23] =	ssyncadd.s32 $0xFFFFFFFF  }
0xab: {  	s6 =	sld [smem:$0x0]  }
0xac: {  	s7 =	sand.u32 $0xFFFFFFFE, s1  }
0xad: {  	p0 =	sne.s32 s1, s7  }
0xae: {  	s7 =	sshll.u32 @p0 s7, $0xE  }
0xaf: {  	s7 =	sadd.s32 @p0 $0x11B8D, s7;
	s8 =	sshll.u32 @p0 s6, $0x11  }
0xb0: {  	s7 =	sor.u32 @p0 s8, s7  }
0xb1: {  	[sflag:s7] =	ssyncadd.remote.s32 @p0 $0x1;
	_ =	sdelay $0x1  }
0xb2: {  	s7 =	simm.s32 @p0 $0x1B8D  }
0xb3: {  	_ =	swait.eq @p0 [sflag:s7], $0x1  }
0xb4: {  	[sflag:s7] =	ssyncadd.s32 @p0 $0xFFFFFFFF  }
0xb5: {  	s8 =	sshll.u32 @!p0 s1, $0xE  }
0xb6: {  	s8 =	sor.u32 @!p0 $0x4000, s8;
	s7 =	simm.s32 @!p0 $0x1B8D  }
0xb7: {  	s6 =	sshll.u32 @!p0 s6, $0x11;
	s8 =	sadd.s32 @!p0 $0x11B8D, s8;
	_ =	swait.eq @!p0 [sflag:s7], $0x1  }
0xb8: {  	s6 =	sor.u32 @!p0 s6, s8;
	[sflag:s7] =	ssyncadd.s32 @!p0 $0xFFFFFFFF  }
0xb9: {  	s25 =	simm.s32 $0x1B8E;
	s24 =	sld [smem:$0x3FFE];
	[sflag:s6] =	ssyncadd.remote.s32 @!p0 $0x1  }
0xba: {  	s26 =	simm.s32 $execute0_lowered;
	[smem:$0x3FD2] =	sst s25  }
0xbb: {  	s7 =	sshll.u32 s26, $0x1;
	_ =	strace $0x80000049;
	[dreg:$0x1] =	wrdreg $0xFFFFFFFF  }
0xbc: {  	s28 =	simm.s32 $_size_execute0_lowered;
	s5 =	sadd.s32 s5, s7;
	[dreg:$0x0] =	wrdreg $0x0  }
0xbd: {  	s7 =	sshll.u32 s28, $0x1;
	[dreg:$0x2] =	wrdreg s5  }
0xbe: {  	[dreg:$0x3] =	wrdreg s7  }
0xbf: {  	[dreg:$0x4] =	wrdreg $0xC0  }
0xc0: {  	_ =	task [dreg:s22], $0x5FFFF  }
0xc1: {  	[dreg:$0x1] =	wrdreg $0xFFFFFFFF  }
0xc2: {  	[dreg:$0x0] =	wrdreg $0x60  }
0xc3: {  	[dreg:$0x2] =	wrdreg s2  }
0xc4: {  	[dreg:$0x3] =	wrdreg s17  }
0xc5: {  	[dreg:$0x4] =	wrdreg s24  }
0xc6: {  	[dreg:$0x5] =	wrdreg $0xA  }
0xc7: {  	_ =	task.clear_ibuf [dreg:s22], $0x6FFFF;
	_ =	strace $0x90000049  }
0xc8: {  	s29 =	simm.s32 $0xA;
	_ =	strace $0x8000004B  }
0xc9: {  	_ =	swait.ge [sflag:s29], $0x1  }
0xca: {  	[sflag:s29] =	ssyncadd.s32 $0xFFFFFFFF  }
0xcb: {  	_ =	strace $0x9000004B  }
0xcc: {  	_ =	sfence  }
0xcd: {  	s30 =	sld [smem:$0x0];
	_ =	sdelay $0x2  }
0xce: {  	s31 =	sshll.u32 s1, $0xD;
	s1 =	sshrl.u32 s1, $0x2  }
0xcf: {  	s4 =	sand.u32 $0x4000, s31;
	s1 =	sadd.s32 s1, s30  }
0xd0: {  	s0 =	sor.u32 s4, s0;
	s1 =	sshll.u32 s1, $0x11  }
0xd1: {  	s0 =	sor.u32 s1, s0  }
0xd2: {  	s0 =	sadd.s32 $0x8F2B, s0  }
0xd3: {  	[sflag:s0] =	ssyncadd.remote.s32 $0x1  }
0xd4: {  	_ =	sfence.sel $0xFFFF  }
0xd5: {  	[dreg:$0x0] =	wrdreg $0xFFFFFFFF;
	(pc) =	sbr.abs _section_cstart, $3  }
0xd6: {  	[dreg:$0x1] =	wrdreg $0xFFFFFFFF  }
0xd7: {  	_ =	task.clear_ibuf [dreg:s22], $0x2FFFF;
	_ =	strace $0x9FFFFFFF  }
0xd8: {  	(tm) =	ssettm $0x7FFFFFFF  }
0xd9: {  	_ =	shalt  }
tec
execute0_lowered:
.L_overlay_start_1:
0x0: {  	(tag) =	ssettag $0x1  }
0x1: {  	s0 =	rddreg [dreg:$0x0]  }
0x2: {  	s1 =	rddreg [dreg:$0x1]  }
0x3: {  	s4 =	rddreg [dreg:$0x2];
	s3 =	srdreg.scid  }
0x4: {  	s14 =	stileid.u32;
	s2 =	simm.s32 $0x0;
	s19 =	simm.s32 $0x1  }
0x5: {  	s15 =	simm.s32 $0x8E00;
	s17 =	simm.s32 $0x3;
	s18 =	simm.s32 $0x2  }
0x6: {  	s16 =	simm.s32 $0xCE00;
	s20 =	simm.s32 $0xD600;
	s21 =	simm.s32 $0xDE00  }
0x7: {  	s22 =	simm.s32 $0xE600;
	s28 =	simm.s32 $0x10E00;
	s29 =	simm.s32 $0x4  }
0x8: {  	s5 =	sand.u32 $0x1, s3;
	s12 =	sshrl.u32 s14, $0x2;
	s24 =	smul.u32 $0x30000, s14  }
0x9: {  	s23 =	sshll.u32 s14, $0x1;
	[smem:$0x7FF] =	sst s2;
	s12 =	smul.u32 $0x3000, s12  }
0xa: {  	s3 =	sadd.s32 $0x146800, s4;
	s6 =	sor.u32 s5, s23;
	s25 =	smul.u32 $0x18000, s5  }
0xb: {  	_ =	strace $0x8000004A;
	s11 =	ssub.s32 $0x2, s5;
	s8 =	smul.u32 $0x180, s6  }
0xc: {  	s5 =	simm.s32 $0xA600;
	s23 =	simm.s32 $0xEE00;
	s10 =	smul.u32 $0x18000, s6  }
0xd: {  	s7 =	sshll.u32 s6, $0x7;
	s6 =	smul.u32 $0xC0000, s6;
	s13 =	sshrl.u32 s11, $0x1  }
0xe: {  	s9 =	sadd.s32 s7, s4;
	s11 =	ssub.s32 s11, s13;
	s7 =	sand.u32 $0x380, s7  }
0xf: {  	s13 =	simm.s32 $0x9600;
	s8 =	sadd.s32 s8, s4;
	s10 =	sadd.s32 s0, s10  }
0x10: {  	s6 =	sshrl.u32 s6, $0x3;
	s7 =	sor.u32 s12, s7;
	s26 =	sadd.s32 $0x142800, s9  }
0x11: {  	s9 =	sadd.s32 $0x146900, s4;
	s31 =	smax.u32 s11, $0x1;
	s12 =	simm.s32 $0x1600  }
0x12: {  	s4 =	simm.s32 $0x9E00;
	s10 =	sadd.s32 $0x100000, s10;
	s6 =	sadd.s32 s0, s6  }
0x13: {  	s7 =	sshrl.u32 s7, $0x3;
	[dreg:$0x7] =	wrdreg s26;
	s30 =	sadd.s32 $0x143800, s8  }
0x14: {  	s0 =	sadd.s32 s24, s0;
	[dreg:$0x9] =	wrdreg s31;
	s8 =	simm.s32 $0xBE00  }
.Ltmp0:
0x15: {  	s24 =	simm.s32 $0xF600;
	s26 =	simm.s32 $0x10600;
	(pc) =	sbr.rel .LBB2_1-.Ltmp0, $4  }
0x16: {  	[dreg:$0x4] =	wrdreg s10;
	s6 =	sadd.s32 $0x101000, s6;
	s1 =	sadd.s32 s1, s7  }
0x17: {  	[dreg:$0x8] =	wrdreg s30;
	s11 =	sadd.s32 s25, s0;
	s7 =	simm.s32 $0xB600  }
0x18: {  	s10 =	simm.s32 $0xC600;
	s25 =	simm.s32 $0xFE00;
	[dreg:$0x5] =	wrdreg s6  }
0x19: {  	v0 =	vimm.s32 $0x0;
	v1 =	vlaneseq.u32;
	[dreg:$0x6] =	wrdreg s1;
	s6 =	simm.s32 $0xAE00;
	s1 =	simm.s32 $0x0  }
.LBB2_6:
0x1a: {  	s1 =	rddreg [dreg:$0xa]  }
0x1b: {  	s0 =	rddreg [dreg:$0x9];
	s1 =	sadd.s32 $0x1, s1  }
0x1c: {  	p0 =	sne.s32 s1, s0  }
.Ltmp1:
0x1d: {  	_ = 	snop;
	(pc) =	sbr.rel @!p0 .LBB2_7-.Ltmp1, $1  }
0x1e: {  	_ =	sdelay $0x3  }
.LBB2_1:
0x1f: {  	[dreg:$0xa] =	wrdreg s1  }
0x20: {  	s0 =	rddreg [dreg:$0x4]  }
0x21: {  	[tilespmem:s12], [sflag:$0x1] =	stream.linear.gather [hbm4b:s0+s2], $0x8000, $0x38;
	[tilespmem:$0x11600] =	vst v63  }
0x22: {  	s1 =	rddreg [dreg:$0x5]  }
0x23: {  	[tilespmem:s13], [sflag:$0x2] =	stream.linear.gather [hbm4b:s1+s2], $0x8000, $0x38;
	[tilespmem:$0x11600] =	vst v63  }
0x24: {  	s14 =	simm.s32 $0x400;
	s0 =	rddreg [dreg:$0x6];
	s1 =	simm.s32 $0x80  }
0x25: {  	[tilespmem:s2], [sflag:$0x5] =	stream.strided.gather [hbm4b:s0+s1], $0x600, s14, s1, $0x38;
	[tilespmem:$0x11600] =	vst v63  }
0x26: {  	s1 =	simm.s32 $0x5  }
0x27: {  	_ =	swait.ge [sflag:s1], $0x600  }
0x28: {  	[sflag:s1] =	ssyncset.done $0x0  }
0x29: {  	s14 =	simm.s32 $0x600;
	s0 =	rddreg [dreg:$0x7];
	[sflag:s1] =	ssyncadd.s32 $0xFFFFFA00  }
0x2a: {  	[tilespmem:s14], [sflag:$0x5] =	stream.linear.gather [hbm4b:s0+s2], $0x400, $0x38;
	[tilespmem:$0x11600] =	vst v63  }
0x2b: {  	_ =	swait.ge [sflag:s1], $0x400  }
0x2c: {  	[sflag:s1] =	ssyncset.done $0x0  }
0x2d: {  	s14 =	simm.s32 $0x0;
	[sflag:s1] =	ssyncadd.s32 $0xFFFFFC00  }
0x2e: {  	v2 =	vld [tilespmem:s14+$0x0];
	_ =	sdelay $0x4  }
0x2f: {  	vm0 =	veq.s32 v2, $0x0  }
0x30: {  	vm1 =	veq.s32 v2, $0x1;
	v3 =	vsel vm0, $0x1, v0  }
0x31: {  	vm2 =	veq.s32 v2, $0x2;
	v4 =	vsel vm1, $0x1, v0;
	(xrf0) =	vadd.scan.msk.s32 $0xffff, v3  }
0x32: {  	vm4 =	veq.s32 v2, $0x3;
	v3 =	vsel vm2, $0x1, v0;
	(xrf0) =	vadd.scan.msk.s32 $0xffff, v4  }
0x33: {  	vm5 =	veq.s32 v2, $0x4;
	v5 =	vsel vm4, $0x1, v0;
	v4 =	vld [tilespmem:$0x600];
	(xrf0) =	vadd.scan.msk.s32 $0xffff, v3  }
0x34: {  	vm6 =	veq.s32 v2, $0x5;
	v6 =	vsel vm5, $0x1, v0;
	v3 =	vld [tilespmem:$0x680];
	(xrf0) =	vadd.scan.msk.s32 $0xffff, v5  }
0x35: {  	vm3 =	veq.s32 v2, $0x6;
	v7 =	vsel vm6, $0x1, v0;
	v5 =	vld [tilespmem:$0x700];
	(xrf0) =	vadd.scan.msk.s32 $0xffff, v6  }
0x36: {  	vm7 =	veq.s32 v2, $0x7;
	v8 =	vsel vm3, $0x1, v0;
	v6 =	vld [tilespmem:$0x780];
	(xrf0) =	vadd.scan.msk.s32 $0xffff, v7  }
0x37: {  	v2 =	vld [tilespmem:$0x800];
	v7 =	vsel vm7, $0x1, v0;
	v9, _, _ =	vpop (xrf0);
	(xrf0) =	vadd.scan.msk.s32 $0xffff, v8  }
0x38: {  	v8 =	vld [tilespmem:$0x880];
	v9 =	vadd.s32 v9, v4;
	v10, _, _ =	vpop (xrf0);
	(xrf0) =	vadd.scan.msk.s32 $0xffff, v7  }
0x39: {  	v7 =	vld [tilespmem:$0x900];
	v9 =	vadd.s32 $0xFFFFFFFF, v9;
	v10 =	vadd.s32 v10, v3;
	v11, _, _ =	vpop (xrf0)  }
0x3a: {  	v12 =	vld [tilespmem:$0x980];
	v9 =	vnsel vm0, $0x0, v9;
	v10 =	vadd.s32 $0xFFFFFFFF, v10;
	v11 =	vadd.s32 v11, v5;
	v13, _, _ =	vpop (xrf0)  }
0x3b: {  	v9 =	vsel vm1, v10, v9;
	v10 =	vadd.s32 $0xFFFFFFFF, v11;
	v11 =	vadd.s32 v13, v6;
	v55, _, _ =	vpop (xrf0)  }
0x3c: {  	v9 =	vsel vm2, v10, v9;
	v10 =	vadd.s32 $0xFFFFFFFF, v11;
	v11 =	vadd.s32 v55, v2;
	v56, _, _ =	vpop (xrf0)  }
0x3d: {  	v9 =	vsel vm4, v10, v9;
	v10 =	vadd.s32 $0xFFFFFFFF, v11;
	v11 =	vadd.s32 v56, v8;
	v57, _, _ =	vpop (xrf0)  }
0x3e: {  	v9 =	vsel vm5, v10, v9;
	v10 =	vadd.s32 $0xFFFFFFFF, v11;
	v11 =	vadd.s32 v57, v7;
	v58, _, _ =	vpop (xrf0)  }
0x3f: {  	v9 =	vsel vm6, v10, v9;
	v10 =	vadd.s32 $0xFFFFFFFF, v11;
	v11 =	vadd.s32 v58, v12  }
0x40: {  	v9 =	vsel vm3, v10, v9;
	v10 =	vadd.s32 $0xFFFFFFFF, v11  }
0x41: {  	s30 =	simm.s32 $0xA20;
	v9 =	vsel vm7, v10, v9  }
0x42: {  	[tilespmem:s30+$0xFFFFFFE0] =	vst v9  }
0x43: {  	v9 =	vld [tilespmem:s14+$0x10];
	_ =	sdelay $0x3  }
0x44: {  	v59 =	vmpcnt.ones.xlane vm2;
	v14 =	vmpcnt.ones.xlane vm4  }
0x45: {  	v15 =	vmpcnt.ones.xlane vm5;
	v11 =	vmpcnt.ones.xlane vm1;
	vm1 =	veq.s32 v9, $0x0  }
0x46: {  	v10 =	vmpcnt.ones.xlane vm0;
	vm0 =	veq.s32 v9, $0x1;
	v16 =	vsel vm1, $0x1, v0  }
0x47: {  	v17 =	vmpcnt.ones.xlane vm6;
	vm14 =	veq.s32 v9, $0x2;
	v18 =	vsel vm0, $0x1, v0;
	(xrf0) =	vadd.scan.msk.s32 $0xffff, v16  }
0x48: {  	v60 =	vmpcnt.ones.xlane vm7;
	vm2 =	veq.s32 v9, $0x3;
	v19 =	vsel vm14, $0x1, v0;
	(xrf0) =	vadd.scan.msk.s32 $0xffff, v18  }
0x49: {  	v61 =	vmpcnt.ones.xlane vm3;
	vm15 =	veq.s32 v9, $0x4;
	v20 =	vsel vm2, $0x1, v0;
	(xrf0) =	vadd.scan.msk.s32 $0xffff, v19  }
0x4a: {  	v5 =	vadd.s32 v5, v59;
	vm9 =	veq.s32 v9, $0x5;
	v62 =	vsel vm15, $0x1, v0;
	(xrf0) =	vadd.scan.msk.s32 $0xffff, v20  }
0x4b: {  	v6 =	vadd.s32 v6, v14;
	vm10 =	veq.s32 v9, $0x6;
	v63 =	vsel vm9, $0x1, v0;
	(xrf0) =	vadd.scan.msk.s32 $0xffff, v62  }
0x4c: {  	v2 =	vadd.s32 v2, v15;
	vm11 =	veq.s32 v9, $0x7;
	v21 =	vsel vm10, $0x1, v0;
	(xrf0) =	vadd.scan.msk.s32 $0xffff, v63  }
0x4d: {  	v8 =	vadd.s32 v8, v17;
	v4 =	vadd.s32 v4, v10;
	v9 =	vsel vm11, $0x1, v0;
	v10, _, _ =	vpop (xrf0);
	(xrf0) =	vadd.scan.msk.s32 $0xffff, v21  }
0x4e: {  	v7 =	vadd.s32 v7, v61;
	v3 =	vadd.s32 v3, v11;
	v10 =	vadd.s32 v10, v4;
	v11, _, _ =	vpop (xrf0);
	(xrf0) =	vadd.scan.msk.s32 $0xffff, v9  }
0x4f: {  	v12 =	vadd.s32 v12, v60;
	v9 =	vadd.s32 $0xFFFFFFFF, v10;
	v10 =	vadd.s32 v11, v3;
	v11, _, _ =	vpop (xrf0)  }
0x50: {  	v9 =	vnsel vm1, $0x0, v9;
	v10 =	vadd.s32 $0xFFFFFFFF, v10;
	v11 =	vadd.s32 v11, v5;
	v22, _, _ =	vpop (xrf0)  }
0x51: {  	v9 =	vsel vm0, v10, v9;
	v10 =	vadd.s32 $0xFFFFFFFF, v11;
	v11 =	vadd.s32 v22, v6;
	v23, _, _ =	vpop (xrf0)  }
0x52: {  	v9 =	vsel vm14, v10, v9;
	v10 =	vadd.s32 $0xFFFFFFFF, v11;
	v11 =	vadd.s32 v23, v2;
	v24, _, _ =	vpop (xrf0)  }
0x53: {  	v9 =	vsel vm2, v10, v9;
	v10 =	vadd.s32 $0xFFFFFFFF, v11;
	v11 =	vadd.s32 v24, v8;
	v25, _, _ =	vpop (xrf0)  }
0x54: {  	v9 =	vsel vm15, v10, v9;
	v10 =	vadd.s32 $0xFFFFFFFF, v11;
	v11 =	vadd.s32 v25, v7;
	v26, _, _ =	vpop (xrf0)  }
0x55: {  	v9 =	vsel vm9, v10, v9;
	v10 =	vadd.s32 $0xFFFFFFFF, v11;
	v11 =	vadd.s32 v26, v12  }
0x56: {  	v9 =	vsel vm10, v10, v9;
	v10 =	vadd.s32 $0xFFFFFFFF, v11  }
0x57: {  	v9 =	vsel vm11, v10, v9  }
0x58: {  	[tilespmem:s30+$0xFFFFFFF0] =	vst v9  }
0x59: {  	v9 =	vld [tilespmem:s14+$0x20];
	_ =	sdelay $0x4  }
0x5a: {  	v27 =	vmpcnt.ones.xlane vm11;
	vm3 =	veq.s32 v9, $0x0  }
0x5b: {  	v29 =	vmpcnt.ones.xlane vm10;
	vm4 =	veq.s32 v9, $0x1;
	v28 =	vsel vm3, $0x1, v0  }
0x5c: {  	v33 =	vmpcnt.ones.xlane vm1;
	vm6 =	veq.s32 v9, $0x2;
	v30 =	vsel vm4, $0x1, v0;
	(xrf0) =	vadd.scan.msk.s32 $0xffff, v28  }
0x5d: {  	v11 =	vmpcnt.ones.xlane vm9;
	vm12 =	veq.s32 v9, $0x3;
	v31 =	vsel vm6, $0x1, v0;
	(xrf0) =	vadd.scan.msk.s32 $0xffff, v30  }
0x5e: {  	v4 =	vadd.s32 v4, v33;
	vm13 =	veq.s32 v9, $0x4;
	v32 =	vsel vm12, $0x1, v0;
	(xrf0) =	vadd.scan.msk.s32 $0xffff, v31  }
0x5f: {  	v10 =	vmpcnt.ones.xlane vm14;
	v8 =	vadd.s32 v8, v11;
	v11 =	vsel vm13, $0x1, v0;
	(xrf0) =	vadd.scan.msk.s32 $0xffff, v32  }
0x60: {  	v7 =	vadd.s32 v7, v29;
	vm8 =	veq.s32 v9, $0x5;
	(xrf0) =	vadd.scan.msk.s32 $0xffff, v11;
	v11 =	vmpcnt.ones.xlane vm0  }
0x61: {  	v5 =	vadd.s32 v5, v10;
	vm14 =	veq.s32 v9, $0x6;
	v34 =	vsel vm8, $0x1, v0  }
0x62: {  	v10 =	vmpcnt.ones.xlane vm15;
	vm15 =	veq.s32 v9, $0x7;
	v35 =	vsel vm14, $0x1, v0;
	(xrf0) =	vadd.scan.msk.s32 $0xffff, v34  }
0x63: {  	v12 =	vadd.s32 v12, v27;
	v9 =	vmpcnt.ones.xlane vm2;
	v36 =	vsel vm15, $0x1, v0;
	v37, _, _ =	vpop (xrf0);
	(xrf0) =	vadd.scan.msk.s32 $0xffff, v35  }
0x64: {  	v2 =	vadd.s32 v2, v10;
	v3 =	vadd.s32 v3, v11;
	v10 =	vadd.s32 v37, v4;
	v11, _, _ =	vpop (xrf0);
	(xrf0) =	vadd.scan.msk.s32 $0xffff, v36  }
0x65: {  	v6 =	vadd.s32 v6, v9;
	v9 =	vadd.s32 $0xFFFFFFFF, v10;
	v10 =	vadd.s32 v11, v3;
	v11, _, _ =	vpop (xrf0)  }
0x66: {  	v9 =	vnsel vm3, $0x0, v9;
	v10 =	vadd.s32 $0xFFFFFFFF, v10;
	v11 =	vadd.s32 v11, v5;
	v38, _, _ =	vpop (xrf0)  }
0x67: {  	v9 =	vsel vm4, v10, v9;
	v10 =	vadd.s32 $0xFFFFFFFF, v11;
	v11 =	vadd.s32 v38, v6;
	v39, _, _ =	vpop (xrf0)  }
0x68: {  	v9 =	vsel vm6, v10, v9;
	v10 =	vadd.s32 $0xFFFFFFFF, v11;
	v11 =	vadd.s32 v39, v2;
	v40, _, _ =	vpop (xrf0)  }
0x69: {  	v9 =	vsel vm12, v10, v9;
	v10 =	vadd.s32 $0xFFFFFFFF, v11;
	v11 =	vadd.s32 v40, v8;
	v41, _, _ =	vpop (xrf0)  }
0x6a: {  	v9 =	vsel vm13, v10, v9;
	v10 =	vadd.s32 $0xFFFFFFFF, v11;
	v11 =	vadd.s32 v41, v7;
	v42, _, _ =	vpop (xrf0)  }
0x6b: {  	v9 =	vsel vm8, v10, v9;
	v10 =	vadd.s32 $0xFFFFFFFF, v11;
	v11 =	vadd.s32 v42, v12  }
0x6c: {  	v9 =	vsel vm14, v10, v9;
	v10 =	vadd.s32 $0xFFFFFFFF, v11  }
0x6d: {  	v9 =	vsel vm15, v10, v9  }
0x6e: {  	v45 =	vmpcnt.ones.xlane vm4;
	[tilespmem:s30+$0x0] =	vst v9  }
0x6f: {  	v44 =	vmpcnt.ones.xlane vm3;
	v46 =	vmpcnt.ones.xlane vm14;
	v43 =	vld [tilespmem:s14+$0x30]  }
0x70: {  	v48 =	vadd.s32 v3, v45;
	v3 =	vmpcnt.ones.xlane vm15;
	v9 =	vmpcnt.ones.xlane vm6  }
0x71: {  	v11 =	vmpcnt.ones.xlane vm8;
	v10 =	vmpcnt.ones.xlane vm13  }
0x72: {  	v7 =	vadd.s32 v7, v46;
	v47 =	vadd.s32 v5, v9;
	v5 =	vmpcnt.ones.xlane vm12  }
0x73: {  	v8 =	vadd.s32 v8, v11;
	v11 =	vadd.s32 v12, v3;
	v49 =	vadd.s32 v2, v10  }
0x74: {  	v9 =	vadd.s32 v4, v44;
	v6 =	vadd.s32 v6, v5;
	vm7 =	veq.s32 v43, $0x0  }
0x75: {  	vm9 =	veq.s32 v43, $0x1;
	vm10 =	veq.s32 v43, $0x2;
	v2 =	vsel vm7, $0x1, v0  }
0x76: {  	vm11 =	veq.s32 v43, $0x3;
	vm12 =	veq.s32 v43, $0x4;
	v3 =	vsel vm9, $0x1, v0;
	(xrf0) =	vadd.scan.msk.s32 $0xffff, v2  }
0x77: {  	vm13 =	veq.s32 v43, $0x5;
	vm14 =	veq.s32 v43, $0x6;
	v2 =	vsel vm10, $0x1, v0;
	(xrf0) =	vadd.scan.msk.s32 $0xffff, v3  }
0x78: {  	v10 =	vmpcnt.ones.xlane vm7;
	v50 =	vmpcnt.ones.xlane vm9;
	v3 =	vsel vm11, $0x1, v0;
	(xrf0) =	vadd.scan.msk.s32 $0xffff, v2  }
0x79: {  	v51 =	vmpcnt.ones.xlane vm10;
	v2 =	vsel vm12, $0x1, v0;
	(xrf0) =	vadd.scan.msk.s32 $0xffff, v3;
	v3 =	vsel vm13, $0x1, v0  }
0x7a: {  	vm15 =	veq.s32 v43, $0x7;
	v52 =	vmpcnt.ones.xlane vm11;
	v5 =	vmpcnt.ones.xlane vm13;
	(xrf0) =	vadd.scan.msk.s32 $0xffff, v2  }
0x7b: {  	v4 =	vmpcnt.ones.xlane vm12;
	v53 =	vsel vm14, $0x1, v0;
	v54 =	vmpcnt.ones.xlane vm14;
	(xrf0) =	vadd.scan.msk.s32 $0xffff, v3  }
0x7c: {  	v13 =	vmpcnt.ones.xlane vm15;
	v2 =	vadd.s32 v8, v5;
	v5 =	vsel vm15, $0x1, v0;
	v3, _, _ =	vpop (xrf0);
	(xrf0) =	vadd.scan.msk.s32 $0xffff, v53  }
0x7d: {  	v55 =	vadd.s32 v3, v9;
	v3 =	vadd.s32 v49, v4;
	v4 =	vadd.s32 v7, v54;
	v56, _, _ =	vpop (xrf0);
	(xrf0) =	vadd.scan.msk.s32 $0xffff, v5  }
0x7e: {  	v5 =	vadd.s32 v11, v13;
	v19 =	vadd.s32 $0xFFFFFFFF, v55;
	v20 =	vadd.s32 v56, v48;
	v57, _, _ =	vpop (xrf0)  }
0x7f: {  	v19 =	vnsel vm7, $0x0, v19;
	v20 =	vadd.s32 $0xFFFFFFFF, v20;
	v13 =	vadd.s32 v57, v47;
	v21, _, _ =	vpop (xrf0)  }
0x80: {  	v19 =	vsel vm9, v20, v19;
	v13 =	vadd.s32 $0xFFFFFFFF, v13;
	v58 =	vadd.s32 v21, v6;
	v59, _, _ =	vpop (xrf0)  }
0x81: {  	v13 =	vsel vm10, v13, v19;
	v60 =	vadd.s32 $0xFFFFFFFF, v58;
	v15 =	vadd.s32 v59, v49;
	v61, _, _ =	vpop (xrf0)  }
0x82: {  	v13 =	vsel vm11, v60, v13;
	v15 =	vadd.s32 $0xFFFFFFFF, v15;
	v8 =	vadd.s32 v61, v8;
	v62, _, _ =	vpop (xrf0)  }
0x83: {  	v13 =	vsel vm12, v15, v13;
	v8 =	vadd.s32 $0xFFFFFFFF, v8;
	v7 =	vadd.s32 v62, v7;
	v63, _, _ =	vpop (xrf0)  }
0x84: {  	v8 =	vsel vm13, v8, v13;
	v7 =	vadd.s32 $0xFFFFFFFF, v7;
	v11 =	vadd.s32 v63, v11  }
0x85: {  	v6 =	vadd.s32 v6, v52;
	v13 =	vsel vm14, v7, v8;
	v11 =	vadd.s32 $0xFFFFFFFF, v11  }
0x86: {  	s31 =	simm.s32 $0x100;
	s0 =	simm.s32 $0x200;
	v8 =	vadd.s32 v48, v50;
	v7 =	vadd.s32 v47, v51;
	v11 =	vsel vm15, v11, v13  }
.LBB2_2:
0x87: {  	s1 =	sshra.s32 s31, $0x2  }
0x88: {  	v9 =	vadd.s32 v9, v10;
	[tilespmem:s30+$0x10] =	vst v11;
	s30 =	sadd.s32 $0x80, s30;
	s31 =	smov.u32 s0;
	s14 =	sadd.s32 $0x100, s0  }
0x89: {  	p0 =	sne.s32 s0, $0x1700;
	v10 =	vld [tilespmem:s1+$0x0];
	_ =	sdelay $0x4  }
0x8a: {  	vm6 =	veq.s32 v10, $0x0  }
0x8b: {  	vm4 =	veq.s32 v10, $0x1;
	v11 =	vsel vm6, $0x1, v0;
	v12 =	vmpcnt.ones.xlane vm6  }
0x8c: {  	vm0 =	veq.s32 v10, $0x2;
	v13 =	vsel vm4, $0x1, v0;
	v14 =	vmpcnt.ones.xlane vm4;
	(xrf0) =	vadd.scan.msk.s32 $0xffff, v11  }
0x8d: {  	vm1 =	veq.s32 v10, $0x3;
	v15 =	vmpcnt.ones.xlane vm0;
	v11 =	vsel vm0, $0x1, v0;
	(xrf0) =	vadd.scan.msk.s32 $0xffff, v13  }
0x8e: {  	vm2 =	veq.s32 v10, $0x4;
	v16 =	vmpcnt.ones.xlane vm1;
	v13 =	vsel vm1, $0x1, v0;
	(xrf0) =	vadd.scan.msk.s32 $0xffff, v11  }
0x8f: {  	vm3 =	veq.s32 v10, $0x5;
	v17 =	vmpcnt.ones.xlane vm2;
	v11 =	vsel vm2, $0x1, v0;
	(xrf0) =	vadd.scan.msk.s32 $0xffff, v13  }
0x90: {  	vm5 =	veq.s32 v10, $0x6;
	v18 =	vmpcnt.ones.xlane vm3;
	v13 =	vsel vm3, $0x1, v0;
	(xrf0) =	vadd.scan.msk.s32 $0xffff, v11  }
0x91: {  	vm7 =	veq.s32 v10, $0x7;
	v19 =	vmpcnt.ones.xlane vm5;
	v11 =	vsel vm5, $0x1, v0;
	(xrf0) =	vadd.scan.msk.s32 $0xffff, v13  }
0x92: {  	v10 =	vsel vm7, $0x1, v0;
	v13 =	vmpcnt.ones.xlane vm7;
	v20, _, _ =	vpop (xrf0);
	(xrf0) =	vadd.scan.msk.s32 $0xffff, v11  }
0x93: {  	v11 =	vadd.s32 v20, v9;
	v20, _, _ =	vpop (xrf0);
	(xrf0) =	vadd.scan.msk.s32 $0xffff, v10  }
0x94: {  	v10 =	vadd.s32 $0xFFFFFFFF, v11;
	v11 =	vadd.s32 v20, v8;
	v20, _, _ =	vpop (xrf0)  }
0x95: {  	v10 =	vnsel vm6, $0x0, v10;
	v11 =	vadd.s32 $0xFFFFFFFF, v11;
	v20 =	vadd.s32 v20, v7;
	v21, _, _ =	vpop (xrf0)  }
0x96: {  	v10 =	vsel vm4, v11, v10;
	v11 =	vadd.s32 $0xFFFFFFFF, v20;
	v20 =	vadd.s32 v21, v6;
	v21, _, _ =	vpop (xrf0)  }
0x97: {  	v10 =	vsel vm0, v11, v10;
	v11 =	vadd.s32 $0xFFFFFFFF, v20;
	v20 =	vadd.s32 v21, v3;
	v21, _, _ =	vpop (xrf0)  }
0x98: {  	v10 =	vsel vm1, v11, v10;
	v11 =	vadd.s32 $0xFFFFFFFF, v20;
	v20 =	vadd.s32 v21, v2;
	v21, _, _ =	vpop (xrf0)  }
0x99: {  	v10 =	vsel vm2, v11, v10;
	v11 =	vadd.s32 $0xFFFFFFFF, v20;
	v20 =	vadd.s32 v21, v4;
	v21, _, _ =	vpop (xrf0)  }
0x9a: {  	v10 =	vsel vm3, v11, v10;
	v11 =	vadd.s32 $0xFFFFFFFF, v20;
	v20 =	vadd.s32 v21, v5  }
0x9b: {  	v10 =	vsel vm5, v11, v10;
	v11 =	vadd.s32 $0xFFFFFFFF, v20  }
0x9c: {  	v10 =	vsel vm7, v11, v10  }
0x9d: {  	[tilespmem:s30+$0xFFFFFFE0] =	vst v10  }
0x9e: {  	v10 =	vld [tilespmem:s1+$0x10];
	_ =	sdelay $0x4  }
0x9f: {  	vm1 =	veq.s32 v10, $0x0  }
0xa0: {  	vm2 =	veq.s32 v10, $0x1;
	v11 =	vsel vm1, $0x1, v0  }
0xa1: {  	vm7 =	veq.s32 v10, $0x2;
	v20 =	vsel vm2, $0x1, v0;
	(xrf0) =	vadd.scan.msk.s32 $0xffff, v11  }
0xa2: {  	vm0 =	veq.s32 v10, $0x3;
	v21 =	vmpcnt.ones.xlane vm7;
	v11 =	vsel vm7, $0x1, v0;
	(xrf0) =	vadd.scan.msk.s32 $0xffff, v20  }
0xa3: {  	vm3 =	veq.s32 v10, $0x4;
	v20 =	vsel vm0, $0x1, v0;
	(xrf0) =	vadd.scan.msk.s32 $0xffff, v11  }
0xa4: {  	v5 =	vadd.s32 v5, v13;
	vm4 =	veq.s32 v10, $0x5;
	v11 =	vsel vm3, $0x1, v0;
	(xrf0) =	vadd.scan.msk.s32 $0xffff, v20  }
0xa5: {  	v4 =	vadd.s32 v4, v19;
	vm5 =	veq.s32 v10, $0x6;
	v13 =	vsel vm4, $0x1, v0;
	(xrf0) =	vadd.scan.msk.s32 $0xffff, v11  }
0xa6: {  	v2 =	vadd.s32 v2, v18;
	vm6 =	veq.s32 v10, $0x7;
	v11 =	vsel vm5, $0x1, v0;
	(xrf0) =	vadd.scan.msk.s32 $0xffff, v13  }
0xa7: {  	v9 =	vadd.s32 v9, v12;
	v3 =	vadd.s32 v3, v17;
	v10 =	vsel vm6, $0x1, v0;
	v12, _, _ =	vpop (xrf0);
	(xrf0) =	vadd.scan.msk.s32 $0xffff, v11  }
0xa8: {  	v8 =	vadd.s32 v8, v14;
	v6 =	vadd.s32 v6, v16;
	v11 =	vadd.s32 v12, v9;
	v12, _, _ =	vpop (xrf0);
	(xrf0) =	vadd.scan.msk.s32 $0xffff, v10  }
0xa9: {  	v7 =	vadd.s32 v7, v15;
	v10 =	vadd.s32 $0xFFFFFFFF, v11;
	v11 =	vadd.s32 v12, v8;
	v12, _, _ =	vpop (xrf0)  }
0xaa: {  	v10 =	vnsel vm1, $0x0, v10;
	v11 =	vadd.s32 $0xFFFFFFFF, v11;
	v12 =	vadd.s32 v12, v7;
	v13, _, _ =	vpop (xrf0)  }
0xab: {  	v10 =	vsel vm2, v11, v10;
	v11 =	vadd.s32 $0xFFFFFFFF, v12;
	v12 =	vadd.s32 v13, v6;
	v13, _, _ =	vpop (xrf0)  }
0xac: {  	v10 =	vsel vm7, v11, v10;
	v11 =	vadd.s32 $0xFFFFFFFF, v12;
	v12 =	vadd.s32 v13, v3;
	v13, _, _ =	vpop (xrf0)  }
0xad: {  	v10 =	vsel vm0, v11, v10;
	v11 =	vadd.s32 $0xFFFFFFFF, v12;
	v12 =	vadd.s32 v13, v2;
	v13, _, _ =	vpop (xrf0)  }
0xae: {  	v10 =	vsel vm3, v11, v10;
	v11 =	vadd.s32 $0xFFFFFFFF, v12;
	v12 =	vadd.s32 v13, v4;
	v13, _, _ =	vpop (xrf0)  }
0xaf: {  	v10 =	vsel vm4, v11, v10;
	v11 =	vadd.s32 $0xFFFFFFFF, v12;
	v12 =	vadd.s32 v13, v5  }
0xb0: {  	v7 =	vadd.s32 v7, v21;
	v10 =	vsel vm5, v11, v10;
	v11 =	vadd.s32 $0xFFFFFFFF, v12  }
0xb1: {  	v13 =	vmpcnt.ones.xlane vm4;
	v12 =	vmpcnt.ones.xlane vm3;
	v10 =	vsel vm6, v11, v10  }
0xb2: {  	v14 =	vmpcnt.ones.xlane vm6;
	v11 =	vmpcnt.ones.xlane vm5;
	[tilespmem:s30+$0xFFFFFFF0] =	vst v10  }
0xb3: {  	v10 =	vld [tilespmem:s1+$0x20];
	_ =	sdelay $0x4  }
0xb4: {  	v5 =	vadd.s32 v5, v14;
	vm3 =	veq.s32 v10, $0x0  }
0xb5: {  	v4 =	vadd.s32 v4, v11;
	vm4 =	veq.s32 v10, $0x1;
	v11 =	vsel vm3, $0x1, v0  }
0xb6: {  	v2 =	vadd.s32 v2, v13;
	vm5 =	veq.s32 v10, $0x2;
	v13 =	vsel vm4, $0x1, v0;
	(xrf0) =	vadd.scan.msk.s32 $0xffff, v11  }
0xb7: {  	v14 =	vsel vm5, $0x1, v0;
	v11 =	vmpcnt.ones.xlane vm2;
	vm2 =	veq.s32 v10, $0x3;
	(xrf0) =	vadd.scan.msk.s32 $0xffff, v13  }
0xb8: {  	vm6 =	veq.s32 v10, $0x4;
	v13 =	vmpcnt.ones.xlane vm1;
	v15 =	vsel vm2, $0x1, v0;
	(xrf0) =	vadd.scan.msk.s32 $0xffff, v14  }
0xb9: {  	vm7 =	veq.s32 v10, $0x5;
	v16 =	vmpcnt.ones.xlane vm6;
	v14 =	vsel vm6, $0x1, v0;
	(xrf0) =	vadd.scan.msk.s32 $0xffff, v15  }
0xba: {  	vm8 =	veq.s32 v10, $0x6;
	v19 =	vsel vm7, $0x1, v0;
	v17 =	vmpcnt.ones.xlane vm7;
	(xrf0) =	vadd.scan.msk.s32 $0xffff, v14  }
0xbb: {  	v18 =	vmpcnt.ones.xlane vm8;
	vm1 =	veq.s32 v10, $0x7;
	v14 =	vsel vm8, $0x1, v0;
	(xrf0) =	vadd.scan.msk.s32 $0xffff, v19  }
0xbc: {  	v10 =	vmpcnt.ones.xlane vm0;
	v9 =	vadd.s32 v9, v13;
	v13 =	vsel vm1, $0x1, v0;
	v15, _, _ =	vpop (xrf0);
	(xrf0) =	vadd.scan.msk.s32 $0xffff, v14  }
0xbd: {  	v3 =	vadd.s32 v3, v12;
	v8 =	vadd.s32 v8, v11;
	v11 =	vadd.s32 v15, v9;
	v12, _, _ =	vpop (xrf0);
	(xrf0) =	vadd.scan.msk.s32 $0xffff, v13  }
0xbe: {  	v6 =	vadd.s32 v6, v10;
	v10 =	vadd.s32 $0xFFFFFFFF, v11;
	v11 =	vadd.s32 v12, v8;
	v12, _, _ =	vpop (xrf0)  }
0xbf: {  	v10 =	vnsel vm3, $0x0, v10;
	v11 =	vadd.s32 $0xFFFFFFFF, v11;
	v12 =	vadd.s32 v12, v7;
	v13, _, _ =	vpop (xrf0)  }
0xc0: {  	v10 =	vsel vm4, v11, v10;
	v11 =	vadd.s32 $0xFFFFFFFF, v12;
	v12 =	vadd.s32 v13, v6;
	v13, _, _ =	vpop (xrf0)  }
0xc1: {  	v10 =	vsel vm5, v11, v10;
	v11 =	vadd.s32 $0xFFFFFFFF, v12;
	v12 =	vadd.s32 v13, v3;
	v13, _, _ =	vpop (xrf0)  }
0xc2: {  	v10 =	vsel vm2, v11, v10;
	v11 =	vadd.s32 $0xFFFFFFFF, v12;
	v12 =	vadd.s32 v13, v2;
	v13, _, _ =	vpop (xrf0)  }
0xc3: {  	v10 =	vsel vm6, v11, v10;
	v11 =	vadd.s32 $0xFFFFFFFF, v12;
	v12 =	vadd.s32 v13, v4;
	v13, _, _ =	vpop (xrf0)  }
0xc4: {  	v10 =	vsel vm7, v11, v10;
	v11 =	vadd.s32 $0xFFFFFFFF, v12;
	v12 =	vadd.s32 v13, v5  }
0xc5: {  	v13 =	vmpcnt.ones.xlane vm5;
	v10 =	vsel vm8, v11, v10;
	v11 =	vadd.s32 $0xFFFFFFFF, v12  }
0xc6: {  	v10 =	vsel vm1, v11, v10  }
0xc7: {  	[tilespmem:s30+$0x0] =	vst v10  }
0xc8: {  	v11 =	vld [tilespmem:s1+$0x30]  }
0xc9: {  	v12 =	vmpcnt.ones.xlane vm4;
	v10 =	vmpcnt.ones.xlane vm3  }
0xca: {  	v7 =	vadd.s32 v7, v13;
	v13 =	vmpcnt.ones.xlane vm2  }
0xcb: {  	v8 =	vadd.s32 v8, v12;
	v9 =	vadd.s32 v9, v10;
	v10 =	vmpcnt.ones.xlane vm1  }
0xcc: {  	v12 =	vadd.s32 v3, v16;
	v6 =	vadd.s32 v6, v13;
	v13 =	vadd.s32 v2, v17  }
0xcd: {  	v14 =	vadd.s32 v4, v18;
	v15 =	vadd.s32 v5, v10;
	vm7 =	veq.s32 v11, $0x0  }
0xce: {  	vm6 =	veq.s32 v11, $0x1;
	v2 =	vsel vm7, $0x1, v0;
	v10 =	vmpcnt.ones.xlane vm7  }
0xcf: {  	vm0 =	veq.s32 v11, $0x2;
	v3 =	vsel vm6, $0x1, v0;
	v16 =	vmpcnt.ones.xlane vm6;
	(xrf0) =	vadd.scan.msk.s32 $0xffff, v2  }
0xd0: {  	vm1 =	veq.s32 v11, $0x3;
	v17 =	vmpcnt.ones.xlane vm0;
	v2 =	vsel vm0, $0x1, v0;
	(xrf0) =	vadd.scan.msk.s32 $0xffff, v3  }
0xd1: {  	vm2 =	veq.s32 v11, $0x4;
	v18 =	vmpcnt.ones.xlane vm1;
	v3 =	vsel vm1, $0x1, v0;
	(xrf0) =	vadd.scan.msk.s32 $0xffff, v2  }
0xd2: {  	vm3 =	veq.s32 v11, $0x5;
	v4 =	vmpcnt.ones.xlane vm2;
	v2 =	vsel vm2, $0x1, v0;
	(xrf0) =	vadd.scan.msk.s32 $0xffff, v3  }
0xd3: {  	vm4 =	veq.s32 v11, $0x6;
	v21 =	vsel vm3, $0x1, v0;
	v5 =	vmpcnt.ones.xlane vm3;
	(xrf0) =	vadd.scan.msk.s32 $0xffff, v2  }
0xd4: {  	vm5 =	veq.s32 v11, $0x7;
	v19 =	vsel vm4, $0x1, v0;
	v22 =	vmpcnt.ones.xlane vm4;
	(xrf0) =	vadd.scan.msk.s32 $0xffff, v21  }
0xd5: {  	v23 =	vmpcnt.ones.xlane vm5;
	v2 =	vadd.s32 v13, v5;
	v5 =	vsel vm5, $0x1, v0;
	v3, _, _ =	vpop (xrf0);
	(xrf0) =	vadd.scan.msk.s32 $0xffff, v19  }
0xd6: {  	v19 =	vadd.s32 v3, v9;
	v3 =	vadd.s32 v12, v4;
	v4 =	vadd.s32 v14, v22;
	v20, _, _ =	vpop (xrf0);
	(xrf0) =	vadd.scan.msk.s32 $0xffff, v5  }
0xd7: {  	v5 =	vadd.s32 v15, v23;
	v19 =	vadd.s32 $0xFFFFFFFF, v19;
	v20 =	vadd.s32 v20, v8;
	v11, _, _ =	vpop (xrf0)  }
0xd8: {  	v19 =	vnsel vm7, $0x0, v19;
	v23 =	vadd.s32 $0xFFFFFFFF, v20;
	v11 =	vadd.s32 v11, v7;
	v21, _, _ =	vpop (xrf0)  }
0xd9: {  	v23 =	vsel vm6, v23, v19;
	v11 =	vadd.s32 $0xFFFFFFFF, v11;
	v22 =	vadd.s32 v21, v6;
	v21, _, _ =	vpop (xrf0)  }
0xda: {  	v11 =	vsel vm0, v11, v23;
	v22 =	vadd.s32 $0xFFFFFFFF, v22;
	v12 =	vadd.s32 v21, v12;
	v20, _, _ =	vpop (xrf0)  }
.Ltmp2:
0xdb: {  	v11 =	vsel vm1, v22, v11;
	v12 =	vadd.s32 $0xFFFFFFFF, v12;
	v13 =	vadd.s32 v20, v13;
	v19, _, _ =	vpop (xrf0);
	(pc) =	sbr.rel @p0 .LBB2_2-.Ltmp2, $4  }
0xdc: {  	v11 =	vsel vm2, v12, v11;
	v12 =	vadd.s32 $0xFFFFFFFF, v13;
	v13 =	vadd.s32 v19, v14;
	v14, _, _ =	vpop (xrf0)  }
0xdd: {  	v11 =	vsel vm3, v12, v11;
	v12 =	vadd.s32 $0xFFFFFFFF, v13;
	v13 =	vadd.s32 v14, v15  }
0xde: {  	v6 =	vadd.s32 v6, v18;
	v11 =	vsel vm4, v12, v11;
	v12 =	vadd.s32 $0xFFFFFFFF, v13  }
0xdf: {  	s0 =	smov.u32 s14;
	v8 =	vadd.s32 v8, v16;
	v7 =	vadd.s32 v7, v17;
	v11 =	vsel vm5, v12, v11  }
0xe0: {  	s1 =	sshra.s32 s31, $0x2;
	[tilespmem:s30+$0x10] =	vst v11  }
0xe1: {  	v11 =	vld [tilespmem:s1+$0x0];
	_ =	sdelay $0x4  }
0xe2: {  	vm0 =	veq.s32 v11, $0x0  }
0xe3: {  	vm1 =	veq.s32 v11, $0x1;
	v12 =	vsel vm0, $0x1, v0  }
0xe4: {  	vm2 =	veq.s32 v11, $0x2;
	v13 =	vsel vm1, $0x1, v0;
	(xrf0) =	vadd.scan.msk.s32 $0xffff, v12  }
0xe5: {  	vm3 =	veq.s32 v11, $0x3;
	v32 =	vsel vm2, $0x1, v0;
	(xrf0) =	vadd.scan.msk.s32 $0xffff, v13  }
0xe6: {  	vm5 =	veq.s32 v11, $0x4;
	v33 =	vsel vm3, $0x1, v0;
	(xrf0) =	vadd.scan.msk.s32 $0xffff, v32  }
0xe7: {  	vm6 =	veq.s32 v11, $0x5;
	v34 =	vsel vm5, $0x1, v0;
	(xrf0) =	vadd.scan.msk.s32 $0xffff, v33  }
0xe8: {  	vm4 =	veq.s32 v11, $0x6;
	v35 =	vsel vm6, $0x1, v0;
	(xrf0) =	vadd.scan.msk.s32 $0xffff, v34  }
0xe9: {  	vm7 =	veq.s32 v11, $0x7;
	v36 =	vsel vm4, $0x1, v0;
	(xrf0) =	vadd.scan.msk.s32 $0xffff, v35  }
0xea: {  	v9 =	vadd.s32 v9, v10;
	v37 =	vsel vm7, $0x1, v0;
	v38, _, _ =	vpop (xrf0);
	(xrf0) =	vadd.scan.msk.s32 $0xffff, v36  }
0xeb: {  	v11 =	vadd.s32 v38, v9;
	v39, _, _ =	vpop (xrf0);
	(xrf0) =	vadd.scan.msk.s32 $0xffff, v37  }
0xec: {  	v40 =	vadd.s32 $0xFFFFFFFF, v11;
	v41 =	vadd.s32 v39, v8;
	v42, _, _ =	vpop (xrf0)  }
0xed: {  	v10 =	vnsel vm0, $0x0, v40;
	v11 =	vadd.s32 $0xFFFFFFFF, v41;
	v12 =	vadd.s32 v42, v7;
	v43, _, _ =	vpop (xrf0)  }
0xee: {  	v10 =	vsel vm1, v11, v10;
	v44 =	vadd.s32 $0xFFFFFFFF, v12;
	v45 =	vadd.s32 v43, v6;
	v46, _, _ =	vpop (xrf0)  }
0xef: {  	v10 =	vsel vm2, v44, v10;
	v47 =	vadd.s32 $0xFFFFFFFF, v45;
	v48 =	vadd.s32 v46, v3;
	v49, _, _ =	vpop (xrf0)  }
0xf0: {  	v10 =	vsel vm3, v47, v10;
	v50 =	vadd.s32 $0xFFFFFFFF, v48;
	v51 =	vadd.s32 v49, v2;
	v52, _, _ =	vpop (xrf0)  }
0xf1: {  	v10 =	vsel vm5, v50, v10;
	v53 =	vadd.s32 $0xFFFFFFFF, v51;
	v54 =	vadd.s32 v52, v4;
	v55, _, _ =	vpop (xrf0)  }
0xf2: {  	v10 =	vsel vm6, v53, v10;
	v56 =	vadd.s32 $0xFFFFFFFF, v54;
	v57 =	vadd.s32 v55, v5  }
0xf3: {  	v10 =	vsel vm4, v56, v10;
	v58 =	vadd.s32 $0xFFFFFFFF, v57  }
0xf4: {  	s0 =	sadd.s32 $0x80, s30;
	v10 =	vsel vm7, v58, v10  }
0xf5: {  	[tilespmem:s0+$0xFFFFFFE0] =	vst v10  }
0xf6: {  	v10 =	vld [tilespmem:s1+$0x10];
	_ =	sdelay $0x3  }
0xf7: {  	v59 =	vmpcnt.ones.xlane vm0;
	v60 =	vmpcnt.ones.xlane vm1  }
0xf8: {  	v61 =	vmpcnt.ones.xlane vm2;
	v14 =	vmpcnt.ones.xlane vm3;
	vm1 =	veq.s32 v10, $0x0  }
0xf9: {  	v15 =	vmpcnt.ones.xlane vm5;
	vm0 =	veq.s32 v10, $0x1;
	v16 =	vsel vm1, $0x1, v0  }
0xfa: {  	v17 =	vmpcnt.ones.xlane vm6;
	vm14 =	veq.s32 v10, $0x2;
	v18 =	vsel vm0, $0x1, v0;
	(xrf0) =	vadd.scan.msk.s32 $0xffff, v16  }
0xfb: {  	v62 =	vmpcnt.ones.xlane vm7;
	vm2 =	veq.s32 v10, $0x3;
	v19 =	vsel vm14, $0x1, v0;
	(xrf0) =	vadd.scan.msk.s32 $0xffff, v18  }
0xfc: {  	v63 =	vmpcnt.ones.xlane vm4;
	vm15 =	veq.s32 v10, $0x4;
	v20 =	vsel vm2, $0x1, v0;
	(xrf0) =	vadd.scan.msk.s32 $0xffff, v19  }
0xfd: {  	v21 =	vadd.s32 v5, v62;
	vm9 =	veq.s32 v10, $0x5;
	v22 =	vsel vm15, $0x1, v0;
	(xrf0) =	vadd.scan.msk.s32 $0xffff, v20  }
0xfe: {  	v23 =	vadd.s32 v4, v63;
	vm10 =	veq.s32 v10, $0x6;
	v24 =	vsel vm9, $0x1, v0;
	(xrf0) =	vadd.scan.msk.s32 $0xffff, v22  }
0xff: {  	v27 =	vadd.s32 v8, v60;
	vm11 =	veq.s32 v10, $0x7;
	v25 =	vsel vm10, $0x1, v0;
	(xrf0) =	vadd.scan.msk.s32 $0xffff, v24  }
0x100: {  	v28 =	vadd.s32 v6, v14;
	v9 =	vadd.s32 v9, v59;
	v10 =	vsel vm11, $0x1, v0;
	v26, _, _ =	vpop (xrf0);
	(xrf0) =	vadd.scan.msk.s32 $0xffff, v25  }
0x101: {  	v30 =	vadd.s32 v7, v61;
	v3 =	vadd.s32 v3, v15;
	v11 =	vadd.s32 v26, v9;
	v29, _, _ =	vpop (xrf0);
	(xrf0) =	vadd.scan.msk.s32 $0xffff, v10  }
0x102: {  	v2 =	vadd.s32 v2, v17;
	v31 =	vadd.s32 $0xFFFFFFFF, v11;
	v32 =	vadd.s32 v29, v27;
	v33, _, _ =	vpop (xrf0)  }
0x103: {  	v10 =	vnsel vm1, $0x0, v31;
	v11 =	vadd.s32 $0xFFFFFFFF, v32;
	v12 =	vadd.s32 v33, v30;
	v34, _, _ =	vpop (xrf0)  }
0x104: {  	v10 =	vsel vm0, v11, v10;
	v35 =	vadd.s32 $0xFFFFFFFF, v12;
	v36 =	vadd.s32 v34, v28;
	v37, _, _ =	vpop (xrf0)  }
0x105: {  	v10 =	vsel vm14, v35, v10;
	v38 =	vadd.s32 $0xFFFFFFFF, v36;
	v39 =	vadd.s32 v37, v3;
	v40, _, _ =	vpop (xrf0)  }
0x106: {  	v10 =	vsel vm2, v38, v10;
	v41 =	vadd.s32 $0xFFFFFFFF, v39;
	v42 =	vadd.s32 v40, v2;
	v43, _, _ =	vpop (xrf0)  }
0x107: {  	v10 =	vsel vm15, v41, v10;
	v44 =	vadd.s32 $0xFFFFFFFF, v42;
	v45 =	vadd.s32 v43, v23;
	v46, _, _ =	vpop (xrf0)  }
0x108: {  	v10 =	vsel vm9, v44, v10;
	v47 =	vadd.s32 $0xFFFFFFFF, v45;
	v48 =	vadd.s32 v46, v21  }
0x109: {  	v10 =	vsel vm10, v47, v10;
	v49 =	vadd.s32 $0xFFFFFFFF, v48  }
0x10a: {  	v10 =	vsel vm11, v49, v10  }
0x10b: {  	[tilespmem:s0+$0xFFFFFFF0] =	vst v10  }
0x10c: {  	v10 =	vld [tilespmem:s1+$0x20];
	_ =	sdelay $0x3  }
0x10d: {  	v50 =	vmpcnt.ones.xlane vm14;
	v51 =	vmpcnt.ones.xlane vm15  }
0x10e: {  	v52 =	vmpcnt.ones.xlane vm9;
	v53 =	vmpcnt.ones.xlane vm11;
	vm4 =	veq.s32 v10, $0x0  }
0x10f: {  	v55 =	vmpcnt.ones.xlane vm10;
	vm5 =	veq.s32 v10, $0x1;
	v54 =	vsel vm4, $0x1, v0  }
0x110: {  	v60 =	vmpcnt.ones.xlane vm1;
	vm6 =	veq.s32 v10, $0x2;
	v56 =	vsel vm5, $0x1, v0;
	(xrf0) =	vadd.scan.msk.s32 $0xffff, v54  }
0x111: {  	v62 =	vmpcnt.ones.xlane vm0;
	vm12 =	veq.s32 v10, $0x3;
	v57 =	vsel vm6, $0x1, v0;
	(xrf0) =	vadd.scan.msk.s32 $0xffff, v56  }
0x112: {  	v16 =	vmpcnt.ones.xlane vm2;
	vm13 =	veq.s32 v10, $0x4;
	v58 =	vsel vm12, $0x1, v0;
	(xrf0) =	vadd.scan.msk.s32 $0xffff, v57  }
0x113: {  	v7 =	vadd.s32 v30, v50;
	vm8 =	veq.s32 v10, $0x5;
	v59 =	vsel vm13, $0x1, v0;
	(xrf0) =	vadd.scan.msk.s32 $0xffff, v58  }
0x114: {  	v5 =	vadd.s32 v21, v53;
	vm14 =	veq.s32 v10, $0x6;
	v61 =	vsel vm8, $0x1, v0;
	(xrf0) =	vadd.scan.msk.s32 $0xffff, v59  }
0x115: {  	v4 =	vadd.s32 v23, v55;
	vm15 =	veq.s32 v10, $0x7;
	v63 =	vsel vm14, $0x1, v0;
	(xrf0) =	vadd.scan.msk.s32 $0xffff, v61  }
0x116: {  	v8 =	vadd.s32 v27, v62;
	v9 =	vadd.s32 v9, v60;
	v17 =	vsel vm15, $0x1, v0;
	v18, _, _ =	vpop (xrf0);
	(xrf0) =	vadd.scan.msk.s32 $0xffff, v63  }
0x117: {  	v6 =	vadd.s32 v28, v16;
	v3 =	vadd.s32 v3, v51;
	v19 =	vadd.s32 v18, v9;
	v20, _, _ =	vpop (xrf0);
	(xrf0) =	vadd.scan.msk.s32 $0xffff, v17  }
0x118: {  	v2 =	vadd.s32 v2, v52;
	v21 =	vadd.s32 $0xFFFFFFFF, v19;
	v22 =	vadd.s32 v20, v8;
	v23, _, _ =	vpop (xrf0)  }
0x119: {  	v10 =	vnsel vm4, $0x0, v21;
	v11 =	vadd.s32 $0xFFFFFFFF, v22;
	v12 =	vadd.s32 v23, v7;
	v24, _, _ =	vpop (xrf0)  }
0x11a: {  	v10 =	vsel vm5, v11, v10;
	v25 =	vadd.s32 $0xFFFFFFFF, v12;
	v26 =	vadd.s32 v24, v6;
	v27, _, _ =	vpop (xrf0)  }
0x11b: {  	v10 =	vsel vm6, v25, v10;
	v28 =	vadd.s32 $0xFFFFFFFF, v26;
	v29 =	vadd.s32 v27, v3;
	v30, _, _ =	vpop (xrf0)  }
0x11c: {  	v10 =	vsel vm12, v28, v10;
	v31 =	vadd.s32 $0xFFFFFFFF, v29;
	v32 =	vadd.s32 v30, v2;
	v33, _, _ =	vpop (xrf0)  }
0x11d: {  	v10 =	vsel vm13, v31, v10;
	v34 =	vadd.s32 $0xFFFFFFFF, v32;
	v35 =	vadd.s32 v33, v4;
	v36, _, _ =	vpop (xrf0)  }
0x11e: {  	v10 =	vsel vm8, v34, v10;
	v37 =	vadd.s32 $0xFFFFFFFF, v35;
	v38 =	vadd.s32 v36, v5  }
0x11f: {  	v10 =	vsel vm14, v37, v10;
	v39 =	vadd.s32 $0xFFFFFFFF, v38  }
0x120: {  	v10 =	vsel vm15, v39, v10  }
0x121: {  	[tilespmem:s0+$0x0] =	vst v10  }
0x122: {  	v10 =	vld [tilespmem:s1+$0x30];
	_ =	sdelay $0x3  }
0x123: {  	v40 =	vmpcnt.ones.xlane vm13;
	v41 =	vmpcnt.ones.xlane vm8  }
0x124: {  	v42 =	vmpcnt.ones.xlane vm14;
	v43 =	vmpcnt.ones.xlane vm6;
	vm7 =	veq.s32 v10, $0x0  }
0x125: {  	v44 =	vmpcnt.ones.xlane vm4;
	vm9 =	veq.s32 v10, $0x1;
	v45 =	vsel vm7, $0x1, v0  }
0x126: {  	v46 =	vmpcnt.ones.xlane vm5;
	vm10 =	veq.s32 v10, $0x2;
	v47 =	vsel vm9, $0x1, v0;
	(xrf0) =	vadd.scan.msk.s32 $0xffff, v45  }
0x127: {  	v49 =	vmpcnt.ones.xlane vm12;
	vm11 =	veq.s32 v10, $0x3;
	v48 =	vsel vm10, $0x1, v0;
	(xrf0) =	vadd.scan.msk.s32 $0xffff, v47  }
0x128: {  	v53 =	vmpcnt.ones.xlane vm15;
	vm12 =	veq.s32 v10, $0x4;
	v50 =	vsel vm11, $0x1, v0;
	(xrf0) =	vadd.scan.msk.s32 $0xffff, v48  }
0x129: {  	v9 =	vadd.s32 v9, v44;
	vm13 =	veq.s32 v10, $0x5;
	v51 =	vsel vm12, $0x1, v0;
	(xrf0) =	vadd.scan.msk.s32 $0xffff, v50  }
0x12a: {  	v8 =	vadd.s32 v8, v46;
	vm14 =	veq.s32 v10, $0x6;
	v52 =	vsel vm13, $0x1, v0;
	(xrf0) =	vadd.scan.msk.s32 $0xffff, v51  }
0x12b: {  	v7 =	vadd.s32 v7, v43;
	vm15 =	veq.s32 v10, $0x7;
	v54 =	vsel vm14, $0x1, v0;
	(xrf0) =	vadd.scan.msk.s32 $0xffff, v52  }
0x12c: {  	v6 =	vadd.s32 v6, v49;
	v3 =	vadd.s32 v3, v40;
	v10 =	vsel vm15, $0x1, v0;
	v55, _, _ =	vpop (xrf0);
	(xrf0) =	vadd.scan.msk.s32 $0xffff, v54  }
0x12d: {  	v2 =	vadd.s32 v2, v41;
	v4 =	vadd.s32 v4, v42;
	v9 =	vadd.s32 v55, v9;
	v56, _, _ =	vpop (xrf0);
	(xrf0) =	vadd.scan.msk.s32 $0xffff, v10  }
0x12e: {  	v5 =	vadd.s32 v5, v53;
	v9 =	vadd.s32 $0xFFFFFFFF, v9;
	v8 =	vadd.s32 v56, v8;
	v57, _, _ =	vpop (xrf0)  }
0x12f: {  	v9 =	vnsel vm7, $0x0, v9;
	v8 =	vadd.s32 $0xFFFFFFFF, v8;
	v7 =	vadd.s32 v57, v7;
	v58, _, _ =	vpop (xrf0)  }
0x130: {  	v8 =	vsel vm9, v8, v9;
	v7 =	vadd.s32 $0xFFFFFFFF, v7;
	v6 =	vadd.s32 v58, v6;
	v59, _, _ =	vpop (xrf0)  }
0x131: {  	v7 =	vsel vm10, v7, v8;
	v6 =	vadd.s32 $0xFFFFFFFF, v6;
	v3 =	vadd.s32 v59, v3;
	v60, _, _ =	vpop (xrf0)  }
0x132: {  	v6 =	vsel vm11, v6, v7;
	v3 =	vadd.s32 $0xFFFFFFFF, v3;
	v2 =	vadd.s32 v60, v2;
	v61, _, _ =	vpop (xrf0)  }
0x133: {  	v3 =	vsel vm12, v3, v6;
	v2 =	vadd.s32 $0xFFFFFFFF, v2;
	v4 =	vadd.s32 v61, v4;
	v62, _, _ =	vpop (xrf0)  }
0x134: {  	v2 =	vsel vm13, v2, v3;
	v3 =	vadd.s32 $0xFFFFFFFF, v4;
	v63 =	vadd.s32 v62, v5  }
0x135: {  	v2 =	vsel vm14, v3, v2;
	v3 =	vadd.s32 $0xFFFFFFFF, v63  }
0x136: {  	v2 =	vsel vm15, v3, v2  }
0x137: {  	s14 =	rddreg [dreg:$0x8];
	s30 =	simm.s32 $0xA00;
	s31 =	simm.s32 $0x5;
	[tilespmem:s0+$0x10] =	vst v2  }
0x138: {  	[hbm4b:s14+s2] =	stream.linear.scatter [tilespmem:s30], [sflag:$0x5], $0xC00, $0x38;
	[tilespmem:$0x11600] =	vst v63  }
0x139: {  	_ =	swait.ge [sflag:s31], $0xC00  }
0x13a: {  	[sflag:s31] =	ssyncset.done $0x0  }
0x13b: {  	s1 =	simm.s32 $0xA80;
	s0 =	simm.s32 $0xFFFEA000;
	[sflag:s31] =	ssyncadd.s32 $0xFFFFF400  }
.LBB2_4:
0x13c: {  	_ =	swait.ge [sflag:s19], $0x8000  }
0x13d: {  	[sflag:s19] =	ssyncset.done $0x0  }
0x13e: {  	[sflag:s19] =	ssyncadd.s32 $0xFFFF8000  }
0x13f: {  	v2 =	vld [tilespmem:s1+$0xFFFFFF80];
	_ =	sdelay $0x4  }
0x140: {  	v3 =	vshll.u32 v2, $0x2  }
0x141: {  	v2 =	vand.u32 $0x7, v2;
	v3 =	vand.u32 $0xFFFFFFE0, v3  }
0x142: {  	v4 =	vshrl.u32 v1, $0x3;
	v2 =	vor.u32 v2, v3;
	v3 =	vand.u32 $0x7, v1  }
0x143: {  	v4 =	vmul.u32 $0x8, v4;
	v5 =	vperm.xlane v2, v3;
	_ =	sdelay $0x1  }
0x144: {  	v5 =	vadd.s32 v4, v5  }
0x145: {  	v6 =	vor.u32 $0x8, v1  }
0x146: {  	v2 =	vperm.xlane v2, v6;
	_ =	sdelay $0x1  }
0x147: {  	vm0 =	vmmov $0xffff;
	v2 =	vadd.s32 v4, v2  }
0x148: {  	[hbm4b:s3+s2] =	stream.indirect_vreg.scatter [tilespmem:s12], [sflag:$0x3], $0x80, v5, vm0, $0xb8;
	[tilespmem:$0x11600] =	vst v63  }
0x149: {  	s14 =	simm.s32 $0x1E00  }
0x14a: {  	[hbm4b:s9+s2] =	stream.indirect_vreg.scatter [tilespmem:s14], [sflag:$0x3], $0x80, v5, vm0, $0xb8;
	[tilespmem:$0x11600] =	vst v63  }
0x14b: {  	s31 =	simm.s32 $0x2600  }
0x14c: {  	[hbm4b:s3+s2] =	stream.indirect_vreg.scatter [tilespmem:s31], [sflag:$0x3], $0x80, v2, vm0, $0xb8;
	[tilespmem:$0x11600] =	vst v63  }
0x14d: {  	s30 =	simm.s32 $0x2E00  }
0x14e: {  	[hbm4b:s9+s2] =	stream.indirect_vreg.scatter [tilespmem:s30], [sflag:$0x3], $0x80, v2, vm0, $0xb8;
	[tilespmem:$0x11600] =	vst v63  }
0x14f: {  	v2 =	vld [tilespmem:s1+$0xFFFFFF90];
	_ =	sdelay $0x4  }
0x150: {  	v57 =	vshll.u32 v2, $0x2  }
0x151: {  	v2 =	vand.u32 $0x7, v2;
	v5 =	vand.u32 $0xFFFFFFE0, v57  }
0x152: {  	v2 =	vor.u32 v2, v5  }
0x153: {  	v5 =	vperm.xlane v2, v3;
	_ =	sdelay $0x1  }
0x154: {  	v5 =	vadd.s32 v4, v5;
	_ =	sdelay $0x1  }
0x155: {  	v2 =	vperm.xlane v2, v6;
	_ =	sdelay $0x1  }
0x156: {  	s31 =	simm.s32 $0x3600;
	v2 =	vadd.s32 v4, v2  }
0x157: {  	[hbm4b:s3+s2] =	stream.indirect_vreg.scatter [tilespmem:s31], [sflag:$0x3], $0x80, v5, vm0, $0xb8;
	[tilespmem:$0x11600] =	vst v63  }
0x158: {  	s30 =	simm.s32 $0x3E00  }
0x159: {  	[hbm4b:s9+s2] =	stream.indirect_vreg.scatter [tilespmem:s30], [sflag:$0x3], $0x80, v5, vm0, $0xb8;
	[tilespmem:$0x11600] =	vst v63  }
0x15a: {  	s31 =	simm.s32 $0x4600  }
0x15b: {  	[hbm4b:s3+s2] =	stream.indirect_vreg.scatter [tilespmem:s31], [sflag:$0x3], $0x80, v2, vm0, $0xb8;
	[tilespmem:$0x11600] =	vst v63  }
0x15c: {  	s30 =	simm.s32 $0x4E00  }
0x15d: {  	[hbm4b:s9+s2] =	stream.indirect_vreg.scatter [tilespmem:s30], [sflag:$0x3], $0x80, v2, vm0, $0xb8;
	[tilespmem:$0x11600] =	vst v63  }
0x15e: {  	v2 =	vld [tilespmem:s1+$0xFFFFFFA0];
	_ =	sdelay $0x4  }
0x15f: {  	v58 =	vshll.u32 v2, $0x2  }
0x160: {  	v2 =	vand.u32 $0x7, v2;
	v5 =	vand.u32 $0xFFFFFFE0, v58  }
0x161: {  	v2 =	vor.u32 v2, v5  }
0x162: {  	v5 =	vperm.xlane v2, v3;
	_ =	sdelay $0x1  }
0x163: {  	v5 =	vadd.s32 v4, v5;
	_ =	sdelay $0x1  }
0x164: {  	v2 =	vperm.xlane v2, v6;
	_ =	sdelay $0x1  }
0x165: {  	s31 =	simm.s32 $0x5600;
	v2 =	vadd.s32 v4, v2  }
0x166: {  	[hbm4b:s3+s2] =	stream.indirect_vreg.scatter [tilespmem:s31], [sflag:$0x3], $0x80, v5, vm0, $0xb8;
	[tilespmem:$0x11600] =	vst v63  }
0x167: {  	s30 =	simm.s32 $0x5E00  }
0x168: {  	[hbm4b:s9+s2] =	stream.indirect_vreg.scatter [tilespmem:s30], [sflag:$0x3], $0x80, v5, vm0, $0xb8;
	[tilespmem:$0x11600] =	vst v63  }
0x169: {  	s31 =	simm.s32 $0x6600  }
0x16a: {  	[hbm4b:s3+s2] =	stream.indirect_vreg.scatter [tilespmem:s31], [sflag:$0x3], $0x80, v2, vm0, $0xb8;
	[tilespmem:$0x11600] =	vst v63  }
0x16b: {  	s30 =	simm.s32 $0x6E00  }
0x16c: {  	[hbm4b:s9+s2] =	stream.indirect_vreg.scatter [tilespmem:s30], [sflag:$0x3], $0x80, v2, vm0, $0xb8;
	[tilespmem:$0x11600] =	vst v63  }
0x16d: {  	v2 =	vld [tilespmem:s1+$0xFFFFFFB0];
	_ =	sdelay $0x4  }
0x16e: {  	v59 =	vshll.u32 v2, $0x2  }
0x16f: {  	v2 =	vand.u32 $0x7, v2;
	v5 =	vand.u32 $0xFFFFFFE0, v59  }
0x170: {  	v2 =	vor.u32 v2, v5  }
0x171: {  	v5 =	vperm.xlane v2, v3;
	_ =	sdelay $0x1  }
0x172: {  	v5 =	vadd.s32 v4, v5;
	_ =	sdelay $0x1  }
0x173: {  	v2 =	vperm.xlane v2, v6;
	_ =	sdelay $0x1  }
0x174: {  	s31 =	simm.s32 $0x7600;
	v2 =	vadd.s32 v4, v2  }
0x175: {  	[hbm4b:s3+s2] =	stream.indirect_vreg.scatter [tilespmem:s31], [sflag:$0x3], $0x80, v5, vm0, $0xb8;
	[tilespmem:$0x11600] =	vst v63  }
0x176: {  	s30 =	simm.s32 $0x7E00  }
0x177: {  	[hbm4b:s9+s2] =	stream.indirect_vreg.scatter [tilespmem:s30], [sflag:$0x3], $0x80, v5, vm0, $0xb8;
	[tilespmem:$0x11600] =	vst v63  }
0x178: {  	s31 =	simm.s32 $0x8600  }
0x179: {  	[hbm4b:s3+s2] =	stream.indirect_vreg.scatter [tilespmem:s31], [sflag:$0x3], $0x80, v2, vm0, $0xb8;
	[tilespmem:$0x11600] =	vst v63  }
0x17a: {  	p0 =	seq.s32 s0, $0x0  }
0x17b: {  	[hbm4b:s9+s2] =	stream.indirect_vreg.scatter [tilespmem:s15], [sflag:$0x3], $0x80, v2, vm0, $0xb8;
	[tilespmem:$0x11600] =	vst v63  }
0x17c: {  	s14 =	sadd.s32 @!p0 s0, s11;
	_ =	swait.ge [sflag:s17], $0x8000  }
0x17d: {  	s14 =	sadd.s32 @!p0 $0x118000, s14;
	[sflag:s17] =	ssyncset.done $0x0  }
0x17e: {  	s30 =	simm.s32 @!p0 $0x0;
	s31 =	simm.s32 @!p0 $0x1600;
	[sflag:s17] =	ssyncadd.s32 $0xFFFF8000  }
0x17f: {  	[tilespmem:s31], [sflag:$0x1] =	stream.linear.gather @!p0 [hbm4b:s14+s30], $0x8000, $0x38;
	[tilespmem:$0x11600] =	vst v63  }
0x180: {  	_ =	swait.ge [sflag:s18], $0x8000  }
0x181: {  	[sflag:s18] =	ssyncset.done $0x0  }
0x182: {  	[sflag:s18] =	ssyncadd.s32 $0xFFFF8000  }
0x183: {  	v2 =	vld [tilespmem:s1+$0x0];
	_ =	sdelay $0x4  }
0x184: {  	v60 =	vshll.u32 v2, $0x2  }
0x185: {  	v2 =	vand.u32 $0x7, v2;
	v5 =	vand.u32 $0xFFFFFFE0, v60  }
0x186: {  	v2 =	vor.u32 v2, v5  }
0x187: {  	v5 =	vperm.xlane v2, v3;
	_ =	sdelay $0x1  }
0x188: {  	v5 =	vadd.s32 v4, v5;
	_ =	sdelay $0x1  }
0x189: {  	v2 =	vperm.xlane v2, v6;
	_ =	sdelay $0x1  }
0x18a: {  	v2 =	vadd.s32 v4, v2  }
0x18b: {  	[hbm4b:s3+s2] =	stream.indirect_vreg.scatter [tilespmem:s13], [sflag:$0x4], $0x80, v5, vm0, $0xb8;
	[tilespmem:$0x11600] =	vst v63  }
0x18c: {  	_ = 	snop  }
0x18d: {  	[hbm4b:s9+s2] =	stream.indirect_vreg.scatter [tilespmem:s4], [sflag:$0x4], $0x80, v5, vm0, $0xb8;
	[tilespmem:$0x11600] =	vst v63  }
0x18e: {  	_ = 	snop  }
0x18f: {  	[hbm4b:s3+s2] =	stream.indirect_vreg.scatter [tilespmem:s5], [sflag:$0x4], $0x80, v2, vm0, $0xb8;
	[tilespmem:$0x11600] =	vst v63  }
0x190: {  	_ = 	snop  }
0x191: {  	[hbm4b:s9+s2] =	stream.indirect_vreg.scatter [tilespmem:s6], [sflag:$0x4], $0x80, v2, vm0, $0xb8;
	[tilespmem:$0x11600] =	vst v63  }
0x192: {  	v2 =	vld [tilespmem:s1+$0x10];
	_ =	sdelay $0x4  }
0x193: {  	v61 =	vshll.u32 v2, $0x2  }
0x194: {  	v2 =	vand.u32 $0x7, v2;
	v5 =	vand.u32 $0xFFFFFFE0, v61  }
0x195: {  	v2 =	vor.u32 v2, v5  }
0x196: {  	v5 =	vperm.xlane v2, v3;
	_ =	sdelay $0x1  }
0x197: {  	v5 =	vadd.s32 v4, v5;
	_ =	sdelay $0x1  }
0x198: {  	v2 =	vperm.xlane v2, v6;
	_ =	sdelay $0x1  }
0x199: {  	v2 =	vadd.s32 v4, v2  }
0x19a: {  	[hbm4b:s3+s2] =	stream.indirect_vreg.scatter [tilespmem:s7], [sflag:$0x4], $0x80, v5, vm0, $0xb8;
	[tilespmem:$0x11600] =	vst v63  }
0x19b: {  	_ = 	snop  }
0x19c: {  	[hbm4b:s9+s2] =	stream.indirect_vreg.scatter [tilespmem:s8], [sflag:$0x4], $0x80, v5, vm0, $0xb8;
	[tilespmem:$0x11600] =	vst v63  }
0x19d: {  	_ = 	snop  }
0x19e: {  	[hbm4b:s3+s2] =	stream.indirect_vreg.scatter [tilespmem:s10], [sflag:$0x4], $0x80, v2, vm0, $0xb8;
	[tilespmem:$0x11600] =	vst v63  }
0x19f: {  	_ = 	snop  }
0x1a0: {  	[hbm4b:s9+s2] =	stream.indirect_vreg.scatter [tilespmem:s16], [sflag:$0x4], $0x80, v2, vm0, $0xb8;
	[tilespmem:$0x11600] =	vst v63  }
0x1a1: {  	v2 =	vld [tilespmem:s1+$0x20];
	_ =	sdelay $0x4  }
0x1a2: {  	v62 =	vshll.u32 v2, $0x2  }
0x1a3: {  	v2 =	vand.u32 $0x7, v2;
	v5 =	vand.u32 $0xFFFFFFE0, v62  }
0x1a4: {  	v2 =	vor.u32 v2, v5  }
0x1a5: {  	v5 =	vperm.xlane v2, v3;
	_ =	sdelay $0x1  }
0x1a6: {  	v5 =	vadd.s32 v4, v5;
	_ =	sdelay $0x1  }
0x1a7: {  	v2 =	vperm.xlane v2, v6;
	_ =	sdelay $0x1  }
0x1a8: {  	v2 =	vadd.s32 v4, v2  }
0x1a9: {  	[hbm4b:s3+s2] =	stream.indirect_vreg.scatter [tilespmem:s20], [sflag:$0x4], $0x80, v5, vm0, $0xb8;
	[tilespmem:$0x11600] =	vst v63  }
0x1aa: {  	_ = 	snop  }
0x1ab: {  	[hbm4b:s9+s2] =	stream.indirect_vreg.scatter [tilespmem:s21], [sflag:$0x4], $0x80, v5, vm0, $0xb8;
	[tilespmem:$0x11600] =	vst v63  }
0x1ac: {  	_ = 	snop  }
0x1ad: {  	[hbm4b:s3+s2] =	stream.indirect_vreg.scatter [tilespmem:s22], [sflag:$0x4], $0x80, v2, vm0, $0xb8;
	[tilespmem:$0x11600] =	vst v63  }
0x1ae: {  	_ = 	snop  }
0x1af: {  	[hbm4b:s9+s2] =	stream.indirect_vreg.scatter [tilespmem:s23], [sflag:$0x4], $0x80, v2, vm0, $0xb8;
	[tilespmem:$0x11600] =	vst v63  }
0x1b0: {  	v2 =	vld [tilespmem:s1+$0x30];
	_ =	sdelay $0x4  }
0x1b1: {  	v63 =	vshll.u32 v2, $0x2  }
0x1b2: {  	v2 =	vand.u32 $0x7, v2;
	v5 =	vand.u32 $0xFFFFFFE0, v63  }
0x1b3: {  	v2 =	vor.u32 v2, v5  }
0x1b4: {  	v3 =	vperm.xlane v2, v3;
	_ =	sdelay $0x1  }
0x1b5: {  	v3 =	vadd.s32 v4, v3;
	_ =	sdelay $0x1  }
0x1b6: {  	v2 =	vperm.xlane v2, v6;
	_ =	sdelay $0x1  }
0x1b7: {  	v2 =	vadd.s32 v4, v2  }
0x1b8: {  	[hbm4b:s3+s2] =	stream.indirect_vreg.scatter [tilespmem:s24], [sflag:$0x4], $0x80, v3, vm0, $0xb8;
	[tilespmem:$0x11600] =	vst v63  }
0x1b9: {  	_ = 	snop  }
0x1ba: {  	[hbm4b:s9+s2] =	stream.indirect_vreg.scatter [tilespmem:s25], [sflag:$0x4], $0x80, v3, vm0, $0xb8;
	[tilespmem:$0x11600] =	vst v63  }
0x1bb: {  	_ = 	snop  }
0x1bc: {  	[hbm4b:s3+s2] =	stream.indirect_vreg.scatter [tilespmem:s26], [sflag:$0x4], $0x80, v2, vm0, $0xb8;
	[tilespmem:$0x11600] =	vst v63  }
.Ltmp3:
0x1bd: {  	_ = 	snop;
	(pc) =	sbr.rel @p0 .LBB2_6-.Ltmp3, $4  }
0x1be: {  	[hbm4b:s9+s2] =	stream.indirect_vreg.scatter [tilespmem:s28], [sflag:$0x4], $0x80, v2, vm0, $0xb8;
	[tilespmem:$0x11600] =	vst v63  }
0x1bf: {  	_ =	swait.ge [sflag:s29], $0x8000  }
0x1c0: {  	[sflag:s29] =	ssyncset.done $0x0  }
0x1c1: {  	[sflag:s29] =	ssyncadd.s32 $0xFFFF8000  }
.Ltmp4:
0x1c2: {  	(pc) =	sbr.rel .LBB2_4-.Ltmp4, $4  }
0x1c3: {  	_ = 	snop  }
0x1c4: {  	s14 =	sadd.s32 s0, s11  }
0x1c5: {  	s0 =	sadd.s32 $0x2000, s0;
	s1 =	sadd.s32 $0x100, s1;
	s14 =	sadd.s32 $0x119000, s14  }
0x1c6: {  	[tilespmem:s13], [sflag:$0x2] =	stream.linear.gather [hbm4b:s14+s2], $0x8000, $0x38;
	[tilespmem:$0x11600] =	vst v63  }
.LBB2_7:
0x1c7: {  	_ =	sfence.sel $0x180000  }
0x1c8: {  	[bflag:$0x0] =	sbarrier.arrive $0xFFFF  }
0x1c9: {  	_ =	strace $0x9000004A  }
0x1ca: {  	s0 =	stileid.u32;
	[bflag:$0x2] =	sbarrier.arrive $0xFFFF  }
0x1cb: {  	p0 =	sne.s32 s0, $0x0;
	s0 =	rddreg [dreg:$0x3]  }
0x1cc: {  	s0 =	sadd.s32 @!p0 $0x100000, s0  }
0x1cd: {  	[sflag:s0] =	ssyncadd.tile.s32 @!p0 $0x1;
	_ =	shalt  }
.Lfunc_end2:
_tile_overlayer_lowered:
.L_overlay_start_2:
0x1ce: {  	(tag) =	ssettag $0x2  }
0x1cf: {  	s0 =	rddreg [dreg:$0x0];
	s2 =	stileid.u32  }
0x1d0: {  	s1 =	rddreg [dreg:$0x1];
	p0 =	sne.s32 s2, $0x0  }
0x1d1: {  	s3 =	rddreg [dreg:$0x2];
	[bflag:$0x3] =	sbarrier.arrive $0xFFFF;
	s2 =	simm.s32 @!p0 $0x1C05  }
0x1d2: {  	[timem:s3], [sflag:s2] =	dma.local @!p0 [hbm:s0], s1  }
0x1d3: {  	s0 =	simm.s32 @!p0 $0x5  }
0x1d4: {  	_ =	swait.ge @!p0 [sflag:s0], s1  }
0x1d5: {  	s1 =	ssub.s32 @!p0 $0x0, s1;
	[sflag:s0] =	ssyncset.done @!p0 $0x0  }
0x1d6: {  	[sflag:s0] =	ssyncadd.s32 @!p0 s1  }
0x1d7: {  	[bflag:$0x3] =	sbarrier.arrive $0xFFFF  }
0x1d8: {  	_ =	shalt  }

// kernel: kernel.17.cloned.1.call-start
scs
__scs_entry_jumppad:
0x0: {  	(pc) =	sbr.rel $0x88, $3  }
0x1: {  	(tag) =	ssettag $0x0;
	lr =	simm.s32 $0x1  }
0x2: {  	[smem:$0x3F99] =	sst lr;
	_ =	strace $0xD0000000  }
0x3: {  	_ = 	snop  }
0x4: {  	_ = 	snop  }
0x5: {  	_ = 	snop  }
0x6: {  	_ = 	snop  }
0x7: {  	_ = 	snop  }
__scs_overlays_trampoline_lowered:
0x8: {  	[smem:$0x3FA8] =	sst s0  }
0x9: {  	[smem:$0x3FA9] =	sst s1  }
0xa: {  	[smem:$0x3FAA] =	sst s2  }
0xb: {  	[smem:$0x3FAB] =	sst s3  }
0xc: {  	[smem:$0x3FAC] =	sst s4  }
0xd: {  	[smem:$0x3FAD] =	sst s5  }
0xe: {  	[smem:$0x3FAE] =	sst s6  }
0xf: {  	[smem:$0x3FAF] =	sst s7  }
0x10: {  	[smem:$0x3FB0] =	sst s8  }
0x11: {  	[smem:$0x3FB1] =	sst s9;
	s0 =	simm.s32 @!p0 $0x0  }
0x12: {  	s1 =	sld [smem:$0x3F97];
	s0 =	simm.s32 @p0 $0x1  }
0x13: {  	[smem:$0x3FB2] =	sst s0;
	s0 =	simm.s32 @!p1 $0x0  }
0x14: {  	s2 =	sld [smem:$0x3F96];
	s0 =	simm.s32 @p1 $0x1  }
0x15: {  	[smem:$0x3FB3] =	sst s0;
	s0 =	simm.s32 @!p2 $0x0  }
0x16: {  	s3 =	sld [smem:$0x3FDB];
	s0 =	simm.s32 @p2 $0x1  }
0x17: {  	s4 =	simm.s32 $0x1BF5;
	[smem:$0x3FB5] =	sst s0  }
0x18: {  	s0 =	sld [smem:$0x3F98];
	_ =	swait.ge [sflag:s4], $0x0  }
0x19: {  	s7 =	sld [smem:$0x3F99]  }
0x1a: {  	s8 =	sadd.s32 $0xFFFFE003, lr  }
0x1b: {  	s9 =	sadd.s32 $0xFFFFFEF7, lr;
	s5 =	simm.s32 $0xFFFFFFFF;
	p2 =	slt.u32 s8, $0xFFFFF086  }
0x1c: {  	p1 =	slt.u32 s9, $0xF7A;
	s5 =	simm.s32 @!p2 $0x0  }
0x1d: {  	s5 =	simm.s32 @p1 $0x1;
	p0 =	seq.s32 s7, s2  }
0x1e: {  	s7 =	smul.u32 @!p0 $0xF7A, s2;
	p2 =	seq.s32 @!p0 s5, $0x0  }
0x1f: {  	s9 =	smul.u32 $0xF7A, s1;
	s8 =	simm.s32 @!p0 $0x1BF5;
	p2 =	por !p2, p0  }
0x20: {  	[sflag:s8] =	ssyncset.s32 @!p0 $0xFFFFF086;
	s6 =	sadd.s32 @!p0 s3, s7;
	s7 =	simm.s32 @!p0 $0x108  }
0x21: {  	s3 =	sadd.s32 s3, s9;
	s6 =	sadd.s32 @!p0 $0x88, s6;
	s7 =	simm.s32 @p2 $0x1082  }
0x22: {  	[simem:s7], [sflag:s8] =	dma.local @!p0 [hbm:s6], $0xF7A  }
0x23: {  	s9 =	sor.u32 $0xD0000000, s2;
	s6 =	simm.s32 $0x108;
	_ =	swait.ge @!p0 [sflag:s8], $0x0  }
0x24: {  	s3 =	sadd.s32 $0x88, s3;
	s6 =	simm.s32 @!p1 $0x1082;
	[sflag:s4] =	ssyncset.s32 $0xFFFFF086  }
0x25: {  	[simem:s6], [sflag:s4] =	dma.local [hbm:s3], $0xF7A  }
0x26: {  	[smem:$0x3F99] =	sst s1;
	(tag) =	ssettag s2;
	_ =	strace s9  }
0x27: {  	s1 =	sld [smem:$0x3FA9]  }
0x28: {  	s2 =	sld [smem:$0x3FAA]  }
0x29: {  	s4 =	sld [smem:$0x3FAC]  }
0x2a: {  	p0 =	seq.s32 s5, $0x0;
	s5 =	sld [smem:$0x3FAD]  }
0x2b: {  	s6 =	sld [smem:$0x3FAE]  }
0x2c: {  	s7 =	sld [smem:$0x3FAF]  }
0x2d: {  	s3 =	simm.s32 $0x108;
	s8 =	sld [smem:$0x3FB0]  }
0x2e: {  	s3 =	simm.s32 @!p0 $0x1082;
	s9 =	sld [smem:$0x3FB1]  }
0x2f: {  	lr =	sadd.s32 s0, s3;
	s0 =	sld [smem:$0x3FA8]  }
0x30: {  	s3 =	sld [smem:$0x3FAB]  }
0x31: {  	[smem:$0x3FB4] =	sst s10  }
0x32: {  	s10 =	sld [smem:$0x3FB2];
	_ =	sdelay $0x3  }
0x33: {  	p0 =	seq.s32 s10, $0x1;
	s10 =	sld [smem:$0x3FB4];
	_ =	sdelay $0x3  }
0x34: {  	[smem:$0x3FB4] =	sst s10  }
0x35: {  	s10 =	sld [smem:$0x3FB3];
	_ =	sdelay $0x3  }
0x36: {  	p1 =	seq.s32 s10, $0x1;
	s10 =	sld [smem:$0x3FB4];
	_ =	sdelay $0x3  }
0x37: {  	[smem:$0x3FB4] =	sst s10  }
0x38: {  	s10 =	sld [smem:$0x3FB5]  }
0x39: {  	_ = 	snop;
	(pc) =	sbr.ind lr, $3  }
0x3a: {  	_ = 	snop  }
0x3b: {  	_ = 	snop  }
0x3c: {  	p2 =	seq.s32 s10, $0x1;
	s10 =	sld [smem:$0x3FB4]  }
0x3d: {  	_ =	shalt  }
0x3e: {  	_ =	shalt  }
0x3f: {  	_ =	shalt  }
0x40: {  	_ =	shalt  }
0x41: {  	_ =	shalt  }
0x42: {  	_ =	shalt  }
0x43: {  	_ =	shalt  }
0x44: {  	_ =	shalt  }
0x45: {  	_ =	shalt  }
0x46: {  	_ =	shalt  }
0x47: {  	_ =	shalt  }
0x48: {  	_ =	shalt  }
0x49: {  	_ =	shalt  }
0x4a: {  	_ =	shalt  }
0x4b: {  	_ =	shalt  }
0x4c: {  	_ =	shalt  }
0x4d: {  	_ =	shalt  }
0x4e: {  	_ =	shalt  }
0x4f: {  	_ =	shalt  }
0x50: {  	_ =	shalt  }
0x51: {  	_ =	shalt  }
0x52: {  	_ =	shalt  }
0x53: {  	_ =	shalt  }
0x54: {  	_ =	shalt  }
0x55: {  	_ =	shalt  }
0x56: {  	_ =	shalt  }
0x57: {  	_ =	shalt  }
0x58: {  	_ =	shalt  }
0x59: {  	_ =	shalt  }
0x5a: {  	_ =	shalt  }
0x5b: {  	_ =	shalt  }
0x5c: {  	_ =	shalt  }
0x5d: {  	_ =	shalt  }
0x5e: {  	_ =	shalt  }
0x5f: {  	_ =	shalt  }
0x60: {  	_ =	shalt  }
0x61: {  	_ =	shalt  }
0x62: {  	_ =	shalt  }
0x63: {  	_ =	shalt  }
0x64: {  	_ =	shalt  }
0x65: {  	_ =	shalt  }
0x66: {  	_ =	shalt  }
0x67: {  	_ =	shalt  }
0x68: {  	_ =	shalt  }
0x69: {  	_ =	shalt  }
0x6a: {  	_ =	shalt  }
0x6b: {  	_ =	shalt  }
0x6c: {  	_ =	shalt  }
0x6d: {  	_ =	shalt  }
0x6e: {  	_ =	shalt  }
0x6f: {  	_ =	shalt  }
0x70: {  	_ =	shalt  }
0x71: {  	_ =	shalt  }
0x72: {  	_ =	shalt  }
0x73: {  	_ =	shalt  }
0x74: {  	_ =	shalt  }
0x75: {  	_ =	shalt  }
0x76: {  	_ =	shalt  }
0x77: {  	_ =	shalt  }
0x78: {  	_ =	shalt  }
0x79: {  	_ =	shalt  }
0x7a: {  	_ =	shalt  }
0x7b: {  	_ =	shalt  }
0x7c: {  	_ =	shalt  }
0x7d: {  	_ =	shalt  }
0x7e: {  	_ =	shalt  }
0x7f: {  	_ =	shalt  }
0x80: {  	_ =	shalt  }
0x81: {  	_ =	shalt  }
0x82: {  	_ =	shalt  }
0x83: {  	_ =	shalt  }
0x84: {  	_ =	shalt  }
0x85: {  	_ =	shalt  }
0x86: {  	_ =	shalt  }
0x87: {  	_ =	shalt  }
.Lfunc_end0:
.L_simem_size_0:
called_computation.3_lowered:
.L_overlay_start_0:
0x88: {  	s2 =	sld [smem:$0x3FD9]  }
0x89: {  	s3 =	sld [smem:$0x3FFE];
	_ =	sdelay $0x1  }
0x8a: {  	s1 =	srdreg.scid  }
0x8b: {  	s0 =	sand.u32 $0x1, s1  }
0x8c: {  	s15 =	sshll.u32 s0, $0xA;
	s2 =	sadd.s32 s3, s2  }
0x8d: {  	s2 =	sadd.s32 s2, s15  }
0x8e: {  	[smem:$0x3FC0] =	sst s2  }
0x8f: {  	_ = 	snop  }
0x90: {  	s2 =	sld [smem:$0x3FD0];
	_ =	sdelay $0x2  }
0x91: {  	s16 =	simm.s32 $0xB;
	s4 =	simm.s32 $0x10  }
0x92: {  	[smem:s4], [sflag:s16] =	dma.local [hbm:s2], $0x1  }
0x93: {  	_ =	swait.eq [sflag:s16], $0x1  }
0x94: {  	[sflag:s16] =	ssyncset.done $0x0  }
0x95: {  	[sflag:s16] =	ssyncadd.s32 $0xFFFFFFFF  }
0x96: {  	s17 =	sld [smem:$0x10];
	(tm) =	ssettm $0x1  }
0x97: {  	s18 =	sld [smem:$0x3FFB];
	_ =	sdelay $0x3  }
0x98: {  	_ =	strace s18  }
0x99: {  	s2 =	sld [smem:$0x3FFC];
	_ =	sdelay $0x3  }
0x9a: {  	_ =	strace s2  }
0x9b: {  	s2 =	sld [smem:$0x3FFD];
	_ =	sdelay $0x3  }
0x9c: {  	_ =	strace s2  }
0x9d: {  	_ =	strace $0x8FFFFFFF  }
0x9e: {  	s19 =	sld [smem:$0x3FDB];
	_ =	sdelay $0x1  }
0x9f: {  	s20 =	simm.s32 $_scs_section_size  }
0xa0: {  	s5 =	simm.s32 $_size__tile_overlayer_lowered;
	s6 =	simm.s32 $_tile_overlayer_lowered  }
0xa1: {  	s7 =	simm.s32 $0x1BFF;
	s21 =	sshll.u32 s6, $0x1;
	s4 =	sadd.s32 s20, s19  }
0xa2: {  	s22 =	simm.s32 $0x0;
	s5 =	sshll.u32 s5, $0x1;
	s6 =	sadd.s32 s21, s4  }
0xa3: {  	[timem:s22], [sflag:s7] =	dma.local [hbm:s6], s5  }
0xa4: {  	_ =	swait.ge [sflag:s7], s5  }
0xa5: {  	s5 =	ssub.s32 $0x0, s5;
	[sflag:s7] =	ssyncset.done $0x0  }
0xa6: {  	[sflag:s7] =	ssyncadd.s32 s5;
	_ =	sdelay $0x1  }
0xa7: {  	s23 =	simm.s32 $0x1B8B  }
0xa8: {  	_ =	swait.ge [sflag:s23], $0x1  }
0xa9: {  	[sflag:s23] =	ssyncset.done $0x0  }
0xaa: {  	[sflag:s23] =	ssyncadd.s32 $0xFFFFFFFF  }
0xab: {  	s5 =	sld [smem:$0x0]  }
0xac: {  	s6 =	sand.u32 $0xFFFFFFFE, s1  }
0xad: {  	p0 =	sne.s32 s1, s6  }
0xae: {  	s6 =	sshll.u32 @p0 s6, $0xE  }
0xaf: {  	s6 =	sadd.s32 @p0 $0x11B8D, s6;
	s7 =	sshll.u32 @p0 s5, $0x11  }
0xb0: {  	s6 =	sor.u32 @p0 s7, s6  }
0xb1: {  	[sflag:s6] =	ssyncadd.remote.s32 @p0 $0x1;
	_ =	sdelay $0x1  }
0xb2: {  	s6 =	simm.s32 @p0 $0x1B8D  }
0xb3: {  	_ =	swait.eq @p0 [sflag:s6], $0x1  }
0xb4: {  	[sflag:s6] =	ssyncadd.s32 @p0 $0xFFFFFFFF  }
0xb5: {  	s7 =	sshll.u32 @!p0 s1, $0xE  }
0xb6: {  	s7 =	sor.u32 @!p0 $0x4000, s7;
	s6 =	simm.s32 @!p0 $0x1B8D  }
0xb7: {  	s5 =	sshll.u32 @!p0 s5, $0x11;
	s7 =	sadd.s32 @!p0 $0x11B8D, s7;
	_ =	swait.eq @!p0 [sflag:s6], $0x1  }
0xb8: {  	s5 =	sor.u32 @!p0 s5, s7;
	[sflag:s6] =	ssyncadd.s32 @!p0 $0xFFFFFFFF  }
0xb9: {  	s25 =	simm.s32 $0x1B8E;
	s24 =	sld [smem:$0x3FFE];
	[sflag:s5] =	ssyncadd.remote.s32 @!p0 $0x1  }
0xba: {  	s26 =	simm.s32 $execute0_lowered;
	[smem:$0x3FD2] =	sst s25  }
0xbb: {  	s6 =	sshll.u32 s26, $0x1;
	_ =	strace $0x8000004F;
	[dreg:$0x1] =	wrdreg $0xFFFFFFFF  }
0xbc: {  	s28 =	simm.s32 $_size_execute0_lowered;
	s4 =	sadd.s32 s4, s6;
	[dreg:$0x0] =	wrdreg $0x0  }
0xbd: {  	s6 =	sshll.u32 s28, $0x1;
	[dreg:$0x2] =	wrdreg s4  }
0xbe: {  	[dreg:$0x3] =	wrdreg s6  }
0xbf: {  	[dreg:$0x4] =	wrdreg $0xC0  }
0xc0: {  	_ =	task [dreg:s22], $0x5FFFF  }
0xc1: {  	[dreg:$0x1] =	wrdreg $0xFFFFFFFF  }
0xc2: {  	[dreg:$0x0] =	wrdreg $0x60  }
0xc3: {  	[dreg:$0x2] =	wrdreg s17  }
0xc4: {  	[dreg:$0x3] =	wrdreg s24  }
0xc5: {  	[dreg:$0x4] =	wrdreg $0xA  }
0xc6: {  	_ =	task.clear_ibuf [dreg:s22], $0x5FFFF;
	_ =	strace $0x9000004F  }
0xc7: {  	s29 =	simm.s32 $0xA;
	_ =	strace $0x80000051  }
0xc8: {  	_ =	swait.ge [sflag:s29], $0x1  }
0xc9: {  	[sflag:s29] =	ssyncadd.s32 $0xFFFFFFFF  }
0xca: {  	_ =	strace $0x90000051  }
0xcb: {  	_ =	sfence  }
0xcc: {  	s30 =	sld [smem:$0x0];
	_ =	sdelay $0x2  }
0xcd: {  	s31 =	sshll.u32 s1, $0xD;
	s1 =	sshrl.u32 s1, $0x2  }
0xce: {  	s4 =	sand.u32 $0x4000, s31;
	s1 =	sadd.s32 s1, s30  }
0xcf: {  	s0 =	sor.u32 s4, s0;
	s1 =	sshll.u32 s1, $0x11  }
0xd0: {  	s0 =	sor.u32 s1, s0  }
0xd1: {  	s0 =	sadd.s32 $0x8F2B, s0  }
0xd2: {  	[sflag:s0] =	ssyncadd.remote.s32 $0x1  }
0xd3: {  	_ =	sfence.sel $0xFFFF  }
0xd4: {  	[dreg:$0x0] =	wrdreg $0xFFFFFFFF;
	(pc) =	sbr.abs _section_cstart, $3  }
0xd5: {  	[dreg:$0x1] =	wrdreg $0xFFFFFFFF  }
0xd6: {  	_ =	task.clear_ibuf [dreg:s22], $0x2FFFF;
	_ =	strace $0x9FFFFFFF  }
0xd7: {  	(tm) =	ssettm $0x7FFFFFFF  }
tec
execute0_lowered:
.L_overlay_start_1:
0x0: {  	(tag) =	ssettag $0x1  }
0x1: {  	s2 =	rddreg [dreg:$0x0];
	s1 =	srdreg.scid  }
0x2: {  	s0 =	stileid.u32;
	s4 =	rddreg [dreg:$0x1];
	s9 =	simm.s32 $0x400  }
0x3: {  	s10 =	simm.s32 $0xE000;
	s11 =	simm.s32 $0xE600;
	s12 =	simm.s32 $0x0  }
0x4: {  	s5 =	sand.u32 $0x1, s1;
	s3 =	sshll.u32 s0, $0x1;
	s1 =	rddreg [dreg:$0x2]  }
0x5: {  	s7 =	sshrl.u32 s0, $0x2;
	s6 =	sor.u32 s5, s3;
	s3 =	simm.s32 $0x0  }
0x6: {  	s7 =	smul.u32 $0x3000, s7;
	s5 =	ssub.s32 $0x2, s5;
	s8 =	sshll.u32 s6, $0x7  }
0x7: {  	[smem:$0x7FF] =	sst s3;
	s6 =	smul.u32 $0x6, s6;
	s8 =	sand.u32 $0x380, s8  }
0x8: {  	v0 =	vlaneseq.u32;
	s31 =	sshrl.u32 s5, $0x1;
	_ =	strace $0x80000050;
	s7 =	sor.u32 s7, s8  }
0x9: {  	v0 =	vmul.u32 $0x20, v0;
	s6 =	sadd.s32 s6, s4;
	s8 =	ssub.s32 s5, s31;
	s7 =	sshrl.u32 s7, $0x3  }
0xa: {  	s5 =	sadd.s32 $0x2C00, s6;
	s6 =	smax.u32 s8, $0x1;
	s7 =	sadd.s32 s7, s4  }
0xb: {  	v1 =	vor.u32 $0x200, v0;
	v2 =	vor.u32 $0x400, v0;
	s8 =	simm.s32 $0x80;
	s4 =	sadd.s32 $0x1400, s7;
	s7 =	simm.s32 $0x1  }
.LBB2_1:
0xc: {  	[tilespmem:s3], [sflag:$0x1] =	stream.linear.gather [hbm4b:s2+s3], $0xE000, $0x38;
	[tilespmem:$0xE680] =	vst v63  }
0xd: {  	_ =	swait.ge [sflag:s7], $0xE000  }
0xe: {  	[sflag:s7] =	ssyncset.done $0x0  }
0xf: {  	v3 =	vor.u32 s3, v0;
	[sflag:s7] =	ssyncadd.s32 $0xFFFF2000  }
0x10: {  	[tilespmem:s10], [sflag:$0x1] =	stream.strided.gather [hbm4b:s4+s8], $0x600, s9, s8, $0x38;
	[tilespmem:$0xE680] =	vst v63  }
0x11: {  	_ =	swait.ge [sflag:s7], $0x600  }
0x12: {  	[sflag:s7] =	ssyncset.done $0x0  }
0x13: {  	[sflag:s7] =	ssyncadd.s32 $0xFFFFFA00  }
0x14: {  	v3 =	vld.idx.msk [tilespmem:v3+s10+$0x0], $0xffff  }
0x15: {  	s13 =	simm.s32 $0x1  }
0x16: {  	v5 =	vor.u32 s13, v0;
	_ =	sdelay $0x4  }
0x17: {  	v5 =	vld.idx.msk [tilespmem:v5+s10+$0x0], $0xffff  }
0x18: {  	v4 =	vld.idx.msk [tilespmem:v3+s3+$0x0], $0xffff;
	_ =	sdelay $0x2  }
0x19: {  	s31 =	simm.s32 $0x2  }
0x1a: {  	v6 =	vor.u32 s31, v0;
	s13 =	simm.s32 $0x3;
	v3 =	vimm.f32 $0.0e+00  }
.LBB2_2:
0x1b: {  	p0 =	sne.s32 s13, $0x1F;
	v3 =	vadd.f32 v4, v3;
	_ =	sdelay $0x2  }
0x1c: {  	v4 =	vld.idx.msk [tilespmem:v5+s3+$0x0], $0xffff  }
.Ltmp0:
0x1d: {  	v5 =	vld.idx.msk [tilespmem:v6+s10+$0x0], $0xffff;
	(pc) =	sbr.rel @p0 .LBB2_2-.Ltmp0, $2  }
0x1e: {  	_ =	sdelay $0x2  }
0x1f: {  	v6 =	vor.u32 s13, v0;
	s13 =	sadd.s32 $0x1, s13  }
0x20: {  	_ =	sdelay $0x3  }
0x21: {  	v6 =	vld.idx.msk [tilespmem:v6+s10+$0x0], $0xffff;
	_ =	sdelay $0x5  }
0x22: {  	v5 =	vld.idx.msk [tilespmem:v5+s3+$0x0], $0xffff;
	_ =	sdelay $0x1  }
0x23: {  	v6 =	vld.idx.msk [tilespmem:v6+s3+$0x0], $0xffff  }
0x24: {  	v3 =	vadd.f32 v4, v3  }
0x25: {  	s13 =	simm.s32 $0x0  }
0x26: {  	v4 =	vor.u32 s13, v1;
	v3 =	vadd.f32 v5, v3;
	_ =	sdelay $0x1  }
0x27: {  	v3 =	vadd.f32 v6, v3;
	_ =	sdelay $0x1  }
0x28: {  	[tilespmem:$0xE600] =	vst v3  }
0x29: {  	v3 =	vld.idx.msk [tilespmem:v4+s10+$0x0], $0xffff  }
0x2a: {  	s30 =	simm.s32 $0x1  }
0x2b: {  	v5 =	vor.u32 s30, v1;
	_ =	sdelay $0x4  }
0x2c: {  	v5 =	vld.idx.msk [tilespmem:v5+s10+$0x0], $0xffff  }
0x2d: {  	v4 =	vld.idx.msk [tilespmem:v3+s3+$0x0], $0xffff;
	_ =	sdelay $0x2  }
0x2e: {  	s31 =	simm.s32 $0x2  }
0x2f: {  	s13 =	simm.s32 $0x3;
	v6 =	vor.u32 s31, v1;
	v3 =	vimm.f32 $0.0e+00  }
.LBB2_4:
0x30: {  	p0 =	sne.s32 s13, $0x1F;
	v3 =	vadd.f32 v4, v3;
	_ =	sdelay $0x2  }
0x31: {  	v4 =	vld.idx.msk [tilespmem:v5+s3+$0x0], $0xffff  }
.Ltmp1:
0x32: {  	v5 =	vld.idx.msk [tilespmem:v6+s10+$0x0], $0xffff;
	(pc) =	sbr.rel @p0 .LBB2_4-.Ltmp1, $2  }
0x33: {  	_ =	sdelay $0x2  }
0x34: {  	v6 =	vor.u32 s13, v1;
	s13 =	sadd.s32 $0x1, s13  }
0x35: {  	_ =	sdelay $0x3  }
0x36: {  	v6 =	vld.idx.msk [tilespmem:v6+s10+$0x0], $0xffff;
	_ =	sdelay $0x5  }
0x37: {  	v5 =	vld.idx.msk [tilespmem:v5+s3+$0x0], $0xffff;
	_ =	sdelay $0x1  }
0x38: {  	v6 =	vld.idx.msk [tilespmem:v6+s3+$0x0], $0xffff  }
0x39: {  	v3 =	vadd.f32 v4, v3  }
0x3a: {  	s13 =	simm.s32 $0x0  }
0x3b: {  	v4 =	vor.u32 s13, v2;
	v3 =	vadd.f32 v5, v3;
	_ =	sdelay $0x1  }
0x3c: {  	v3 =	vadd.f32 v6, v3;
	_ =	sdelay $0x1  }
0x3d: {  	[tilespmem:$0xE610] =	vst v3  }
0x3e: {  	v3 =	vld.idx.msk [tilespmem:v4+s10+$0x0], $0xffff  }
0x3f: {  	s30 =	simm.s32 $0x1  }
0x40: {  	v5 =	vor.u32 s30, v2;
	_ =	sdelay $0x4  }
0x41: {  	v5 =	vld.idx.msk [tilespmem:v5+s10+$0x0], $0xffff  }
0x42: {  	v4 =	vld.idx.msk [tilespmem:v3+s3+$0x0], $0xffff;
	_ =	sdelay $0x2  }
0x43: {  	s31 =	simm.s32 $0x2  }
0x44: {  	s13 =	simm.s32 $0x3;
	v6 =	vor.u32 s31, v2;
	v3 =	vimm.f32 $0.0e+00  }
.LBB2_6:
0x45: {  	p0 =	sne.s32 s13, $0x1F;
	v3 =	vadd.f32 v4, v3;
	_ =	sdelay $0x2  }
0x46: {  	v4 =	vld.idx.msk [tilespmem:v5+s3+$0x0], $0xffff  }
.Ltmp2:
0x47: {  	v5 =	vld.idx.msk [tilespmem:v6+s10+$0x0], $0xffff;
	(pc) =	sbr.rel @p0 .LBB2_6-.Ltmp2, $2  }
0x48: {  	_ =	sdelay $0x2  }
0x49: {  	v6 =	vor.u32 s13, v2;
	s13 =	sadd.s32 $0x1, s13  }
0x4a: {  	_ =	sdelay $0x3  }
0x4b: {  	v6 =	vld.idx.msk [tilespmem:v6+s10+$0x0], $0xffff;
	_ =	sdelay $0x5  }
0x4c: {  	v5 =	vld.idx.msk [tilespmem:v5+s3+$0x0], $0xffff;
	_ =	sdelay $0x1  }
0x4d: {  	v6 =	vld.idx.msk [tilespmem:v6+s3+$0x0], $0xffff  }
0x4e: {  	v3 =	vadd.f32 v4, v3;
	_ =	sdelay $0x1  }
0x4f: {  	v3 =	vadd.f32 v5, v3;
	_ =	sdelay $0x1  }
0x50: {  	s12 =	sadd.s32 $0x1, s12;
	v3 =	vadd.f32 v6, v3  }
0x51: {  	p0 =	sne.s32 s12, s6  }
.Ltmp3:
0x52: {  	[tilespmem:$0xE620] =	vst v3;
	(pc) =	sbr.rel @p0 .LBB2_1-.Ltmp3, $4  }
0x53: {  	[hbm4b:s5+s3] =	stream.linear.scatter [tilespmem:s11], [sflag:$0x1], $0x30, $0x38;
	[tilespmem:$0xE680] =	vst v63  }
0x54: {  	_ =	swait.ge [sflag:s7], $0x30  }
0x55: {  	[sflag:s7] =	ssyncset.done $0x0  }
0x56: {  	[sflag:s7] =	ssyncadd.s32 $0xFFFFFFD0  }
0x57: {  	_ =	sfence.sel $0x180000  }
0x58: {  	[bflag:$0x0] =	sbarrier.arrive $0xFFFF  }
0x59: {  	p0 =	sne.s32 s0, $0x0;
	_ =	strace $0x90000050  }
0x5a: {  	s0 =	sadd.s32 @!p0 $0x100000, s1;
	[bflag:$0x2] =	sbarrier.arrive $0xFFFF  }
0x5b: {  	[sflag:s0] =	ssyncadd.tile.s32 @!p0 $0x1;
	_ =	shalt  }
.Lfunc_end2:
_tile_overlayer_lowered:
.L_overlay_start_2:
0x5c: {  	(tag) =	ssettag $0x2  }
0x5d: {  	s0 =	rddreg [dreg:$0x0];
	s2 =	stileid.u32  }
0x5e: {  	s1 =	rddreg [dreg:$0x1];
	p0 =	sne.s32 s2, $0x0  }
0x5f: {  	s3 =	rddreg [dreg:$0x2];
	[bflag:$0x3] =	sbarrier.arrive $0xFFFF;
	s2 =	simm.s32 @!p0 $0x1C01  }
0x60: {  	[timem:s3], [sflag:s2] =	dma.local @!p0 [hbm:s0], s1  }
0x61: {  	s0 =	simm.s32 @!p0 $0x1  }
0x62: {  	_ =	swait.ge @!p0 [sflag:s0], s1  }
0x63: {  	s1 =	ssub.s32 @!p0 $0x0, s1;
	[sflag:s0] =	ssyncset.done @!p0 $0x0  }
0x64: {  	[sflag:s0] =	ssyncadd.s32 @!p0 s1  }
0x65: {  	[bflag:$0x3] =	sbarrier.arrive $0xFFFF  }
0x66: {  	_ =	shalt  }

// kernel: kernel.8.cloned.1.call-start
scs
__scs_entry_jumppad:
0x0: {  	(pc) =	sbr.rel $0x88, $3  }
0x1: {  	(tag) =	ssettag $0x0;
	lr =	simm.s32 $0x1  }
0x2: {  	[smem:$0x3F99] =	sst lr;
	_ =	strace $0xD0000000  }
0x3: {  	_ = 	snop  }
0x4: {  	_ = 	snop  }
0x5: {  	_ = 	snop  }
0x6: {  	_ = 	snop  }
0x7: {  	_ = 	snop  }
__scs_overlays_trampoline_lowered:
0x8: {  	[smem:$0x3FA8] =	sst s0  }
0x9: {  	[smem:$0x3FA9] =	sst s1  }
0xa: {  	[smem:$0x3FAA] =	sst s2  }
0xb: {  	[smem:$0x3FAB] =	sst s3  }
0xc: {  	[smem:$0x3FAC] =	sst s4  }
0xd: {  	[smem:$0x3FAD] =	sst s5  }
0xe: {  	[smem:$0x3FAE] =	sst s6  }
0xf: {  	[smem:$0x3FAF] =	sst s7  }
0x10: {  	[smem:$0x3FB0] =	sst s8  }
0x11: {  	[smem:$0x3FB1] =	sst s9;
	s0 =	simm.s32 @!p0 $0x0  }
0x12: {  	s1 =	sld [smem:$0x3F97];
	s0 =	simm.s32 @p0 $0x1  }
0x13: {  	[smem:$0x3FB2] =	sst s0;
	s0 =	simm.s32 @!p1 $0x0  }
0x14: {  	s2 =	sld [smem:$0x3F96];
	s0 =	simm.s32 @p1 $0x1  }
0x15: {  	[smem:$0x3FB3] =	sst s0;
	s0 =	simm.s32 @!p2 $0x0  }
0x16: {  	s3 =	sld [smem:$0x3FDB];
	s0 =	simm.s32 @p2 $0x1  }
0x17: {  	s4 =	simm.s32 $0x1BF5;
	[smem:$0x3FB5] =	sst s0  }
0x18: {  	s0 =	sld [smem:$0x3F98];
	_ =	swait.ge [sflag:s4], $0x0  }
0x19: {  	s7 =	sld [smem:$0x3F99]  }
0x1a: {  	s8 =	sadd.s32 $0xFFFFE003, lr  }
0x1b: {  	s9 =	sadd.s32 $0xFFFFFEF7, lr;
	s5 =	simm.s32 $0xFFFFFFFF;
	p2 =	slt.u32 s8, $0xFFFFF086  }
0x1c: {  	p1 =	slt.u32 s9, $0xF7A;
	s5 =	simm.s32 @!p2 $0x0  }
0x1d: {  	s5 =	simm.s32 @p1 $0x1;
	p0 =	seq.s32 s7, s2  }
0x1e: {  	s7 =	smul.u32 @!p0 $0xF7A, s2;
	p2 =	seq.s32 @!p0 s5, $0x0  }
0x1f: {  	s9 =	smul.u32 $0xF7A, s1;
	s8 =	simm.s32 @!p0 $0x1BF5;
	p2 =	por !p2, p0  }
0x20: {  	[sflag:s8] =	ssyncset.s32 @!p0 $0xFFFFF086;
	s6 =	sadd.s32 @!p0 s3, s7;
	s7 =	simm.s32 @!p0 $0x108  }
0x21: {  	s3 =	sadd.s32 s3, s9;
	s6 =	sadd.s32 @!p0 $0x88, s6;
	s7 =	simm.s32 @p2 $0x1082  }
0x22: {  	[simem:s7], [sflag:s8] =	dma.local @!p0 [hbm:s6], $0xF7A  }
0x23: {  	s9 =	sor.u32 $0xD0000000, s2;
	s6 =	simm.s32 $0x108;
	_ =	swait.ge @!p0 [sflag:s8], $0x0  }
0x24: {  	s3 =	sadd.s32 $0x88, s3;
	s6 =	simm.s32 @!p1 $0x1082;
	[sflag:s4] =	ssyncset.s32 $0xFFFFF086  }
0x25: {  	[simem:s6], [sflag:s4] =	dma.local [hbm:s3], $0xF7A  }
0x26: {  	[smem:$0x3F99] =	sst s1;
	(tag) =	ssettag s2;
	_ =	strace s9  }
0x27: {  	s1 =	sld [smem:$0x3FA9]  }
0x28: {  	s2 =	sld [smem:$0x3FAA]  }
0x29: {  	s4 =	sld [smem:$0x3FAC]  }
0x2a: {  	p0 =	seq.s32 s5, $0x0;
	s5 =	sld [smem:$0x3FAD]  }
0x2b: {  	s6 =	sld [smem:$0x3FAE]  }
0x2c: {  	s7 =	sld [smem:$0x3FAF]  }
0x2d: {  	s3 =	simm.s32 $0x108;
	s8 =	sld [smem:$0x3FB0]  }
0x2e: {  	s3 =	simm.s32 @!p0 $0x1082;
	s9 =	sld [smem:$0x3FB1]  }
0x2f: {  	lr =	sadd.s32 s0, s3;
	s0 =	sld [smem:$0x3FA8]  }
0x30: {  	s3 =	sld [smem:$0x3FAB]  }
0x31: {  	[smem:$0x3FB4] =	sst s10  }
0x32: {  	s10 =	sld [smem:$0x3FB2];
	_ =	sdelay $0x3  }
0x33: {  	p0 =	seq.s32 s10, $0x1;
	s10 =	sld [smem:$0x3FB4];
	_ =	sdelay $0x3  }
0x34: {  	[smem:$0x3FB4] =	sst s10  }
0x35: {  	s10 =	sld [smem:$0x3FB3];
	_ =	sdelay $0x3  }
0x36: {  	p1 =	seq.s32 s10, $0x1;
	s10 =	sld [smem:$0x3FB4];
	_ =	sdelay $0x3  }
0x37: {  	[smem:$0x3FB4] =	sst s10  }
0x38: {  	s10 =	sld [smem:$0x3FB5]  }
0x39: {  	_ = 	snop;
	(pc) =	sbr.ind lr, $3  }
0x3a: {  	_ = 	snop  }
0x3b: {  	_ = 	snop  }
0x3c: {  	p2 =	seq.s32 s10, $0x1;
	s10 =	sld [smem:$0x3FB4]  }
0x3d: {  	_ =	shalt  }
0x3e: {  	_ =	shalt  }
0x3f: {  	_ =	shalt  }
0x40: {  	_ =	shalt  }
0x41: {  	_ =	shalt  }
0x42: {  	_ =	shalt  }
0x43: {  	_ =	shalt  }
0x44: {  	_ =	shalt  }
0x45: {  	_ =	shalt  }
0x46: {  	_ =	shalt  }
0x47: {  	_ =	shalt  }
0x48: {  	_ =	shalt  }
0x49: {  	_ =	shalt  }
0x4a: {  	_ =	shalt  }
0x4b: {  	_ =	shalt  }
0x4c: {  	_ =	shalt  }
0x4d: {  	_ =	shalt  }
0x4e: {  	_ =	shalt  }
0x4f: {  	_ =	shalt  }
0x50: {  	_ =	shalt  }
0x51: {  	_ =	shalt  }
0x52: {  	_ =	shalt  }
0x53: {  	_ =	shalt  }
0x54: {  	_ =	shalt  }
0x55: {  	_ =	shalt  }
0x56: {  	_ =	shalt  }
0x57: {  	_ =	shalt  }
0x58: {  	_ =	shalt  }
0x59: {  	_ =	shalt  }
0x5a: {  	_ =	shalt  }
0x5b: {  	_ =	shalt  }
0x5c: {  	_ =	shalt  }
0x5d: {  	_ =	shalt  }
0x5e: {  	_ =	shalt  }
0x5f: {  	_ =	shalt  }
0x60: {  	_ =	shalt  }
0x61: {  	_ =	shalt  }
0x62: {  	_ =	shalt  }
0x63: {  	_ =	shalt  }
0x64: {  	_ =	shalt  }
0x65: {  	_ =	shalt  }
0x66: {  	_ =	shalt  }
0x67: {  	_ =	shalt  }
0x68: {  	_ =	shalt  }
0x69: {  	_ =	shalt  }
0x6a: {  	_ =	shalt  }
0x6b: {  	_ =	shalt  }
0x6c: {  	_ =	shalt  }
0x6d: {  	_ =	shalt  }
0x6e: {  	_ =	shalt  }
0x6f: {  	_ =	shalt  }
0x70: {  	_ =	shalt  }
0x71: {  	_ =	shalt  }
0x72: {  	_ =	shalt  }
0x73: {  	_ =	shalt  }
0x74: {  	_ =	shalt  }
0x75: {  	_ =	shalt  }
0x76: {  	_ =	shalt  }
0x77: {  	_ =	shalt  }
0x78: {  	_ =	shalt  }
0x79: {  	_ =	shalt  }
0x7a: {  	_ =	shalt  }
0x7b: {  	_ =	shalt  }
0x7c: {  	_ =	shalt  }
0x7d: {  	_ =	shalt  }
0x7e: {  	_ =	shalt  }
0x7f: {  	_ =	shalt  }
0x80: {  	_ =	shalt  }
0x81: {  	_ =	shalt  }
0x82: {  	_ =	shalt  }
0x83: {  	_ =	shalt  }
0x84: {  	_ =	shalt  }
0x85: {  	_ =	shalt  }
0x86: {  	_ =	shalt  }
0x87: {  	_ =	shalt  }
.Lfunc_end0:
.L_simem_size_0:
called_computation_lowered:
.L_overlay_start_0:
0x88: {  	s2 =	sld [smem:$0x3FD9]  }
0x89: {  	s3 =	sld [smem:$0x3FFE];
	_ =	sdelay $0x1  }
0x8a: {  	s1 =	srdreg.scid  }
0x8b: {  	s0 =	sand.u32 $0x1, s1  }
0x8c: {  	s17 =	sshll.u32 s0, $0xA;
	s2 =	sadd.s32 s3, s2  }
0x8d: {  	s2 =	sadd.s32 s2, s17  }
0x8e: {  	[smem:$0x3FC0] =	sst s2  }
0x8f: {  	_ = 	snop  }
0x90: {  	s2 =	sld [smem:$0x3FC8];
	(tm) =	ssettm $0x1  }
0x91: {  	s18 =	sld [smem:$0x3FFB];
	_ =	sdelay $0x3  }
0x92: {  	_ =	strace s18  }
0x93: {  	s3 =	sld [smem:$0x3FFC];
	_ =	sdelay $0x3  }
0x94: {  	_ =	strace s3  }
0x95: {  	s3 =	sld [smem:$0x3FFD];
	_ =	sdelay $0x3  }
0x96: {  	_ =	strace s3  }
0x97: {  	_ =	strace $0x8FFFFFFF  }
0x98: {  	s19 =	sld [smem:$0x3FDB];
	_ =	sdelay $0x1  }
0x99: {  	s4 =	simm.s32 $_scs_section_size  }
0x9a: {  	s5 =	simm.s32 $_size__tile_overlayer_lowered;
	s6 =	simm.s32 $_tile_overlayer_lowered  }
0x9b: {  	s22 =	simm.s32 $0x1BFF;
	s21 =	sshll.u32 s6, $0x1;
	s3 =	sadd.s32 s4, s19  }
0x9c: {  	s7 =	simm.s32 $0x0;
	s20 =	sshll.u32 s5, $0x1;
	s5 =	sadd.s32 s21, s3  }
0x9d: {  	[timem:s7], [sflag:s22] =	dma.local [hbm:s5], s20  }
0x9e: {  	_ =	swait.ge [sflag:s22], s20  }
0x9f: {  	s4 =	ssub.s32 $0x0, s20;
	[sflag:s22] =	ssyncset.done $0x0  }
0xa0: {  	[sflag:s22] =	ssyncadd.s32 s4;
	_ =	sdelay $0x1  }
0xa1: {  	s23 =	simm.s32 $0x1B8B  }
0xa2: {  	_ =	swait.ge [sflag:s23], $0x1  }
0xa3: {  	[sflag:s23] =	ssyncset.done $0x0  }
0xa4: {  	s25 =	simm.s32 $0x1B8E;
	s24 =	sld [smem:$0x3FFE];
	[sflag:s23] =	ssyncadd.s32 $0xFFFFFFFF  }
0xa5: {  	s26 =	simm.s32 $execute0_lowered;
	[smem:$0x3FD2] =	sst s25  }
0xa6: {  	s5 =	sshll.u32 s26, $0x1;
	_ =	strace $0x80000046;
	[dreg:$0x1] =	wrdreg $0xFFFFFFFF  }
0xa7: {  	s28 =	simm.s32 $_size_execute0_lowered;
	s3 =	sadd.s32 s3, s5;
	[dreg:$0x0] =	wrdreg $0x0  }
0xa8: {  	s5 =	sshll.u32 s28, $0x1;
	[dreg:$0x2] =	wrdreg s3  }
0xa9: {  	[dreg:$0x3] =	wrdreg s5  }
0xaa: {  	[dreg:$0x4] =	wrdreg $0xC0  }
0xab: {  	_ =	task [dreg:s7], $0x5FFFF  }
0xac: {  	[dreg:$0x1] =	wrdreg $0xFFFFFFFF  }
0xad: {  	[dreg:$0x0] =	wrdreg $0x60  }
0xae: {  	[dreg:$0x2] =	wrdreg s2  }
0xaf: {  	[dreg:$0x3] =	wrdreg s24  }
0xb0: {  	[dreg:$0x4] =	wrdreg $0x9  }
0xb1: {  	_ =	task.clear_ibuf [dreg:s7], $0x5FFFF;
	_ =	strace $0x90000046  }
0xb2: {  	s29 =	simm.s32 $0x9;
	_ =	strace $0x80000048  }
0xb3: {  	_ =	swait.ge [sflag:s29], $0x1  }
0xb4: {  	[sflag:s29] =	ssyncadd.s32 $0xFFFFFFFF  }
0xb5: {  	_ =	strace $0x90000048  }
0xb6: {  	_ =	sfence  }
0xb7: {  	s30 =	sld [smem:$0x0];
	_ =	sdelay $0x2  }
0xb8: {  	s31 =	sshll.u32 s1, $0xD;
	s1 =	sshrl.u32 s1, $0x2  }
0xb9: {  	s3 =	sand.u32 $0x4000, s31;
	s1 =	sadd.s32 s1, s30  }
0xba: {  	s0 =	sor.u32 s3, s0;
	s1 =	sshll.u32 s1, $0x11  }
0xbb: {  	s0 =	sor.u32 s1, s0  }
0xbc: {  	s0 =	sadd.s32 $0x8F2B, s0  }
0xbd: {  	[sflag:s0] =	ssyncadd.remote.s32 $0x1  }
0xbe: {  	_ =	sfence.sel $0xFFFF  }
0xbf: {  	[dreg:$0x0] =	wrdreg $0xFFFFFFFF;
	(pc) =	sbr.abs _section_cstart, $3  }
0xc0: {  	[dreg:$0x1] =	wrdreg $0xFFFFFFFF  }
0xc1: {  	_ =	task.clear_ibuf [dreg:s7], $0x2FFFF;
	_ =	strace $0x9FFFFFFF  }
0xc2: {  	(tm) =	ssettm $0x7FFFFFFF  }
0xc3: {  	_ =	shalt  }
tec
execute0_lowered:
.L_overlay_start_1:
0x0: {  	(tag) =	ssettag $0x1  }
0x1: {  	s0 =	rddreg [dreg:$0x0]  }
0x2: {  	s1 =	rddreg [dreg:$0x1]  }
0x3: {  	s3 =	srdreg.scid;
	s10 =	stileid.u32;
	s2 =	simm.s32 $0x0  }
0x4: {  	s12 =	simm.s32 $0xA00;
	s13 =	simm.s32 $0x8A00;
	s19 =	simm.s32 $0x1  }
0x5: {  	s15 =	simm.s32 $0x8200;
	s17 =	simm.s32 $0x3;
	s18 =	simm.s32 $0x2  }
0x6: {  	s16 =	simm.s32 $0xC200;
	s20 =	simm.s32 $0xCA00;
	s28 =	simm.s32 $0x10200  }
0x7: {  	s29 =	simm.s32 $0x4;
	s4 =	sand.u32 $0x1, s3;
	s21 =	sshll.u32 s10, $0x1  }
0x8: {  	[smem:$0x7FF] =	sst s2;
	s3 =	sadd.s32 $0x2800, s1;
	s8 =	sshll.u32 s10, $0xA  }
0x9: {  	s30 =	sshll.u32 s10, $0x10;
	s10 =	simm.s32 $0xB200;
	s5 =	sor.u32 s4, s21  }
0xa: {  	_ =	strace $0x80000047;
	s9 =	ssub.s32 $0x2, s4;
	s4 =	sshll.u32 s4, $0xF  }
0xb: {  	s21 =	simm.s32 $0xD200;
	s6 =	sshll.u32 s5, $0x7;
	s5 =	sshll.u32 s5, $0xF  }
0xc: {  	s22 =	sshrl.u32 s9, $0x1;
	s7 =	sadd.s32 s6, s1;
	s6 =	sor.u32 s8, s6  }
0xd: {  	s11 =	sadd.s32 s0, s5;
	s24 =	ssub.s32 s9, s22;
	s0 =	sadd.s32 s30, s0  }
0xe: {  	s9 =	sadd.s32 $0x2900, s1;
	s8 =	simm.s32 $0xAA00;
	s22 =	simm.s32 $0xDA00  }
0xf: {  	s23 =	sand.u32 $0x3380, s6;
	[dreg:$0x3] =	wrdreg s11;
	s25 =	sadd.s32 $0x1000, s11  }
0x10: {  	s26 =	sadd.s32 $0x800, s7;
	s7 =	sadd.s32 $0x1800, s7;
	s31 =	smax.u32 s24, $0x1  }
0x11: {  	s11 =	sadd.s32 s4, s0;
	s6 =	simm.s32 $0x9A00;
	[dreg:$0x4] =	wrdreg s25  }
.Ltmp0:
0x12: {  	s4 =	simm.s32 $0xBA00;
	[dreg:$0x6] =	wrdreg s26;
	(pc) =	sbr.rel .LBB2_1-.Ltmp0, $4  }
0x13: {  	s24 =	simm.s32 $0xEA00;
	s5 =	sshrl.u32 s23, $0x3;
	[dreg:$0x7] =	wrdreg s7  }
0x14: {  	[dreg:$0x8] =	wrdreg s31;
	s7 =	simm.s32 $0xA200;
	s23 =	simm.s32 $0xE200  }
0x15: {  	s25 =	simm.s32 $0xF200;
	s26 =	simm.s32 $0xFA00;
	s5 =	sadd.s32 s1, s5  }
0x16: {  	v0 =	vimm.s32 $0x0;
	v1 =	vlaneseq.u32;
	s1 =	simm.s32 $0x0;
	[dreg:$0x5] =	wrdreg s5;
	s5 =	simm.s32 $0x9200  }
.LBB2_6:
0x17: {  	s1 =	rddreg [dreg:$0x9]  }
0x18: {  	s0 =	rddreg [dreg:$0x8];
	s1 =	sadd.s32 $0x1, s1  }
0x19: {  	p0 =	sne.s32 s1, s0  }
.Ltmp1:
0x1a: {  	_ = 	snop;
	(pc) =	sbr.rel @!p0 .LBB2_7-.Ltmp1, $1  }
0x1b: {  	_ =	sdelay $0x3  }
.LBB2_1:
0x1c: {  	[dreg:$0x9] =	wrdreg s1  }
0x1d: {  	s0 =	rddreg [dreg:$0x3]  }
0x1e: {  	[tilespmem:s12], [sflag:$0x1] =	stream.linear.gather [hbm4b:s0+s2], $0x8000, $0x38;
	[tilespmem:$0x10A00] =	vst v63  }
0x1f: {  	s1 =	rddreg [dreg:$0x4]  }
0x20: {  	[tilespmem:s13], [sflag:$0x2] =	stream.linear.gather [hbm4b:s1+s2], $0x8000, $0x38;
	[tilespmem:$0x10A00] =	vst v63  }
0x21: {  	s14 =	simm.s32 $0x400;
	s0 =	rddreg [dreg:$0x5];
	s1 =	simm.s32 $0x80  }
0x22: {  	[tilespmem:s2], [sflag:$0x5] =	stream.strided.gather [hbm4b:s0+s1], $0x200, s14, s1, $0x38;
	[tilespmem:$0x10A00] =	vst v63  }
0x23: {  	s1 =	simm.s32 $0x5  }
0x24: {  	_ =	swait.ge [sflag:s1], $0x200  }
0x25: {  	[sflag:s1] =	ssyncset.done $0x0  }
0x26: {  	s14 =	simm.s32 $0x200;
	s0 =	rddreg [dreg:$0x6];
	[sflag:s1] =	ssyncadd.s32 $0xFFFFFE00  }
0x27: {  	[tilespmem:s14], [sflag:$0x5] =	stream.linear.gather [hbm4b:s0+s2], $0x400, $0x38;
	[tilespmem:$0x10A00] =	vst v63  }
0x28: {  	_ =	swait.ge [sflag:s1], $0x400  }
0x29: {  	[sflag:s1] =	ssyncset.done $0x0  }
0x2a: {  	s14 =	simm.s32 $0x0;
	[sflag:s1] =	ssyncadd.s32 $0xFFFFFC00  }
0x2b: {  	v2 =	vld [tilespmem:s14+$0x0];
	_ =	sdelay $0x4  }
0x2c: {  	vm0 =	veq.s32 v2, $0x0  }
0x2d: {  	vm1 =	veq.s32 v2, $0x1;
	v3 =	vsel vm0, $0x1, v0  }
0x2e: {  	vm2 =	veq.s32 v2, $0x2;
	v4 =	vsel vm1, $0x1, v0;
	(xrf0) =	vadd.scan.msk.s32 $0xffff, v3  }
0x2f: {  	vm4 =	veq.s32 v2, $0x3;
	v3 =	vsel vm2, $0x1, v0;
	(xrf0) =	vadd.scan.msk.s32 $0xffff, v4  }
0x30: {  	vm5 =	veq.s32 v2, $0x4;
	v5 =	vsel vm4, $0x1, v0;
	v4 =	vld [tilespmem:$0x200];
	(xrf0) =	vadd.scan.msk.s32 $0xffff, v3  }
0x31: {  	vm6 =	veq.s32 v2, $0x5;
	v6 =	vsel vm5, $0x1, v0;
	v3 =	vld [tilespmem:$0x280];
	(xrf0) =	vadd.scan.msk.s32 $0xffff, v5  }
0x32: {  	vm3 =	veq.s32 v2, $0x6;
	v7 =	vsel vm6, $0x1, v0;
	v5 =	vld [tilespmem:$0x300];
	(xrf0) =	vadd.scan.msk.s32 $0xffff, v6  }
0x33: {  	vm7 =	veq.s32 v2, $0x7;
	v8 =	vsel vm3, $0x1, v0;
	v6 =	vld [tilespmem:$0x380];
	(xrf0) =	vadd.scan.msk.s32 $0xffff, v7  }
0x34: {  	v2 =	vld [tilespmem:$0x400];
	v7 =	vsel vm7, $0x1, v0;
	v9, _, _ =	vpop (xrf0);
	(xrf0) =	vadd.scan.msk.s32 $0xffff, v8  }
0x35: {  	v8 =	vld [tilespmem:$0x480];
	v9 =	vadd.s32 v9, v4;
	v10, _, _ =	vpop (xrf0);
	(xrf0) =	vadd.scan.msk.s32 $0xffff, v7  }
0x36: {  	v7 =	vld [tilespmem:$0x500];
	v9 =	vadd.s32 $0xFFFFFFFF, v9;
	v10 =	vadd.s32 v10, v3;
	v11, _, _ =	vpop (xrf0)  }
0x37: {  	v12 =	vld [tilespmem:$0x580];
	v9 =	vnsel vm0, $0x0, v9;
	v10 =	vadd.s32 $0xFFFFFFFF, v10;
	v11 =	vadd.s32 v11, v5;
	v13, _, _ =	vpop (xrf0)  }
0x38: {  	v9 =	vsel vm1, v10, v9;
	v10 =	vadd.s32 $0xFFFFFFFF, v11;
	v11 =	vadd.s32 v13, v6;
	v55, _, _ =	vpop (xrf0)  }
0x39: {  	v9 =	vsel vm2, v10, v9;
	v10 =	vadd.s32 $0xFFFFFFFF, v11;
	v11 =	vadd.s32 v55, v2;
	v56, _, _ =	vpop (xrf0)  }
0x3a: {  	v9 =	vsel vm4, v10, v9;
	v10 =	vadd.s32 $0xFFFFFFFF, v11;
	v11 =	vadd.s32 v56, v8;
	v57, _, _ =	vpop (xrf0)  }
0x3b: {  	v9 =	vsel vm5, v10, v9;
	v10 =	vadd.s32 $0xFFFFFFFF, v11;
	v11 =	vadd.s32 v57, v7;
	v58, _, _ =	vpop (xrf0)  }
0x3c: {  	v9 =	vsel vm6, v10, v9;
	v10 =	vadd.s32 $0xFFFFFFFF, v11;
	v11 =	vadd.s32 v58, v12  }
0x3d: {  	v9 =	vsel vm3, v10, v9;
	v10 =	vadd.s32 $0xFFFFFFFF, v11  }
0x3e: {  	s30 =	simm.s32 $0x620;
	v9 =	vsel vm7, v10, v9  }
0x3f: {  	[tilespmem:s30+$0xFFFFFFE0] =	vst v9  }
0x40: {  	v9 =	vld [tilespmem:s14+$0x10];
	_ =	sdelay $0x3  }
0x41: {  	v59 =	vmpcnt.ones.xlane vm2;
	v14 =	vmpcnt.ones.xlane vm4  }
0x42: {  	v15 =	vmpcnt.ones.xlane vm5;
	v11 =	vmpcnt.ones.xlane vm1;
	vm1 =	veq.s32 v9, $0x0  }
0x43: {  	v10 =	vmpcnt.ones.xlane vm0;
	vm0 =	veq.s32 v9, $0x1;
	v16 =	vsel vm1, $0x1, v0  }
0x44: {  	v17 =	vmpcnt.ones.xlane vm6;
	vm14 =	veq.s32 v9, $0x2;
	v18 =	vsel vm0, $0x1, v0;
	(xrf0) =	vadd.scan.msk.s32 $0xffff, v16  }
0x45: {  	v60 =	vmpcnt.ones.xlane vm7;
	vm2 =	veq.s32 v9, $0x3;
	v19 =	vsel vm14, $0x1, v0;
	(xrf0) =	vadd.scan.msk.s32 $0xffff, v18  }
0x46: {  	v61 =	vmpcnt.ones.xlane vm3;
	vm15 =	veq.s32 v9, $0x4;
	v20 =	vsel vm2, $0x1, v0;
	(xrf0) =	vadd.scan.msk.s32 $0xffff, v19  }
0x47: {  	v5 =	vadd.s32 v5, v59;
	vm9 =	veq.s32 v9, $0x5;
	v62 =	vsel vm15, $0x1, v0;
	(xrf0) =	vadd.scan.msk.s32 $0xffff, v20  }
0x48: {  	v6 =	vadd.s32 v6, v14;
	vm10 =	veq.s32 v9, $0x6;
	v63 =	vsel vm9, $0x1, v0;
	(xrf0) =	vadd.scan.msk.s32 $0xffff, v62  }
0x49: {  	v2 =	vadd.s32 v2, v15;
	vm11 =	veq.s32 v9, $0x7;
	v21 =	vsel vm10, $0x1, v0;
	(xrf0) =	vadd.scan.msk.s32 $0xffff, v63  }
0x4a: {  	v8 =	vadd.s32 v8, v17;
	v4 =	vadd.s32 v4, v10;
	v9 =	vsel vm11, $0x1, v0;
	v10, _, _ =	vpop (xrf0);
	(xrf0) =	vadd.scan.msk.s32 $0xffff, v21  }
0x4b: {  	v7 =	vadd.s32 v7, v61;
	v3 =	vadd.s32 v3, v11;
	v10 =	vadd.s32 v10, v4;
	v11, _, _ =	vpop (xrf0);
	(xrf0) =	vadd.scan.msk.s32 $0xffff, v9  }
0x4c: {  	v12 =	vadd.s32 v12, v60;
	v9 =	vadd.s32 $0xFFFFFFFF, v10;
	v10 =	vadd.s32 v11, v3;
	v11, _, _ =	vpop (xrf0)  }
0x4d: {  	v9 =	vnsel vm1, $0x0, v9;
	v10 =	vadd.s32 $0xFFFFFFFF, v10;
	v11 =	vadd.s32 v11, v5;
	v22, _, _ =	vpop (xrf0)  }
0x4e: {  	v9 =	vsel vm0, v10, v9;
	v10 =	vadd.s32 $0xFFFFFFFF, v11;
	v11 =	vadd.s32 v22, v6;
	v23, _, _ =	vpop (xrf0)  }
0x4f: {  	v9 =	vsel vm14, v10, v9;
	v10 =	vadd.s32 $0xFFFFFFFF, v11;
	v11 =	vadd.s32 v23, v2;
	v24, _, _ =	vpop (xrf0)  }
0x50: {  	v9 =	vsel vm2, v10, v9;
	v10 =	vadd.s32 $0xFFFFFFFF, v11;
	v11 =	vadd.s32 v24, v8;
	v25, _, _ =	vpop (xrf0)  }
0x51: {  	v9 =	vsel vm15, v10, v9;
	v10 =	vadd.s32 $0xFFFFFFFF, v11;
	v11 =	vadd.s32 v25, v7;
	v26, _, _ =	vpop (xrf0)  }
0x52: {  	v9 =	vsel vm9, v10, v9;
	v10 =	vadd.s32 $0xFFFFFFFF, v11;
	v11 =	vadd.s32 v26, v12  }
0x53: {  	v9 =	vsel vm10, v10, v9;
	v10 =	vadd.s32 $0xFFFFFFFF, v11  }
0x54: {  	v9 =	vsel vm11, v10, v9  }
0x55: {  	[tilespmem:s30+$0xFFFFFFF0] =	vst v9  }
0x56: {  	v9 =	vld [tilespmem:s14+$0x20];
	_ =	sdelay $0x4  }
0x57: {  	v27 =	vmpcnt.ones.xlane vm11;
	vm3 =	veq.s32 v9, $0x0  }
0x58: {  	v29 =	vmpcnt.ones.xlane vm10;
	vm4 =	veq.s32 v9, $0x1;
	v28 =	vsel vm3, $0x1, v0  }
0x59: {  	v33 =	vmpcnt.ones.xlane vm1;
	vm6 =	veq.s32 v9, $0x2;
	v30 =	vsel vm4, $0x1, v0;
	(xrf0) =	vadd.scan.msk.s32 $0xffff, v28  }
0x5a: {  	v11 =	vmpcnt.ones.xlane vm9;
	vm12 =	veq.s32 v9, $0x3;
	v31 =	vsel vm6, $0x1, v0;
	(xrf0) =	vadd.scan.msk.s32 $0xffff, v30  }
0x5b: {  	v4 =	vadd.s32 v4, v33;
	vm13 =	veq.s32 v9, $0x4;
	v32 =	vsel vm12, $0x1, v0;
	(xrf0) =	vadd.scan.msk.s32 $0xffff, v31  }
0x5c: {  	v10 =	vmpcnt.ones.xlane vm14;
	v8 =	vadd.s32 v8, v11;
	v11 =	vsel vm13, $0x1, v0;
	(xrf0) =	vadd.scan.msk.s32 $0xffff, v32  }
0x5d: {  	v7 =	vadd.s32 v7, v29;
	vm8 =	veq.s32 v9, $0x5;
	(xrf0) =	vadd.scan.msk.s32 $0xffff, v11;
	v11 =	vmpcnt.ones.xlane vm0  }
0x5e: {  	v5 =	vadd.s32 v5, v10;
	vm14 =	veq.s32 v9, $0x6;
	v34 =	vsel vm8, $0x1, v0  }
0x5f: {  	v10 =	vmpcnt.ones.xlane vm15;
	vm15 =	veq.s32 v9, $0x7;
	v35 =	vsel vm14, $0x1, v0;
	(xrf0) =	vadd.scan.msk.s32 $0xffff, v34  }
0x60: {  	v12 =	vadd.s32 v12, v27;
	v9 =	vmpcnt.ones.xlane vm2;
	v36 =	vsel vm15, $0x1, v0;
	v37, _, _ =	vpop (xrf0);
	(xrf0) =	vadd.scan.msk.s32 $0xffff, v35  }
0x61: {  	v2 =	vadd.s32 v2, v10;
	v3 =	vadd.s32 v3, v11;
	v10 =	vadd.s32 v37, v4;
	v11, _, _ =	vpop (xrf0);
	(xrf0) =	vadd.scan.msk.s32 $0xffff, v36  }
0x62: {  	v6 =	vadd.s32 v6, v9;
	v9 =	vadd.s32 $0xFFFFFFFF, v10;
	v10 =	vadd.s32 v11, v3;
	v11, _, _ =	vpop (xrf0)  }
0x63: {  	v9 =	vnsel vm3, $0x0, v9;
	v10 =	vadd.s32 $0xFFFFFFFF, v10;
	v11 =	vadd.s32 v11, v5;
	v38, _, _ =	vpop (xrf0)  }
0x64: {  	v9 =	vsel vm4, v10, v9;
	v10 =	vadd.s32 $0xFFFFFFFF, v11;
	v11 =	vadd.s32 v38, v6;
	v39, _, _ =	vpop (xrf0)  }
0x65: {  	v9 =	vsel vm6, v10, v9;
	v10 =	vadd.s32 $0xFFFFFFFF, v11;
	v11 =	vadd.s32 v39, v2;
	v40, _, _ =	vpop (xrf0)  }
0x66: {  	v9 =	vsel vm12, v10, v9;
	v10 =	vadd.s32 $0xFFFFFFFF, v11;
	v11 =	vadd.s32 v40, v8;
	v41, _, _ =	vpop (xrf0)  }
0x67: {  	v9 =	vsel vm13, v10, v9;
	v10 =	vadd.s32 $0xFFFFFFFF, v11;
	v11 =	vadd.s32 v41, v7;
	v42, _, _ =	vpop (xrf0)  }
0x68: {  	v9 =	vsel vm8, v10, v9;
	v10 =	vadd.s32 $0xFFFFFFFF, v11;
	v11 =	vadd.s32 v42, v12  }
0x69: {  	v9 =	vsel vm14, v10, v9;
	v10 =	vadd.s32 $0xFFFFFFFF, v11  }
0x6a: {  	v9 =	vsel vm15, v10, v9  }
0x6b: {  	v45 =	vmpcnt.ones.xlane vm4;
	[tilespmem:s30+$0x0] =	vst v9  }
0x6c: {  	v44 =	vmpcnt.ones.xlane vm3;
	v46 =	vmpcnt.ones.xlane vm14;
	v43 =	vld [tilespmem:s14+$0x30]  }
0x6d: {  	v48 =	vadd.s32 v3, v45;
	v3 =	vmpcnt.ones.xlane vm15;
	v9 =	vmpcnt.ones.xlane vm6  }
0x6e: {  	v11 =	vmpcnt.ones.xlane vm8;
	v10 =	vmpcnt.ones.xlane vm13  }
0x6f: {  	v7 =	vadd.s32 v7, v46;
	v47 =	vadd.s32 v5, v9;
	v5 =	vmpcnt.ones.xlane vm12  }
0x70: {  	v8 =	vadd.s32 v8, v11;
	v11 =	vadd.s32 v12, v3;
	v49 =	vadd.s32 v2, v10  }
0x71: {  	v9 =	vadd.s32 v4, v44;
	v6 =	vadd.s32 v6, v5;
	vm7 =	veq.s32 v43, $0x0  }
0x72: {  	vm9 =	veq.s32 v43, $0x1;
	vm10 =	veq.s32 v43, $0x2;
	v2 =	vsel vm7, $0x1, v0  }
0x73: {  	vm11 =	veq.s32 v43, $0x3;
	vm12 =	veq.s32 v43, $0x4;
	v3 =	vsel vm9, $0x1, v0;
	(xrf0) =	vadd.scan.msk.s32 $0xffff, v2  }
0x74: {  	vm13 =	veq.s32 v43, $0x5;
	vm14 =	veq.s32 v43, $0x6;
	v2 =	vsel vm10, $0x1, v0;
	(xrf0) =	vadd.scan.msk.s32 $0xffff, v3  }
0x75: {  	v10 =	vmpcnt.ones.xlane vm7;
	v50 =	vmpcnt.ones.xlane vm9;
	v3 =	vsel vm11, $0x1, v0;
	(xrf0) =	vadd.scan.msk.s32 $0xffff, v2  }
0x76: {  	v51 =	vmpcnt.ones.xlane vm10;
	v2 =	vsel vm12, $0x1, v0;
	(xrf0) =	vadd.scan.msk.s32 $0xffff, v3;
	v3 =	vsel vm13, $0x1, v0  }
0x77: {  	vm15 =	veq.s32 v43, $0x7;
	v52 =	vmpcnt.ones.xlane vm11;
	v5 =	vmpcnt.ones.xlane vm13;
	(xrf0) =	vadd.scan.msk.s32 $0xffff, v2  }
0x78: {  	v4 =	vmpcnt.ones.xlane vm12;
	v53 =	vsel vm14, $0x1, v0;
	v54 =	vmpcnt.ones.xlane vm14;
	(xrf0) =	vadd.scan.msk.s32 $0xffff, v3  }
0x79: {  	v13 =	vmpcnt.ones.xlane vm15;
	v2 =	vadd.s32 v8, v5;
	v5 =	vsel vm15, $0x1, v0;
	v3, _, _ =	vpop (xrf0);
	(xrf0) =	vadd.scan.msk.s32 $0xffff, v53  }
0x7a: {  	v55 =	vadd.s32 v3, v9;
	v3 =	vadd.s32 v49, v4;
	v4 =	vadd.s32 v7, v54;
	v56, _, _ =	vpop (xrf0);
	(xrf0) =	vadd.scan.msk.s32 $0xffff, v5  }
0x7b: {  	v5 =	vadd.s32 v11, v13;
	v19 =	vadd.s32 $0xFFFFFFFF, v55;
	v20 =	vadd.s32 v56, v48;
	v57, _, _ =	vpop (xrf0)  }
0x7c: {  	v19 =	vnsel vm7, $0x0, v19;
	v20 =	vadd.s32 $0xFFFFFFFF, v20;
	v13 =	vadd.s32 v57, v47;
	v21, _, _ =	vpop (xrf0)  }
0x7d: {  	v19 =	vsel vm9, v20, v19;
	v13 =	vadd.s32 $0xFFFFFFFF, v13;
	v58 =	vadd.s32 v21, v6;
	v59, _, _ =	vpop (xrf0)  }
0x7e: {  	v13 =	vsel vm10, v13, v19;
	v60 =	vadd.s32 $0xFFFFFFFF, v58;
	v15 =	vadd.s32 v59, v49;
	v61, _, _ =	vpop (xrf0)  }
0x7f: {  	v13 =	vsel vm11, v60, v13;
	v15 =	vadd.s32 $0xFFFFFFFF, v15;
	v8 =	vadd.s32 v61, v8;
	v62, _, _ =	vpop (xrf0)  }
0x80: {  	v13 =	vsel vm12, v15, v13;
	v8 =	vadd.s32 $0xFFFFFFFF, v8;
	v7 =	vadd.s32 v62, v7;
	v63, _, _ =	vpop (xrf0)  }
0x81: {  	v8 =	vsel vm13, v8, v13;
	v7 =	vadd.s32 $0xFFFFFFFF, v7;
	v11 =	vadd.s32 v63, v11  }
0x82: {  	v6 =	vadd.s32 v6, v52;
	v13 =	vsel vm14, v7, v8;
	v11 =	vadd.s32 $0xFFFFFFFF, v11  }
0x83: {  	s31 =	simm.s32 $0x100;
	s0 =	simm.s32 $0x200;
	v8 =	vadd.s32 v48, v50;
	v7 =	vadd.s32 v47, v51;
	v11 =	vsel vm15, v11, v13  }
.LBB2_2:
0x84: {  	s1 =	sshra.s32 s31, $0x2  }
0x85: {  	v9 =	vadd.s32 v9, v10;
	[tilespmem:s30+$0x10] =	vst v11;
	s30 =	sadd.s32 $0x80, s30;
	s31 =	smov.u32 s0;
	s14 =	sadd.s32 $0x100, s0  }
0x86: {  	p0 =	sne.s32 s0, $0x700;
	v10 =	vld [tilespmem:s1+$0x0];
	_ =	sdelay $0x4  }
0x87: {  	vm6 =	veq.s32 v10, $0x0  }
0x88: {  	vm4 =	veq.s32 v10, $0x1;
	v11 =	vsel vm6, $0x1, v0;
	v12 =	vmpcnt.ones.xlane vm6  }
0x89: {  	vm0 =	veq.s32 v10, $0x2;
	v13 =	vsel vm4, $0x1, v0;
	v14 =	vmpcnt.ones.xlane vm4;
	(xrf0) =	vadd.scan.msk.s32 $0xffff, v11  }
0x8a: {  	vm1 =	veq.s32 v10, $0x3;
	v15 =	vmpcnt.ones.xlane vm0;
	v11 =	vsel vm0, $0x1, v0;
	(xrf0) =	vadd.scan.msk.s32 $0xffff, v13  }
0x8b: {  	vm2 =	veq.s32 v10, $0x4;
	v16 =	vmpcnt.ones.xlane vm1;
	v13 =	vsel vm1, $0x1, v0;
	(xrf0) =	vadd.scan.msk.s32 $0xffff, v11  }
0x8c: {  	vm3 =	veq.s32 v10, $0x5;
	v17 =	vmpcnt.ones.xlane vm2;
	v11 =	vsel vm2, $0x1, v0;
	(xrf0) =	vadd.scan.msk.s32 $0xffff, v13  }
0x8d: {  	vm5 =	veq.s32 v10, $0x6;
	v18 =	vmpcnt.ones.xlane vm3;
	v13 =	vsel vm3, $0x1, v0;
	(xrf0) =	vadd.scan.msk.s32 $0xffff, v11  }
0x8e: {  	vm7 =	veq.s32 v10, $0x7;
	v19 =	vmpcnt.ones.xlane vm5;
	v11 =	vsel vm5, $0x1, v0;
	(xrf0) =	vadd.scan.msk.s32 $0xffff, v13  }
0x8f: {  	v10 =	vsel vm7, $0x1, v0;
	v13 =	vmpcnt.ones.xlane vm7;
	v20, _, _ =	vpop (xrf0);
	(xrf0) =	vadd.scan.msk.s32 $0xffff, v11  }
0x90: {  	v11 =	vadd.s32 v20, v9;
	v20, _, _ =	vpop (xrf0);
	(xrf0) =	vadd.scan.msk.s32 $0xffff, v10  }
0x91: {  	v10 =	vadd.s32 $0xFFFFFFFF, v11;
	v11 =	vadd.s32 v20, v8;
	v20, _, _ =	vpop (xrf0)  }
0x92: {  	v10 =	vnsel vm6, $0x0, v10;
	v11 =	vadd.s32 $0xFFFFFFFF, v11;
	v20 =	vadd.s32 v20, v7;
	v21, _, _ =	vpop (xrf0)  }
0x93: {  	v10 =	vsel vm4, v11, v10;
	v11 =	vadd.s32 $0xFFFFFFFF, v20;
	v20 =	vadd.s32 v21, v6;
	v21, _, _ =	vpop (xrf0)  }
0x94: {  	v10 =	vsel vm0, v11, v10;
	v11 =	vadd.s32 $0xFFFFFFFF, v20;
	v20 =	vadd.s32 v21, v3;
	v21, _, _ =	vpop (xrf0)  }
0x95: {  	v10 =	vsel vm1, v11, v10;
	v11 =	vadd.s32 $0xFFFFFFFF, v20;
	v20 =	vadd.s32 v21, v2;
	v21, _, _ =	vpop (xrf0)  }
0x96: {  	v10 =	vsel vm2, v11, v10;
	v11 =	vadd.s32 $0xFFFFFFFF, v20;
	v20 =	vadd.s32 v21, v4;
	v21, _, _ =	vpop (xrf0)  }
0x97: {  	v10 =	vsel vm3, v11, v10;
	v11 =	vadd.s32 $0xFFFFFFFF, v20;
	v20 =	vadd.s32 v21, v5  }
0x98: {  	v10 =	vsel vm5, v11, v10;
	v11 =	vadd.s32 $0xFFFFFFFF, v20  }
0x99: {  	v10 =	vsel vm7, v11, v10  }
0x9a: {  	[tilespmem:s30+$0xFFFFFFE0] =	vst v10  }
0x9b: {  	v10 =	vld [tilespmem:s1+$0x10];
	_ =	sdelay $0x4  }
0x9c: {  	vm1 =	veq.s32 v10, $0x0  }
0x9d: {  	vm2 =	veq.s32 v10, $0x1;
	v11 =	vsel vm1, $0x1, v0  }
0x9e: {  	vm7 =	veq.s32 v10, $0x2;
	v20 =	vsel vm2, $0x1, v0;
	(xrf0) =	vadd.scan.msk.s32 $0xffff, v11  }
0x9f: {  	vm0 =	veq.s32 v10, $0x3;
	v21 =	vmpcnt.ones.xlane vm7;
	v11 =	vsel vm7, $0x1, v0;
	(xrf0) =	vadd.scan.msk.s32 $0xffff, v20  }
0xa0: {  	vm3 =	veq.s32 v10, $0x4;
	v20 =	vsel vm0, $0x1, v0;
	(xrf0) =	vadd.scan.msk.s32 $0xffff, v11  }
0xa1: {  	v5 =	vadd.s32 v5, v13;
	vm4 =	veq.s32 v10, $0x5;
	v11 =	vsel vm3, $0x1, v0;
	(xrf0) =	vadd.scan.msk.s32 $0xffff, v20  }
0xa2: {  	v4 =	vadd.s32 v4, v19;
	vm5 =	veq.s32 v10, $0x6;
	v13 =	vsel vm4, $0x1, v0;
	(xrf0) =	vadd.scan.msk.s32 $0xffff, v11  }
0xa3: {  	v2 =	vadd.s32 v2, v18;
	vm6 =	veq.s32 v10, $0x7;
	v11 =	vsel vm5, $0x1, v0;
	(xrf0) =	vadd.scan.msk.s32 $0xffff, v13  }
0xa4: {  	v9 =	vadd.s32 v9, v12;
	v3 =	vadd.s32 v3, v17;
	v10 =	vsel vm6, $0x1, v0;
	v12, _, _ =	vpop (xrf0);
	(xrf0) =	vadd.scan.msk.s32 $0xffff, v11  }
0xa5: {  	v8 =	vadd.s32 v8, v14;
	v6 =	vadd.s32 v6, v16;
	v11 =	vadd.s32 v12, v9;
	v12, _, _ =	vpop (xrf0);
	(xrf0) =	vadd.scan.msk.s32 $0xffff, v10  }
0xa6: {  	v7 =	vadd.s32 v7, v15;
	v10 =	vadd.s32 $0xFFFFFFFF, v11;
	v11 =	vadd.s32 v12, v8;
	v12, _, _ =	vpop (xrf0)  }
0xa7: {  	v10 =	vnsel vm1, $0x0, v10;
	v11 =	vadd.s32 $0xFFFFFFFF, v11;
	v12 =	vadd.s32 v12, v7;
	v13, _, _ =	vpop (xrf0)  }
0xa8: {  	v10 =	vsel vm2, v11, v10;
	v11 =	vadd.s32 $0xFFFFFFFF, v12;
	v12 =	vadd.s32 v13, v6;
	v13, _, _ =	vpop (xrf0)  }
0xa9: {  	v10 =	vsel vm7, v11, v10;
	v11 =	vadd.s32 $0xFFFFFFFF, v12;
	v12 =	vadd.s32 v13, v3;
	v13, _, _ =	vpop (xrf0)  }
0xaa: {  	v10 =	vsel vm0, v11, v10;
	v11 =	vadd.s32 $0xFFFFFFFF, v12;
	v12 =	vadd.s32 v13, v2;
	v13, _, _ =	vpop (xrf0)  }
0xab: {  	v10 =	vsel vm3, v11, v10;
	v11 =	vadd.s32 $0xFFFFFFFF, v12;
	v12 =	vadd.s32 v13, v4;
	v13, _, _ =	vpop (xrf0)  }
0xac: {  	v10 =	vsel vm4, v11, v10;
	v11 =	vadd.s32 $0xFFFFFFFF, v12;
	v12 =	vadd.s32 v13, v5  }
0xad: {  	v7 =	vadd.s32 v7, v21;
	v10 =	vsel vm5, v11, v10;
	v11 =	vadd.s32 $0xFFFFFFFF, v12  }
0xae: {  	v13 =	vmpcnt.ones.xlane vm4;
	v12 =	vmpcnt.ones.xlane vm3;
	v10 =	vsel vm6, v11, v10  }
0xaf: {  	v14 =	vmpcnt.ones.xlane vm6;
	v11 =	vmpcnt.ones.xlane vm5;
	[tilespmem:s30+$0xFFFFFFF0] =	vst v10  }
0xb0: {  	v10 =	vld [tilespmem:s1+$0x20];
	_ =	sdelay $0x4  }
0xb1: {  	v5 =	vadd.s32 v5, v14;
	vm3 =	veq.s32 v10, $0x0  }
0xb2: {  	v4 =	vadd.s32 v4, v11;
	vm4 =	veq.s32 v10, $0x1;
	v11 =	vsel vm3, $0x1, v0  }
0xb3: {  	v2 =	vadd.s32 v2, v13;
	vm5 =	veq.s32 v10, $0x2;
	v13 =	vsel vm4, $0x1, v0;
	(xrf0) =	vadd.scan.msk.s32 $0xffff, v11  }
0xb4: {  	v14 =	vsel vm5, $0x1, v0;
	v11 =	vmpcnt.ones.xlane vm2;
	vm2 =	veq.s32 v10, $0x3;
	(xrf0) =	vadd.scan.msk.s32 $0xffff, v13  }
0xb5: {  	vm6 =	veq.s32 v10, $0x4;
	v13 =	vmpcnt.ones.xlane vm1;
	v15 =	vsel vm2, $0x1, v0;
	(xrf0) =	vadd.scan.msk.s32 $0xffff, v14  }
0xb6: {  	vm7 =	veq.s32 v10, $0x5;
	v16 =	vmpcnt.ones.xlane vm6;
	v14 =	vsel vm6, $0x1, v0;
	(xrf0) =	vadd.scan.msk.s32 $0xffff, v15  }
0xb7: {  	vm8 =	veq.s32 v10, $0x6;
	v19 =	vsel vm7, $0x1, v0;
	v17 =	vmpcnt.ones.xlane vm7;
	(xrf0) =	vadd.scan.msk.s32 $0xffff, v14  }
0xb8: {  	v18 =	vmpcnt.ones.xlane vm8;
	vm1 =	veq.s32 v10, $0x7;
	v14 =	vsel vm8, $0x1, v0;
	(xrf0) =	vadd.scan.msk.s32 $0xffff, v19  }
0xb9: {  	v10 =	vmpcnt.ones.xlane vm0;
	v9 =	vadd.s32 v9, v13;
	v13 =	vsel vm1, $0x1, v0;
	v15, _, _ =	vpop (xrf0);
	(xrf0) =	vadd.scan.msk.s32 $0xffff, v14  }
0xba: {  	v3 =	vadd.s32 v3, v12;
	v8 =	vadd.s32 v8, v11;
	v11 =	vadd.s32 v15, v9;
	v12, _, _ =	vpop (xrf0);
	(xrf0) =	vadd.scan.msk.s32 $0xffff, v13  }
0xbb: {  	v6 =	vadd.s32 v6, v10;
	v10 =	vadd.s32 $0xFFFFFFFF, v11;
	v11 =	vadd.s32 v12, v8;
	v12, _, _ =	vpop (xrf0)  }
0xbc: {  	v10 =	vnsel vm3, $0x0, v10;
	v11 =	vadd.s32 $0xFFFFFFFF, v11;
	v12 =	vadd.s32 v12, v7;
	v13, _, _ =	vpop (xrf0)  }
0xbd: {  	v10 =	vsel vm4, v11, v10;
	v11 =	vadd.s32 $0xFFFFFFFF, v12;
	v12 =	vadd.s32 v13, v6;
	v13, _, _ =	vpop (xrf0)  }
0xbe: {  	v10 =	vsel vm5, v11, v10;
	v11 =	vadd.s32 $0xFFFFFFFF, v12;
	v12 =	vadd.s32 v13, v3;
	v13, _, _ =	vpop (xrf0)  }
0xbf: {  	v10 =	vsel vm2, v11, v10;
	v11 =	vadd.s32 $0xFFFFFFFF, v12;
	v12 =	vadd.s32 v13, v2;
	v13, _, _ =	vpop (xrf0)  }
0xc0: {  	v10 =	vsel vm6, v11, v10;
	v11 =	vadd.s32 $0xFFFFFFFF, v12;
	v12 =	vadd.s32 v13, v4;
	v13, _, _ =	vpop (xrf0)  }
0xc1: {  	v10 =	vsel vm7, v11, v10;
	v11 =	vadd.s32 $0xFFFFFFFF, v12;
	v12 =	vadd.s32 v13, v5  }
0xc2: {  	v13 =	vmpcnt.ones.xlane vm5;
	v10 =	vsel vm8, v11, v10;
	v11 =	vadd.s32 $0xFFFFFFFF, v12  }
0xc3: {  	v10 =	vsel vm1, v11, v10  }
0xc4: {  	[tilespmem:s30+$0x0] =	vst v10  }
0xc5: {  	v11 =	vld [tilespmem:s1+$0x30]  }
0xc6: {  	v12 =	vmpcnt.ones.xlane vm4;
	v10 =	vmpcnt.ones.xlane vm3  }
0xc7: {  	v7 =	vadd.s32 v7, v13;
	v13 =	vmpcnt.ones.xlane vm2  }
0xc8: {  	v8 =	vadd.s32 v8, v12;
	v9 =	vadd.s32 v9, v10;
	v10 =	vmpcnt.ones.xlane vm1  }
0xc9: {  	v12 =	vadd.s32 v3, v16;
	v6 =	vadd.s32 v6, v13;
	v13 =	vadd.s32 v2, v17  }
0xca: {  	v14 =	vadd.s32 v4, v18;
	v15 =	vadd.s32 v5, v10;
	vm7 =	veq.s32 v11, $0x0  }
0xcb: {  	vm6 =	veq.s32 v11, $0x1;
	v2 =	vsel vm7, $0x1, v0;
	v10 =	vmpcnt.ones.xlane vm7  }
0xcc: {  	vm0 =	veq.s32 v11, $0x2;
	v3 =	vsel vm6, $0x1, v0;
	v16 =	vmpcnt.ones.xlane vm6;
	(xrf0) =	vadd.scan.msk.s32 $0xffff, v2  }
0xcd: {  	vm1 =	veq.s32 v11, $0x3;
	v17 =	vmpcnt.ones.xlane vm0;
	v2 =	vsel vm0, $0x1, v0;
	(xrf0) =	vadd.scan.msk.s32 $0xffff, v3  }
0xce: {  	vm2 =	veq.s32 v11, $0x4;
	v18 =	vmpcnt.ones.xlane vm1;
	v3 =	vsel vm1, $0x1, v0;
	(xrf0) =	vadd.scan.msk.s32 $0xffff, v2  }
0xcf: {  	vm3 =	veq.s32 v11, $0x5;
	v4 =	vmpcnt.ones.xlane vm2;
	v2 =	vsel vm2, $0x1, v0;
	(xrf0) =	vadd.scan.msk.s32 $0xffff, v3  }
0xd0: {  	vm4 =	veq.s32 v11, $0x6;
	v21 =	vsel vm3, $0x1, v0;
	v5 =	vmpcnt.ones.xlane vm3;
	(xrf0) =	vadd.scan.msk.s32 $0xffff, v2  }
0xd1: {  	vm5 =	veq.s32 v11, $0x7;
	v19 =	vsel vm4, $0x1, v0;
	v22 =	vmpcnt.ones.xlane vm4;
	(xrf0) =	vadd.scan.msk.s32 $0xffff, v21  }
0xd2: {  	v23 =	vmpcnt.ones.xlane vm5;
	v2 =	vadd.s32 v13, v5;
	v5 =	vsel vm5, $0x1, v0;
	v3, _, _ =	vpop (xrf0);
	(xrf0) =	vadd.scan.msk.s32 $0xffff, v19  }
0xd3: {  	v19 =	vadd.s32 v3, v9;
	v3 =	vadd.s32 v12, v4;
	v4 =	vadd.s32 v14, v22;
	v20, _, _ =	vpop (xrf0);
	(xrf0) =	vadd.scan.msk.s32 $0xffff, v5  }
0xd4: {  	v5 =	vadd.s32 v15, v23;
	v19 =	vadd.s32 $0xFFFFFFFF, v19;
	v20 =	vadd.s32 v20, v8;
	v11, _, _ =	vpop (xrf0)  }
0xd5: {  	v19 =	vnsel vm7, $0x0, v19;
	v23 =	vadd.s32 $0xFFFFFFFF, v20;
	v11 =	vadd.s32 v11, v7;
	v21, _, _ =	vpop (xrf0)  }
0xd6: {  	v23 =	vsel vm6, v23, v19;
	v11 =	vadd.s32 $0xFFFFFFFF, v11;
	v22 =	vadd.s32 v21, v6;
	v21, _, _ =	vpop (xrf0)  }
0xd7: {  	v11 =	vsel vm0, v11, v23;
	v22 =	vadd.s32 $0xFFFFFFFF, v22;
	v12 =	vadd.s32 v21, v12;
	v20, _, _ =	vpop (xrf0)  }
.Ltmp2:
0xd8: {  	v11 =	vsel vm1, v22, v11;
	v12 =	vadd.s32 $0xFFFFFFFF, v12;
	v13 =	vadd.s32 v20, v13;
	v19, _, _ =	vpop (xrf0);
	(pc) =	sbr.rel @p0 .LBB2_2-.Ltmp2, $4  }
0xd9: {  	v11 =	vsel vm2, v12, v11;
	v12 =	vadd.s32 $0xFFFFFFFF, v13;
	v13 =	vadd.s32 v19, v14;
	v14, _, _ =	vpop (xrf0)  }
0xda: {  	v11 =	vsel vm3, v12, v11;
	v12 =	vadd.s32 $0xFFFFFFFF, v13;
	v13 =	vadd.s32 v14, v15  }
0xdb: {  	v6 =	vadd.s32 v6, v18;
	v11 =	vsel vm4, v12, v11;
	v12 =	vadd.s32 $0xFFFFFFFF, v13  }
0xdc: {  	s0 =	smov.u32 s14;
	v8 =	vadd.s32 v8, v16;
	v7 =	vadd.s32 v7, v17;
	v11 =	vsel vm5, v12, v11  }
0xdd: {  	s1 =	sshra.s32 s31, $0x2;
	[tilespmem:s30+$0x10] =	vst v11  }
0xde: {  	v11 =	vld [tilespmem:s1+$0x0];
	_ =	sdelay $0x4  }
0xdf: {  	vm0 =	veq.s32 v11, $0x0  }
0xe0: {  	vm1 =	veq.s32 v11, $0x1;
	v12 =	vsel vm0, $0x1, v0  }
0xe1: {  	vm2 =	veq.s32 v11, $0x2;
	v13 =	vsel vm1, $0x1, v0;
	(xrf0) =	vadd.scan.msk.s32 $0xffff, v12  }
0xe2: {  	vm3 =	veq.s32 v11, $0x3;
	v32 =	vsel vm2, $0x1, v0;
	(xrf0) =	vadd.scan.msk.s32 $0xffff, v13  }
0xe3: {  	vm5 =	veq.s32 v11, $0x4;
	v33 =	vsel vm3, $0x1, v0;
	(xrf0) =	vadd.scan.msk.s32 $0xffff, v32  }
0xe4: {  	vm6 =	veq.s32 v11, $0x5;
	v34 =	vsel vm5, $0x1, v0;
	(xrf0) =	vadd.scan.msk.s32 $0xffff, v33  }
0xe5: {  	vm4 =	veq.s32 v11, $0x6;
	v35 =	vsel vm6, $0x1, v0;
	(xrf0) =	vadd.scan.msk.s32 $0xffff, v34  }
0xe6: {  	vm7 =	veq.s32 v11, $0x7;
	v36 =	vsel vm4, $0x1, v0;
	(xrf0) =	vadd.scan.msk.s32 $0xffff, v35  }
0xe7: {  	v9 =	vadd.s32 v9, v10;
	v37 =	vsel vm7, $0x1, v0;
	v38, _, _ =	vpop (xrf0);
	(xrf0) =	vadd.scan.msk.s32 $0xffff, v36  }
0xe8: {  	v11 =	vadd.s32 v38, v9;
	v39, _, _ =	vpop (xrf0);
	(xrf0) =	vadd.scan.msk.s32 $0xffff, v37  }
0xe9: {  	v40 =	vadd.s32 $0xFFFFFFFF, v11;
	v41 =	vadd.s32 v39, v8;
	v42, _, _ =	vpop (xrf0)  }
0xea: {  	v10 =	vnsel vm0, $0x0, v40;
	v11 =	vadd.s32 $0xFFFFFFFF, v41;
	v12 =	vadd.s32 v42, v7;
	v43, _, _ =	vpop (xrf0)  }
0xeb: {  	v10 =	vsel vm1, v11, v10;
	v44 =	vadd.s32 $0xFFFFFFFF, v12;
	v45 =	vadd.s32 v43, v6;
	v46, _, _ =	vpop (xrf0)  }
0xec: {  	v10 =	vsel vm2, v44, v10;
	v47 =	vadd.s32 $0xFFFFFFFF, v45;
	v48 =	vadd.s32 v46, v3;
	v49, _, _ =	vpop (xrf0)  }
0xed: {  	v10 =	vsel vm3, v47, v10;
	v50 =	vadd.s32 $0xFFFFFFFF, v48;
	v51 =	vadd.s32 v49, v2;
	v52, _, _ =	vpop (xrf0)  }
0xee: {  	v10 =	vsel vm5, v50, v10;
	v53 =	vadd.s32 $0xFFFFFFFF, v51;
	v54 =	vadd.s32 v52, v4;
	v55, _, _ =	vpop (xrf0)  }
0xef: {  	v10 =	vsel vm6, v53, v10;
	v56 =	vadd.s32 $0xFFFFFFFF, v54;
	v57 =	vadd.s32 v55, v5  }
0xf0: {  	v10 =	vsel vm4, v56, v10;
	v58 =	vadd.s32 $0xFFFFFFFF, v57  }
0xf1: {  	s0 =	sadd.s32 $0x80, s30;
	v10 =	vsel vm7, v58, v10  }
0xf2: {  	[tilespmem:s0+$0xFFFFFFE0] =	vst v10  }
0xf3: {  	v10 =	vld [tilespmem:s1+$0x10];
	_ =	sdelay $0x3  }
0xf4: {  	v59 =	vmpcnt.ones.xlane vm0;
	v60 =	vmpcnt.ones.xlane vm1  }
0xf5: {  	v61 =	vmpcnt.ones.xlane vm2;
	v14 =	vmpcnt.ones.xlane vm3;
	vm1 =	veq.s32 v10, $0x0  }
0xf6: {  	v15 =	vmpcnt.ones.xlane vm5;
	vm0 =	veq.s32 v10, $0x1;
	v16 =	vsel vm1, $0x1, v0  }
0xf7: {  	v17 =	vmpcnt.ones.xlane vm6;
	vm14 =	veq.s32 v10, $0x2;
	v18 =	vsel vm0, $0x1, v0;
	(xrf0) =	vadd.scan.msk.s32 $0xffff, v16  }
0xf8: {  	v62 =	vmpcnt.ones.xlane vm7;
	vm2 =	veq.s32 v10, $0x3;
	v19 =	vsel vm14, $0x1, v0;
	(xrf0) =	vadd.scan.msk.s32 $0xffff, v18  }
0xf9: {  	v63 =	vmpcnt.ones.xlane vm4;
	vm15 =	veq.s32 v10, $0x4;
	v20 =	vsel vm2, $0x1, v0;
	(xrf0) =	vadd.scan.msk.s32 $0xffff, v19  }
0xfa: {  	v21 =	vadd.s32 v5, v62;
	vm9 =	veq.s32 v10, $0x5;
	v22 =	vsel vm15, $0x1, v0;
	(xrf0) =	vadd.scan.msk.s32 $0xffff, v20  }
0xfb: {  	v23 =	vadd.s32 v4, v63;
	vm10 =	veq.s32 v10, $0x6;
	v24 =	vsel vm9, $0x1, v0;
	(xrf0) =	vadd.scan.msk.s32 $0xffff, v22  }
0xfc: {  	v27 =	vadd.s32 v8, v60;
	vm11 =	veq.s32 v10, $0x7;
	v25 =	vsel vm10, $0x1, v0;
	(xrf0) =	vadd.scan.msk.s32 $0xffff, v24  }
0xfd: {  	v28 =	vadd.s32 v6, v14;
	v9 =	vadd.s32 v9, v59;
	v10 =	vsel vm11, $0x1, v0;
	v26, _, _ =	vpop (xrf0);
	(xrf0) =	vadd.scan.msk.s32 $0xffff, v25  }
0xfe: {  	v30 =	vadd.s32 v7, v61;
	v3 =	vadd.s32 v3, v15;
	v11 =	vadd.s32 v26, v9;
	v29, _, _ =	vpop (xrf0);
	(xrf0) =	vadd.scan.msk.s32 $0xffff, v10  }
0xff: {  	v2 =	vadd.s32 v2, v17;
	v31 =	vadd.s32 $0xFFFFFFFF, v11;
	v32 =	vadd.s32 v29, v27;
	v33, _, _ =	vpop (xrf0)  }
0x100: {  	v10 =	vnsel vm1, $0x0, v31;
	v11 =	vadd.s32 $0xFFFFFFFF, v32;
	v12 =	vadd.s32 v33, v30;
	v34, _, _ =	vpop (xrf0)  }
0x101: {  	v10 =	vsel vm0, v11, v10;
	v35 =	vadd.s32 $0xFFFFFFFF, v12;
	v36 =	vadd.s32 v34, v28;
	v37, _, _ =	vpop (xrf0)  }
0x102: {  	v10 =	vsel vm14, v35, v10;
	v38 =	vadd.s32 $0xFFFFFFFF, v36;
	v39 =	vadd.s32 v37, v3;
	v40, _, _ =	vpop (xrf0)  }
0x103: {  	v10 =	vsel vm2, v38, v10;
	v41 =	vadd.s32 $0xFFFFFFFF, v39;
	v42 =	vadd.s32 v40, v2;
	v43, _, _ =	vpop (xrf0)  }
0x104: {  	v10 =	vsel vm15, v41, v10;
	v44 =	vadd.s32 $0xFFFFFFFF, v42;
	v45 =	vadd.s32 v43, v23;
	v46, _, _ =	vpop (xrf0)  }
0x105: {  	v10 =	vsel vm9, v44, v10;
	v47 =	vadd.s32 $0xFFFFFFFF, v45;
	v48 =	vadd.s32 v46, v21  }
0x106: {  	v10 =	vsel vm10, v47, v10;
	v49 =	vadd.s32 $0xFFFFFFFF, v48  }
0x107: {  	v10 =	vsel vm11, v49, v10  }
0x108: {  	[tilespmem:s0+$0xFFFFFFF0] =	vst v10  }
0x109: {  	v10 =	vld [tilespmem:s1+$0x20];
	_ =	sdelay $0x3  }
0x10a: {  	v50 =	vmpcnt.ones.xlane vm14;
	v51 =	vmpcnt.ones.xlane vm15  }
0x10b: {  	v52 =	vmpcnt.ones.xlane vm9;
	v53 =	vmpcnt.ones.xlane vm11;
	vm4 =	veq.s32 v10, $0x0  }
0x10c: {  	v55 =	vmpcnt.ones.xlane vm10;
	vm5 =	veq.s32 v10, $0x1;
	v54 =	vsel vm4, $0x1, v0  }
0x10d: {  	v60 =	vmpcnt.ones.xlane vm1;
	vm6 =	veq.s32 v10, $0x2;
	v56 =	vsel vm5, $0x1, v0;
	(xrf0) =	vadd.scan.msk.s32 $0xffff, v54  }
0x10e: {  	v62 =	vmpcnt.ones.xlane vm0;
	vm12 =	veq.s32 v10, $0x3;
	v57 =	vsel vm6, $0x1, v0;
	(xrf0) =	vadd.scan.msk.s32 $0xffff, v56  }
0x10f: {  	v16 =	vmpcnt.ones.xlane vm2;
	vm13 =	veq.s32 v10, $0x4;
	v58 =	vsel vm12, $0x1, v0;
	(xrf0) =	vadd.scan.msk.s32 $0xffff, v57  }
0x110: {  	v7 =	vadd.s32 v30, v50;
	vm8 =	veq.s32 v10, $0x5;
	v59 =	vsel vm13, $0x1, v0;
	(xrf0) =	vadd.scan.msk.s32 $0xffff, v58  }
0x111: {  	v5 =	vadd.s32 v21, v53;
	vm14 =	veq.s32 v10, $0x6;
	v61 =	vsel vm8, $0x1, v0;
	(xrf0) =	vadd.scan.msk.s32 $0xffff, v59  }
0x112: {  	v4 =	vadd.s32 v23, v55;
	vm15 =	veq.s32 v10, $0x7;
	v63 =	vsel vm14, $0x1, v0;
	(xrf0) =	vadd.scan.msk.s32 $0xffff, v61  }
0x113: {  	v8 =	vadd.s32 v27, v62;
	v9 =	vadd.s32 v9, v60;
	v17 =	vsel vm15, $0x1, v0;
	v18, _, _ =	vpop (xrf0);
	(xrf0) =	vadd.scan.msk.s32 $0xffff, v63  }
0x114: {  	v6 =	vadd.s32 v28, v16;
	v3 =	vadd.s32 v3, v51;
	v19 =	vadd.s32 v18, v9;
	v20, _, _ =	vpop (xrf0);
	(xrf0) =	vadd.scan.msk.s32 $0xffff, v17  }
0x115: {  	v2 =	vadd.s32 v2, v52;
	v21 =	vadd.s32 $0xFFFFFFFF, v19;
	v22 =	vadd.s32 v20, v8;
	v23, _, _ =	vpop (xrf0)  }
0x116: {  	v10 =	vnsel vm4, $0x0, v21;
	v11 =	vadd.s32 $0xFFFFFFFF, v22;
	v12 =	vadd.s32 v23, v7;
	v24, _, _ =	vpop (xrf0)  }
0x117: {  	v10 =	vsel vm5, v11, v10;
	v25 =	vadd.s32 $0xFFFFFFFF, v12;
	v26 =	vadd.s32 v24, v6;
	v27, _, _ =	vpop (xrf0)  }
0x118: {  	v10 =	vsel vm6, v25, v10;
	v28 =	vadd.s32 $0xFFFFFFFF, v26;
	v29 =	vadd.s32 v27, v3;
	v30, _, _ =	vpop (xrf0)  }
0x119: {  	v10 =	vsel vm12, v28, v10;
	v31 =	vadd.s32 $0xFFFFFFFF, v29;
	v32 =	vadd.s32 v30, v2;
	v33, _, _ =	vpop (xrf0)  }
0x11a: {  	v10 =	vsel vm13, v31, v10;
	v34 =	vadd.s32 $0xFFFFFFFF, v32;
	v35 =	vadd.s32 v33, v4;
	v36, _, _ =	vpop (xrf0)  }
0x11b: {  	v10 =	vsel vm8, v34, v10;
	v37 =	vadd.s32 $0xFFFFFFFF, v35;
	v38 =	vadd.s32 v36, v5  }
0x11c: {  	v10 =	vsel vm14, v37, v10;
	v39 =	vadd.s32 $0xFFFFFFFF, v38  }
0x11d: {  	v10 =	vsel vm15, v39, v10  }
0x11e: {  	[tilespmem:s0+$0x0] =	vst v10  }
0x11f: {  	v10 =	vld [tilespmem:s1+$0x30];
	_ =	sdelay $0x3  }
0x120: {  	v40 =	vmpcnt.ones.xlane vm13;
	v41 =	vmpcnt.ones.xlane vm8  }
0x121: {  	v42 =	vmpcnt.ones.xlane vm14;
	v43 =	vmpcnt.ones.xlane vm6;
	vm7 =	veq.s32 v10, $0x0  }
0x122: {  	v44 =	vmpcnt.ones.xlane vm4;
	vm9 =	veq.s32 v10, $0x1;
	v45 =	vsel vm7, $0x1, v0  }
0x123: {  	v46 =	vmpcnt.ones.xlane vm5;
	vm10 =	veq.s32 v10, $0x2;
	v47 =	vsel vm9, $0x1, v0;
	(xrf0) =	vadd.scan.msk.s32 $0xffff, v45  }
0x124: {  	v49 =	vmpcnt.ones.xlane vm12;
	vm11 =	veq.s32 v10, $0x3;
	v48 =	vsel vm10, $0x1, v0;
	(xrf0) =	vadd.scan.msk.s32 $0xffff, v47  }
0x125: {  	v53 =	vmpcnt.ones.xlane vm15;
	vm12 =	veq.s32 v10, $0x4;
	v50 =	vsel vm11, $0x1, v0;
	(xrf0) =	vadd.scan.msk.s32 $0xffff, v48  }
0x126: {  	v9 =	vadd.s32 v9, v44;
	vm13 =	veq.s32 v10, $0x5;
	v51 =	vsel vm12, $0x1, v0;
	(xrf0) =	vadd.scan.msk.s32 $0xffff, v50  }
0x127: {  	v8 =	vadd.s32 v8, v46;
	vm14 =	veq.s32 v10, $0x6;
	v52 =	vsel vm13, $0x1, v0;
	(xrf0) =	vadd.scan.msk.s32 $0xffff, v51  }
0x128: {  	v7 =	vadd.s32 v7, v43;
	vm15 =	veq.s32 v10, $0x7;
	v54 =	vsel vm14, $0x1, v0;
	(xrf0) =	vadd.scan.msk.s32 $0xffff, v52  }
0x129: {  	v6 =	vadd.s32 v6, v49;
	v3 =	vadd.s32 v3, v40;
	v10 =	vsel vm15, $0x1, v0;
	v55, _, _ =	vpop (xrf0);
	(xrf0) =	vadd.scan.msk.s32 $0xffff, v54  }
0x12a: {  	v2 =	vadd.s32 v2, v41;
	v4 =	vadd.s32 v4, v42;
	v9 =	vadd.s32 v55, v9;
	v56, _, _ =	vpop (xrf0);
	(xrf0) =	vadd.scan.msk.s32 $0xffff, v10  }
0x12b: {  	v5 =	vadd.s32 v5, v53;
	v9 =	vadd.s32 $0xFFFFFFFF, v9;
	v8 =	vadd.s32 v56, v8;
	v57, _, _ =	vpop (xrf0)  }
0x12c: {  	v9 =	vnsel vm7, $0x0, v9;
	v8 =	vadd.s32 $0xFFFFFFFF, v8;
	v7 =	vadd.s32 v57, v7;
	v58, _, _ =	vpop (xrf0)  }
0x12d: {  	v8 =	vsel vm9, v8, v9;
	v7 =	vadd.s32 $0xFFFFFFFF, v7;
	v6 =	vadd.s32 v58, v6;
	v59, _, _ =	vpop (xrf0)  }
0x12e: {  	v7 =	vsel vm10, v7, v8;
	v6 =	vadd.s32 $0xFFFFFFFF, v6;
	v3 =	vadd.s32 v59, v3;
	v60, _, _ =	vpop (xrf0)  }
0x12f: {  	v6 =	vsel vm11, v6, v7;
	v3 =	vadd.s32 $0xFFFFFFFF, v3;
	v2 =	vadd.s32 v60, v2;
	v61, _, _ =	vpop (xrf0)  }
0x130: {  	v3 =	vsel vm12, v3, v6;
	v2 =	vadd.s32 $0xFFFFFFFF, v2;
	v4 =	vadd.s32 v61, v4;
	v62, _, _ =	vpop (xrf0)  }
0x131: {  	v2 =	vsel vm13, v2, v3;
	v3 =	vadd.s32 $0xFFFFFFFF, v4;
	v63 =	vadd.s32 v62, v5  }
0x132: {  	v2 =	vsel vm14, v3, v2;
	v3 =	vadd.s32 $0xFFFFFFFF, v63  }
0x133: {  	v2 =	vsel vm15, v3, v2  }
0x134: {  	s14 =	rddreg [dreg:$0x7];
	s30 =	simm.s32 $0x600;
	s31 =	simm.s32 $0x5;
	[tilespmem:s0+$0x10] =	vst v2  }
0x135: {  	[hbm4b:s14+s2] =	stream.linear.scatter [tilespmem:s30], [sflag:$0x5], $0x400, $0x38;
	[tilespmem:$0x10A00] =	vst v63  }
0x136: {  	_ =	swait.ge [sflag:s31], $0x400  }
0x137: {  	[sflag:s31] =	ssyncset.done $0x0  }
0x138: {  	s1 =	simm.s32 $0x680;
	s0 =	simm.s32 $0xFFFFA000;
	[sflag:s31] =	ssyncadd.s32 $0xFFFFFC00  }
.LBB2_4:
0x139: {  	_ =	swait.ge [sflag:s19], $0x8000  }
0x13a: {  	[sflag:s19] =	ssyncset.done $0x0  }
0x13b: {  	[sflag:s19] =	ssyncadd.s32 $0xFFFF8000  }
0x13c: {  	v2 =	vld [tilespmem:s1+$0xFFFFFF80];
	_ =	sdelay $0x4  }
0x13d: {  	v3 =	vshll.u32 v2, $0x2  }
0x13e: {  	v2 =	vand.u32 $0x7, v2;
	v3 =	vand.u32 $0xFFFFFFE0, v3  }
0x13f: {  	v4 =	vshrl.u32 v1, $0x3;
	v2 =	vor.u32 v2, v3;
	v3 =	vand.u32 $0x7, v1  }
0x140: {  	v4 =	vmul.u32 $0x8, v4;
	v5 =	vperm.xlane v2, v3;
	_ =	sdelay $0x1  }
0x141: {  	v5 =	vadd.s32 v4, v5  }
0x142: {  	v6 =	vor.u32 $0x8, v1  }
0x143: {  	v2 =	vperm.xlane v2, v6;
	_ =	sdelay $0x1  }
0x144: {  	vm0 =	vmmov $0xffff;
	v2 =	vadd.s32 v4, v2  }
0x145: {  	[hbm4b:s3+s2] =	stream.indirect_vreg.scatter [tilespmem:s12], [sflag:$0x3], $0x80, v5, vm0, $0xb8;
	[tilespmem:$0x10A00] =	vst v63  }
0x146: {  	s14 =	simm.s32 $0x1200  }
0x147: {  	[hbm4b:s9+s2] =	stream.indirect_vreg.scatter [tilespmem:s14], [sflag:$0x3], $0x80, v5, vm0, $0xb8;
	[tilespmem:$0x10A00] =	vst v63  }
0x148: {  	s31 =	simm.s32 $0x1A00  }
0x149: {  	[hbm4b:s3+s2] =	stream.indirect_vreg.scatter [tilespmem:s31], [sflag:$0x3], $0x80, v2, vm0, $0xb8;
	[tilespmem:$0x10A00] =	vst v63  }
0x14a: {  	s30 =	simm.s32 $0x2200  }
0x14b: {  	[hbm4b:s9+s2] =	stream.indirect_vreg.scatter [tilespmem:s30], [sflag:$0x3], $0x80, v2, vm0, $0xb8;
	[tilespmem:$0x10A00] =	vst v63  }
0x14c: {  	v2 =	vld [tilespmem:s1+$0xFFFFFF90];
	_ =	sdelay $0x4  }
0x14d: {  	v57 =	vshll.u32 v2, $0x2  }
0x14e: {  	v2 =	vand.u32 $0x7, v2;
	v5 =	vand.u32 $0xFFFFFFE0, v57  }
0x14f: {  	v2 =	vor.u32 v2, v5  }
0x150: {  	v5 =	vperm.xlane v2, v3;
	_ =	sdelay $0x1  }
0x151: {  	v5 =	vadd.s32 v4, v5;
	_ =	sdelay $0x1  }
0x152: {  	v2 =	vperm.xlane v2, v6;
	_ =	sdelay $0x1  }
0x153: {  	s31 =	simm.s32 $0x2A00;
	v2 =	vadd.s32 v4, v2  }
0x154: {  	[hbm4b:s3+s2] =	stream.indirect_vreg.scatter [tilespmem:s31], [sflag:$0x3], $0x80, v5, vm0, $0xb8;
	[tilespmem:$0x10A00] =	vst v63  }
0x155: {  	s30 =	simm.s32 $0x3200  }
0x156: {  	[hbm4b:s9+s2] =	stream.indirect_vreg.scatter [tilespmem:s30], [sflag:$0x3], $0x80, v5, vm0, $0xb8;
	[tilespmem:$0x10A00] =	vst v63  }
0x157: {  	s31 =	simm.s32 $0x3A00  }
0x158: {  	[hbm4b:s3+s2] =	stream.indirect_vreg.scatter [tilespmem:s31], [sflag:$0x3], $0x80, v2, vm0, $0xb8;
	[tilespmem:$0x10A00] =	vst v63  }
0x159: {  	s30 =	simm.s32 $0x4200  }
0x15a: {  	[hbm4b:s9+s2] =	stream.indirect_vreg.scatter [tilespmem:s30], [sflag:$0x3], $0x80, v2, vm0, $0xb8;
	[tilespmem:$0x10A00] =	vst v63  }
0x15b: {  	v2 =	vld [tilespmem:s1+$0xFFFFFFA0];
	_ =	sdelay $0x4  }
0x15c: {  	v58 =	vshll.u32 v2, $0x2  }
0x15d: {  	v2 =	vand.u32 $0x7, v2;
	v5 =	vand.u32 $0xFFFFFFE0, v58  }
0x15e: {  	v2 =	vor.u32 v2, v5  }
0x15f: {  	v5 =	vperm.xlane v2, v3;
	_ =	sdelay $0x1  }
0x160: {  	v5 =	vadd.s32 v4, v5;
	_ =	sdelay $0x1  }
0x161: {  	v2 =	vperm.xlane v2, v6;
	_ =	sdelay $0x1  }
0x162: {  	s31 =	simm.s32 $0x4A00;
	v2 =	vadd.s32 v4, v2  }
0x163: {  	[hbm4b:s3+s2] =	stream.indirect_vreg.scatter [tilespmem:s31], [sflag:$0x3], $0x80, v5, vm0, $0xb8;
	[tilespmem:$0x10A00] =	vst v63  }
0x164: {  	s30 =	simm.s32 $0x5200  }
0x165: {  	[hbm4b:s9+s2] =	stream.indirect_vreg.scatter [tilespmem:s30], [sflag:$0x3], $0x80, v5, vm0, $0xb8;
	[tilespmem:$0x10A00] =	vst v63  }
0x166: {  	s31 =	simm.s32 $0x5A00  }
0x167: {  	[hbm4b:s3+s2] =	stream.indirect_vreg.scatter [tilespmem:s31], [sflag:$0x3], $0x80, v2, vm0, $0xb8;
	[tilespmem:$0x10A00] =	vst v63  }
0x168: {  	s30 =	simm.s32 $0x6200  }
0x169: {  	[hbm4b:s9+s2] =	stream.indirect_vreg.scatter [tilespmem:s30], [sflag:$0x3], $0x80, v2, vm0, $0xb8;
	[tilespmem:$0x10A00] =	vst v63  }
0x16a: {  	v2 =	vld [tilespmem:s1+$0xFFFFFFB0];
	_ =	sdelay $0x4  }
0x16b: {  	v59 =	vshll.u32 v2, $0x2  }
0x16c: {  	v2 =	vand.u32 $0x7, v2;
	v5 =	vand.u32 $0xFFFFFFE0, v59  }
0x16d: {  	v2 =	vor.u32 v2, v5  }
0x16e: {  	v5 =	vperm.xlane v2, v3;
	_ =	sdelay $0x1  }
0x16f: {  	v5 =	vadd.s32 v4, v5;
	_ =	sdelay $0x1  }
0x170: {  	v2 =	vperm.xlane v2, v6;
	_ =	sdelay $0x1  }
0x171: {  	s31 =	simm.s32 $0x6A00;
	v2 =	vadd.s32 v4, v2  }
0x172: {  	[hbm4b:s3+s2] =	stream.indirect_vreg.scatter [tilespmem:s31], [sflag:$0x3], $0x80, v5, vm0, $0xb8;
	[tilespmem:$0x10A00] =	vst v63  }
0x173: {  	s30 =	simm.s32 $0x7200  }
0x174: {  	[hbm4b:s9+s2] =	stream.indirect_vreg.scatter [tilespmem:s30], [sflag:$0x3], $0x80, v5, vm0, $0xb8;
	[tilespmem:$0x10A00] =	vst v63  }
0x175: {  	s31 =	simm.s32 $0x7A00  }
0x176: {  	[hbm4b:s3+s2] =	stream.indirect_vreg.scatter [tilespmem:s31], [sflag:$0x3], $0x80, v2, vm0, $0xb8;
	[tilespmem:$0x10A00] =	vst v63  }
0x177: {  	p0 =	seq.s32 s0, $0x0  }
0x178: {  	[hbm4b:s9+s2] =	stream.indirect_vreg.scatter [tilespmem:s15], [sflag:$0x3], $0x80, v2, vm0, $0xb8;
	[tilespmem:$0x10A00] =	vst v63  }
0x179: {  	s14 =	sadd.s32 @!p0 s0, s11;
	_ =	swait.ge [sflag:s17], $0x8000  }
0x17a: {  	s14 =	sadd.s32 @!p0 $0x8000, s14;
	[sflag:s17] =	ssyncset.done $0x0  }
0x17b: {  	s30 =	simm.s32 @!p0 $0x0;
	s31 =	simm.s32 @!p0 $0xA00;
	[sflag:s17] =	ssyncadd.s32 $0xFFFF8000  }
0x17c: {  	[tilespmem:s31], [sflag:$0x1] =	stream.linear.gather @!p0 [hbm4b:s14+s30], $0x8000, $0x38;
	[tilespmem:$0x10A00] =	vst v63  }
0x17d: {  	_ =	swait.ge [sflag:s18], $0x8000  }
0x17e: {  	[sflag:s18] =	ssyncset.done $0x0  }
0x17f: {  	[sflag:s18] =	ssyncadd.s32 $0xFFFF8000  }
0x180: {  	v2 =	vld [tilespmem:s1+$0x0];
	_ =	sdelay $0x4  }
0x181: {  	v60 =	vshll.u32 v2, $0x2  }
0x182: {  	v2 =	vand.u32 $0x7, v2;
	v5 =	vand.u32 $0xFFFFFFE0, v60  }
0x183: {  	v2 =	vor.u32 v2, v5  }
0x184: {  	v5 =	vperm.xlane v2, v3;
	_ =	sdelay $0x1  }
0x185: {  	v5 =	vadd.s32 v4, v5;
	_ =	sdelay $0x1  }
0x186: {  	v2 =	vperm.xlane v2, v6;
	_ =	sdelay $0x1  }
0x187: {  	v2 =	vadd.s32 v4, v2  }
0x188: {  	[hbm4b:s3+s2] =	stream.indirect_vreg.scatter [tilespmem:s13], [sflag:$0x4], $0x80, v5, vm0, $0xb8;
	[tilespmem:$0x10A00] =	vst v63  }
0x189: {  	_ = 	snop  }
0x18a: {  	[hbm4b:s9+s2] =	stream.indirect_vreg.scatter [tilespmem:s5], [sflag:$0x4], $0x80, v5, vm0, $0xb8;
	[tilespmem:$0x10A00] =	vst v63  }
0x18b: {  	_ = 	snop  }
0x18c: {  	[hbm4b:s3+s2] =	stream.indirect_vreg.scatter [tilespmem:s6], [sflag:$0x4], $0x80, v2, vm0, $0xb8;
	[tilespmem:$0x10A00] =	vst v63  }
0x18d: {  	_ = 	snop  }
0x18e: {  	[hbm4b:s9+s2] =	stream.indirect_vreg.scatter [tilespmem:s7], [sflag:$0x4], $0x80, v2, vm0, $0xb8;
	[tilespmem:$0x10A00] =	vst v63  }
0x18f: {  	v2 =	vld [tilespmem:s1+$0x10];
	_ =	sdelay $0x4  }
0x190: {  	v61 =	vshll.u32 v2, $0x2  }
0x191: {  	v2 =	vand.u32 $0x7, v2;
	v5 =	vand.u32 $0xFFFFFFE0, v61  }
0x192: {  	v2 =	vor.u32 v2, v5  }
0x193: {  	v5 =	vperm.xlane v2, v3;
	_ =	sdelay $0x1  }
0x194: {  	v5 =	vadd.s32 v4, v5;
	_ =	sdelay $0x1  }
0x195: {  	v2 =	vperm.xlane v2, v6;
	_ =	sdelay $0x1  }
0x196: {  	v2 =	vadd.s32 v4, v2  }
0x197: {  	[hbm4b:s3+s2] =	stream.indirect_vreg.scatter [tilespmem:s8], [sflag:$0x4], $0x80, v5, vm0, $0xb8;
	[tilespmem:$0x10A00] =	vst v63  }
0x198: {  	_ = 	snop  }
0x199: {  	[hbm4b:s9+s2] =	stream.indirect_vreg.scatter [tilespmem:s10], [sflag:$0x4], $0x80, v5, vm0, $0xb8;
	[tilespmem:$0x10A00] =	vst v63  }
0x19a: {  	_ = 	snop  }
0x19b: {  	[hbm4b:s3+s2] =	stream.indirect_vreg.scatter [tilespmem:s4], [sflag:$0x4], $0x80, v2, vm0, $0xb8;
	[tilespmem:$0x10A00] =	vst v63  }
0x19c: {  	_ = 	snop  }
0x19d: {  	[hbm4b:s9+s2] =	stream.indirect_vreg.scatter [tilespmem:s16], [sflag:$0x4], $0x80, v2, vm0, $0xb8;
	[tilespmem:$0x10A00] =	vst v63  }
0x19e: {  	v2 =	vld [tilespmem:s1+$0x20];
	_ =	sdelay $0x4  }
0x19f: {  	v62 =	vshll.u32 v2, $0x2  }
0x1a0: {  	v2 =	vand.u32 $0x7, v2;
	v5 =	vand.u32 $0xFFFFFFE0, v62  }
0x1a1: {  	v2 =	vor.u32 v2, v5  }
0x1a2: {  	v5 =	vperm.xlane v2, v3;
	_ =	sdelay $0x1  }
0x1a3: {  	v5 =	vadd.s32 v4, v5;
	_ =	sdelay $0x1  }
0x1a4: {  	v2 =	vperm.xlane v2, v6;
	_ =	sdelay $0x1  }
0x1a5: {  	v2 =	vadd.s32 v4, v2  }
0x1a6: {  	[hbm4b:s3+s2] =	stream.indirect_vreg.scatter [tilespmem:s20], [sflag:$0x4], $0x80, v5, vm0, $0xb8;
	[tilespmem:$0x10A00] =	vst v63  }
0x1a7: {  	_ = 	snop  }
0x1a8: {  	[hbm4b:s9+s2] =	stream.indirect_vreg.scatter [tilespmem:s21], [sflag:$0x4], $0x80, v5, vm0, $0xb8;
	[tilespmem:$0x10A00] =	vst v63  }
0x1a9: {  	_ = 	snop  }
0x1aa: {  	[hbm4b:s3+s2] =	stream.indirect_vreg.scatter [tilespmem:s22], [sflag:$0x4], $0x80, v2, vm0, $0xb8;
	[tilespmem:$0x10A00] =	vst v63  }
0x1ab: {  	_ = 	snop  }
0x1ac: {  	[hbm4b:s9+s2] =	stream.indirect_vreg.scatter [tilespmem:s23], [sflag:$0x4], $0x80, v2, vm0, $0xb8;
	[tilespmem:$0x10A00] =	vst v63  }
0x1ad: {  	v2 =	vld [tilespmem:s1+$0x30];
	_ =	sdelay $0x4  }
0x1ae: {  	v63 =	vshll.u32 v2, $0x2  }
0x1af: {  	v2 =	vand.u32 $0x7, v2;
	v5 =	vand.u32 $0xFFFFFFE0, v63  }
0x1b0: {  	v2 =	vor.u32 v2, v5  }
0x1b1: {  	v3 =	vperm.xlane v2, v3;
	_ =	sdelay $0x1  }
0x1b2: {  	v3 =	vadd.s32 v4, v3;
	_ =	sdelay $0x1  }
0x1b3: {  	v2 =	vperm.xlane v2, v6;
	_ =	sdelay $0x1  }
0x1b4: {  	v2 =	vadd.s32 v4, v2  }
0x1b5: {  	[hbm4b:s3+s2] =	stream.indirect_vreg.scatter [tilespmem:s24], [sflag:$0x4], $0x80, v3, vm0, $0xb8;
	[tilespmem:$0x10A00] =	vst v63  }
0x1b6: {  	_ = 	snop  }
0x1b7: {  	[hbm4b:s9+s2] =	stream.indirect_vreg.scatter [tilespmem:s25], [sflag:$0x4], $0x80, v3, vm0, $0xb8;
	[tilespmem:$0x10A00] =	vst v63  }
0x1b8: {  	_ = 	snop  }
0x1b9: {  	[hbm4b:s3+s2] =	stream.indirect_vreg.scatter [tilespmem:s26], [sflag:$0x4], $0x80, v2, vm0, $0xb8;
	[tilespmem:$0x10A00] =	vst v63  }
.Ltmp3:
0x1ba: {  	_ = 	snop;
	(pc) =	sbr.rel @p0 .LBB2_6-.Ltmp3, $4  }
0x1bb: {  	[hbm4b:s9+s2] =	stream.indirect_vreg.scatter [tilespmem:s28], [sflag:$0x4], $0x80, v2, vm0, $0xb8;
	[tilespmem:$0x10A00] =	vst v63  }
0x1bc: {  	_ =	swait.ge [sflag:s29], $0x8000  }
0x1bd: {  	[sflag:s29] =	ssyncset.done $0x0  }
0x1be: {  	[sflag:s29] =	ssyncadd.s32 $0xFFFF8000  }
.Ltmp4:
0x1bf: {  	(pc) =	sbr.rel .LBB2_4-.Ltmp4, $4  }
0x1c0: {  	_ = 	snop  }
0x1c1: {  	s14 =	sadd.s32 s0, s11  }
0x1c2: {  	s0 =	sadd.s32 $0x2000, s0;
	s1 =	sadd.s32 $0x100, s1;
	s14 =	sadd.s32 $0x9000, s14  }
0x1c3: {  	[tilespmem:s13], [sflag:$0x2] =	stream.linear.gather [hbm4b:s14+s2], $0x8000, $0x38;
	[tilespmem:$0x10A00] =	vst v63  }
.LBB2_7:
0x1c4: {  	_ =	sfence.sel $0x180000  }
0x1c5: {  	[bflag:$0x0] =	sbarrier.arrive $0xFFFF  }
0x1c6: {  	_ =	strace $0x90000047  }
0x1c7: {  	s0 =	stileid.u32;
	[bflag:$0x2] =	sbarrier.arrive $0xFFFF  }
0x1c8: {  	p0 =	sne.s32 s0, $0x0;
	s0 =	rddreg [dreg:$0x2]  }
0x1c9: {  	s0 =	sadd.s32 @!p0 $0x100000, s0  }
0x1ca: {  	[sflag:s0] =	ssyncadd.tile.s32 @!p0 $0x1;
	_ =	shalt  }
.Lfunc_end2:
_tile_overlayer_lowered:
.L_overlay_start_2:
0x1cb: {  	(tag) =	ssettag $0x2  }
0x1cc: {  	s0 =	rddreg [dreg:$0x0];
	s2 =	stileid.u32  }
0x1cd: {  	s1 =	rddreg [dreg:$0x1];
	p0 =	sne.s32 s2, $0x0  }
0x1ce: {  	s3 =	rddreg [dreg:$0x2];
	[bflag:$0x3] =	sbarrier.arrive $0xFFFF;
	s2 =	simm.s32 @!p0 $0x1C05  }
0x1cf: {  	[timem:s3], [sflag:s2] =	dma.local @!p0 [hbm:s0], s1  }
0x1d0: {  	s0 =	simm.s32 @!p0 $0x5  }
0x1d1: {  	_ =	swait.ge @!p0 [sflag:s0], s1  }
0x1d2: {  	s1 =	ssub.s32 @!p0 $0x0, s1;
	[sflag:s0] =	ssyncset.done @!p0 $0x0  }
0x1d3: {  	[sflag:s0] =	ssyncadd.s32 @!p0 s1  }
0x1d4: {  	[bflag:$0x3] =	sbarrier.arrive $0xFFFF  }
0x1d5: {  	_ =	shalt  }

</sc_bundles>
